<compile_context>
chip_gen: v7x
topology: tpu7x:2x2x1
jax: 0.10.2.dev20260603
libtpu: 0.0.44.dev20260713+nightly
codegen_flags: <defaults>
</compile_context>

<pallas_src>
import functools

import jax
import jax.numpy as jnp
from jax import lax
from jax.experimental import pallas as pl
from jax.experimental.pallas import tpu as pltpu, tpu_sc as plsc

N = 10000
E = 320000
D = 128
H = 256
O = 128

NPAD = 10112
SINK = N
E_PAD = 327680
NBLK = E_PAD // 128
HI = lax.Precision.HIGHEST

_f32 = jnp.float32
_i32 = jnp.int32


def _zero_fill(buf, nrows):
  zero16 = jnp.zeros((16,), _f32)
  def zrow(r, _):
    for k in range(8):
      buf[r, pl.ds(k * 16, 16)] = zero16
    return 0
  lax.fori_loop(0, nrows, zrow, 0)


def _zero_shared(shared_ref, zsrc, zb, nrows_chunk):
  for q in range(512 // nrows_chunk):
    pltpu.sync_copy(zsrc, shared_ref.at[pl.ds(zb + q * nrows_chunk,
                                              nrows_chunk)])
  pltpu.sync_copy(zsrc.at[pl.ds(0, 120)], shared_ref.at[pl.ds(zb + 512, 120)])


def _stage_out(shared_ref, hbm_ref, stage_ref, ch, src0, dst0, n):
  for q in range(n // ch):
    pltpu.sync_copy(shared_ref.at[pl.ds(src0 + q * ch, ch)], stage_ref)
    pltpu.sync_copy(stage_ref, hbm_ref.at[pl.ds(dst0 + q * ch, ch)])
  r = n % ch
  if r:
    q = (n // ch) * ch
    pltpu.sync_copy(shared_ref.at[pl.ds(src0 + q, r)],
                    stage_ref.at[pl.ds(0, r)])
    pltpu.sync_copy(stage_ref.at[pl.ds(0, r)],
                    hbm_ref.at[pl.ds(dst0 + q, r)])


def _copy_out(shared_ref, hbm_ref, stage_ref, ch, c, s):
  ob = s * 624
  _stage_out(shared_ref, hbm_ref, stage_ref, ch, ob, c * N + ob, 624)
  @pl.when(s == 0)
  def _():
    _stage_out(shared_ref, hbm_ref, stage_ref, ch, 9984, c * N + 9984, 16)


_MESH = dict(core_axis_name="c", subcore_axis_name="s",
             num_cores=2, num_subcores=16)
IB = 8


@functools.lru_cache(maxsize=None)
def _make_sc_agg(edge_split):
  K = 2
  BT = (NBLK // 32) if edge_split else (NBLK // 16)

  def body(t_all, src2, dst2, out_all, acc, srcv, dstv, rows, semg, sems):
    c = lax.axis_index("c")
    s = lax.axis_index("s")

    _zero_fill(rows, K * 128)
    _zero_shared(acc, rows, s * 632, K * 128)
    plsc.subcore_barrier()

    if edge_split:
      blk0 = (c * 16 + s) * BT
    else:
      blk0 = s * BT
      off = jnp.full((16,), c * N, _i32)

    def rbuf(u):
      return rows.at[pl.ds((u % K) * 128, 128)]

    def chunk(t, _):
      rb = blk0 + t * IB
      pltpu.sync_copy(src2.at[pl.ds(rb, IB)], srcv)
      pltpu.sync_copy(dst2.at[pl.ds(rb, IB)], dstv)
      if not edge_split:
        for j in range(IB):
          for k in range(8):
            srcv[j, pl.ds(k * 16, 16)] = srcv[j, pl.ds(k * 16, 16)] + off
      g = [None] * IB
      sc = [None] * IB
      g[0] = pltpu.async_copy(t_all.at[srcv.at[0]], rbuf(0), semg)
      for u in range(IB):
        g[u].wait()
        if u >= 1:
          sc[u - 1].wait()
        sc[u] = pltpu.async_copy(rbuf(u), acc.at[dstv.at[u]], sems, add=True)
        if u + 1 < IB:
          g[u + 1] = pltpu.async_copy(t_all.at[srcv.at[u + 1]], rbuf(u + 1),
                                      semg)
      sc[IB - 1].wait()
      return 0

    lax.fori_loop(0, BT // IB, chunk, 0)
    plsc.subcore_barrier()
    _copy_out(acc, out_all, rows, K * 128, c, s)

  return pl.kernel(
      body,
      out_type=jax.ShapeDtypeStruct((2 * N, 128), _f32),
      mesh=plsc.VectorSubcoreMesh(**_MESH),
      scratch_types=[
          pltpu.VMEM_SHARED((NPAD, 128), _f32),
          pltpu.VMEM((IB, 128), _i32),
          pltpu.VMEM((IB, 128), _i32),
          pltpu.VMEM((K * 128, 128), _f32),
          pltpu.SemaphoreType.DMA,
          pltpu.SemaphoreType.DMA,
      ])


@functools.lru_cache(maxsize=None)
def _make_sc_deg():
  BT = NBLK // 32

  def body(dst2, deg_out, dega, dstv, onesb, sem):
    c = lax.axis_index("c")
    s = lax.axis_index("s")

    _zero_fill(onesb, 128)
    _zero_shared(dega, onesb, s * 632, 128)
    one16 = jnp.ones((16,), _f32)
    def orow(r, _):
      for k in range(8):
        onesb[r, pl.ds(k * 16, 16)] = one16
      return 0
    lax.fori_loop(0, 128, orow, 0)
    plsc.subcore_barrier()

    blk0 = (c * 16 + s) * BT

    def chunk(t, _):
      rb = blk0 + t * IB
      pltpu.sync_copy(dst2.at[pl.ds(rb, IB)], dstv)
      for u in range(IB):
        pltpu.sync_copy(onesb, dega.at[dstv.at[u]], add=True)
      return 0

    lax.fori_loop(0, BT // IB, chunk, 0)
    plsc.subcore_barrier()
    _copy_out(dega, deg_out, onesb, 128, c, s)

  return pl.kernel(
      body,
      out_type=jax.ShapeDtypeStruct((2 * N, 128), _f32),
      mesh=plsc.VectorSubcoreMesh(**_MESH),
      scratch_types=[
          pltpu.VMEM_SHARED((NPAD, 128), _f32),
          pltpu.VMEM((IB, 128), _i32),
          pltpu.VMEM((128, 128), _f32),
          pltpu.SemaphoreType.DMA,
      ])


NB = 10
RB = N // NB


def _deg_inv(deg_ref):
  d = deg_ref[0][:, 0:1] + deg_ref[1][:, 0:1]
  return 1.0 / jnp.maximum(d, 1.0)


def _bn_stats(i, h, hbuf, s1, s2):
  hbuf[pl.ds(i * RB, RB), :] = h

  @pl.when(i == 0)
  def _():
    s1[...] = jnp.zeros_like(s1)
    s2[...] = jnp.zeros_like(s2)
  s1[...] += jnp.sum(h, axis=0, keepdims=True)
  s2[...] += jnp.sum(h * h, axis=0, keepdims=True)


def _bn_apply(i, hbuf, s1, s2, g_ref, b_ref):
  mu = s1[...] / N
  var = s2[...] / N - mu * mu
  hb = hbuf[pl.ds(i * RB, RB), :]
  return (hb - mu) * lax.rsqrt(var + 1e-5) * g_ref[...] + b_ref[...]


def _tc1_body(agg_ref, deg_ref, x_ref, wl_ref, bl_ref, wr_ref, g_ref, b_ref,
              out_ref, hbuf, s1, s2):
  p = pl.program_id(0)
  i = pl.program_id(1)

  @pl.when(p == 0)
  def _():
    m = (agg_ref[0] + agg_ref[1]) * _deg_inv(deg_ref)
    h = (jnp.dot(m, wl_ref[...], precision=HI)
         + jnp.dot(x_ref[...], wr_ref[...], precision=HI) + bl_ref[...])
    _bn_stats(i, jnp.maximum(h, 0.0), hbuf, s1, s2)

  @pl.when(p == 1)
  def _():
    h = _bn_apply(i, hbuf, s1, s2, g_ref, b_ref)
    out_ref[0] = h[:, 0:128]
    out_ref[1] = h[:, 128:256]


_tc1 = pl.pallas_call(
    _tc1_body,
    grid=(2, NB),
    in_specs=[
        pl.BlockSpec((2, RB, 128), lambda p, i: (0, i, 0)),
        pl.BlockSpec((2, RB, 128), lambda p, i: (0, i, 0)),
        pl.BlockSpec((RB, 128), lambda p, i: (i, 0)),
        pl.BlockSpec((128, H), lambda p, i: (0, 0)),
        pl.BlockSpec((1, H), lambda p, i: (0, 0)),
        pl.BlockSpec((128, H), lambda p, i: (0, 0)),
        pl.BlockSpec((1, H), lambda p, i: (0, 0)),
        pl.BlockSpec((1, H), lambda p, i: (0, 0)),
    ],
    out_specs=pl.BlockSpec((2, RB, 128), lambda p, i: (0, i, 0)),
    out_shape=jax.ShapeDtypeStruct((2, N, 128), _f32),
    scratch_shapes=[pltpu.VMEM((N, H), _f32), pltpu.VMEM((1, H), _f32),
                    pltpu.VMEM((1, H), _f32)])


def _tc2_body(agg_ref, deg_ref, h1_ref, wl_ref, bl_ref, wr_ref, g_ref, b_ref,
              wp_ref, bp_ref, out_ref, hbuf, s1, s2):
  p = pl.program_id(0)
  i = pl.program_id(1)

  @pl.when(p == 0)
  def _():
    inv = _deg_inv(deg_ref)
    wl = wl_ref[...]
    wr = wr_ref[...]
    h = (jnp.dot(agg_ref[0] * inv, wl[0:128, :], precision=HI)
         + jnp.dot(agg_ref[1] * inv, wl[128:256, :], precision=HI)
         + jnp.dot(h1_ref[0], wr[0:128, :], precision=HI)
         + jnp.dot(h1_ref[1], wr[128:256, :], precision=HI)
         + bl_ref[...])
    _bn_stats(i, jnp.maximum(h, 0.0), hbuf, s1, s2)

  @pl.when(p == 1)
  def _():
    h = _bn_apply(i, hbuf, s1, s2, g_ref, b_ref)
    out_ref[...] = jnp.maximum(jnp.dot(h, wp_ref[...], precision=HI)
                               + bp_ref[...], 0.0)


_tc2 = pl.pallas_call(
    _tc2_body,
    grid=(2, NB),
    in_specs=[
        pl.BlockSpec((2, RB, 128), lambda p, i: (0, i, 0)),
        pl.BlockSpec((2, RB, 128), lambda p, i: (0, i, 0)),
        pl.BlockSpec((2, RB, 128), lambda p, i: (0, i, 0)),
        pl.BlockSpec((H, H), lambda p, i: (0, 0)),
        pl.BlockSpec((1, H), lambda p, i: (0, 0)),
        pl.BlockSpec((H, H), lambda p, i: (0, 0)),
        pl.BlockSpec((1, H), lambda p, i: (0, 0)),
        pl.BlockSpec((1, H), lambda p, i: (0, 0)),
        pl.BlockSpec((H, O), lambda p, i: (0, 0)),
        pl.BlockSpec((1, O), lambda p, i: (0, 0)),
    ],
    out_specs=pl.BlockSpec((RB, O), lambda p, i: (i, 0)),
    out_shape=jax.ShapeDtypeStruct((N, O), _f32),
    scratch_shapes=[pltpu.VMEM((N, H), _f32), pltpu.VMEM((1, H), _f32),
                    pltpu.VMEM((1, H), _f32)])


def kernel(x, edge_index, Wl1, bl1, Wr1, Wl2, bl2, Wr2, g1, b1, g2, b2, Wp,
           bp):
  src = edge_index[0]
  dst = edge_index[1]
  pad = E_PAD - E
  spread = jnp.arange(pad, dtype=_i32)
  src_p = jnp.concatenate([src, spread % N]).reshape(-1, 128)
  dst_p = jnp.concatenate([dst, SINK + spread % (NPAD - N)]).reshape(-1, 128)

  agg1_all = _make_sc_agg(True)(x, src_p, dst_p)
  degw = _make_sc_deg()(dst_p).reshape(2, N, 128)
  h13 = _tc1(agg1_all.reshape(2, N, 128), degw, x, Wl1,
             bl1.reshape(1, -1), Wr1, g1.reshape(1, -1), b1.reshape(1, -1))
  h1_all = h13.reshape(2 * N, 128)
  agg2_all = _make_sc_agg(False)(h1_all, src_p, dst_p)
  z = _tc2(agg2_all.reshape(2, N, 128), degw, h13, Wl2,
           bl2.reshape(1, -1), Wr2, g2.reshape(1, -1), b2.reshape(1, -1),
           Wp, bp.reshape(1, -1))
  return z

# --- scband reference (transcript-rebuilt; emitter-appended) ---
"""Pipeline reference for scband-gnnencoder-16149077033270 (READ-ONLY COPY).

The authoritative reference and input builder live on the scoring server;
editing this copy changes nothing except your own understanding.
"""

import jax, jax.numpy as jnp
import numpy as np

N = 10000
E = 320000
D = 128
H = 256
O = 128


def setup_inputs(seed: int = 0) -> dict:
    key = jax.random.key(seed)
    ks = jax.random.split(key, 16)
    x = jax.random.normal(ks[0], (N, D), dtype=jnp.float32)
    edge_index = jax.random.randint(ks[1], (2, E), 0, N, dtype=jnp.int32)
    s = 0.05
    Wl1 = jax.random.normal(ks[2], (D, H), dtype=jnp.float32) * s
    bl1 = jnp.zeros((H,), dtype=jnp.float32)
    Wr1 = jax.random.normal(ks[3], (D, H), dtype=jnp.float32) * s
    Wl2 = jax.random.normal(ks[4], (H, H), dtype=jnp.float32) * s
    bl2 = jnp.zeros((H,), dtype=jnp.float32)
    Wr2 = jax.random.normal(ks[5], (H, H), dtype=jnp.float32) * s
    g1 = jnp.ones((H,), dtype=jnp.float32)
    b1 = jnp.zeros((H,), dtype=jnp.float32)
    g2 = jnp.ones((H,), dtype=jnp.float32)
    b2 = jnp.zeros((H,), dtype=jnp.float32)
    Wp = jax.random.normal(ks[6], (H, O), dtype=jnp.float32) * s
    bp = jnp.zeros((O,), dtype=jnp.float32)
    return {
        'x': x, 'edge_index': edge_index,
        'Wl1': Wl1, 'bl1': bl1, 'Wr1': Wr1,
        'Wl2': Wl2, 'bl2': bl2, 'Wr2': Wr2,
        'g1': g1, 'b1': b1, 'g2': g2, 'b2': b2,
        'Wp': Wp, 'bp': bp,
    }


def reference(x, edge_index, Wl1, bl1, Wr1, Wl2, bl2, Wr2, g1, b1, g2, b2, Wp, bp):
    src = edge_index[0]
    dst = edge_index[1]

    def sage(h, Wl, bl, Wr):
        # PyG SAGEConv (aggr='mean'): out = lin_l(mean_j x_j) + lin_r(x_i)
        agg = jax.ops.segment_sum(h[src], dst, num_segments=N)
        deg = jax.ops.segment_sum(jnp.ones((E,), dtype=h.dtype), dst, num_segments=N)
        agg = agg / jnp.clip(deg, 1.0)[:, None]
        return agg @ Wl + bl + h @ Wr

    def bn(h, g, b):
        mu = jnp.mean(h, axis=0)
        var = jnp.var(h, axis=0)
        return (h - mu) / jnp.sqrt(var + 1e-5) * g + b

    h = bn(jax.nn.relu(sage(x, Wl1, bl1, Wr1)), g1, b1)
    h = bn(jax.nn.relu(sage(h, Wl2, bl2, Wr2)), g2, b2)
    # project: Linear -> ReLU -> Dropout (identity in eval)
    z = jax.nn.relu(h @ Wp + bp)
    return z

if __name__ == "__main__":
    import jax
    _d = setup_inputs()
    print(jax.jit(kernel)(*tuple(_d.values())))

</pallas_src>

<mosaic_0001>
#map = affine_map<(d0, d1) -> (0, 0)>
module attributes {stable_mosaic.version = 14 : i64} {
  func.func @body(%arg0: i32, %arg1: i32, %arg2: memref<2560x128xi32, #tpu.memory_space<hbm>>, %arg3: memref<20000x128xf32, #tpu.memory_space<hbm>>, %arg4: memref<10112x128xf32, #tpu.memory_space<vmem_shared>>, %arg5: memref<8x128xi32, #tpu.memory_space<vmem>>, %arg6: memref<128x128xf32, #tpu.memory_space<vmem>>, %arg7: memref<!tpu.dma_semaphore, #tpu.memory_space<semaphore_mem>>) attributes {dimension_semantics = [#tpu.dimension_semantics<core_parallel>, #tpu.dimension_semantics<subcore_parallel>], iteration_bounds = array<i64: 2, 16>, scalar_prefetch = 0 : i64, scratch_operands = 4 : i64, tpu.core_type = #tpu.core_type<sc_vector_subcore>, window_params = [{transform_indices = #map}, {transform_indices = #map}]} {
    %broadcast_in_dim3A = arith.constant 0.000000e+00 : f32
    %broadcast_in_dim3A_0 = vector.broadcast %broadcast_in_dim3A : f32 to vector<16xf32>
    %scan3A = arith.constant 0 : i32
    %scan3A_1 = arith.constant 0 : i32
    %scan3A_2 = arith.constant 128 : i32
    %scan3A_3 = arith.addi %scan3A_1, %scan3A_2 : i32
    %scan3A_4 = arith.constant 1 : i32
    %scan3A_5 = scf.for %scan3A_66 = %scan3A_1 to %scan3A_3 step %scan3A_4 iter_args(%scan3A_67 = %scan3A) -> (i32)  : i32 {
      %swap3A = arith.index_cast %scan3A_66 : i32 to index
      %swap3A_68 = arith.constant 0 : index
      %swap3A_69 = tpu.vector_load %arg6[%swap3A, %swap3A_68] {strides = array<i32>} : memref<128x128xf32, #tpu.memory_space<vmem>>, vector<1x16xf32>,
      %swap3A_70 = vector.shape_cast %swap3A_69 : vector<1x16xf32> to vector<16xf32>
      %swap3A_71 = vector.shape_cast %broadcast_in_dim3A_0 : vector<16xf32> to vector<1x16xf32>
      tpu.vector_store %arg6[%swap3A, %swap3A_68], %swap3A_71 {strides = array<i32>} : memref<128x128xf32, #tpu.memory_space<vmem>>, vector<1x16xf32>,
      %swap3A_72 = arith.index_cast %scan3A_66 : i32 to index
      %swap3A_73 = arith.constant 16 : index
      %swap3A_74 = tpu.vector_load %arg6[%swap3A_72, %swap3A_73] {strides = array<i32>} : memref<128x128xf32, #tpu.memory_space<vmem>>, vector<1x16xf32>,
      %swap3A_75 = vector.shape_cast %swap3A_74 : vector<1x16xf32> to vector<16xf32>
      %swap3A_76 = vector.shape_cast %broadcast_in_dim3A_0 : vector<16xf32> to vector<1x16xf32>
      tpu.vector_store %arg6[%swap3A_72, %swap3A_73], %swap3A_76 {strides = array<i32>} : memref<128x128xf32, #tpu.memory_space<vmem>>, vector<1x16xf32>,
      %swap3A_77 = arith.index_cast %scan3A_66 : i32 to index
      %swap3A_78 = arith.constant 32 : index
      %swap3A_79 = tpu.vector_load %arg6[%swap3A_77, %swap3A_78] {strides = array<i32>} : memref<128x128xf32, #tpu.memory_space<vmem>>, vector<1x16xf32>,
      %swap3A_80 = vector.shape_cast %swap3A_79 : vector<1x16xf32> to vector<16xf32>
      %swap3A_81 = vector.shape_cast %broadcast_in_dim3A_0 : vector<16xf32> to vector<1x16xf32>
      tpu.vector_store %arg6[%swap3A_77, %swap3A_78], %swap3A_81 {strides = array<i32>} : memref<128x128xf32, #tpu.memory_space<vmem>>, vector<1x16xf32>,
      %swap3A_82 = arith.index_cast %scan3A_66 : i32 to index
      %swap3A_83 = arith.constant 48 : index
      %swap3A_84 = tpu.vector_load %arg6[%swap3A_82, %swap3A_83] {strides = array<i32>} : memref<128x128xf32, #tpu.memory_space<vmem>>, vector<1x16xf32>,
      %swap3A_85 = vector.shape_cast %swap3A_84 : vector<1x16xf32> to vector<16xf32>
      %swap3A_86 = vector.shape_cast %broadcast_in_dim3A_0 : vector<16xf32> to vector<1x16xf32>
      tpu.vector_store %arg6[%swap3A_82, %swap3A_83], %swap3A_86 {strides = array<i32>} : memref<128x128xf32, #tpu.memory_space<vmem>>, vector<1x16xf32>,
      %swap3A_87 = arith.index_cast %scan3A_66 : i32 to index
      %swap3A_88 = arith.constant 64 : index
      %swap3A_89 = tpu.vector_load %arg6[%swap3A_87, %swap3A_88] {strides = array<i32>} : memref<128x128xf32, #tpu.memory_space<vmem>>, vector<1x16xf32>,
      %swap3A_90 = vector.shape_cast %swap3A_89 : vector<1x16xf32> to vector<16xf32>
      %swap3A_91 = vector.shape_cast %broadcast_in_dim3A_0 : vector<16xf32> to vector<1x16xf32>
      tpu.vector_store %arg6[%swap3A_87, %swap3A_88], %swap3A_91 {strides = array<i32>} : memref<128x128xf32, #tpu.memory_space<vmem>>, vector<1x16xf32>,
      %swap3A_92 = arith.index_cast %scan3A_66 : i32 to index
      %swap3A_93 = arith.constant 80 : index
      %swap3A_94 = tpu.vector_load %arg6[%swap3A_92, %swap3A_93] {strides = array<i32>} : memref<128x128xf32, #tpu.memory_space<vmem>>, vector<1x16xf32>,
      %swap3A_95 = vector.shape_cast %swap3A_94 : vector<1x16xf32> to vector<16xf32>
      %swap3A_96 = vector.shape_cast %broadcast_in_dim3A_0 : vector<16xf32> to vector<1x16xf32>
      tpu.vector_store %arg6[%swap3A_92, %swap3A_93], %swap3A_96 {strides = array<i32>} : memref<128x128xf32, #tpu.memory_space<vmem>>, vector<1x16xf32>,
      %swap3A_97 = arith.index_cast %scan3A_66 : i32 to index
      %swap3A_98 = arith.constant 96 : index
      %swap3A_99 = tpu.vector_load %arg6[%swap3A_97, %swap3A_98] {strides = array<i32>} : memref<128x128xf32, #tpu.memory_space<vmem>>, vector<1x16xf32>,
      %swap3A_100 = vector.shape_cast %swap3A_99 : vector<1x16xf32> to vector<16xf32>
      %swap3A_101 = vector.shape_cast %broadcast_in_dim3A_0 : vector<16xf32> to vector<1x16xf32>
      tpu.vector_store %arg6[%swap3A_97, %swap3A_98], %swap3A_101 {strides = array<i32>} : memref<128x128xf32, #tpu.memory_space<vmem>>, vector<1x16xf32>,
      %swap3A_102 = arith.index_cast %scan3A_66 : i32 to index
      %swap3A_103 = arith.constant 112 : index
      %swap3A_104 = tpu.vector_load %arg6[%swap3A_102, %swap3A_103] {strides = array<i32>} : memref<128x128xf32, #tpu.memory_space<vmem>>, vector<1x16xf32>,
      %swap3A_105 = vector.shape_cast %swap3A_104 : vector<1x16xf32> to vector<16xf32>
      %swap3A_106 = vector.shape_cast %broadcast_in_dim3A_0 : vector<16xf32> to vector<1x16xf32>
      tpu.vector_store %arg6[%swap3A_102, %swap3A_103], %swap3A_106 {strides = array<i32>} : memref<128x128xf32, #tpu.memory_space<vmem>>, vector<1x16xf32>,
      %scan3A_107 = arith.constant 0 : i32
      scf.yield %scan3A_107 : i32
    }
    %scan3A_6 = arith.constant 128 : i32
    %mul3A = arith.constant 632 : i32
    %mul3A_7 = arith.muli %arg1, %mul3A : i32
    %add3A = arith.constant 0 : i32
    %add3A_8 = arith.addi %mul3A_7, %add3A : i32
    "tpu.region"() ({
      %run_scoped3A = tpu.sem_alloc : memref<!tpu.dma_semaphore, #tpu.memory_space<semaphore_mem>>
      %dma_start3A = arith.constant 0 : i32
      %dma_start3A_66 = tpu.memref_slice %arg4[%add3A_8, %dma_start3A] : memref<10112x128xf32, #tpu.memory_space<vmem_shared>> -> memref<128x128xf32, #tpu.memory_space<vmem_shared>>
      %dma_start3A_67 = arith.constant 0 : i32
      %dma_start3A_68 = tpu.memref_slice %arg4[%add3A_8, %dma_start3A_67] : memref<10112x128xf32, #tpu.memory_space<vmem_shared>> -> memref<128x128xf32, #tpu.memory_space<vmem_shared>>
      tpu.enqueue_dma source(%arg6 : memref<128x128xf32, #tpu.memory_space<vmem>>) target(%dma_start3A_68 : memref<128x128xf32, #tpu.memory_space<vmem_shared>>) target_semaphore(%run_scoped3A : memref<!tpu.dma_semaphore, #tpu.memory_space<semaphore_mem>>)
      %dma_wait3A = arith.constant 0 : i32
      %dma_wait3A_69 = tpu.memref_slice %arg4[%add3A_8, %dma_wait3A] : memref<10112x128xf32, #tpu.memory_space<vmem_shared>> -> memref<128x128xf32, #tpu.memory_space<vmem_shared>>
      %dma_wait3A_70 = arith.constant 0 : i32
      %dma_wait3A_71 = tpu.memref_slice %arg4[%add3A_8, %dma_wait3A_70] : memref<10112x128xf32, #tpu.memory_space<vmem_shared>> -> memref<128x128xf32, #tpu.memory_space<vmem_shared>>
      tpu.wait_dma2 semaphore(%run_scoped3A : memref<!tpu.dma_semaphore, #tpu.memory_space<semaphore_mem>>) src(%arg6 : memref<128x128xf32, #tpu.memory_space<vmem>>) dst(%dma_wait3A_71 : memref<128x128xf32, #tpu.memory_space<vmem_shared>>)
      tpu.yield
    }) : () -> ()
    %add3A_9 = arith.constant 128 : i32
    %add3A_10 = arith.addi %mul3A_7, %add3A_9 : i32
    "tpu.region"() ({
      %run_scoped3A = tpu.sem_alloc : memref<!tpu.dma_semaphore, #tpu.memory_space<semaphore_mem>>
      %dma_start3A = arith.constant 0 : i32
      %dma_start3A_66 = tpu.memref_slice %arg4[%add3A_10, %dma_start3A] : memref<10112x128xf32, #tpu.memory_space<vmem_shared>> -> memref<128x128xf32, #tpu.memory_space<vmem_shared>>
      %dma_start3A_67 = arith.constant 0 : i32
      %dma_start3A_68 = tpu.memref_slice %arg4[%add3A_10, %dma_start3A_67] : memref<10112x128xf32, #tpu.memory_space<vmem_shared>> -> memref<128x128xf32, #tpu.memory_space<vmem_shared>>
      tpu.enqueue_dma source(%arg6 : memref<128x128xf32, #tpu.memory_space<vmem>>) target(%dma_start3A_68 : memref<128x128xf32, #tpu.memory_space<vmem_shared>>) target_semaphore(%run_scoped3A : memref<!tpu.dma_semaphore, #tpu.memory_space<semaphore_mem>>)
      %dma_wait3A = arith.constant 0 : i32
      %dma_wait3A_69 = tpu.memref_slice %arg4[%add3A_10, %dma_wait3A] : memref<10112x128xf32, #tpu.memory_space<vmem_shared>> -> memref<128x128xf32, #tpu.memory_space<vmem_shared>>
      %dma_wait3A_70 = arith.constant 0 : i32
      %dma_wait3A_71 = tpu.memref_slice %arg4[%add3A_10, %dma_wait3A_70] : memref<10112x128xf32, #tpu.memory_space<vmem_shared>> -> memref<128x128xf32, #tpu.memory_space<vmem_shared>>
      tpu.wait_dma2 semaphore(%run_scoped3A : memref<!tpu.dma_semaphore, #tpu.memory_space<semaphore_mem>>) src(%arg6 : memref<128x128xf32, #tpu.memory_space<vmem>>) dst(%dma_wait3A_71 : memref<128x128xf32, #tpu.memory_space<vmem_shared>>)
      tpu.yield
    }) : () -> ()
    %add3A_11 = arith.constant 256 : i32
    %add3A_12 = arith.addi %mul3A_7, %add3A_11 : i32
    "tpu.region"() ({
      %run_scoped3A = tpu.sem_alloc : memref<!tpu.dma_semaphore, #tpu.memory_space<semaphore_mem>>
      %dma_start3A = arith.constant 0 : i32
      %dma_start3A_66 = tpu.memref_slice %arg4[%add3A_12, %dma_start3A] : memref<10112x128xf32, #tpu.memory_space<vmem_shared>> -> memref<128x128xf32, #tpu.memory_space<vmem_shared>>
      %dma_start3A_67 = arith.constant 0 : i32
      %dma_start3A_68 = tpu.memref_slice %arg4[%add3A_12, %dma_start3A_67] : memref<10112x128xf32, #tpu.memory_space<vmem_shared>> -> memref<128x128xf32, #tpu.memory_space<vmem_shared>>
      tpu.enqueue_dma source(%arg6 : memref<128x128xf32, #tpu.memory_space<vmem>>) target(%dma_start3A_68 : memref<128x128xf32, #tpu.memory_space<vmem_shared>>) target_semaphore(%run_scoped3A : memref<!tpu.dma_semaphore, #tpu.memory_space<semaphore_mem>>)
      %dma_wait3A = arith.constant 0 : i32
      %dma_wait3A_69 = tpu.memref_slice %arg4[%add3A_12, %dma_wait3A] : memref<10112x128xf32, #tpu.memory_space<vmem_shared>> -> memref<128x128xf32, #tpu.memory_space<vmem_shared>>
      %dma_wait3A_70 = arith.constant 0 : i32
      %dma_wait3A_71 = tpu.memref_slice %arg4[%add3A_12, %dma_wait3A_70] : memref<10112x128xf32, #tpu.memory_space<vmem_shared>> -> memref<128x128xf32, #tpu.memory_space<vmem_shared>>
      tpu.wait_dma2 semaphore(%run_scoped3A : memref<!tpu.dma_semaphore, #tpu.memory_space<semaphore_mem>>) src(%arg6 : memref<128x128xf32, #tpu.memory_space<vmem>>) dst(%dma_wait3A_71 : memref<128x128xf32, #tpu.memory_space<vmem_shared>>)
      tpu.yield
    }) : () -> ()
    %add3A_13 = arith.constant 384 : i32
    %add3A_14 = arith.addi %mul3A_7, %add3A_13 : i32
    "tpu.region"() ({
      %run_scoped3A = tpu.sem_alloc : memref<!tpu.dma_semaphore, #tpu.memory_space<semaphore_mem>>
      %dma_start3A = arith.constant 0 : i32
      %dma_start3A_66 = tpu.memref_slice %arg4[%add3A_14, %dma_start3A] : memref<10112x128xf32, #tpu.memory_space<vmem_shared>> -> memref<128x128xf32, #tpu.memory_space<vmem_shared>>
      %dma_start3A_67 = arith.constant 0 : i32
      %dma_start3A_68 = tpu.memref_slice %arg4[%add3A_14, %dma_start3A_67] : memref<10112x128xf32, #tpu.memory_space<vmem_shared>> -> memref<128x128xf32, #tpu.memory_space<vmem_shared>>
      tpu.enqueue_dma source(%arg6 : memref<128x128xf32, #tpu.memory_space<vmem>>) target(%dma_start3A_68 : memref<128x128xf32, #tpu.memory_space<vmem_shared>>) target_semaphore(%run_scoped3A : memref<!tpu.dma_semaphore, #tpu.memory_space<semaphore_mem>>)
      %dma_wait3A = arith.constant 0 : i32
      %dma_wait3A_69 = tpu.memref_slice %arg4[%add3A_14, %dma_wait3A] : memref<10112x128xf32, #tpu.memory_space<vmem_shared>> -> memref<128x128xf32, #tpu.memory_space<vmem_shared>>
      %dma_wait3A_70 = arith.constant 0 : i32
      %dma_wait3A_71 = tpu.memref_slice %arg4[%add3A_14, %dma_wait3A_70] : memref<10112x128xf32, #tpu.memory_space<vmem_shared>> -> memref<128x128xf32, #tpu.memory_space<vmem_shared>>
      tpu.wait_dma2 semaphore(%run_scoped3A : memref<!tpu.dma_semaphore, #tpu.memory_space<semaphore_mem>>) src(%arg6 : memref<128x128xf32, #tpu.memory_space<vmem>>) dst(%dma_wait3A_71 : memref<128x128xf32, #tpu.memory_space<vmem_shared>>)
      tpu.yield
    }) : () -> ()
    %add3A_15 = arith.constant 512 : i32
    %add3A_16 = arith.addi %mul3A_7, %add3A_15 : i32
    "tpu.region"() ({
      %run_scoped3A = tpu.sem_alloc : memref<!tpu.dma_semaphore, #tpu.memory_space<semaphore_mem>>
      %dma_start3A = arith.constant 0 : i32
      %dma_start3A_66 = arith.constant 0 : i32
      %dma_start3A_67 = tpu.memref_slice %arg6[%dma_start3A, %dma_start3A_66] : memref<128x128xf32, #tpu.memory_space<vmem>> -> memref<120x128xf32, #tpu.memory_space<vmem>>
      %dma_start3A_68 = arith.constant 0 : i32
      %dma_start3A_69 = tpu.memref_slice %arg4[%add3A_16, %dma_start3A_68] : memref<10112x128xf32, #tpu.memory_space<vmem_shared>> -> memref<120x128xf32, #tpu.memory_space<vmem_shared>>
      %dma_start3A_70 = arith.constant 0 : i32
      %dma_start3A_71 = tpu.memref_slice %arg4[%add3A_16, %dma_start3A_70] : memref<10112x128xf32, #tpu.memory_space<vmem_shared>> -> memref<120x128xf32, #tpu.memory_space<vmem_shared>>
      %dma_start3A_72 = arith.constant 0 : i32
      %dma_start3A_73 = arith.constant 0 : i32
      %dma_start3A_74 = tpu.memref_slice %arg6[%dma_start3A_72, %dma_start3A_73] : memref<128x128xf32, #tpu.memory_space<vmem>> -> memref<120x128xf32, #tpu.memory_space<vmem>>
      tpu.enqueue_dma source(%dma_start3A_74 : memref<120x128xf32, #tpu.memory_space<vmem>>) target(%dma_start3A_71 : memref<120x128xf32, #tpu.memory_space<vmem_shared>>) target_semaphore(%run_scoped3A : memref<!tpu.dma_semaphore, #tpu.memory_space<semaphore_mem>>)
      %dma_wait3A = arith.constant 0 : i32
      %dma_wait3A_75 = arith.constant 0 : i32
      %dma_wait3A_76 = tpu.memref_slice %arg6[%dma_wait3A, %dma_wait3A_75] : memref<128x128xf32, #tpu.memory_space<vmem>> -> memref<120x128xf32, #tpu.memory_space<vmem>>
      %dma_wait3A_77 = arith.constant 0 : i32
      %dma_wait3A_78 = tpu.memref_slice %arg4[%add3A_16, %dma_wait3A_77] : memref<10112x128xf32, #tpu.memory_space<vmem_shared>> -> memref<120x128xf32, #tpu.memory_space<vmem_shared>>
      %dma_wait3A_79 = arith.constant 0 : i32
      %dma_wait3A_80 = tpu.memref_slice %arg4[%add3A_16, %dma_wait3A_79] : memref<10112x128xf32, #tpu.memory_space<vmem_shared>> -> memref<120x128xf32, #tpu.memory_space<vmem_shared>>
      %dma_wait3A_81 = arith.constant 0 : i32
      %dma_wait3A_82 = arith.constant 0 : i32
      %dma_wait3A_83 = tpu.memref_slice %arg6[%dma_wait3A_81, %dma_wait3A_82] : memref<128x128xf32, #tpu.memory_space<vmem>> -> memref<120x128xf32, #tpu.memory_space<vmem>>
      tpu.wait_dma2 semaphore(%run_scoped3A : memref<!tpu.dma_semaphore, #tpu.memory_space<semaphore_mem>>) src(%dma_wait3A_83 : memref<120x128xf32, #tpu.memory_space<vmem>>) dst(%dma_wait3A_80 : memref<120x128xf32, #tpu.memory_space<vmem_shared>>)
      tpu.yield
    }) : () -> ()
    %broadcast_in_dim3A_17 = arith.constant 1.000000e+00 : f32
    %broadcast_in_dim3A_18 = vector.broadcast %broadcast_in_dim3A_17 : f32 to vector<16xf32>
    %scan3A_19 = arith.constant 0 : i32
    %scan3A_20 = arith.constant 0 : i32
    %scan3A_21 = arith.constant 128 : i32
    %scan3A_22 = arith.addi %scan3A_20, %scan3A_21 : i32
    %scan3A_23 = arith.constant 1 : i32
    %scan3A_24 = scf.for %scan3A_66 = %scan3A_20 to %scan3A_22 step %scan3A_23 iter_args(%scan3A_67 = %scan3A_19) -> (i32)  : i32 {
      %swap3A = arith.index_cast %scan3A_66 : i32 to index
      %swap3A_68 = arith.constant 0 : index
      %swap3A_69 = tpu.vector_load %arg6[%swap3A, %swap3A_68] {strides = array<i32>} : memref<128x128xf32, #tpu.memory_space<vmem>>, vector<1x16xf32>,
      %swap3A_70 = vector.shape_cast %swap3A_69 : vector<1x16xf32> to vector<16xf32>
      %swap3A_71 = vector.shape_cast %broadcast_in_dim3A_18 : vector<16xf32> to vector<1x16xf32>
      tpu.vector_store %arg6[%swap3A, %swap3A_68], %swap3A_71 {strides = array<i32>} : memref<128x128xf32, #tpu.memory_space<vmem>>, vector<1x16xf32>,
      %swap3A_72 = arith.index_cast %scan3A_66 : i32 to index
      %swap3A_73 = arith.constant 16 : index
      %swap3A_74 = tpu.vector_load %arg6[%swap3A_72, %swap3A_73] {strides = array<i32>} : memref<128x128xf32, #tpu.memory_space<vmem>>, vector<1x16xf32>,
      %swap3A_75 = vector.shape_cast %swap3A_74 : vector<1x16xf32> to vector<16xf32>
      %swap3A_76 = vector.shape_cast %broadcast_in_dim3A_18 : vector<16xf32> to vector<1x16xf32>
      tpu.vector_store %arg6[%swap3A_72, %swap3A_73], %swap3A_76 {strides = array<i32>} : memref<128x128xf32, #tpu.memory_space<vmem>>, vector<1x16xf32>,
      %swap3A_77 = arith.index_cast %scan3A_66 : i32 to index
      %swap3A_78 = arith.constant 32 : index
      %swap3A_79 = tpu.vector_load %arg6[%swap3A_77, %swap3A_78] {strides = array<i32>} : memref<128x128xf32, #tpu.memory_space<vmem>>, vector<1x16xf32>,
      %swap3A_80 = vector.shape_cast %swap3A_79 : vector<1x16xf32> to vector<16xf32>
      %swap3A_81 = vector.shape_cast %broadcast_in_dim3A_18 : vector<16xf32> to vector<1x16xf32>
      tpu.vector_store %arg6[%swap3A_77, %swap3A_78], %swap3A_81 {strides = array<i32>} : memref<128x128xf32, #tpu.memory_space<vmem>>, vector<1x16xf32>,
      %swap3A_82 = arith.index_cast %scan3A_66 : i32 to index
      %swap3A_83 = arith.constant 48 : index
      %swap3A_84 = tpu.vector_load %arg6[%swap3A_82, %swap3A_83] {strides = array<i32>} : memref<128x128xf32, #tpu.memory_space<vmem>>, vector<1x16xf32>,
      %swap3A_85 = vector.shape_cast %swap3A_84 : vector<1x16xf32> to vector<16xf32>
      %swap3A_86 = vector.shape_cast %broadcast_in_dim3A_18 : vector<16xf32> to vector<1x16xf32>
      tpu.vector_store %arg6[%swap3A_82, %swap3A_83], %swap3A_86 {strides = array<i32>} : memref<128x128xf32, #tpu.memory_space<vmem>>, vector<1x16xf32>,
      %swap3A_87 = arith.index_cast %scan3A_66 : i32 to index
      %swap3A_88 = arith.constant 64 : index
      %swap3A_89 = tpu.vector_load %arg6[%swap3A_87, %swap3A_88] {strides = array<i32>} : memref<128x128xf32, #tpu.memory_space<vmem>>, vector<1x16xf32>,
      %swap3A_90 = vector.shape_cast %swap3A_89 : vector<1x16xf32> to vector<16xf32>
      %swap3A_91 = vector.shape_cast %broadcast_in_dim3A_18 : vector<16xf32> to vector<1x16xf32>
      tpu.vector_store %arg6[%swap3A_87, %swap3A_88], %swap3A_91 {strides = array<i32>} : memref<128x128xf32, #tpu.memory_space<vmem>>, vector<1x16xf32>,
      %swap3A_92 = arith.index_cast %scan3A_66 : i32 to index
      %swap3A_93 = arith.constant 80 : index
      %swap3A_94 = tpu.vector_load %arg6[%swap3A_92, %swap3A_93] {strides = array<i32>} : memref<128x128xf32, #tpu.memory_space<vmem>>, vector<1x16xf32>,
      %swap3A_95 = vector.shape_cast %swap3A_94 : vector<1x16xf32> to vector<16xf32>
      %swap3A_96 = vector.shape_cast %broadcast_in_dim3A_18 : vector<16xf32> to vector<1x16xf32>
      tpu.vector_store %arg6[%swap3A_92, %swap3A_93], %swap3A_96 {strides = array<i32>} : memref<128x128xf32, #tpu.memory_space<vmem>>, vector<1x16xf32>,
      %swap3A_97 = arith.index_cast %scan3A_66 : i32 to index
      %swap3A_98 = arith.constant 96 : index
      %swap3A_99 = tpu.vector_load %arg6[%swap3A_97, %swap3A_98] {strides = array<i32>} : memref<128x128xf32, #tpu.memory_space<vmem>>, vector<1x16xf32>,
      %swap3A_100 = vector.shape_cast %swap3A_99 : vector<1x16xf32> to vector<16xf32>
      %swap3A_101 = vector.shape_cast %broadcast_in_dim3A_18 : vector<16xf32> to vector<1x16xf32>
      tpu.vector_store %arg6[%swap3A_97, %swap3A_98], %swap3A_101 {strides = array<i32>} : memref<128x128xf32, #tpu.memory_space<vmem>>, vector<1x16xf32>,
      %swap3A_102 = arith.index_cast %scan3A_66 : i32 to index
      %swap3A_103 = arith.constant 112 : index
      %swap3A_104 = tpu.vector_load %arg6[%swap3A_102, %swap3A_103] {strides = array<i32>} : memref<128x128xf32, #tpu.memory_space<vmem>>, vector<1x16xf32>,
      %swap3A_105 = vector.shape_cast %swap3A_104 : vector<1x16xf32> to vector<16xf32>
      %swap3A_106 = vector.shape_cast %broadcast_in_dim3A_18 : vector<16xf32> to vector<1x16xf32>
      tpu.vector_store %arg6[%swap3A_102, %swap3A_103], %swap3A_106 {strides = array<i32>} : memref<128x128xf32, #tpu.memory_space<vmem>>, vector<1x16xf32>,
      %scan3A_107 = arith.constant 0 : i32
      scf.yield %scan3A_107 : i32
    }
    %scan3A_25 = arith.constant 128 : i32
    %barrier3A = arith.constant 0 : index
    tpu.barrier barrier_id(%barrier3A)
    %mul3A_26 = arith.constant 16 : i32
    %mul3A_27 = arith.muli %arg0, %mul3A_26 : i32
    %add3A_28 = arith.addi %mul3A_27, %arg1 : i32
    %mul3A_29 = arith.constant 80 : i32
    %mul3A_30 = arith.muli %add3A_28, %mul3A_29 : i32
    %scan3A_31 = arith.constant 0 : i32
    %scan3A_32 = arith.constant 0 : i32
    %scan3A_33 = arith.constant 10 : i32
    %scan3A_34 = arith.addi %scan3A_32, %scan3A_33 : i32
    %scan3A_35 = arith.constant 1 : i32
    %scan3A_36 = scf.for %scan3A_66 = %scan3A_32 to %scan3A_34 step %scan3A_35 iter_args(%scan3A_67 = %scan3A_31) -> (i32)  : i32 {
      %mul3A_68 = arith.constant 8 : i32
      %mul3A_69 = arith.muli %scan3A_66, %mul3A_68 : i32
      %add3A_70 = arith.addi %mul3A_30, %mul3A_69 : i32
      "tpu.region"() ({
        %run_scoped3A_79 = tpu.sem_alloc : memref<!tpu.dma_semaphore, #tpu.memory_space<semaphore_mem>>
        %dma_start3A = arith.constant 0 : i32
        %dma_start3A_80 = tpu.memref_slice %arg2[%add3A_70, %dma_start3A] : memref<2560x128xi32, #tpu.memory_space<hbm>> -> memref<8x128xi32, #tpu.memory_space<hbm>>
        %dma_start3A_81 = arith.constant 0 : i32
        %dma_start3A_82 = tpu.memref_slice %arg2[%add3A_70, %dma_start3A_81] : memref<2560x128xi32, #tpu.memory_space<hbm>> -> memref<8x128xi32, #tpu.memory_space<hbm>>
        tpu.enqueue_dma source(%dma_start3A_82 : memref<8x128xi32, #tpu.memory_space<hbm>>) target(%arg5 : memref<8x128xi32, #tpu.memory_space<vmem>>) target_semaphore(%run_scoped3A_79 : memref<!tpu.dma_semaphore, #tpu.memory_space<semaphore_mem>>)
        %dma_wait3A = arith.constant 0 : i32
        %dma_wait3A_83 = tpu.memref_slice %arg2[%add3A_70, %dma_wait3A] : memref<2560x128xi32, #tpu.memory_space<hbm>> -> memref<8x128xi32, #tpu.memory_space<hbm>>
        %dma_wait3A_84 = arith.constant 0 : i32
        %dma_wait3A_85 = tpu.memref_slice %arg2[%add3A_70, %dma_wait3A_84] : memref<2560x128xi32, #tpu.memory_space<hbm>> -> memref<8x128xi32, #tpu.memory_space<hbm>>
        tpu.wait_dma2 semaphore(%run_scoped3A_79 : memref<!tpu.dma_semaphore, #tpu.memory_space<semaphore_mem>>) src(%dma_wait3A_85 : memref<8x128xi32, #tpu.memory_space<hbm>>) dst(%arg5 : memref<8x128xi32, #tpu.memory_space<vmem>>)
        tpu.yield
      }) : () -> ()
      %run_scoped3A = arith.constant 0 : i32
      "tpu.region"() ({
        %run_scoped3A_79 = tpu.sem_alloc : memref<!tpu.dma_semaphore, #tpu.memory_space<semaphore_mem>>
        %dma_start3A = arith.constant 0 : i32
        %dma_start3A_80 = tpu.memref_slice %arg5[%run_scoped3A, %dma_start3A] : memref<8x128xi32, #tpu.memory_space<vmem>> -> memref<1x128xi32, #tpu.memory_space<vmem>>
        %dma_start3A_81 = tpu.memref_squeeze %dma_start3A_80 : memref<1x128xi32, #tpu.memory_space<vmem>> -> memref<128xi32, #tpu.memory_space<vmem>>
        %dma_start3A_82 = arith.constant 0 : i32
        %dma_start3A_83 = arith.constant 0 : i32
        %dma_start3A_84 = tpu.memref_slice %arg4[%dma_start3A_82, %dma_start3A_83] : memref<10112x128xf32, #tpu.memory_space<vmem_shared>> -> memref<10112x128xf32, #tpu.memory_space<vmem_shared>>
        tpu.enqueue_indirect_dma source(%arg6 : memref<128x128xf32, #tpu.memory_space<vmem>>) target(%dma_start3A_84 : memref<10112x128xf32, #tpu.memory_space<vmem_shared>>) offsets(%dma_start3A_81 : memref<128xi32, #tpu.memory_space<vmem>>) semaphore(%run_scoped3A_79 : memref<!tpu.dma_semaphore, #tpu.memory_space<semaphore_mem>>) {add = true}
        %dma_wait3A = arith.constant 0 : i32
        %dma_wait3A_85 = tpu.memref_slice %arg5[%run_scoped3A, %dma_wait3A] : memref<8x128xi32, #tpu.memory_space<vmem>> -> memref<1x128xi32, #tpu.memory_space<vmem>>
        %dma_wait3A_86 = tpu.memref_squeeze %dma_wait3A_85 : memref<1x128xi32, #tpu.memory_space<vmem>> -> memref<128xi32, #tpu.memory_space<vmem>>
        %dma_wait3A_87 = arith.constant 0 : i32
        %dma_wait3A_88 = arith.constant 0 : i32
        %dma_wait3A_89 = tpu.memref_slice %arg4[%dma_wait3A_87, %dma_wait3A_88] : memref<10112x128xf32, #tpu.memory_space<vmem_shared>> -> memref<10112x128xf32, #tpu.memory_space<vmem_shared>>
        tpu.wait_indirect_dma semaphore(%run_scoped3A_79 : memref<!tpu.dma_semaphore, #tpu.memory_space<semaphore_mem>>) src(%arg6 : memref<128x128xf32, #tpu.memory_space<vmem>>) dst(%dma_wait3A_89 : memref<10112x128xf32, #tpu.memory_space<vmem_shared>>)
        tpu.yield
      }) : () -> ()
      %run_scoped3A_71 = arith.constant 1 : i32
      "tpu.region"() ({
        %run_scoped3A_79 = tpu.sem_alloc : memref<!tpu.dma_semaphore, #tpu.memory_space<semaphore_mem>>
        %dma_start3A = arith.constant 0 : i32
        %dma_start3A_80 = tpu.memref_slice %arg5[%run_scoped3A_71, %dma_start3A] : memref<8x128xi32, #tpu.memory_space<vmem>> -> memref<1x128xi32, #tpu.memory_space<vmem>>
        %dma_start3A_81 = tpu.memref_squeeze %dma_start3A_80 : memref<1x128xi32, #tpu.memory_space<vmem>> -> memref<128xi32, #tpu.memory_space<vmem>>
        %dma_start3A_82 = arith.constant 0 : i32
        %dma_start3A_83 = arith.constant 0 : i32
        %dma_start3A_84 = tpu.memref_slice %arg4[%dma_start3A_82, %dma_start3A_83] : memref<10112x128xf32, #tpu.memory_space<vmem_shared>> -> memref<10112x128xf32, #tpu.memory_space<vmem_shared>>
        tpu.enqueue_indirect_dma source(%arg6 : memref<128x128xf32, #tpu.memory_space<vmem>>) target(%dma_start3A_84 : memref<10112x128xf32, #tpu.memory_space<vmem_shared>>) offsets(%dma_start3A_81 : memref<128xi32, #tpu.memory_space<vmem>>) semaphore(%run_scoped3A_79 : memref<!tpu.dma_semaphore, #tpu.memory_space<semaphore_mem>>) {add = true}
        %dma_wait3A = arith.constant 0 : i32
        %dma_wait3A_85 = tpu.memref_slice %arg5[%run_scoped3A_71, %dma_wait3A] : memref<8x128xi32, #tpu.memory_space<vmem>> -> memref<1x128xi32, #tpu.memory_space<vmem>>
        %dma_wait3A_86 = tpu.memref_squeeze %dma_wait3A_85 : memref<1x128xi32, #tpu.memory_space<vmem>> -> memref<128xi32, #tpu.memory_space<vmem>>
        %dma_wait3A_87 = arith.constant 0 : i32
        %dma_wait3A_88 = arith.constant 0 : i32
        %dma_wait3A_89 = tpu.memref_slice %arg4[%dma_wait3A_87, %dma_wait3A_88] : memref<10112x128xf32, #tpu.memory_space<vmem_shared>> -> memref<10112x128xf32, #tpu.memory_space<vmem_shared>>
        tpu.wait_indirect_dma semaphore(%run_scoped3A_79 : memref<!tpu.dma_semaphore, #tpu.memory_space<semaphore_mem>>) src(%arg6 : memref<128x128xf32, #tpu.memory_space<vmem>>) dst(%dma_wait3A_89 : memref<10112x128xf32, #tpu.memory_space<vmem_shared>>)
        tpu.yield
      }) : () -> ()
      %run_scoped3A_72 = arith.constant 2 : i32
      "tpu.region"() ({
        %run_scoped3A_79 = tpu.sem_alloc : memref<!tpu.dma_semaphore, #tpu.memory_space<semaphore_mem>>
        %dma_start3A = arith.constant 0 : i32
        %dma_start3A_80 = tpu.memref_slice %arg5[%run_scoped3A_72, %dma_start3A] : memref<8x128xi32, #tpu.memory_space<vmem>> -> memref<1x128xi32, #tpu.memory_space<vmem>>
        %dma_start3A_81 = tpu.memref_squeeze %dma_start3A_80 : memref<1x128xi32, #tpu.memory_space<vmem>> -> memref<128xi32, #tpu.memory_space<vmem>>
        %dma_start3A_82 = arith.constant 0 : i32
        %dma_start3A_83 = arith.constant 0 : i32
        %dma_start3A_84 = tpu.memref_slice %arg4[%dma_start3A_82, %dma_start3A_83] : memref<10112x128xf32, #tpu.memory_space<vmem_shared>> -> memref<10112x128xf32, #tpu.memory_space<vmem_shared>>
        tpu.enqueue_indirect_dma source(%arg6 : memref<128x128xf32, #tpu.memory_space<vmem>>) target(%dma_start3A_84 : memref<10112x128xf32, #tpu.memory_space<vmem_shared>>) offsets(%dma_start3A_81 : memref<128xi32, #tpu.memory_space<vmem>>) semaphore(%run_scoped3A_79 : memref<!tpu.dma_semaphore, #tpu.memory_space<semaphore_mem>>) {add = true}
        %dma_wait3A = arith.constant 0 : i32
        %dma_wait3A_85 = tpu.memref_slice %arg5[%run_scoped3A_72, %dma_wait3A] : memref<8x128xi32, #tpu.memory_space<vmem>> -> memref<1x128xi32, #tpu.memory_space<vmem>>
        %dma_wait3A_86 = tpu.memref_squeeze %dma_wait3A_85 : memref<1x128xi32, #tpu.memory_space<vmem>> -> memref<128xi32, #tpu.memory_space<vmem>>
        %dma_wait3A_87 = arith.constant 0 : i32
        %dma_wait3A_88 = arith.constant 0 : i32
        %dma_wait3A_89 = tpu.memref_slice %arg4[%dma_wait3A_87, %dma_wait3A_88] : memref<10112x128xf32, #tpu.memory_space<vmem_shared>> -> memref<10112x128xf32, #tpu.memory_space<vmem_shared>>
        tpu.wait_indirect_dma semaphore(%run_scoped3A_79 : memref<!tpu.dma_semaphore, #tpu.memory_space<semaphore_mem>>) src(%arg6 : memref<128x128xf32, #tpu.memory_space<vmem>>) dst(%dma_wait3A_89 : memref<10112x128xf32, #tpu.memory_space<vmem_shared>>)
        tpu.yield
      }) : () -> ()
      %run_scoped3A_73 = arith.constant 3 : i32
      "tpu.region"() ({
        %run_scoped3A_79 = tpu.sem_alloc : memref<!tpu.dma_semaphore, #tpu.memory_space<semaphore_mem>>
        %dma_start3A = arith.constant 0 : i32
        %dma_start3A_80 = tpu.memref_slice %arg5[%run_scoped3A_73, %dma_start3A] : memref<8x128xi32, #tpu.memory_space<vmem>> -> memref<1x128xi32, #tpu.memory_space<vmem>>
        %dma_start3A_81 = tpu.memref_squeeze %dma_start3A_80 : memref<1x128xi32, #tpu.memory_space<vmem>> -> memref<128xi32, #tpu.memory_space<vmem>>
        %dma_start3A_82 = arith.constant 0 : i32
        %dma_start3A_83 = arith.constant 0 : i32
        %dma_start3A_84 = tpu.memref_slice %arg4[%dma_start3A_82, %dma_start3A_83] : memref<10112x128xf32, #tpu.memory_space<vmem_shared>> -> memref<10112x128xf32, #tpu.memory_space<vmem_shared>>
        tpu.enqueue_indirect_dma source(%arg6 : memref<128x128xf32, #tpu.memory_space<vmem>>) target(%dma_start3A_84 : memref<10112x128xf32, #tpu.memory_space<vmem_shared>>) offsets(%dma_start3A_81 : memref<128xi32, #tpu.memory_space<vmem>>) semaphore(%run_scoped3A_79 : memref<!tpu.dma_semaphore, #tpu.memory_space<semaphore_mem>>) {add = true}
        %dma_wait3A = arith.constant 0 : i32
        %dma_wait3A_85 = tpu.memref_slice %arg5[%run_scoped3A_73, %dma_wait3A] : memref<8x128xi32, #tpu.memory_space<vmem>> -> memref<1x128xi32, #tpu.memory_space<vmem>>
        %dma_wait3A_86 = tpu.memref_squeeze %dma_wait3A_85 : memref<1x128xi32, #tpu.memory_space<vmem>> -> memref<128xi32, #tpu.memory_space<vmem>>
        %dma_wait3A_87 = arith.constant 0 : i32
        %dma_wait3A_88 = arith.constant 0 : i32
        %dma_wait3A_89 = tpu.memref_slice %arg4[%dma_wait3A_87, %dma_wait3A_88] : memref<10112x128xf32, #tpu.memory_space<vmem_shared>> -> memref<10112x128xf32, #tpu.memory_space<vmem_shared>>
        tpu.wait_indirect_dma semaphore(%run_scoped3A_79 : memref<!tpu.dma_semaphore, #tpu.memory_space<semaphore_mem>>) src(%arg6 : memref<128x128xf32, #tpu.memory_space<vmem>>) dst(%dma_wait3A_89 : memref<10112x128xf32, #tpu.memory_space<vmem_shared>>)
        tpu.yield
      }) : () -> ()
      %run_scoped3A_74 = arith.constant 4 : i32
      "tpu.region"() ({
        %run_scoped3A_79 = tpu.sem_alloc : memref<!tpu.dma_semaphore, #tpu.memory_space<semaphore_mem>>
        %dma_start3A = arith.constant 0 : i32
        %dma_start3A_80 = tpu.memref_slice %arg5[%run_scoped3A_74, %dma_start3A] : memref<8x128xi32, #tpu.memory_space<vmem>> -> memref<1x128xi32, #tpu.memory_space<vmem>>
        %dma_start3A_81 = tpu.memref_squeeze %dma_start3A_80 : memref<1x128xi32, #tpu.memory_space<vmem>> -> memref<128xi32, #tpu.memory_space<vmem>>
        %dma_start3A_82 = arith.constant 0 : i32
        %dma_start3A_83 = arith.constant 0 : i32
        %dma_start3A_84 = tpu.memref_slice %arg4[%dma_start3A_82, %dma_start3A_83] : memref<10112x128xf32, #tpu.memory_space<vmem_shared>> -> memref<10112x128xf32, #tpu.memory_space<vmem_shared>>
        tpu.enqueue_indirect_dma source(%arg6 : memref<128x128xf32, #tpu.memory_space<vmem>>) target(%dma_start3A_84 : memref<10112x128xf32, #tpu.memory_space<vmem_shared>>) offsets(%dma_start3A_81 : memref<128xi32, #tpu.memory_space<vmem>>) semaphore(%run_scoped3A_79 : memref<!tpu.dma_semaphore, #tpu.memory_space<semaphore_mem>>) {add = true}
        %dma_wait3A = arith.constant 0 : i32
        %dma_wait3A_85 = tpu.memref_slice %arg5[%run_scoped3A_74, %dma_wait3A] : memref<8x128xi32, #tpu.memory_space<vmem>> -> memref<1x128xi32, #tpu.memory_space<vmem>>
        %dma_wait3A_86 = tpu.memref_squeeze %dma_wait3A_85 : memref<1x128xi32, #tpu.memory_space<vmem>> -> memref<128xi32, #tpu.memory_space<vmem>>
        %dma_wait3A_87 = arith.constant 0 : i32
        %dma_wait3A_88 = arith.constant 0 : i32
        %dma_wait3A_89 = tpu.memref_slice %arg4[%dma_wait3A_87, %dma_wait3A_88] : memref<10112x128xf32, #tpu.memory_space<vmem_shared>> -> memref<10112x128xf32, #tpu.memory_space<vmem_shared>>
        tpu.wait_indirect_dma semaphore(%run_scoped3A_79 : memref<!tpu.dma_semaphore, #tpu.memory_space<semaphore_mem>>) src(%arg6 : memref<128x128xf32, #tpu.memory_space<vmem>>) dst(%dma_wait3A_89 : memref<10112x128xf32, #tpu.memory_space<vmem_shared>>)
        tpu.yield
      }) : () -> ()
      %run_scoped3A_75 = arith.constant 5 : i32
      "tpu.region"() ({
        %run_scoped3A_79 = tpu.sem_alloc : memref<!tpu.dma_semaphore, #tpu.memory_space<semaphore_mem>>
        %dma_start3A = arith.constant 0 : i32
        %dma_start3A_80 = tpu.memref_slice %arg5[%run_scoped3A_75, %dma_start3A] : memref<8x128xi32, #tpu.memory_space<vmem>> -> memref<1x128xi32, #tpu.memory_space<vmem>>
        %dma_start3A_81 = tpu.memref_squeeze %dma_start3A_80 : memref<1x128xi32, #tpu.memory_space<vmem>> -> memref<128xi32, #tpu.memory_space<vmem>>
        %dma_start3A_82 = arith.constant 0 : i32
        %dma_start3A_83 = arith.constant 0 : i32
        %dma_start3A_84 = tpu.memref_slice %arg4[%dma_start3A_82, %dma_start3A_83] : memref<10112x128xf32, #tpu.memory_space<vmem_shared>> -> memref<10112x128xf32, #tpu.memory_space<vmem_shared>>
        tpu.enqueue_indirect_dma source(%arg6 : memref<128x128xf32, #tpu.memory_space<vmem>>) target(%dma_start3A_84 : memref<10112x128xf32, #tpu.memory_space<vmem_shared>>) offsets(%dma_start3A_81 : memref<128xi32, #tpu.memory_space<vmem>>) semaphore(%run_scoped3A_79 : memref<!tpu.dma_semaphore, #tpu.memory_space<semaphore_mem>>) {add = true}
        %dma_wait3A = arith.constant 0 : i32
        %dma_wait3A_85 = tpu.memref_slice %arg5[%run_scoped3A_75, %dma_wait3A] : memref<8x128xi32, #tpu.memory_space<vmem>> -> memref<1x128xi32, #tpu.memory_space<vmem>>
        %dma_wait3A_86 = tpu.memref_squeeze %dma_wait3A_85 : memref<1x128xi32, #tpu.memory_space<vmem>> -> memref<128xi32, #tpu.memory_space<vmem>>
        %dma_wait3A_87 = arith.constant 0 : i32
        %dma_wait3A_88 = arith.constant 0 : i32
        %dma_wait3A_89 = tpu.memref_slice %arg4[%dma_wait3A_87, %dma_wait3A_88] : memref<10112x128xf32, #tpu.memory_space<vmem_shared>> -> memref<10112x128xf32, #tpu.memory_space<vmem_shared>>
        tpu.wait_indirect_dma semaphore(%run_scoped3A_79 : memref<!tpu.dma_semaphore, #tpu.memory_space<semaphore_mem>>) src(%arg6 : memref<128x128xf32, #tpu.memory_space<vmem>>) dst(%dma_wait3A_89 : memref<10112x128xf32, #tpu.memory_space<vmem_shared>>)
        tpu.yield
      }) : () -> ()
      %run_scoped3A_76 = arith.constant 6 : i32
      "tpu.region"() ({
        %run_scoped3A_79 = tpu.sem_alloc : memref<!tpu.dma_semaphore, #tpu.memory_space<semaphore_mem>>
        %dma_start3A = arith.constant 0 : i32
        %dma_start3A_80 = tpu.memref_slice %arg5[%run_scoped3A_76, %dma_start3A] : memref<8x128xi32, #tpu.memory_space<vmem>> -> memref<1x128xi32, #tpu.memory_space<vmem>>
        %dma_start3A_81 = tpu.memref_squeeze %dma_start3A_80 : memref<1x128xi32, #tpu.memory_space<vmem>> -> memref<128xi32, #tpu.memory_space<vmem>>
        %dma_start3A_82 = arith.constant 0 : i32
        %dma_start3A_83 = arith.constant 0 : i32
        %dma_start3A_84 = tpu.memref_slice %arg4[%dma_start3A_82, %dma_start3A_83] : memref<10112x128xf32, #tpu.memory_space<vmem_shared>> -> memref<10112x128xf32, #tpu.memory_space<vmem_shared>>
        tpu.enqueue_indirect_dma source(%arg6 : memref<128x128xf32, #tpu.memory_space<vmem>>) target(%dma_start3A_84 : memref<10112x128xf32, #tpu.memory_space<vmem_shared>>) offsets(%dma_start3A_81 : memref<128xi32, #tpu.memory_space<vmem>>) semaphore(%run_scoped3A_79 : memref<!tpu.dma_semaphore, #tpu.memory_space<semaphore_mem>>) {add = true}
        %dma_wait3A = arith.constant 0 : i32
        %dma_wait3A_85 = tpu.memref_slice %arg5[%run_scoped3A_76, %dma_wait3A] : memref<8x128xi32, #tpu.memory_space<vmem>> -> memref<1x128xi32, #tpu.memory_space<vmem>>
        %dma_wait3A_86 = tpu.memref_squeeze %dma_wait3A_85 : memref<1x128xi32, #tpu.memory_space<vmem>> -> memref<128xi32, #tpu.memory_space<vmem>>
        %dma_wait3A_87 = arith.constant 0 : i32
        %dma_wait3A_88 = arith.constant 0 : i32
        %dma_wait3A_89 = tpu.memref_slice %arg4[%dma_wait3A_87, %dma_wait3A_88] : memref<10112x128xf32, #tpu.memory_space<vmem_shared>> -> memref<10112x128xf32, #tpu.memory_space<vmem_shared>>
        tpu.wait_indirect_dma semaphore(%run_scoped3A_79 : memref<!tpu.dma_semaphore, #tpu.memory_space<semaphore_mem>>) src(%arg6 : memref<128x128xf32, #tpu.memory_space<vmem>>) dst(%dma_wait3A_89 : memref<10112x128xf32, #tpu.memory_space<vmem_shared>>)
        tpu.yield
      }) : () -> ()
      %run_scoped3A_77 = arith.constant 7 : i32
      "tpu.region"() ({
        %run_scoped3A_79 = tpu.sem_alloc : memref<!tpu.dma_semaphore, #tpu.memory_space<semaphore_mem>>
        %dma_start3A = arith.constant 0 : i32
        %dma_start3A_80 = tpu.memref_slice %arg5[%run_scoped3A_77, %dma_start3A] : memref<8x128xi32, #tpu.memory_space<vmem>> -> memref<1x128xi32, #tpu.memory_space<vmem>>
        %dma_start3A_81 = tpu.memref_squeeze %dma_start3A_80 : memref<1x128xi32, #tpu.memory_space<vmem>> -> memref<128xi32, #tpu.memory_space<vmem>>
        %dma_start3A_82 = arith.constant 0 : i32
        %dma_start3A_83 = arith.constant 0 : i32
        %dma_start3A_84 = tpu.memref_slice %arg4[%dma_start3A_82, %dma_start3A_83] : memref<10112x128xf32, #tpu.memory_space<vmem_shared>> -> memref<10112x128xf32, #tpu.memory_space<vmem_shared>>
        tpu.enqueue_indirect_dma source(%arg6 : memref<128x128xf32, #tpu.memory_space<vmem>>) target(%dma_start3A_84 : memref<10112x128xf32, #tpu.memory_space<vmem_shared>>) offsets(%dma_start3A_81 : memref<128xi32, #tpu.memory_space<vmem>>) semaphore(%run_scoped3A_79 : memref<!tpu.dma_semaphore, #tpu.memory_space<semaphore_mem>>) {add = true}
        %dma_wait3A = arith.constant 0 : i32
        %dma_wait3A_85 = tpu.memref_slice %arg5[%run_scoped3A_77, %dma_wait3A] : memref<8x128xi32, #tpu.memory_space<vmem>> -> memref<1x128xi32, #tpu.memory_space<vmem>>
        %dma_wait3A_86 = tpu.memref_squeeze %dma_wait3A_85 : memref<1x128xi32, #tpu.memory_space<vmem>> -> memref<128xi32, #tpu.memory_space<vmem>>
        %dma_wait3A_87 = arith.constant 0 : i32
        %dma_wait3A_88 = arith.constant 0 : i32
        %dma_wait3A_89 = tpu.memref_slice %arg4[%dma_wait3A_87, %dma_wait3A_88] : memref<10112x128xf32, #tpu.memory_space<vmem_shared>> -> memref<10112x128xf32, #tpu.memory_space<vmem_shared>>
        tpu.wait_indirect_dma semaphore(%run_scoped3A_79 : memref<!tpu.dma_semaphore, #tpu.memory_space<semaphore_mem>>) src(%arg6 : memref<128x128xf32, #tpu.memory_space<vmem>>) dst(%dma_wait3A_89 : memref<10112x128xf32, #tpu.memory_space<vmem_shared>>)
        tpu.yield
      }) : () -> ()
      %scan3A_78 = arith.constant 0 : i32
      scf.yield %scan3A_78 : i32
    }
    %scan3A_37 = arith.constant 10 : i32
    %barrier3A_38 = arith.constant 0 : index
    tpu.barrier barrier_id(%barrier3A_38)
    %mul3A_39 = arith.constant 624 : i32
    %mul3A_40 = arith.muli %arg1, %mul3A_39 : i32
    %mul3A_41 = arith.constant 10000 : i32
    %mul3A_42 = arith.muli %arg0, %mul3A_41 : i32
    %add3A_43 = arith.addi %mul3A_42, %mul3A_40 : i32
    %add3A_44 = arith.constant 0 : i32
    %add3A_45 = arith.addi %mul3A_40, %add3A_44 : i32
    "tpu.region"() ({
      %run_scoped3A = tpu.sem_alloc : memref<!tpu.dma_semaphore, #tpu.memory_space<semaphore_mem>>
      %dma_start3A = arith.constant 0 : i32
      %dma_start3A_66 = tpu.memref_slice %arg4[%add3A_45, %dma_start3A] : memref<10112x128xf32, #tpu.memory_space<vmem_shared>> -> memref<128x128xf32, #tpu.memory_space<vmem_shared>>
      %dma_start3A_67 = arith.constant 0 : i32
      %dma_start3A_68 = tpu.memref_slice %arg4[%add3A_45, %dma_start3A_67] : memref<10112x128xf32, #tpu.memory_space<vmem_shared>> -> memref<128x128xf32, #tpu.memory_space<vmem_shared>>
      tpu.enqueue_dma source(%dma_start3A_68 : memref<128x128xf32, #tpu.memory_space<vmem_shared>>) target(%arg6 : memref<128x128xf32, #tpu.memory_space<vmem>>) target_semaphore(%run_scoped3A : memref<!tpu.dma_semaphore, #tpu.memory_space<semaphore_mem>>)
      %dma_wait3A = arith.constant 0 : i32
      %dma_wait3A_69 = tpu.memref_slice %arg4[%add3A_45, %dma_wait3A] : memref<10112x128xf32, #tpu.memory_space<vmem_shared>> -> memref<128x128xf32, #tpu.memory_space<vmem_shared>>
      %dma_wait3A_70 = arith.constant 0 : i32
      %dma_wait3A_71 = tpu.memref_slice %arg4[%add3A_45, %dma_wait3A_70] : memref<10112x128xf32, #tpu.memory_space<vmem_shared>> -> memref<128x128xf32, #tpu.memory_space<vmem_shared>>
      tpu.wait_dma2 semaphore(%run_scoped3A : memref<!tpu.dma_semaphore, #tpu.memory_space<semaphore_mem>>) src(%dma_wait3A_71 : memref<128x128xf32, #tpu.memory_space<vmem_shared>>) dst(%arg6 : memref<128x128xf32, #tpu.memory_space<vmem>>)
      tpu.yield
    }) : () -> ()
    %add3A_46 = arith.constant 0 : i32
    %add3A_47 = arith.addi %add3A_43, %add3A_46 : i32
    "tpu.region"() ({
      %run_scoped3A = tpu.sem_alloc : memref<!tpu.dma_semaphore, #tpu.memory_space<semaphore_mem>>
      %dma_start3A = arith.constant 0 : i32
      %dma_start3A_66 = tpu.memref_slice %arg3[%add3A_47, %dma_start3A] : memref<20000x128xf32, #tpu.memory_space<hbm>> -> memref<128x128xf32, #tpu.memory_space<hbm>>
      %dma_start3A_67 = arith.constant 0 : i32
      %dma_start3A_68 = tpu.memref_slice %arg3[%add3A_47, %dma_start3A_67] : memref<20000x128xf32, #tpu.memory_space<hbm>> -> memref<128x128xf32, #tpu.memory_space<hbm>>
      tpu.enqueue_dma source(%arg6 : memref<128x128xf32, #tpu.memory_space<vmem>>) target(%dma_start3A_68 : memref<128x128xf32, #tpu.memory_space<hbm>>) target_semaphore(%run_scoped3A : memref<!tpu.dma_semaphore, #tpu.memory_space<semaphore_mem>>)
      %dma_wait3A = arith.constant 0 : i32
      %dma_wait3A_69 = tpu.memref_slice %arg3[%add3A_47, %dma_wait3A] : memref<20000x128xf32, #tpu.memory_space<hbm>> -> memref<128x128xf32, #tpu.memory_space<hbm>>
      %dma_wait3A_70 = arith.constant 0 : i32
      %dma_wait3A_71 = tpu.memref_slice %arg3[%add3A_47, %dma_wait3A_70] : memref<20000x128xf32, #tpu.memory_space<hbm>> -> memref<128x128xf32, #tpu.memory_space<hbm>>
      tpu.wait_dma2 semaphore(%run_scoped3A : memref<!tpu.dma_semaphore, #tpu.memory_space<semaphore_mem>>) src(%arg6 : memref<128x128xf32, #tpu.memory_space<vmem>>) dst(%dma_wait3A_71 : memref<128x128xf32, #tpu.memory_space<hbm>>)
      tpu.yield
    }) : () -> ()
    %add3A_48 = arith.constant 128 : i32
    %add3A_49 = arith.addi %mul3A_40, %add3A_48 : i32
    "tpu.region"() ({
      %run_scoped3A = tpu.sem_alloc : memref<!tpu.dma_semaphore, #tpu.memory_space<semaphore_mem>>
      %dma_start3A = arith.constant 0 : i32
      %dma_start3A_66 = tpu.memref_slice %arg4[%add3A_49, %dma_start3A] : memref<10112x128xf32, #tpu.memory_space<vmem_shared>> -> memref<128x128xf32, #tpu.memory_space<vmem_shared>>
      %dma_start3A_67 = arith.constant 0 : i32
      %dma_start3A_68 = tpu.memref_slice %arg4[%add3A_49, %dma_start3A_67] : memref<10112x128xf32, #tpu.memory_space<vmem_shared>> -> memref<128x128xf32, #tpu.memory_space<vmem_shared>>
      tpu.enqueue_dma source(%dma_start3A_68 : memref<128x128xf32, #tpu.memory_space<vmem_shared>>) target(%arg6 : memref<128x128xf32, #tpu.memory_space<vmem>>) target_semaphore(%run_scoped3A : memref<!tpu.dma_semaphore, #tpu.memory_space<semaphore_mem>>)
      %dma_wait3A = arith.constant 0 : i32
      %dma_wait3A_69 = tpu.memref_slice %arg4[%add3A_49, %dma_wait3A] : memref<10112x128xf32, #tpu.memory_space<vmem_shared>> -> memref<128x128xf32, #tpu.memory_space<vmem_shared>>
      %dma_wait3A_70 = arith.constant 0 : i32
      %dma_wait3A_71 = tpu.memref_slice %arg4[%add3A_49, %dma_wait3A_70] : memref<10112x128xf32, #tpu.memory_space<vmem_shared>> -> memref<128x128xf32, #tpu.memory_space<vmem_shared>>
      tpu.wait_dma2 semaphore(%run_scoped3A : memref<!tpu.dma_semaphore, #tpu.memory_space<semaphore_mem>>) src(%dma_wait3A_71 : memref<128x128xf32, #tpu.memory_space<vmem_shared>>) dst(%arg6 : memref<128x128xf32, #tpu.memory_space<vmem>>)
      tpu.yield
    }) : () -> ()
    %add3A_50 = arith.constant 128 : i32
    %add3A_51 = arith.addi %add3A_43, %add3A_50 : i32
    "tpu.region"() ({
      %run_scoped3A = tpu.sem_alloc : memref<!tpu.dma_semaphore, #tpu.memory_space<semaphore_mem>>
      %dma_start3A = arith.constant 0 : i32
      %dma_start3A_66 = tpu.memref_slice %arg3[%add3A_51, %dma_start3A] : memref<20000x128xf32, #tpu.memory_space<hbm>> -> memref<128x128xf32, #tpu.memory_space<hbm>>
      %dma_start3A_67 = arith.constant 0 : i32
      %dma_start3A_68 = tpu.memref_slice %arg3[%add3A_51, %dma_start3A_67] : memref<20000x128xf32, #tpu.memory_space<hbm>> -> memref<128x128xf32, #tpu.memory_space<hbm>>
      tpu.enqueue_dma source(%arg6 : memref<128x128xf32, #tpu.memory_space<vmem>>) target(%dma_start3A_68 : memref<128x128xf32, #tpu.memory_space<hbm>>) target_semaphore(%run_scoped3A : memref<!tpu.dma_semaphore, #tpu.memory_space<semaphore_mem>>)
      %dma_wait3A = arith.constant 0 : i32
      %dma_wait3A_69 = tpu.memref_slice %arg3[%add3A_51, %dma_wait3A] : memref<20000x128xf32, #tpu.memory_space<hbm>> -> memref<128x128xf32, #tpu.memory_space<hbm>>
      %dma_wait3A_70 = arith.constant 0 : i32
      %dma_wait3A_71 = tpu.memref_slice %arg3[%add3A_51, %dma_wait3A_70] : memref<20000x128xf32, #tpu.memory_space<hbm>> -> memref<128x128xf32, #tpu.memory_space<hbm>>
      tpu.wait_dma2 semaphore(%run_scoped3A : memref<!tpu.dma_semaphore, #tpu.memory_space<semaphore_mem>>) src(%arg6 : memref<128x128xf32, #tpu.memory_space<vmem>>) dst(%dma_wait3A_71 : memref<128x128xf32, #tpu.memory_space<hbm>>)
      tpu.yield
    }) : () -> ()
    %add3A_52 = arith.constant 256 : i32
    %add3A_53 = arith.addi %mul3A_40, %add3A_52 : i32
    "tpu.region"() ({
      %run_scoped3A = tpu.sem_alloc : memref<!tpu.dma_semaphore, #tpu.memory_space<semaphore_mem>>
      %dma_start3A = arith.constant 0 : i32
      %dma_start3A_66 = tpu.memref_slice %arg4[%add3A_53, %dma_start3A] : memref<10112x128xf32, #tpu.memory_space<vmem_shared>> -> memref<128x128xf32, #tpu.memory_space<vmem_shared>>
      %dma_start3A_67 = arith.constant 0 : i32
      %dma_start3A_68 = tpu.memref_slice %arg4[%add3A_53, %dma_start3A_67] : memref<10112x128xf32, #tpu.memory_space<vmem_shared>> -> memref<128x128xf32, #tpu.memory_space<vmem_shared>>
      tpu.enqueue_dma source(%dma_start3A_68 : memref<128x128xf32, #tpu.memory_space<vmem_shared>>) target(%arg6 : memref<128x128xf32, #tpu.memory_space<vmem>>) target_semaphore(%run_scoped3A : memref<!tpu.dma_semaphore, #tpu.memory_space<semaphore_mem>>)
      %dma_wait3A = arith.constant 0 : i32
      %dma_wait3A_69 = tpu.memref_slice %arg4[%add3A_53, %dma_wait3A] : memref<10112x128xf32, #tpu.memory_space<vmem_shared>> -> memref<128x128xf32, #tpu.memory_space<vmem_shared>>
      %dma_wait3A_70 = arith.constant 0 : i32
      %dma_wait3A_71 = tpu.memref_slice %arg4[%add3A_53, %dma_wait3A_70] : memref<10112x128xf32, #tpu.memory_space<vmem_shared>> -> memref<128x128xf32, #tpu.memory_space<vmem_shared>>
      tpu.wait_dma2 semaphore(%run_scoped3A : memref<!tpu.dma_semaphore, #tpu.memory_space<semaphore_mem>>) src(%dma_wait3A_71 : memref<128x128xf32, #tpu.memory_space<vmem_shared>>) dst(%arg6 : memref<128x128xf32, #tpu.memory_space<vmem>>)
      tpu.yield
    }) : () -> ()
    %add3A_54 = arith.constant 256 : i32
    %add3A_55 = arith.addi %add3A_43, %add3A_54 : i32
    "tpu.region"() ({
      %run_scoped3A = tpu.sem_alloc : memref<!tpu.dma_semaphore, #tpu.memory_space<semaphore_mem>>
      %dma_start3A = arith.constant 0 : i32
      %dma_start3A_66 = tpu.memref_slice %arg3[%add3A_55, %dma_start3A] : memref<20000x128xf32, #tpu.memory_space<hbm>> -> memref<128x128xf32, #tpu.memory_space<hbm>>
      %dma_start3A_67 = arith.constant 0 : i32
      %dma_start3A_68 = tpu.memref_slice %arg3[%add3A_55, %dma_start3A_67] : memref<20000x128xf32, #tpu.memory_space<hbm>> -> memref<128x128xf32, #tpu.memory_space<hbm>>
      tpu.enqueue_dma source(%arg6 : memref<128x128xf32, #tpu.memory_space<vmem>>) target(%dma_start3A_68 : memref<128x128xf32, #tpu.memory_space<hbm>>) target_semaphore(%run_scoped3A : memref<!tpu.dma_semaphore, #tpu.memory_space<semaphore_mem>>)
      %dma_wait3A = arith.constant 0 : i32
      %dma_wait3A_69 = tpu.memref_slice %arg3[%add3A_55, %dma_wait3A] : memref<20000x128xf32, #tpu.memory_space<hbm>> -> memref<128x128xf32, #tpu.memory_space<hbm>>
      %dma_wait3A_70 = arith.constant 0 : i32
      %dma_wait3A_71 = tpu.memref_slice %arg3[%add3A_55, %dma_wait3A_70] : memref<20000x128xf32, #tpu.memory_space<hbm>> -> memref<128x128xf32, #tpu.memory_space<hbm>>
      tpu.wait_dma2 semaphore(%run_scoped3A : memref<!tpu.dma_semaphore, #tpu.memory_space<semaphore_mem>>) src(%arg6 : memref<128x128xf32, #tpu.memory_space<vmem>>) dst(%dma_wait3A_71 : memref<128x128xf32, #tpu.memory_space<hbm>>)
      tpu.yield
    }) : () -> ()
    %add3A_56 = arith.constant 384 : i32
    %add3A_57 = arith.addi %mul3A_40, %add3A_56 : i32
    "tpu.region"() ({
      %run_scoped3A = tpu.sem_alloc : memref<!tpu.dma_semaphore, #tpu.memory_space<semaphore_mem>>
      %dma_start3A = arith.constant 0 : i32
      %dma_start3A_66 = tpu.memref_slice %arg4[%add3A_57, %dma_start3A] : memref<10112x128xf32, #tpu.memory_space<vmem_shared>> -> memref<128x128xf32, #tpu.memory_space<vmem_shared>>
      %dma_start3A_67 = arith.constant 0 : i32
      %dma_start3A_68 = tpu.memref_slice %arg4[%add3A_57, %dma_start3A_67] : memref<10112x128xf32, #tpu.memory_space<vmem_shared>> -> memref<128x128xf32, #tpu.memory_space<vmem_shared>>
      tpu.enqueue_dma source(%dma_start3A_68 : memref<128x128xf32, #tpu.memory_space<vmem_shared>>) target(%arg6 : memref<128x128xf32, #tpu.memory_space<vmem>>) target_semaphore(%run_scoped3A : memref<!tpu.dma_semaphore, #tpu.memory_space<semaphore_mem>>)
      %dma_wait3A = arith.constant 0 : i32
      %dma_wait3A_69 = tpu.memref_slice %arg4[%add3A_57, %dma_wait3A] : memref<10112x128xf32, #tpu.memory_space<vmem_shared>> -> memref<128x128xf32, #tpu.memory_space<vmem_shared>>
      %dma_wait3A_70 = arith.constant 0 : i32
      %dma_wait3A_71 = tpu.memref_slice %arg4[%add3A_57, %dma_wait3A_70] : memref<10112x128xf32, #tpu.memory_space<vmem_shared>> -> memref<128x128xf32, #tpu.memory_space<vmem_shared>>
      tpu.wait_dma2 semaphore(%run_scoped3A : memref<!tpu.dma_semaphore, #tpu.memory_space<semaphore_mem>>) src(%dma_wait3A_71 : memref<128x128xf32, #tpu.memory_space<vmem_shared>>) dst(%arg6 : memref<128x128xf32, #tpu.memory_space<vmem>>)
      tpu.yield
    }) : () -> ()
    %add3A_58 = arith.constant 384 : i32
    %add3A_59 = arith.addi %add3A_43, %add3A_58 : i32
    "tpu.region"() ({
      %run_scoped3A = tpu.sem_alloc : memref<!tpu.dma_semaphore, #tpu.memory_space<semaphore_mem>>
      %dma_start3A = arith.constant 0 : i32
      %dma_start3A_66 = tpu.memref_slice %arg3[%add3A_59, %dma_start3A] : memref<20000x128xf32, #tpu.memory_space<hbm>> -> memref<128x128xf32, #tpu.memory_space<hbm>>
      %dma_start3A_67 = arith.constant 0 : i32
      %dma_start3A_68 = tpu.memref_slice %arg3[%add3A_59, %dma_start3A_67] : memref<20000x128xf32, #tpu.memory_space<hbm>> -> memref<128x128xf32, #tpu.memory_space<hbm>>
      tpu.enqueue_dma source(%arg6 : memref<128x128xf32, #tpu.memory_space<vmem>>) target(%dma_start3A_68 : memref<128x128xf32, #tpu.memory_space<hbm>>) target_semaphore(%run_scoped3A : memref<!tpu.dma_semaphore, #tpu.memory_space<semaphore_mem>>)
      %dma_wait3A = arith.constant 0 : i32
      %dma_wait3A_69 = tpu.memref_slice %arg3[%add3A_59, %dma_wait3A] : memref<20000x128xf32, #tpu.memory_space<hbm>> -> memref<128x128xf32, #tpu.memory_space<hbm>>
      %dma_wait3A_70 = arith.constant 0 : i32
      %dma_wait3A_71 = tpu.memref_slice %arg3[%add3A_59, %dma_wait3A_70] : memref<20000x128xf32, #tpu.memory_space<hbm>> -> memref<128x128xf32, #tpu.memory_space<hbm>>
      tpu.wait_dma2 semaphore(%run_scoped3A : memref<!tpu.dma_semaphore, #tpu.memory_space<semaphore_mem>>) src(%arg6 : memref<128x128xf32, #tpu.memory_space<vmem>>) dst(%dma_wait3A_71 : memref<128x128xf32, #tpu.memory_space<hbm>>)
      tpu.yield
    }) : () -> ()
    %add3A_60 = arith.constant 512 : i32
    %add3A_61 = arith.addi %mul3A_40, %add3A_60 : i32
    "tpu.region"() ({
      %run_scoped3A = tpu.sem_alloc : memref<!tpu.dma_semaphore, #tpu.memory_space<semaphore_mem>>
      %dma_start3A = arith.constant 0 : i32
      %dma_start3A_66 = arith.constant 0 : i32
      %dma_start3A_67 = tpu.memref_slice %arg6[%dma_start3A, %dma_start3A_66] : memref<128x128xf32, #tpu.memory_space<vmem>> -> memref<112x128xf32, #tpu.memory_space<vmem>>
      %dma_start3A_68 = arith.constant 0 : i32
      %dma_start3A_69 = tpu.memref_slice %arg4[%add3A_61, %dma_start3A_68] : memref<10112x128xf32, #tpu.memory_space<vmem_shared>> -> memref<112x128xf32, #tpu.memory_space<vmem_shared>>
      %dma_start3A_70 = arith.constant 0 : i32
      %dma_start3A_71 = arith.constant 0 : i32
      %dma_start3A_72 = tpu.memref_slice %arg6[%dma_start3A_70, %dma_start3A_71] : memref<128x128xf32, #tpu.memory_space<vmem>> -> memref<112x128xf32, #tpu.memory_space<vmem>>
      %dma_start3A_73 = arith.constant 0 : i32
      %dma_start3A_74 = tpu.memref_slice %arg4[%add3A_61, %dma_start3A_73] : memref<10112x128xf32, #tpu.memory_space<vmem_shared>> -> memref<112x128xf32, #tpu.memory_space<vmem_shared>>
      tpu.enqueue_dma source(%dma_start3A_74 : memref<112x128xf32, #tpu.memory_space<vmem_shared>>) target(%dma_start3A_72 : memref<112x128xf32, #tpu.memory_space<vmem>>) target_semaphore(%run_scoped3A : memref<!tpu.dma_semaphore, #tpu.memory_space<semaphore_mem>>)
      %dma_wait3A = arith.constant 0 : i32
      %dma_wait3A_75 = arith.constant 0 : i32
      %dma_wait3A_76 = tpu.memref_slice %arg6[%dma_wait3A, %dma_wait3A_75] : memref<128x128xf32, #tpu.memory_space<vmem>> -> memref<112x128xf32, #tpu.memory_space<vmem>>
      %dma_wait3A_77 = arith.constant 0 : i32
      %dma_wait3A_78 = tpu.memref_slice %arg4[%add3A_61, %dma_wait3A_77] : memref<10112x128xf32, #tpu.memory_space<vmem_shared>> -> memref<112x128xf32, #tpu.memory_space<vmem_shared>>
      %dma_wait3A_79 = arith.constant 0 : i32
      %dma_wait3A_80 = arith.constant 0 : i32
      %dma_wait3A_81 = tpu.memref_slice %arg6[%dma_wait3A_79, %dma_wait3A_80] : memref<128x128xf32, #tpu.memory_space<vmem>> -> memref<112x128xf32, #tpu.memory_space<vmem>>
      %dma_wait3A_82 = arith.constant 0 : i32
      %dma_wait3A_83 = tpu.memref_slice %arg4[%add3A_61, %dma_wait3A_82] : memref<10112x128xf32, #tpu.memory_space<vmem_shared>> -> memref<112x128xf32, #tpu.memory_space<vmem_shared>>
      tpu.wait_dma2 semaphore(%run_scoped3A : memref<!tpu.dma_semaphore, #tpu.memory_space<semaphore_mem>>) src(%dma_wait3A_83 : memref<112x128xf32, #tpu.memory_space<vmem_shared>>) dst(%dma_wait3A_81 : memref<112x128xf32, #tpu.memory_space<vmem>>)
      tpu.yield
    }) : () -> ()
    %add3A_62 = arith.constant 512 : i32
    %add3A_63 = arith.addi %add3A_43, %add3A_62 : i32
    "tpu.region"() ({
      %run_scoped3A = tpu.sem_alloc : memref<!tpu.dma_semaphore, #tpu.memory_space<semaphore_mem>>
      %dma_start3A = arith.constant 0 : i32
      %dma_start3A_66 = arith.constant 0 : i32
      %dma_start3A_67 = tpu.memref_slice %arg6[%dma_start3A, %dma_start3A_66] : memref<128x128xf32, #tpu.memory_space<vmem>> -> memref<112x128xf32, #tpu.memory_space<vmem>>
      %dma_start3A_68 = arith.constant 0 : i32
      %dma_start3A_69 = tpu.memref_slice %arg3[%add3A_63, %dma_start3A_68] : memref<20000x128xf32, #tpu.memory_space<hbm>> -> memref<112x128xf32, #tpu.memory_space<hbm>>
      %dma_start3A_70 = arith.constant 0 : i32
      %dma_start3A_71 = tpu.memref_slice %arg3[%add3A_63, %dma_start3A_70] : memref<20000x128xf32, #tpu.memory_space<hbm>> -> memref<112x128xf32, #tpu.memory_space<hbm>>
      %dma_start3A_72 = arith.constant 0 : i32
      %dma_start3A_73 = arith.constant 0 : i32
      %dma_start3A_74 = tpu.memref_slice %arg6[%dma_start3A_72, %dma_start3A_73] : memref<128x128xf32, #tpu.memory_space<vmem>> -> memref<112x128xf32, #tpu.memory_space<vmem>>
      tpu.enqueue_dma source(%dma_start3A_74 : memref<112x128xf32, #tpu.memory_space<vmem>>) target(%dma_start3A_71 : memref<112x128xf32, #tpu.memory_space<hbm>>) target_semaphore(%run_scoped3A : memref<!tpu.dma_semaphore, #tpu.memory_space<semaphore_mem>>)
      %dma_wait3A = arith.constant 0 : i32
      %dma_wait3A_75 = arith.constant 0 : i32
      %dma_wait3A_76 = tpu.memref_slice %arg6[%dma_wait3A, %dma_wait3A_75] : memref<128x128xf32, #tpu.memory_space<vmem>> -> memref<112x128xf32, #tpu.memory_space<vmem>>
      %dma_wait3A_77 = arith.constant 0 : i32
      %dma_wait3A_78 = tpu.memref_slice %arg3[%add3A_63, %dma_wait3A_77] : memref<20000x128xf32, #tpu.memory_space<hbm>> -> memref<112x128xf32, #tpu.memory_space<hbm>>
      %dma_wait3A_79 = arith.constant 0 : i32
      %dma_wait3A_80 = tpu.memref_slice %arg3[%add3A_63, %dma_wait3A_79] : memref<20000x128xf32, #tpu.memory_space<hbm>> -> memref<112x128xf32, #tpu.memory_space<hbm>>
      %dma_wait3A_81 = arith.constant 0 : i32
      %dma_wait3A_82 = arith.constant 0 : i32
      %dma_wait3A_83 = tpu.memref_slice %arg6[%dma_wait3A_81, %dma_wait3A_82] : memref<128x128xf32, #tpu.memory_space<vmem>> -> memref<112x128xf32, #tpu.memory_space<vmem>>
      tpu.wait_dma2 semaphore(%run_scoped3A : memref<!tpu.dma_semaphore, #tpu.memory_space<semaphore_mem>>) src(%dma_wait3A_83 : memref<112x128xf32, #tpu.memory_space<vmem>>) dst(%dma_wait3A_80 : memref<112x128xf32, #tpu.memory_space<hbm>>)
      tpu.yield
    }) : () -> ()
    %eq3A = arith.constant 0 : i32
    %eq3A_64 = arith.cmpi eq, %arg1, %eq3A : i32
    %convert_element_type3A = arith.extui %eq3A_64 : i1 to i32
    %cond3A = arith.constant 0 : i32
    %cond3A_65 = arith.cmpi ne, %convert_element_type3A, %cond3A : i32
    scf.if %cond3A_65 {
      %mul3A_66 = arith.constant 10000 : i32
      %mul3A_67 = arith.muli %arg0, %mul3A_66 : i32
      %add3A_68 = arith.constant 9984 : i32
      %add3A_69 = arith.addi %mul3A_67, %add3A_68 : i32
      "tpu.region"() ({
        %run_scoped3A = tpu.sem_alloc : memref<!tpu.dma_semaphore, #tpu.memory_space<semaphore_mem>>
        %dma_start3A = arith.constant 0 : i32
        %dma_start3A_72 = arith.constant 0 : i32
        %dma_start3A_73 = tpu.memref_slice %arg6[%dma_start3A, %dma_start3A_72] : memref<128x128xf32, #tpu.memory_space<vmem>> -> memref<16x128xf32, #tpu.memory_space<vmem>>
        %dma_start3A_74 = arith.constant 9984 : i32
        %dma_start3A_75 = arith.constant 0 : i32
        %dma_start3A_76 = tpu.memref_slice %arg4[%dma_start3A_74, %dma_start3A_75] : memref<10112x128xf32, #tpu.memory_space<vmem_shared>> -> memref<16x128xf32, #tpu.memory_space<vmem_shared>>
        %dma_start3A_77 = arith.constant 0 : i32
        %dma_start3A_78 = arith.constant 0 : i32
        %dma_start3A_79 = tpu.memref_slice %arg6[%dma_start3A_77, %dma_start3A_78] : memref<128x128xf32, #tpu.memory_space<vmem>> -> memref<16x128xf32, #tpu.memory_space<vmem>>
        %dma_start3A_80 = arith.constant 9984 : i32
        %dma_start3A_81 = arith.constant 0 : i32
        %dma_start3A_82 = tpu.memref_slice %arg4[%dma_start3A_80, %dma_start3A_81] : memref<10112x128xf32, #tpu.memory_space<vmem_shared>> -> memref<16x128xf32, #tpu.memory_space<vmem_shared>>
        tpu.enqueue_dma source(%dma_start3A_82 : memref<16x128xf32, #tpu.memory_space<vmem_shared>>) target(%dma_start3A_79 : memref<16x128xf32, #tpu.memory_space<vmem>>) target_semaphore(%run_scoped3A : memref<!tpu.dma_semaphore, #tpu.memory_space<semaphore_mem>>)
        %dma_wait3A = arith.constant 0 : i32
        %dma_wait3A_83 = arith.constant 0 : i32
        %dma_wait3A_84 = tpu.memref_slice %arg6[%dma_wait3A, %dma_wait3A_83] : memref<128x128xf32, #tpu.memory_space<vmem>> -> memref<16x128xf32, #tpu.memory_space<vmem>>
        %dma_wait3A_85 = arith.constant 9984 : i32
        %dma_wait3A_86 = arith.constant 0 : i32
        %dma_wait3A_87 = tpu.memref_slice %arg4[%dma_wait3A_85, %dma_wait3A_86] : memref<10112x128xf32, #tpu.memory_space<vmem_shared>> -> memref<16x128xf32, #tpu.memory_space<vmem_shared>>
        %dma_wait3A_88 = arith.constant 0 : i32
        %dma_wait3A_89 = arith.constant 0 : i32
        %dma_wait3A_90 = tpu.memref_slice %arg6[%dma_wait3A_88, %dma_wait3A_89] : memref<128x128xf32, #tpu.memory_space<vmem>> -> memref<16x128xf32, #tpu.memory_space<vmem>>
        %dma_wait3A_91 = arith.constant 9984 : i32
        %dma_wait3A_92 = arith.constant 0 : i32
        %dma_wait3A_93 = tpu.memref_slice %arg4[%dma_wait3A_91, %dma_wait3A_92] : memref<10112x128xf32, #tpu.memory_space<vmem_shared>> -> memref<16x128xf32, #tpu.memory_space<vmem_shared>>
        tpu.wait_dma2 semaphore(%run_scoped3A : memref<!tpu.dma_semaphore, #tpu.memory_space<semaphore_mem>>) src(%dma_wait3A_93 : memref<16x128xf32, #tpu.memory_space<vmem_shared>>) dst(%dma_wait3A_90 : memref<16x128xf32, #tpu.memory_space<vmem>>)
        tpu.yield
      }) : () -> ()
      %add3A_70 = arith.constant 0 : i32
      %add3A_71 = arith.addi %add3A_69, %add3A_70 : i32
      "tpu.region"() ({
        %run_scoped3A = tpu.sem_alloc : memref<!tpu.dma_semaphore, #tpu.memory_space<semaphore_mem>>
        %dma_start3A = arith.constant 0 : i32
        %dma_start3A_72 = arith.constant 0 : i32
        %dma_start3A_73 = tpu.memref_slice %arg6[%dma_start3A, %dma_start3A_72] : memref<128x128xf32, #tpu.memory_space<vmem>> -> memref<16x128xf32, #tpu.memory_space<vmem>>
        %dma_start3A_74 = arith.constant 0 : i32
        %dma_start3A_75 = tpu.memref_slice %arg3[%add3A_71, %dma_start3A_74] : memref<20000x128xf32, #tpu.memory_space<hbm>> -> memref<16x128xf32, #tpu.memory_space<hbm>>
        %dma_start3A_76 = arith.constant 0 : i32
        %dma_start3A_77 = tpu.memref_slice %arg3[%add3A_71, %dma_start3A_76] : memref<20000x128xf32, #tpu.memory_space<hbm>> -> memref<16x128xf32, #tpu.memory_space<hbm>>
        %dma_start3A_78 = arith.constant 0 : i32
        %dma_start3A_79 = arith.constant 0 : i32
        %dma_start3A_80 = tpu.memref_slice %arg6[%dma_start3A_78, %dma_start3A_79] : memref<128x128xf32, #tpu.memory_space<vmem>> -> memref<16x128xf32, #tpu.memory_space<vmem>>
        tpu.enqueue_dma source(%dma_start3A_80 : memref<16x128xf32, #tpu.memory_space<vmem>>) target(%dma_start3A_77 : memref<16x128xf32, #tpu.memory_space<hbm>>) target_semaphore(%run_scoped3A : memref<!tpu.dma_semaphore, #tpu.memory_space<semaphore_mem>>)
        %dma_wait3A = arith.constant 0 : i32
        %dma_wait3A_81 = arith.constant 0 : i32
        %dma_wait3A_82 = tpu.memref_slice %arg6[%dma_wait3A, %dma_wait3A_81] : memref<128x128xf32, #tpu.memory_space<vmem>> -> memref<16x128xf32, #tpu.memory_space<vmem>>
        %dma_wait3A_83 = arith.constant 0 : i32
        %dma_wait3A_84 = tpu.memref_slice %arg3[%add3A_71, %dma_wait3A_83] : memref<20000x128xf32, #tpu.memory_space<hbm>> -> memref<16x128xf32, #tpu.memory_space<hbm>>
        %dma_wait3A_85 = arith.constant 0 : i32
        %dma_wait3A_86 = tpu.memref_slice %arg3[%add3A_71, %dma_wait3A_85] : memref<20000x128xf32, #tpu.memory_space<hbm>> -> memref<16x128xf32, #tpu.memory_space<hbm>>
        %dma_wait3A_87 = arith.constant 0 : i32
        %dma_wait3A_88 = arith.constant 0 : i32
        %dma_wait3A_89 = tpu.memref_slice %arg6[%dma_wait3A_87, %dma_wait3A_88] : memref<128x128xf32, #tpu.memory_space<vmem>> -> memref<16x128xf32, #tpu.memory_space<vmem>>
        tpu.wait_dma2 semaphore(%run_scoped3A : memref<!tpu.dma_semaphore, #tpu.memory_space<semaphore_mem>>) src(%dma_wait3A_89 : memref<16x128xf32, #tpu.memory_space<vmem>>) dst(%dma_wait3A_86 : memref<16x128xf32, #tpu.memory_space<hbm>>)
        tpu.yield
      }) : () -> ()
    } else {
    }
    return
  }
}

#map = affine_map<(d0, d1) -> (0, 0)>
module attributes {stable_mosaic.version = 14 : i64} {
  func.func @body(%arg0: i32, %arg1: i32, %arg2: memref<10000x128xf32, #tpu.memory_space<hbm>>, %arg3: memref<2560x128xi32, #tpu.memory_space<hbm>>, %arg4: memref<2560x128xi32, #tpu.memory_space<hbm>>, %arg5: memref<20000x128xf32, #tpu.memory_space<hbm>>, %arg6: memref<10112x128xf32, #tpu.memory_space<vmem_shared>>, %arg7: memref<8x128xi32, #tpu.memory_space<vmem>>, %arg8: memref<8x128xi32, #tpu.memory_space<vmem>>, %arg9: memref<256x128xf32, #tpu.memory_space<vmem>>, %arg10: memref<!tpu.dma_semaphore, #tpu.memory_space<semaphore_mem>>, %arg11: memref<!tpu.dma_semaphore, #tpu.memory_space<semaphore_mem>>) attributes {dimension_semantics = [#tpu.dimension_semantics<core_parallel>, #tpu.dimension_semantics<subcore_parallel>], iteration_bounds = array<i64: 2, 16>, scalar_prefetch = 0 : i64, scratch_operands = 6 : i64, tpu.core_type = #tpu.core_type<sc_vector_subcore>, window_params = [{transform_indices = #map}, {transform_indices = #map}, {transform_indices = #map}, {transform_indices = #map}]} {
    %broadcast_in_dim3A = arith.constant 0.000000e+00 : f32
    %broadcast_in_dim3A_0 = vector.broadcast %broadcast_in_dim3A : f32 to vector<16xf32>
    %scan3A = arith.constant 0 : i32
    %scan3A_1 = arith.constant 0 : i32
    %scan3A_2 = arith.constant 256 : i32
    %scan3A_3 = arith.addi %scan3A_1, %scan3A_2 : i32
    %scan3A_4 = arith.constant 1 : i32
    %scan3A_5 = scf.for %scan3A_45 = %scan3A_1 to %scan3A_3 step %scan3A_4 iter_args(%scan3A_46 = %scan3A) -> (i32)  : i32 {
      %swap3A = arith.index_cast %scan3A_45 : i32 to index
      %swap3A_47 = arith.constant 0 : index
      %swap3A_48 = tpu.vector_load %arg9[%swap3A, %swap3A_47] {strides = array<i32>} : memref<256x128xf32, #tpu.memory_space<vmem>>, vector<1x16xf32>,
      %swap3A_49 = vector.shape_cast %swap3A_48 : vector<1x16xf32> to vector<16xf32>
      %swap3A_50 = vector.shape_cast %broadcast_in_dim3A_0 : vector<16xf32> to vector<1x16xf32>
      tpu.vector_store %arg9[%swap3A, %swap3A_47], %swap3A_50 {strides = array<i32>} : memref<256x128xf32, #tpu.memory_space<vmem>>, vector<1x16xf32>,
      %swap3A_51 = arith.index_cast %scan3A_45 : i32 to index
      %swap3A_52 = arith.constant 16 : index
      %swap3A_53 = tpu.vector_load %arg9[%swap3A_51, %swap3A_52] {strides = array<i32>} : memref<256x128xf32, #tpu.memory_space<vmem>>, vector<1x16xf32>,
      %swap3A_54 = vector.shape_cast %swap3A_53 : vector<1x16xf32> to vector<16xf32>
      %swap3A_55 = vector.shape_cast %broadcast_in_dim3A_0 : vector<16xf32> to vector<1x16xf32>
      tpu.vector_store %arg9[%swap3A_51, %swap3A_52], %swap3A_55 {strides = array<i32>} : memref<256x128xf32, #tpu.memory_space<vmem>>, vector<1x16xf32>,
      %swap3A_56 = arith.index_cast %scan3A_45 : i32 to index
      %swap3A_57 = arith.constant 32 : index
      %swap3A_58 = tpu.vector_load %arg9[%swap3A_56, %swap3A_57] {strides = array<i32>} : memref<256x128xf32, #tpu.memory_space<vmem>>, vector<1x16xf32>,
      %swap3A_59 = vector.shape_cast %swap3A_58 : vector<1x16xf32> to vector<16xf32>
      %swap3A_60 = vector.shape_cast %broadcast_in_dim3A_0 : vector<16xf32> to vector<1x16xf32>
      tpu.vector_store %arg9[%swap3A_56, %swap3A_57], %swap3A_60 {strides = array<i32>} : memref<256x128xf32, #tpu.memory_space<vmem>>, vector<1x16xf32>,
      %swap3A_61 = arith.index_cast %scan3A_45 : i32 to index
      %swap3A_62 = arith.constant 48 : index
      %swap3A_63 = tpu.vector_load %arg9[%swap3A_61, %swap3A_62] {strides = array<i32>} : memref<256x128xf32, #tpu.memory_space<vmem>>, vector<1x16xf32>,
      %swap3A_64 = vector.shape_cast %swap3A_63 : vector<1x16xf32> to vector<16xf32>
      %swap3A_65 = vector.shape_cast %broadcast_in_dim3A_0 : vector<16xf32> to vector<1x16xf32>
      tpu.vector_store %arg9[%swap3A_61, %swap3A_62], %swap3A_65 {strides = array<i32>} : memref<256x128xf32, #tpu.memory_space<vmem>>, vector<1x16xf32>,
      %swap3A_66 = arith.index_cast %scan3A_45 : i32 to index
      %swap3A_67 = arith.constant 64 : index
      %swap3A_68 = tpu.vector_load %arg9[%swap3A_66, %swap3A_67] {strides = array<i32>} : memref<256x128xf32, #tpu.memory_space<vmem>>, vector<1x16xf32>,
      %swap3A_69 = vector.shape_cast %swap3A_68 : vector<1x16xf32> to vector<16xf32>
      %swap3A_70 = vector.shape_cast %broadcast_in_dim3A_0 : vector<16xf32> to vector<1x16xf32>
      tpu.vector_store %arg9[%swap3A_66, %swap3A_67], %swap3A_70 {strides = array<i32>} : memref<256x128xf32, #tpu.memory_space<vmem>>, vector<1x16xf32>,
      %swap3A_71 = arith.index_cast %scan3A_45 : i32 to index
      %swap3A_72 = arith.constant 80 : index
      %swap3A_73 = tpu.vector_load %arg9[%swap3A_71, %swap3A_72] {strides = array<i32>} : memref<256x128xf32, #tpu.memory_space<vmem>>, vector<1x16xf32>,
      %swap3A_74 = vector.shape_cast %swap3A_73 : vector<1x16xf32> to vector<16xf32>
      %swap3A_75 = vector.shape_cast %broadcast_in_dim3A_0 : vector<16xf32> to vector<1x16xf32>
      tpu.vector_store %arg9[%swap3A_71, %swap3A_72], %swap3A_75 {strides = array<i32>} : memref<256x128xf32, #tpu.memory_space<vmem>>, vector<1x16xf32>,
      %swap3A_76 = arith.index_cast %scan3A_45 : i32 to index
      %swap3A_77 = arith.constant 96 : index
      %swap3A_78 = tpu.vector_load %arg9[%swap3A_76, %swap3A_77] {strides = array<i32>} : memref<256x128xf32, #tpu.memory_space<vmem>>, vector<1x16xf32>,
      %swap3A_79 = vector.shape_cast %swap3A_78 : vector<1x16xf32> to vector<16xf32>
      %swap3A_80 = vector.shape_cast %broadcast_in_dim3A_0 : vector<16xf32> to vector<1x16xf32>
      tpu.vector_store %arg9[%swap3A_76, %swap3A_77], %swap3A_80 {strides = array<i32>} : memref<256x128xf32, #tpu.memory_space<vmem>>, vector<1x16xf32>,
      %swap3A_81 = arith.index_cast %scan3A_45 : i32 to index
      %swap3A_82 = arith.constant 112 : index
      %swap3A_83 = tpu.vector_load %arg9[%swap3A_81, %swap3A_82] {strides = array<i32>} : memref<256x128xf32, #tpu.memory_space<vmem>>, vector<1x16xf32>,
      %swap3A_84 = vector.shape_cast %swap3A_83 : vector<1x16xf32> to vector<16xf32>
      %swap3A_85 = vector.shape_cast %broadcast_in_dim3A_0 : vector<16xf32> to vector<1x16xf32>
      tpu.vector_store %arg9[%swap3A_81, %swap3A_82], %swap3A_85 {strides = array<i32>} : memref<256x128xf32, #tpu.memory_space<vmem>>, vector<1x16xf32>,
      %scan3A_86 = arith.constant 0 : i32
      scf.yield %scan3A_86 : i32
    }
    %scan3A_6 = arith.constant 256 : i32
    %mul3A = arith.constant 632 : i32
    %mul3A_7 = arith.muli %arg1, %mul3A : i32
    %add3A = arith.constant 0 : i32
    %add3A_8 = arith.addi %mul3A_7, %add3A : i32
    "tpu.region"() ({
      %run_scoped3A = tpu.sem_alloc : memref<!tpu.dma_semaphore, #tpu.memory_space<semaphore_mem>>
      %dma_start3A = arith.constant 0 : i32
      %dma_start3A_45 = tpu.memref_slice %arg6[%add3A_8, %dma_start3A] : memref<10112x128xf32, #tpu.memory_space<vmem_shared>> -> memref<256x128xf32, #tpu.memory_space<vmem_shared>>
      %dma_start3A_46 = arith.constant 0 : i32
      %dma_start3A_47 = tpu.memref_slice %arg6[%add3A_8, %dma_start3A_46] : memref<10112x128xf32, #tpu.memory_space<vmem_shared>> -> memref<256x128xf32, #tpu.memory_space<vmem_shared>>
      tpu.enqueue_dma source(%arg9 : memref<256x128xf32, #tpu.memory_space<vmem>>) target(%dma_start3A_47 : memref<256x128xf32, #tpu.memory_space<vmem_shared>>) target_semaphore(%run_scoped3A : memref<!tpu.dma_semaphore, #tpu.memory_space<semaphore_mem>>)
      %dma_wait3A = arith.constant 0 : i32
      %dma_wait3A_48 = tpu.memref_slice %arg6[%add3A_8, %dma_wait3A] : memref<10112x128xf32, #tpu.memory_space<vmem_shared>> -> memref<256x128xf32, #tpu.memory_space<vmem_shared>>
      %dma_wait3A_49 = arith.constant 0 : i32
      %dma_wait3A_50 = tpu.memref_slice %arg6[%add3A_8, %dma_wait3A_49] : memref<10112x128xf32, #tpu.memory_space<vmem_shared>> -> memref<256x128xf32, #tpu.memory_space<vmem_shared>>
      tpu.wait_dma2 semaphore(%run_scoped3A : memref<!tpu.dma_semaphore, #tpu.memory_space<semaphore_mem>>) src(%arg9 : memref<256x128xf32, #tpu.memory_space<vmem>>) dst(%dma_wait3A_50 : memref<256x128xf32, #tpu.memory_space<vmem_shared>>)
      tpu.yield
    }) : () -> ()
    %add3A_9 = arith.constant 256 : i32
    %add3A_10 = arith.addi %mul3A_7, %add3A_9 : i32
    "tpu.region"() ({
      %run_scoped3A = tpu.sem_alloc : memref<!tpu.dma_semaphore, #tpu.memory_space<semaphore_mem>>
      %dma_start3A = arith.constant 0 : i32
      %dma_start3A_45 = tpu.memref_slice %arg6[%add3A_10, %dma_start3A] : memref<10112x128xf32, #tpu.memory_space<vmem_shared>> -> memref<256x128xf32, #tpu.memory_space<vmem_shared>>
      %dma_start3A_46 = arith.constant 0 : i32
      %dma_start3A_47 = tpu.memref_slice %arg6[%add3A_10, %dma_start3A_46] : memref<10112x128xf32, #tpu.memory_space<vmem_shared>> -> memref<256x128xf32, #tpu.memory_space<vmem_shared>>
      tpu.enqueue_dma source(%arg9 : memref<256x128xf32, #tpu.memory_space<vmem>>) target(%dma_start3A_47 : memref<256x128xf32, #tpu.memory_space<vmem_shared>>) target_semaphore(%run_scoped3A : memref<!tpu.dma_semaphore, #tpu.memory_space<semaphore_mem>>)
      %dma_wait3A = arith.constant 0 : i32
      %dma_wait3A_48 = tpu.memref_slice %arg6[%add3A_10, %dma_wait3A] : memref<10112x128xf32, #tpu.memory_space<vmem_shared>> -> memref<256x128xf32, #tpu.memory_space<vmem_shared>>
      %dma_wait3A_49 = arith.constant 0 : i32
      %dma_wait3A_50 = tpu.memref_slice %arg6[%add3A_10, %dma_wait3A_49] : memref<10112x128xf32, #tpu.memory_space<vmem_shared>> -> memref<256x128xf32, #tpu.memory_space<vmem_shared>>
      tpu.wait_dma2 semaphore(%run_scoped3A : memref<!tpu.dma_semaphore, #tpu.memory_space<semaphore_mem>>) src(%arg9 : memref<256x128xf32, #tpu.memory_space<vmem>>) dst(%dma_wait3A_50 : memref<256x128xf32, #tpu.memory_space<vmem_shared>>)
      tpu.yield
    }) : () -> ()
    %add3A_11 = arith.constant 512 : i32
    %add3A_12 = arith.addi %mul3A_7, %add3A_11 : i32
    "tpu.region"() ({
      %run_scoped3A = tpu.sem_alloc : memref<!tpu.dma_semaphore, #tpu.memory_space<semaphore_mem>>
      %dma_start3A = arith.constant 0 : i32
      %dma_start3A_45 = arith.constant 0 : i32
      %dma_start3A_46 = tpu.memref_slice %arg9[%dma_start3A, %dma_start3A_45] : memref<256x128xf32, #tpu.memory_space<vmem>> -> memref<120x128xf32, #tpu.memory_space<vmem>>
      %dma_start3A_47 = arith.constant 0 : i32
      %dma_start3A_48 = tpu.memref_slice %arg6[%add3A_12, %dma_start3A_47] : memref<10112x128xf32, #tpu.memory_space<vmem_shared>> -> memref<120x128xf32, #tpu.memory_space<vmem_shared>>
      %dma_start3A_49 = arith.constant 0 : i32
      %dma_start3A_50 = tpu.memref_slice %arg6[%add3A_12, %dma_start3A_49] : memref<10112x128xf32, #tpu.memory_space<vmem_shared>> -> memref<120x128xf32, #tpu.memory_space<vmem_shared>>
      %dma_start3A_51 = arith.constant 0 : i32
      %dma_start3A_52 = arith.constant 0 : i32
      %dma_start3A_53 = tpu.memref_slice %arg9[%dma_start3A_51, %dma_start3A_52] : memref<256x128xf32, #tpu.memory_space<vmem>> -> memref<120x128xf32, #tpu.memory_space<vmem>>
      tpu.enqueue_dma source(%dma_start3A_53 : memref<120x128xf32, #tpu.memory_space<vmem>>) target(%dma_start3A_50 : memref<120x128xf32, #tpu.memory_space<vmem_shared>>) target_semaphore(%run_scoped3A : memref<!tpu.dma_semaphore, #tpu.memory_space<semaphore_mem>>)
      %dma_wait3A = arith.constant 0 : i32
      %dma_wait3A_54 = arith.constant 0 : i32
      %dma_wait3A_55 = tpu.memref_slice %arg9[%dma_wait3A, %dma_wait3A_54] : memref<256x128xf32, #tpu.memory_space<vmem>> -> memref<120x128xf32, #tpu.memory_space<vmem>>
      %dma_wait3A_56 = arith.constant 0 : i32
      %dma_wait3A_57 = tpu.memref_slice %arg6[%add3A_12, %dma_wait3A_56] : memref<10112x128xf32, #tpu.memory_space<vmem_shared>> -> memref<120x128xf32, #tpu.memory_space<vmem_shared>>
      %dma_wait3A_58 = arith.constant 0 : i32
      %dma_wait3A_59 = tpu.memref_slice %arg6[%add3A_12, %dma_wait3A_58] : memref<10112x128xf32, #tpu.memory_space<vmem_shared>> -> memref<120x128xf32, #tpu.memory_space<vmem_shared>>
      %dma_wait3A_60 = arith.constant 0 : i32
      %dma_wait3A_61 = arith.constant 0 : i32
      %dma_wait3A_62 = tpu.memref_slice %arg9[%dma_wait3A_60, %dma_wait3A_61] : memref<256x128xf32, #tpu.memory_space<vmem>> -> memref<120x128xf32, #tpu.memory_space<vmem>>
      tpu.wait_dma2 semaphore(%run_scoped3A : memref<!tpu.dma_semaphore, #tpu.memory_space<semaphore_mem>>) src(%dma_wait3A_62 : memref<120x128xf32, #tpu.memory_space<vmem>>) dst(%dma_wait3A_59 : memref<120x128xf32, #tpu.memory_space<vmem_shared>>)
      tpu.yield
    }) : () -> ()
    %barrier3A = arith.constant 0 : index
    tpu.barrier barrier_id(%barrier3A)
    %mul3A_13 = arith.constant 16 : i32
    %mul3A_14 = arith.muli %arg0, %mul3A_13 : i32
    %add3A_15 = arith.addi %mul3A_14, %arg1 : i32
    %mul3A_16 = arith.constant 80 : i32
    %mul3A_17 = arith.muli %add3A_15, %mul3A_16 : i32
    %scan3A_18 = arith.constant 0 : i32
    %scan3A_19 = arith.constant 0 : i32
    %scan3A_20 = arith.constant 10 : i32
    %scan3A_21 = arith.addi %scan3A_19, %scan3A_20 : i32
    %scan3A_22 = arith.constant 1 : i32
    %scan3A_23 = scf.for %scan3A_45 = %scan3A_19 to %scan3A_21 step %scan3A_22 iter_args(%scan3A_46 = %scan3A_18) -> (i32)  : i32 {
      %mul3A_47 = arith.constant 8 : i32
      %mul3A_48 = arith.muli %scan3A_45, %mul3A_47 : i32
      %add3A_49 = arith.addi %mul3A_17, %mul3A_48 : i32
      "tpu.region"() ({
        %run_scoped3A = tpu.sem_alloc : memref<!tpu.dma_semaphore, #tpu.memory_space<semaphore_mem>>
        %dma_start3A_369 = arith.constant 0 : i32
        %dma_start3A_370 = tpu.memref_slice %arg3[%add3A_49, %dma_start3A_369] : memref<2560x128xi32, #tpu.memory_space<hbm>> -> memref<8x128xi32, #tpu.memory_space<hbm>>
        %dma_start3A_371 = arith.constant 0 : i32
        %dma_start3A_372 = tpu.memref_slice %arg3[%add3A_49, %dma_start3A_371] : memref<2560x128xi32, #tpu.memory_space<hbm>> -> memref<8x128xi32, #tpu.memory_space<hbm>>
        tpu.enqueue_dma source(%dma_start3A_372 : memref<8x128xi32, #tpu.memory_space<hbm>>) target(%arg7 : memref<8x128xi32, #tpu.memory_space<vmem>>) target_semaphore(%run_scoped3A : memref<!tpu.dma_semaphore, #tpu.memory_space<semaphore_mem>>)
        %dma_wait3A_373 = arith.constant 0 : i32
        %dma_wait3A_374 = tpu.memref_slice %arg3[%add3A_49, %dma_wait3A_373] : memref<2560x128xi32, #tpu.memory_space<hbm>> -> memref<8x128xi32, #tpu.memory_space<hbm>>
        %dma_wait3A_375 = arith.constant 0 : i32
        %dma_wait3A_376 = tpu.memref_slice %arg3[%add3A_49, %dma_wait3A_375] : memref<2560x128xi32, #tpu.memory_space<hbm>> -> memref<8x128xi32, #tpu.memory_space<hbm>>
        tpu.wait_dma2 semaphore(%run_scoped3A : memref<!tpu.dma_semaphore, #tpu.memory_space<semaphore_mem>>) src(%dma_wait3A_376 : memref<8x128xi32, #tpu.memory_space<hbm>>) dst(%arg7 : memref<8x128xi32, #tpu.memory_space<vmem>>)
        tpu.yield
      }) : () -> ()
      "tpu.region"() ({
        %run_scoped3A = tpu.sem_alloc : memref<!tpu.dma_semaphore, #tpu.memory_space<semaphore_mem>>
        %dma_start3A_369 = arith.constant 0 : i32
        %dma_start3A_370 = tpu.memref_slice %arg4[%add3A_49, %dma_start3A_369] : memref<2560x128xi32, #tpu.memory_space<hbm>> -> memref<8x128xi32, #tpu.memory_space<hbm>>
        %dma_start3A_371 = arith.constant 0 : i32
        %dma_start3A_372 = tpu.memref_slice %arg4[%add3A_49, %dma_start3A_371] : memref<2560x128xi32, #tpu.memory_space<hbm>> -> memref<8x128xi32, #tpu.memory_space<hbm>>
        tpu.enqueue_dma source(%dma_start3A_372 : memref<8x128xi32, #tpu.memory_space<hbm>>) target(%arg8 : memref<8x128xi32, #tpu.memory_space<vmem>>) target_semaphore(%run_scoped3A : memref<!tpu.dma_semaphore, #tpu.memory_space<semaphore_mem>>)
        %dma_wait3A_373 = arith.constant 0 : i32
        %dma_wait3A_374 = tpu.memref_slice %arg4[%add3A_49, %dma_wait3A_373] : memref<2560x128xi32, #tpu.memory_space<hbm>> -> memref<8x128xi32, #tpu.memory_space<hbm>>
        %dma_wait3A_375 = arith.constant 0 : i32
        %dma_wait3A_376 = tpu.memref_slice %arg4[%add3A_49, %dma_wait3A_375] : memref<2560x128xi32, #tpu.memory_space<hbm>> -> memref<8x128xi32, #tpu.memory_space<hbm>>
        tpu.wait_dma2 semaphore(%run_scoped3A : memref<!tpu.dma_semaphore, #tpu.memory_space<semaphore_mem>>) src(%dma_wait3A_376 : memref<8x128xi32, #tpu.memory_space<hbm>>) dst(%arg8 : memref<8x128xi32, #tpu.memory_space<vmem>>)
        tpu.yield
      }) : () -> ()
      %dma_start3A = arith.constant 0 : i32
      %dma_start3A_50 = arith.constant 0 : i32
      %dma_start3A_51 = arith.constant 0 : i32
      %dma_start3A_52 = tpu.memref_slice %arg9[%dma_start3A_50, %dma_start3A_51] : memref<256x128xf32, #tpu.memory_space<vmem>> -> memref<128x128xf32, #tpu.memory_space<vmem>>
      %dma_start3A_53 = arith.constant 0 : i32
      %dma_start3A_54 = tpu.memref_slice %arg7[%dma_start3A, %dma_start3A_53] : memref<8x128xi32, #tpu.memory_space<vmem>> -> memref<1x128xi32, #tpu.memory_space<vmem>>
      %dma_start3A_55 = tpu.memref_squeeze %dma_start3A_54 : memref<1x128xi32, #tpu.memory_space<vmem>> -> memref<128xi32, #tpu.memory_space<vmem>>
      %dma_start3A_56 = arith.constant 0 : i32
      %dma_start3A_57 = arith.constant 0 : i32
      %dma_start3A_58 = tpu.memref_slice %arg2[%dma_start3A_56, %dma_start3A_57] : memref<10000x128xf32, #tpu.memory_space<hbm>> -> memref<10000x128xf32, #tpu.memory_space<hbm>>
      tpu.enqueue_indirect_dma source(%dma_start3A_58 : memref<10000x128xf32, #tpu.memory_space<hbm>>) target(%dma_start3A_52 : memref<128x128xf32, #tpu.memory_space<vmem>>) offsets(%dma_start3A_55 : memref<128xi32, #tpu.memory_space<vmem>>) semaphore(%arg10 : memref<!tpu.dma_semaphore, #tpu.memory_space<semaphore_mem>>)
      %dma_wait3A = arith.constant 0 : i32
      %dma_wait3A_59 = arith.constant 0 : i32
      %dma_wait3A_60 = arith.constant 0 : i32
      %dma_wait3A_61 = tpu.memref_slice %arg9[%dma_wait3A_59, %dma_wait3A_60] : memref<256x128xf32, #tpu.memory_space<vmem>> -> memref<128x128xf32, #tpu.memory_space<vmem>>
      %dma_wait3A_62 = arith.constant 0 : i32
      %dma_wait3A_63 = tpu.memref_slice %arg7[%dma_wait3A, %dma_wait3A_62] : memref<8x128xi32, #tpu.memory_space<vmem>> -> memref<1x128xi32, #tpu.memory_space<vmem>>
      %dma_wait3A_64 = tpu.memref_squeeze %dma_wait3A_63 : memref<1x128xi32, #tpu.memory_space<vmem>> -> memref<128xi32, #tpu.memory_space<vmem>>
      %dma_wait3A_65 = arith.constant 0 : i32
      %dma_wait3A_66 = arith.constant 0 : i32
      %dma_wait3A_67 = tpu.memref_slice %arg2[%dma_wait3A_65, %dma_wait3A_66] : memref<10000x128xf32, #tpu.memory_space<hbm>> -> memref<10000x128xf32, #tpu.memory_space<hbm>>
      tpu.wait_indirect_dma semaphore(%arg10 : memref<!tpu.dma_semaphore, #tpu.memory_space<semaphore_mem>>) src(%dma_wait3A_67 : memref<10000x128xf32, #tpu.memory_space<hbm>>) dst(%dma_wait3A_61 : memref<128x128xf32, #tpu.memory_space<vmem>>)
      %dma_start3A_68 = arith.constant 0 : i32
      %dma_start3A_69 = arith.constant 0 : i32
      %dma_start3A_70 = arith.constant 0 : i32
      %dma_start3A_71 = tpu.memref_slice %arg9[%dma_start3A_69, %dma_start3A_70] : memref<256x128xf32, #tpu.memory_space<vmem>> -> memref<128x128xf32, #tpu.memory_space<vmem>>
      %dma_start3A_72 = arith.constant 0 : i32
      %dma_start3A_73 = tpu.memref_slice %arg8[%dma_start3A_68, %dma_start3A_72] : memref<8x128xi32, #tpu.memory_space<vmem>> -> memref<1x128xi32, #tpu.memory_space<vmem>>
      %dma_start3A_74 = tpu.memref_squeeze %dma_start3A_73 : memref<1x128xi32, #tpu.memory_space<vmem>> -> memref<128xi32, #tpu.memory_space<vmem>>
      %dma_start3A_75 = arith.constant 0 : i32
      %dma_start3A_76 = arith.constant 0 : i32
      %dma_start3A_77 = tpu.memref_slice %arg6[%dma_start3A_75, %dma_start3A_76] : memref<10112x128xf32, #tpu.memory_space<vmem_shared>> -> memref<10112x128xf32, #tpu.memory_space<vmem_shared>>
      tpu.enqueue_indirect_dma source(%dma_start3A_71 : memref<128x128xf32, #tpu.memory_space<vmem>>) target(%dma_start3A_77 : memref<10112x128xf32, #tpu.memory_space<vmem_shared>>) offsets(%dma_start3A_74 : memref<128xi32, #tpu.memory_space<vmem>>) semaphore(%arg11 : memref<!tpu.dma_semaphore, #tpu.memory_space<semaphore_mem>>) {add = true}
      %dma_start3A_78 = arith.constant 1 : i32
      %dma_start3A_79 = arith.constant 128 : i32
      %dma_start3A_80 = arith.constant 0 : i32
      %dma_start3A_81 = tpu.memref_slice %arg9[%dma_start3A_79, %dma_start3A_80] : memref<256x128xf32, #tpu.memory_space<vmem>> -> memref<128x128xf32, #tpu.memory_space<vmem>>
      %dma_start3A_82 = arith.constant 0 : i32
      %dma_start3A_83 = tpu.memref_slice %arg7[%dma_start3A_78, %dma_start3A_82] : memref<8x128xi32, #tpu.memory_space<vmem>> -> memref<1x128xi32, #tpu.memory_space<vmem>>
      %dma_start3A_84 = tpu.memref_squeeze %dma_start3A_83 : memref<1x128xi32, #tpu.memory_space<vmem>> -> memref<128xi32, #tpu.memory_space<vmem>>
      %dma_start3A_85 = arith.constant 0 : i32
      %dma_start3A_86 = arith.constant 0 : i32
      %dma_start3A_87 = tpu.memref_slice %arg2[%dma_start3A_85, %dma_start3A_86] : memref<10000x128xf32, #tpu.memory_space<hbm>> -> memref<10000x128xf32, #tpu.memory_space<hbm>>
      tpu.enqueue_indirect_dma source(%dma_start3A_87 : memref<10000x128xf32, #tpu.memory_space<hbm>>) target(%dma_start3A_81 : memref<128x128xf32, #tpu.memory_space<vmem>>) offsets(%dma_start3A_84 : memref<128xi32, #tpu.memory_space<vmem>>) semaphore(%arg10 : memref<!tpu.dma_semaphore, #tpu.memory_space<semaphore_mem>>)
      %dma_wait3A_88 = arith.constant 1 : i32
      %dma_wait3A_89 = arith.constant 128 : i32
      %dma_wait3A_90 = arith.constant 0 : i32
      %dma_wait3A_91 = tpu.memref_slice %arg9[%dma_wait3A_89, %dma_wait3A_90] : memref<256x128xf32, #tpu.memory_space<vmem>> -> memref<128x128xf32, #tpu.memory_space<vmem>>
      %dma_wait3A_92 = arith.constant 0 : i32
      %dma_wait3A_93 = tpu.memref_slice %arg7[%dma_wait3A_88, %dma_wait3A_92] : memref<8x128xi32, #tpu.memory_space<vmem>> -> memref<1x128xi32, #tpu.memory_space<vmem>>
      %dma_wait3A_94 = tpu.memref_squeeze %dma_wait3A_93 : memref<1x128xi32, #tpu.memory_space<vmem>> -> memref<128xi32, #tpu.memory_space<vmem>>
      %dma_wait3A_95 = arith.constant 0 : i32
      %dma_wait3A_96 = arith.constant 0 : i32
      %dma_wait3A_97 = tpu.memref_slice %arg2[%dma_wait3A_95, %dma_wait3A_96] : memref<10000x128xf32, #tpu.memory_space<hbm>> -> memref<10000x128xf32, #tpu.memory_space<hbm>>
      tpu.wait_indirect_dma semaphore(%arg10 : memref<!tpu.dma_semaphore, #tpu.memory_space<semaphore_mem>>) src(%dma_wait3A_97 : memref<10000x128xf32, #tpu.memory_space<hbm>>) dst(%dma_wait3A_91 : memref<128x128xf32, #tpu.memory_space<vmem>>)
      %dma_wait3A_98 = arith.constant 0 : i32
      %dma_wait3A_99 = arith.constant 0 : i32
      %dma_wait3A_100 = arith.constant 0 : i32
      %dma_wait3A_101 = tpu.memref_slice %arg9[%dma_wait3A_99, %dma_wait3A_100] : memref<256x128xf32, #tpu.memory_space<vmem>> -> memref<128x128xf32, #tpu.memory_space<vmem>>
      %dma_wait3A_102 = arith.constant 0 : i32
      %dma_wait3A_103 = tpu.memref_slice %arg8[%dma_wait3A_98, %dma_wait3A_102] : memref<8x128xi32, #tpu.memory_space<vmem>> -> memref<1x128xi32, #tpu.memory_space<vmem>>
      %dma_wait3A_104 = tpu.memref_squeeze %dma_wait3A_103 : memref<1x128xi32, #tpu.memory_space<vmem>> -> memref<128xi32, #tpu.memory_space<vmem>>
      %dma_wait3A_105 = arith.constant 0 : i32
      %dma_wait3A_106 = arith.constant 0 : i32
      %dma_wait3A_107 = tpu.memref_slice %arg6[%dma_wait3A_105, %dma_wait3A_106] : memref<10112x128xf32, #tpu.memory_space<vmem_shared>> -> memref<10112x128xf32, #tpu.memory_space<vmem_shared>>
      tpu.wait_indirect_dma semaphore(%arg11 : memref<!tpu.dma_semaphore, #tpu.memory_space<semaphore_mem>>) src(%dma_wait3A_101 : memref<128x128xf32, #tpu.memory_space<vmem>>) dst(%dma_wait3A_107 : memref<10112x128xf32, #tpu.memory_space<vmem_shared>>)
      %dma_start3A_108 = arith.constant 1 : i32
      %dma_start3A_109 = arith.constant 128 : i32
      %dma_start3A_110 = arith.constant 0 : i32
      %dma_start3A_111 = tpu.memref_slice %arg9[%dma_start3A_109, %dma_start3A_110] : memref<256x128xf32, #tpu.memory_space<vmem>> -> memref<128x128xf32, #tpu.memory_space<vmem>>
      %dma_start3A_112 = arith.constant 0 : i32
      %dma_start3A_113 = tpu.memref_slice %arg8[%dma_start3A_108, %dma_start3A_112] : memref<8x128xi32, #tpu.memory_space<vmem>> -> memref<1x128xi32, #tpu.memory_space<vmem>>
      %dma_start3A_114 = tpu.memref_squeeze %dma_start3A_113 : memref<1x128xi32, #tpu.memory_space<vmem>> -> memref<128xi32, #tpu.memory_space<vmem>>
      %dma_start3A_115 = arith.constant 0 : i32
      %dma_start3A_116 = arith.constant 0 : i32
      %dma_start3A_117 = tpu.memref_slice %arg6[%dma_start3A_115, %dma_start3A_116] : memref<10112x128xf32, #tpu.memory_space<vmem_shared>> -> memref<10112x128xf32, #tpu.memory_space<vmem_shared>>
      tpu.enqueue_indirect_dma source(%dma_start3A_111 : memref<128x128xf32, #tpu.memory_space<vmem>>) target(%dma_start3A_117 : memref<10112x128xf32, #tpu.memory_space<vmem_shared>>) offsets(%dma_start3A_114 : memref<128xi32, #tpu.memory_space<vmem>>) semaphore(%arg11 : memref<!tpu.dma_semaphore, #tpu.memory_space<semaphore_mem>>) {add = true}
      %dma_start3A_118 = arith.constant 2 : i32
      %dma_start3A_119 = arith.constant 0 : i32
      %dma_start3A_120 = arith.constant 0 : i32
      %dma_start3A_121 = tpu.memref_slice %arg9[%dma_start3A_119, %dma_start3A_120] : memref<256x128xf32, #tpu.memory_space<vmem>> -> memref<128x128xf32, #tpu.memory_space<vmem>>
      %dma_start3A_122 = arith.constant 0 : i32
      %dma_start3A_123 = tpu.memref_slice %arg7[%dma_start3A_118, %dma_start3A_122] : memref<8x128xi32, #tpu.memory_space<vmem>> -> memref<1x128xi32, #tpu.memory_space<vmem>>
      %dma_start3A_124 = tpu.memref_squeeze %dma_start3A_123 : memref<1x128xi32, #tpu.memory_space<vmem>> -> memref<128xi32, #tpu.memory_space<vmem>>
      %dma_start3A_125 = arith.constant 0 : i32
      %dma_start3A_126 = arith.constant 0 : i32
      %dma_start3A_127 = tpu.memref_slice %arg2[%dma_start3A_125, %dma_start3A_126] : memref<10000x128xf32, #tpu.memory_space<hbm>> -> memref<10000x128xf32, #tpu.memory_space<hbm>>
      tpu.enqueue_indirect_dma source(%dma_start3A_127 : memref<10000x128xf32, #tpu.memory_space<hbm>>) target(%dma_start3A_121 : memref<128x128xf32, #tpu.memory_space<vmem>>) offsets(%dma_start3A_124 : memref<128xi32, #tpu.memory_space<vmem>>) semaphore(%arg10 : memref<!tpu.dma_semaphore, #tpu.memory_space<semaphore_mem>>)
      %dma_wait3A_128 = arith.constant 2 : i32
      %dma_wait3A_129 = arith.constant 0 : i32
      %dma_wait3A_130 = arith.constant 0 : i32
      %dma_wait3A_131 = tpu.memref_slice %arg9[%dma_wait3A_129, %dma_wait3A_130] : memref<256x128xf32, #tpu.memory_space<vmem>> -> memref<128x128xf32, #tpu.memory_space<vmem>>
      %dma_wait3A_132 = arith.constant 0 : i32
      %dma_wait3A_133 = tpu.memref_slice %arg7[%dma_wait3A_128, %dma_wait3A_132] : memref<8x128xi32, #tpu.memory_space<vmem>> -> memref<1x128xi32, #tpu.memory_space<vmem>>
      %dma_wait3A_134 = tpu.memref_squeeze %dma_wait3A_133 : memref<1x128xi32, #tpu.memory_space<vmem>> -> memref<128xi32, #tpu.memory_space<vmem>>
      %dma_wait3A_135 = arith.constant 0 : i32
      %dma_wait3A_136 = arith.constant 0 : i32
      %dma_wait3A_137 = tpu.memref_slice %arg2[%dma_wait3A_135, %dma_wait3A_136] : memref<10000x128xf32, #tpu.memory_space<hbm>> -> memref<10000x128xf32, #tpu.memory_space<hbm>>
      tpu.wait_indirect_dma semaphore(%arg10 : memref<!tpu.dma_semaphore, #tpu.memory_space<semaphore_mem>>) src(%dma_wait3A_137 : memref<10000x128xf32, #tpu.memory_space<hbm>>) dst(%dma_wait3A_131 : memref<128x128xf32, #tpu.memory_space<vmem>>)
      %dma_wait3A_138 = arith.constant 1 : i32
      %dma_wait3A_139 = arith.constant 128 : i32
      %dma_wait3A_140 = arith.constant 0 : i32
      %dma_wait3A_141 = tpu.memref_slice %arg9[%dma_wait3A_139, %dma_wait3A_140] : memref<256x128xf32, #tpu.memory_space<vmem>> -> memref<128x128xf32, #tpu.memory_space<vmem>>
      %dma_wait3A_142 = arith.constant 0 : i32
      %dma_wait3A_143 = tpu.memref_slice %arg8[%dma_wait3A_138, %dma_wait3A_142] : memref<8x128xi32, #tpu.memory_space<vmem>> -> memref<1x128xi32, #tpu.memory_space<vmem>>
      %dma_wait3A_144 = tpu.memref_squeeze %dma_wait3A_143 : memref<1x128xi32, #tpu.memory_space<vmem>> -> memref<128xi32, #tpu.memory_space<vmem>>
      %dma_wait3A_145 = arith.constant 0 : i32
      %dma_wait3A_146 = arith.constant 0 : i32
      %dma_wait3A_147 = tpu.memref_slice %arg6[%dma_wait3A_145, %dma_wait3A_146] : memref<10112x128xf32, #tpu.memory_space<vmem_shared>> -> memref<10112x128xf32, #tpu.memory_space<vmem_shared>>
      tpu.wait_indirect_dma semaphore(%arg11 : memref<!tpu.dma_semaphore, #tpu.memory_space<semaphore_mem>>) src(%dma_wait3A_141 : memref<128x128xf32, #tpu.memory_space<vmem>>) dst(%dma_wait3A_147 : memref<10112x128xf32, #tpu.memory_space<vmem_shared>>)
      %dma_start3A_148 = arith.constant 2 : i32
      %dma_start3A_149 = arith.constant 0 : i32
      %dma_start3A_150 = arith.constant 0 : i32
      %dma_start3A_151 = tpu.memref_slice %arg9[%dma_start3A_149, %dma_start3A_150] : memref<256x128xf32, #tpu.memory_space<vmem>> -> memref<128x128xf32, #tpu.memory_space<vmem>>
      %dma_start3A_152 = arith.constant 0 : i32
      %dma_start3A_153 = tpu.memref_slice %arg8[%dma_start3A_148, %dma_start3A_152] : memref<8x128xi32, #tpu.memory_space<vmem>> -> memref<1x128xi32, #tpu.memory_space<vmem>>
      %dma_start3A_154 = tpu.memref_squeeze %dma_start3A_153 : memref<1x128xi32, #tpu.memory_space<vmem>> -> memref<128xi32, #tpu.memory_space<vmem>>
      %dma_start3A_155 = arith.constant 0 : i32
      %dma_start3A_156 = arith.constant 0 : i32
      %dma_start3A_157 = tpu.memref_slice %arg6[%dma_start3A_155, %dma_start3A_156] : memref<10112x128xf32, #tpu.memory_space<vmem_shared>> -> memref<10112x128xf32, #tpu.memory_space<vmem_shared>>
      tpu.enqueue_indirect_dma source(%dma_start3A_151 : memref<128x128xf32, #tpu.memory_space<vmem>>) target(%dma_start3A_157 : memref<10112x128xf32, #tpu.memory_space<vmem_shared>>) offsets(%dma_start3A_154 : memref<128xi32, #tpu.memory_space<vmem>>) semaphore(%arg11 : memref<!tpu.dma_semaphore, #tpu.memory_space<semaphore_mem>>) {add = true}
      %dma_start3A_158 = arith.constant 3 : i32
      %dma_start3A_159 = arith.constant 128 : i32
      %dma_start3A_160 = arith.constant 0 : i32
      %dma_start3A_161 = tpu.memref_slice %arg9[%dma_start3A_159, %dma_start3A_160] : memref<256x128xf32, #tpu.memory_space<vmem>> -> memref<128x128xf32, #tpu.memory_space<vmem>>
      %dma_start3A_162 = arith.constant 0 : i32
      %dma_start3A_163 = tpu.memref_slice %arg7[%dma_start3A_158, %dma_start3A_162] : memref<8x128xi32, #tpu.memory_space<vmem>> -> memref<1x128xi32, #tpu.memory_space<vmem>>
      %dma_start3A_164 = tpu.memref_squeeze %dma_start3A_163 : memref<1x128xi32, #tpu.memory_space<vmem>> -> memref<128xi32, #tpu.memory_space<vmem>>
      %dma_start3A_165 = arith.constant 0 : i32
      %dma_start3A_166 = arith.constant 0 : i32
      %dma_start3A_167 = tpu.memref_slice %arg2[%dma_start3A_165, %dma_start3A_166] : memref<10000x128xf32, #tpu.memory_space<hbm>> -> memref<10000x128xf32, #tpu.memory_space<hbm>>
      tpu.enqueue_indirect_dma source(%dma_start3A_167 : memref<10000x128xf32, #tpu.memory_space<hbm>>) target(%dma_start3A_161 : memref<128x128xf32, #tpu.memory_space<vmem>>) offsets(%dma_start3A_164 : memref<128xi32, #tpu.memory_space<vmem>>) semaphore(%arg10 : memref<!tpu.dma_semaphore, #tpu.memory_space<semaphore_mem>>)
      %dma_wait3A_168 = arith.constant 3 : i32
      %dma_wait3A_169 = arith.constant 128 : i32
      %dma_wait3A_170 = arith.constant 0 : i32
      %dma_wait3A_171 = tpu.memref_slice %arg9[%dma_wait3A_169, %dma_wait3A_170] : memref<256x128xf32, #tpu.memory_space<vmem>> -> memref<128x128xf32, #tpu.memory_space<vmem>>
      %dma_wait3A_172 = arith.constant 0 : i32
      %dma_wait3A_173 = tpu.memref_slice %arg7[%dma_wait3A_168, %dma_wait3A_172] : memref<8x128xi32, #tpu.memory_space<vmem>> -> memref<1x128xi32, #tpu.memory_space<vmem>>
      %dma_wait3A_174 = tpu.memref_squeeze %dma_wait3A_173 : memref<1x128xi32, #tpu.memory_space<vmem>> -> memref<128xi32, #tpu.memory_space<vmem>>
      %dma_wait3A_175 = arith.constant 0 : i32
      %dma_wait3A_176 = arith.constant 0 : i32
      %dma_wait3A_177 = tpu.memref_slice %arg2[%dma_wait3A_175, %dma_wait3A_176] : memref<10000x128xf32, #tpu.memory_space<hbm>> -> memref<10000x128xf32, #tpu.memory_space<hbm>>
      tpu.wait_indirect_dma semaphore(%arg10 : memref<!tpu.dma_semaphore, #tpu.memory_space<semaphore_mem>>) src(%dma_wait3A_177 : memref<10000x128xf32, #tpu.memory_space<hbm>>) dst(%dma_wait3A_171 : memref<128x128xf32, #tpu.memory_space<vmem>>)
      %dma_wait3A_178 = arith.constant 2 : i32
      %dma_wait3A_179 = arith.constant 0 : i32
      %dma_wait3A_180 = arith.constant 0 : i32
      %dma_wait3A_181 = tpu.memref_slice %arg9[%dma_wait3A_179, %dma_wait3A_180] : memref<256x128xf32, #tpu.memory_space<vmem>> -> memref<128x128xf32, #tpu.memory_space<vmem>>
      %dma_wait3A_182 = arith.constant 0 : i32
      %dma_wait3A_183 = tpu.memref_slice %arg8[%dma_wait3A_178, %dma_wait3A_182] : memref<8x128xi32, #tpu.memory_space<vmem>> -> memref<1x128xi32, #tpu.memory_space<vmem>>
      %dma_wait3A_184 = tpu.memref_squeeze %dma_wait3A_183 : memref<1x128xi32, #tpu.memory_space<vmem>> -> memref<128xi32, #tpu.memory_space<vmem>>
      %dma_wait3A_185 = arith.constant 0 : i32
      %dma_wait3A_186 = arith.constant 0 : i32
      %dma_wait3A_187 = tpu.memref_slice %arg6[%dma_wait3A_185, %dma_wait3A_186] : memref<10112x128xf32, #tpu.memory_space<vmem_shared>> -> memref<10112x128xf32, #tpu.memory_space<vmem_shared>>
      tpu.wait_indirect_dma semaphore(%arg11 : memref<!tpu.dma_semaphore, #tpu.memory_space<semaphore_mem>>) src(%dma_wait3A_181 : memref<128x128xf32, #tpu.memory_space<vmem>>) dst(%dma_wait3A_187 : memref<10112x128xf32, #tpu.memory_space<vmem_shared>>)
      %dma_start3A_188 = arith.constant 3 : i32
      %dma_start3A_189 = arith.constant 128 : i32
      %dma_start3A_190 = arith.constant 0 : i32
      %dma_start3A_191 = tpu.memref_slice %arg9[%dma_start3A_189, %dma_start3A_190] : memref<256x128xf32, #tpu.memory_space<vmem>> -> memref<128x128xf32, #tpu.memory_space<vmem>>
      %dma_start3A_192 = arith.constant 0 : i32
      %dma_start3A_193 = tpu.memref_slice %arg8[%dma_start3A_188, %dma_start3A_192] : memref<8x128xi32, #tpu.memory_space<vmem>> -> memref<1x128xi32, #tpu.memory_space<vmem>>
      %dma_start3A_194 = tpu.memref_squeeze %dma_start3A_193 : memref<1x128xi32, #tpu.memory_space<vmem>> -> memref<128xi32, #tpu.memory_space<vmem>>
      %dma_start3A_195 = arith.constant 0 : i32
      %dma_start3A_196 = arith.constant 0 : i32
      %dma_start3A_197 = tpu.memref_slice %arg6[%dma_start3A_195, %dma_start3A_196] : memref<10112x128xf32, #tpu.memory_space<vmem_shared>> -> memref<10112x128xf32, #tpu.memory_space<vmem_shared>>
      tpu.enqueue_indirect_dma source(%dma_start3A_191 : memref<128x128xf32, #tpu.memory_space<vmem>>) target(%dma_start3A_197 : memref<10112x128xf32, #tpu.memory_space<vmem_shared>>) offsets(%dma_start3A_194 : memref<128xi32, #tpu.memory_space<vmem>>) semaphore(%arg11 : memref<!tpu.dma_semaphore, #tpu.memory_space<semaphore_mem>>) {add = true}
      %dma_start3A_198 = arith.constant 4 : i32
      %dma_start3A_199 = arith.constant 0 : i32
      %dma_start3A_200 = arith.constant 0 : i32
      %dma_start3A_201 = tpu.memref_slice %arg9[%dma_start3A_199, %dma_start3A_200] : memref<256x128xf32, #tpu.memory_space<vmem>> -> memref<128x128xf32, #tpu.memory_space<vmem>>
      %dma_start3A_202 = arith.constant 0 : i32
      %dma_start3A_203 = tpu.memref_slice %arg7[%dma_start3A_198, %dma_start3A_202] : memref<8x128xi32, #tpu.memory_space<vmem>> -> memref<1x128xi32, #tpu.memory_space<vmem>>
      %dma_start3A_204 = tpu.memref_squeeze %dma_start3A_203 : memref<1x128xi32, #tpu.memory_space<vmem>> -> memref<128xi32, #tpu.memory_space<vmem>>
      %dma_start3A_205 = arith.constant 0 : i32
      %dma_start3A_206 = arith.constant 0 : i32
      %dma_start3A_207 = tpu.memref_slice %arg2[%dma_start3A_205, %dma_start3A_206] : memref<10000x128xf32, #tpu.memory_space<hbm>> -> memref<10000x128xf32, #tpu.memory_space<hbm>>
      tpu.enqueue_indirect_dma source(%dma_start3A_207 : memref<10000x128xf32, #tpu.memory_space<hbm>>) target(%dma_start3A_201 : memref<128x128xf32, #tpu.memory_space<vmem>>) offsets(%dma_start3A_204 : memref<128xi32, #tpu.memory_space<vmem>>) semaphore(%arg10 : memref<!tpu.dma_semaphore, #tpu.memory_space<semaphore_mem>>)
      %dma_wait3A_208 = arith.constant 4 : i32
      %dma_wait3A_209 = arith.constant 0 : i32
      %dma_wait3A_210 = arith.constant 0 : i32
      %dma_wait3A_211 = tpu.memref_slice %arg9[%dma_wait3A_209, %dma_wait3A_210] : memref<256x128xf32, #tpu.memory_space<vmem>> -> memref<128x128xf32, #tpu.memory_space<vmem>>
      %dma_wait3A_212 = arith.constant 0 : i32
      %dma_wait3A_213 = tpu.memref_slice %arg7[%dma_wait3A_208, %dma_wait3A_212] : memref<8x128xi32, #tpu.memory_space<vmem>> -> memref<1x128xi32, #tpu.memory_space<vmem>>
      %dma_wait3A_214 = tpu.memref_squeeze %dma_wait3A_213 : memref<1x128xi32, #tpu.memory_space<vmem>> -> memref<128xi32, #tpu.memory_space<vmem>>
      %dma_wait3A_215 = arith.constant 0 : i32
      %dma_wait3A_216 = arith.constant 0 : i32
      %dma_wait3A_217 = tpu.memref_slice %arg2[%dma_wait3A_215, %dma_wait3A_216] : memref<10000x128xf32, #tpu.memory_space<hbm>> -> memref<10000x128xf32, #tpu.memory_space<hbm>>
      tpu.wait_indirect_dma semaphore(%arg10 : memref<!tpu.dma_semaphore, #tpu.memory_space<semaphore_mem>>) src(%dma_wait3A_217 : memref<10000x128xf32, #tpu.memory_space<hbm>>) dst(%dma_wait3A_211 : memref<128x128xf32, #tpu.memory_space<vmem>>)
      %dma_wait3A_218 = arith.constant 3 : i32
      %dma_wait3A_219 = arith.constant 128 : i32
      %dma_wait3A_220 = arith.constant 0 : i32
      %dma_wait3A_221 = tpu.memref_slice %arg9[%dma_wait3A_219, %dma_wait3A_220] : memref<256x128xf32, #tpu.memory_space<vmem>> -> memref<128x128xf32, #tpu.memory_space<vmem>>
      %dma_wait3A_222 = arith.constant 0 : i32
      %dma_wait3A_223 = tpu.memref_slice %arg8[%dma_wait3A_218, %dma_wait3A_222] : memref<8x128xi32, #tpu.memory_space<vmem>> -> memref<1x128xi32, #tpu.memory_space<vmem>>
      %dma_wait3A_224 = tpu.memref_squeeze %dma_wait3A_223 : memref<1x128xi32, #tpu.memory_space<vmem>> -> memref<128xi32, #tpu.memory_space<vmem>>
      %dma_wait3A_225 = arith.constant 0 : i32
      %dma_wait3A_226 = arith.constant 0 : i32
      %dma_wait3A_227 = tpu.memref_slice %arg6[%dma_wait3A_225, %dma_wait3A_226] : memref<10112x128xf32, #tpu.memory_space<vmem_shared>> -> memref<10112x128xf32, #tpu.memory_space<vmem_shared>>
      tpu.wait_indirect_dma semaphore(%arg11 : memref<!tpu.dma_semaphore, #tpu.memory_space<semaphore_mem>>) src(%dma_wait3A_221 : memref<128x128xf32, #tpu.memory_space<vmem>>) dst(%dma_wait3A_227 : memref<10112x128xf32, #tpu.memory_space<vmem_shared>>)
      %dma_start3A_228 = arith.constant 4 : i32
      %dma_start3A_229 = arith.constant 0 : i32
      %dma_start3A_230 = arith.constant 0 : i32
      %dma_start3A_231 = tpu.memref_slice %arg9[%dma_start3A_229, %dma_start3A_230] : memref<256x128xf32, #tpu.memory_space<vmem>> -> memref<128x128xf32, #tpu.memory_space<vmem>>
      %dma_start3A_232 = arith.constant 0 : i32
      %dma_start3A_233 = tpu.memref_slice %arg8[%dma_start3A_228, %dma_start3A_232] : memref<8x128xi32, #tpu.memory_space<vmem>> -> memref<1x128xi32, #tpu.memory_space<vmem>>
      %dma_start3A_234 = tpu.memref_squeeze %dma_start3A_233 : memref<1x128xi32, #tpu.memory_space<vmem>> -> memref<128xi32, #tpu.memory_space<vmem>>
      %dma_start3A_235 = arith.constant 0 : i32
      %dma_start3A_236 = arith.constant 0 : i32
      %dma_start3A_237 = tpu.memref_slice %arg6[%dma_start3A_235, %dma_start3A_236] : memref<10112x128xf32, #tpu.memory_space<vmem_shared>> -> memref<10112x128xf32, #tpu.memory_space<vmem_shared>>
      tpu.enqueue_indirect_dma source(%dma_start3A_231 : memref<128x128xf32, #tpu.memory_space<vmem>>) target(%dma_start3A_237 : memref<10112x128xf32, #tpu.memory_space<vmem_shared>>) offsets(%dma_start3A_234 : memref<128xi32, #tpu.memory_space<vmem>>) semaphore(%arg11 : memref<!tpu.dma_semaphore, #tpu.memory_space<semaphore_mem>>) {add = true}
      %dma_start3A_238 = arith.constant 5 : i32
      %dma_start3A_239 = arith.constant 128 : i32
      %dma_start3A_240 = arith.constant 0 : i32
      %dma_start3A_241 = tpu.memref_slice %arg9[%dma_start3A_239, %dma_start3A_240] : memref<256x128xf32, #tpu.memory_space<vmem>> -> memref<128x128xf32, #tpu.memory_space<vmem>>
      %dma_start3A_242 = arith.constant 0 : i32
      %dma_start3A_243 = tpu.memref_slice %arg7[%dma_start3A_238, %dma_start3A_242] : memref<8x128xi32, #tpu.memory_space<vmem>> -> memref<1x128xi32, #tpu.memory_space<vmem>>
      %dma_start3A_244 = tpu.memref_squeeze %dma_start3A_243 : memref<1x128xi32, #tpu.memory_space<vmem>> -> memref<128xi32, #tpu.memory_space<vmem>>
      %dma_start3A_245 = arith.constant 0 : i32
      %dma_start3A_246 = arith.constant 0 : i32
      %dma_start3A_247 = tpu.memref_slice %arg2[%dma_start3A_245, %dma_start3A_246] : memref<10000x128xf32, #tpu.memory_space<hbm>> -> memref<10000x128xf32, #tpu.memory_space<hbm>>
      tpu.enqueue_indirect_dma source(%dma_start3A_247 : memref<10000x128xf32, #tpu.memory_space<hbm>>) target(%dma_start3A_241 : memref<128x128xf32, #tpu.memory_space<vmem>>) offsets(%dma_start3A_244 : memref<128xi32, #tpu.memory_space<vmem>>) semaphore(%arg10 : memref<!tpu.dma_semaphore, #tpu.memory_space<semaphore_mem>>)
      %dma_wait3A_248 = arith.constant 5 : i32
      %dma_wait3A_249 = arith.constant 128 : i32
      %dma_wait3A_250 = arith.constant 0 : i32
      %dma_wait3A_251 = tpu.memref_slice %arg9[%dma_wait3A_249, %dma_wait3A_250] : memref<256x128xf32, #tpu.memory_space<vmem>> -> memref<128x128xf32, #tpu.memory_space<vmem>>
      %dma_wait3A_252 = arith.constant 0 : i32
      %dma_wait3A_253 = tpu.memref_slice %arg7[%dma_wait3A_248, %dma_wait3A_252] : memref<8x128xi32, #tpu.memory_space<vmem>> -> memref<1x128xi32, #tpu.memory_space<vmem>>
      %dma_wait3A_254 = tpu.memref_squeeze %dma_wait3A_253 : memref<1x128xi32, #tpu.memory_space<vmem>> -> memref<128xi32, #tpu.memory_space<vmem>>
      %dma_wait3A_255 = arith.constant 0 : i32
      %dma_wait3A_256 = arith.constant 0 : i32
      %dma_wait3A_257 = tpu.memref_slice %arg2[%dma_wait3A_255, %dma_wait3A_256] : memref<10000x128xf32, #tpu.memory_space<hbm>> -> memref<10000x128xf32, #tpu.memory_space<hbm>>
      tpu.wait_indirect_dma semaphore(%arg10 : memref<!tpu.dma_semaphore, #tpu.memory_space<semaphore_mem>>) src(%dma_wait3A_257 : memref<10000x128xf32, #tpu.memory_space<hbm>>) dst(%dma_wait3A_251 : memref<128x128xf32, #tpu.memory_space<vmem>>)
      %dma_wait3A_258 = arith.constant 4 : i32
      %dma_wait3A_259 = arith.constant 0 : i32
      %dma_wait3A_260 = arith.constant 0 : i32
      %dma_wait3A_261 = tpu.memref_slice %arg9[%dma_wait3A_259, %dma_wait3A_260] : memref<256x128xf32, #tpu.memory_space<vmem>> -> memref<128x128xf32, #tpu.memory_space<vmem>>
      %dma_wait3A_262 = arith.constant 0 : i32
      %dma_wait3A_263 = tpu.memref_slice %arg8[%dma_wait3A_258, %dma_wait3A_262] : memref<8x128xi32, #tpu.memory_space<vmem>> -> memref<1x128xi32, #tpu.memory_space<vmem>>
      %dma_wait3A_264 = tpu.memref_squeeze %dma_wait3A_263 : memref<1x128xi32, #tpu.memory_space<vmem>> -> memref<128xi32, #tpu.memory_space<vmem>>
      %dma_wait3A_265 = arith.constant 0 : i32
      %dma_wait3A_266 = arith.constant 0 : i32
      %dma_wait3A_267 = tpu.memref_slice %arg6[%dma_wait3A_265, %dma_wait3A_266] : memref<10112x128xf32, #tpu.memory_space<vmem_shared>> -> memref<10112x128xf32, #tpu.memory_space<vmem_shared>>
      tpu.wait_indirect_dma semaphore(%arg11 : memref<!tpu.dma_semaphore, #tpu.memory_space<semaphore_mem>>) src(%dma_wait3A_261 : memref<128x128xf32, #tpu.memory_space<vmem>>) dst(%dma_wait3A_267 : memref<10112x128xf32, #tpu.memory_space<vmem_shared>>)
      %dma_start3A_268 = arith.constant 5 : i32
      %dma_start3A_269 = arith.constant 128 : i32
      %dma_start3A_270 = arith.constant 0 : i32
      %dma_start3A_271 = tpu.memref_slice %arg9[%dma_start3A_269, %dma_start3A_270] : memref<256x128xf32, #tpu.memory_space<vmem>> -> memref<128x128xf32, #tpu.memory_space<vmem>>
      %dma_start3A_272 = arith.constant 0 : i32
      %dma_start3A_273 = tpu.memref_slice %arg8[%dma_start3A_268, %dma_start3A_272] : memref<8x128xi32, #tpu.memory_space<vmem>> -> memref<1x128xi32, #tpu.memory_space<vmem>>
      %dma_start3A_274 = tpu.memref_squeeze %dma_start3A_273 : memref<1x128xi32, #tpu.memory_space<vmem>> -> memref<128xi32, #tpu.memory_space<vmem>>
      %dma_start3A_275 = arith.constant 0 : i32
      %dma_start3A_276 = arith.constant 0 : i32
      %dma_start3A_277 = tpu.memref_slice %arg6[%dma_start3A_275, %dma_start3A_276] : memref<10112x128xf32, #tpu.memory_space<vmem_shared>> -> memref<10112x128xf32, #tpu.memory_space<vmem_shared>>
      tpu.enqueue_indirect_dma source(%dma_start3A_271 : memref<128x128xf32, #tpu.memory_space<vmem>>) target(%dma_start3A_277 : memref<10112x128xf32, #tpu.memory_space<vmem_shared>>) offsets(%dma_start3A_274 : memref<128xi32, #tpu.memory_space<vmem>>) semaphore(%arg11 : memref<!tpu.dma_semaphore, #tpu.memory_space<semaphore_mem>>) {add = true}
      %dma_start3A_278 = arith.constant 6 : i32
      %dma_start3A_279 = arith.constant 0 : i32
      %dma_start3A_280 = arith.constant 0 : i32
      %dma_start3A_281 = tpu.memref_slice %arg9[%dma_start3A_279, %dma_start3A_280] : memref<256x128xf32, #tpu.memory_space<vmem>> -> memref<128x128xf32, #tpu.memory_space<vmem>>
      %dma_start3A_282 = arith.constant 0 : i32
      %dma_start3A_283 = tpu.memref_slice %arg7[%dma_start3A_278, %dma_start3A_282] : memref<8x128xi32, #tpu.memory_space<vmem>> -> memref<1x128xi32, #tpu.memory_space<vmem>>
      %dma_start3A_284 = tpu.memref_squeeze %dma_start3A_283 : memref<1x128xi32, #tpu.memory_space<vmem>> -> memref<128xi32, #tpu.memory_space<vmem>>
      %dma_start3A_285 = arith.constant 0 : i32
      %dma_start3A_286 = arith.constant 0 : i32
      %dma_start3A_287 = tpu.memref_slice %arg2[%dma_start3A_285, %dma_start3A_286] : memref<10000x128xf32, #tpu.memory_space<hbm>> -> memref<10000x128xf32, #tpu.memory_space<hbm>>
      tpu.enqueue_indirect_dma source(%dma_start3A_287 : memref<10000x128xf32, #tpu.memory_space<hbm>>) target(%dma_start3A_281 : memref<128x128xf32, #tpu.memory_space<vmem>>) offsets(%dma_start3A_284 : memref<128xi32, #tpu.memory_space<vmem>>) semaphore(%arg10 : memref<!tpu.dma_semaphore, #tpu.memory_space<semaphore_mem>>)
      %dma_wait3A_288 = arith.constant 6 : i32
      %dma_wait3A_289 = arith.constant 0 : i32
      %dma_wait3A_290 = arith.constant 0 : i32
      %dma_wait3A_291 = tpu.memref_slice %arg9[%dma_wait3A_289, %dma_wait3A_290] : memref<256x128xf32, #tpu.memory_space<vmem>> -> memref<128x128xf32, #tpu.memory_space<vmem>>
      %dma_wait3A_292 = arith.constant 0 : i32
      %dma_wait3A_293 = tpu.memref_slice %arg7[%dma_wait3A_288, %dma_wait3A_292] : memref<8x128xi32, #tpu.memory_space<vmem>> -> memref<1x128xi32, #tpu.memory_space<vmem>>
      %dma_wait3A_294 = tpu.memref_squeeze %dma_wait3A_293 : memref<1x128xi32, #tpu.memory_space<vmem>> -> memref<128xi32, #tpu.memory_space<vmem>>
      %dma_wait3A_295 = arith.constant 0 : i32
      %dma_wait3A_296 = arith.constant 0 : i32
      %dma_wait3A_297 = tpu.memref_slice %arg2[%dma_wait3A_295, %dma_wait3A_296] : memref<10000x128xf32, #tpu.memory_space<hbm>> -> memref<10000x128xf32, #tpu.memory_space<hbm>>
      tpu.wait_indirect_dma semaphore(%arg10 : memref<!tpu.dma_semaphore, #tpu.memory_space<semaphore_mem>>) src(%dma_wait3A_297 : memref<10000x128xf32, #tpu.memory_space<hbm>>) dst(%dma_wait3A_291 : memref<128x128xf32, #tpu.memory_space<vmem>>)
      %dma_wait3A_298 = arith.constant 5 : i32
      %dma_wait3A_299 = arith.constant 128 : i32
      %dma_wait3A_300 = arith.constant 0 : i32
      %dma_wait3A_301 = tpu.memref_slice %arg9[%dma_wait3A_299, %dma_wait3A_300] : memref<256x128xf32, #tpu.memory_space<vmem>> -> memref<128x128xf32, #tpu.memory_space<vmem>>
      %dma_wait3A_302 = arith.constant 0 : i32
      %dma_wait3A_303 = tpu.memref_slice %arg8[%dma_wait3A_298, %dma_wait3A_302] : memref<8x128xi32, #tpu.memory_space<vmem>> -> memref<1x128xi32, #tpu.memory_space<vmem>>
      %dma_wait3A_304 = tpu.memref_squeeze %dma_wait3A_303 : memref<1x128xi32, #tpu.memory_space<vmem>> -> memref<128xi32, #tpu.memory_space<vmem>>
      %dma_wait3A_305 = arith.constant 0 : i32
      %dma_wait3A_306 = arith.constant 0 : i32
      %dma_wait3A_307 = tpu.memref_slice %arg6[%dma_wait3A_305, %dma_wait3A_306] : memref<10112x128xf32, #tpu.memory_space<vmem_shared>> -> memref<10112x128xf32, #tpu.memory_space<vmem_shared>>
      tpu.wait_indirect_dma semaphore(%arg11 : memref<!tpu.dma_semaphore, #tpu.memory_space<semaphore_mem>>) src(%dma_wait3A_301 : memref<128x128xf32, #tpu.memory_space<vmem>>) dst(%dma_wait3A_307 : memref<10112x128xf32, #tpu.memory_space<vmem_shared>>)
      %dma_start3A_308 = arith.constant 6 : i32
      %dma_start3A_309 = arith.constant 0 : i32
      %dma_start3A_310 = arith.constant 0 : i32
      %dma_start3A_311 = tpu.memref_slice %arg9[%dma_start3A_309, %dma_start3A_310] : memref<256x128xf32, #tpu.memory_space<vmem>> -> memref<128x128xf32, #tpu.memory_space<vmem>>
      %dma_start3A_312 = arith.constant 0 : i32
      %dma_start3A_313 = tpu.memref_slice %arg8[%dma_start3A_308, %dma_start3A_312] : memref<8x128xi32, #tpu.memory_space<vmem>> -> memref<1x128xi32, #tpu.memory_space<vmem>>
      %dma_start3A_314 = tpu.memref_squeeze %dma_start3A_313 : memref<1x128xi32, #tpu.memory_space<vmem>> -> memref<128xi32, #tpu.memory_space<vmem>>
      %dma_start3A_315 = arith.constant 0 : i32
      %dma_start3A_316 = arith.constant 0 : i32
      %dma_start3A_317 = tpu.memref_slice %arg6[%dma_start3A_315, %dma_start3A_316] : memref<10112x128xf32, #tpu.memory_space<vmem_shared>> -> memref<10112x128xf32, #tpu.memory_space<vmem_shared>>
      tpu.enqueue_indirect_dma source(%dma_start3A_311 : memref<128x128xf32, #tpu.memory_space<vmem>>) target(%dma_start3A_317 : memref<10112x128xf32, #tpu.memory_space<vmem_shared>>) offsets(%dma_start3A_314 : memref<128xi32, #tpu.memory_space<vmem>>) semaphore(%arg11 : memref<!tpu.dma_semaphore, #tpu.memory_space<semaphore_mem>>) {add = true}
      %dma_start3A_318 = arith.constant 7 : i32
      %dma_start3A_319 = arith.constant 128 : i32
      %dma_start3A_320 = arith.constant 0 : i32
      %dma_start3A_321 = tpu.memref_slice %arg9[%dma_start3A_319, %dma_start3A_320] : memref<256x128xf32, #tpu.memory_space<vmem>> -> memref<128x128xf32, #tpu.memory_space<vmem>>
      %dma_start3A_322 = arith.constant 0 : i32
      %dma_start3A_323 = tpu.memref_slice %arg7[%dma_start3A_318, %dma_start3A_322] : memref<8x128xi32, #tpu.memory_space<vmem>> -> memref<1x128xi32, #tpu.memory_space<vmem>>
      %dma_start3A_324 = tpu.memref_squeeze %dma_start3A_323 : memref<1x128xi32, #tpu.memory_space<vmem>> -> memref<128xi32, #tpu.memory_space<vmem>>
      %dma_start3A_325 = arith.constant 0 : i32
      %dma_start3A_326 = arith.constant 0 : i32
      %dma_start3A_327 = tpu.memref_slice %arg2[%dma_start3A_325, %dma_start3A_326] : memref<10000x128xf32, #tpu.memory_space<hbm>> -> memref<10000x128xf32, #tpu.memory_space<hbm>>
      tpu.enqueue_indirect_dma source(%dma_start3A_327 : memref<10000x128xf32, #tpu.memory_space<hbm>>) target(%dma_start3A_321 : memref<128x128xf32, #tpu.memory_space<vmem>>) offsets(%dma_start3A_324 : memref<128xi32, #tpu.memory_space<vmem>>) semaphore(%arg10 : memref<!tpu.dma_semaphore, #tpu.memory_space<semaphore_mem>>)
      %dma_wait3A_328 = arith.constant 7 : i32
      %dma_wait3A_329 = arith.constant 128 : i32
      %dma_wait3A_330 = arith.constant 0 : i32
      %dma_wait3A_331 = tpu.memref_slice %arg9[%dma_wait3A_329, %dma_wait3A_330] : memref<256x128xf32, #tpu.memory_space<vmem>> -> memref<128x128xf32, #tpu.memory_space<vmem>>
      %dma_wait3A_332 = arith.constant 0 : i32
      %dma_wait3A_333 = tpu.memref_slice %arg7[%dma_wait3A_328, %dma_wait3A_332] : memref<8x128xi32, #tpu.memory_space<vmem>> -> memref<1x128xi32, #tpu.memory_space<vmem>>
      %dma_wait3A_334 = tpu.memref_squeeze %dma_wait3A_333 : memref<1x128xi32, #tpu.memory_space<vmem>> -> memref<128xi32, #tpu.memory_space<vmem>>
      %dma_wait3A_335 = arith.constant 0 : i32
      %dma_wait3A_336 = arith.constant 0 : i32
      %dma_wait3A_337 = tpu.memref_slice %arg2[%dma_wait3A_335, %dma_wait3A_336] : memref<10000x128xf32, #tpu.memory_space<hbm>> -> memref<10000x128xf32, #tpu.memory_space<hbm>>
      tpu.wait_indirect_dma semaphore(%arg10 : memref<!tpu.dma_semaphore, #tpu.memory_space<semaphore_mem>>) src(%dma_wait3A_337 : memref<10000x128xf32, #tpu.memory_space<hbm>>) dst(%dma_wait3A_331 : memref<128x128xf32, #tpu.memory_space<vmem>>)
      %dma_wait3A_338 = arith.constant 6 : i32
      %dma_wait3A_339 = arith.constant 0 : i32
      %dma_wait3A_340 = arith.constant 0 : i32
      %dma_wait3A_341 = tpu.memref_slice %arg9[%dma_wait3A_339, %dma_wait3A_340] : memref<256x128xf32, #tpu.memory_space<vmem>> -> memref<128x128xf32, #tpu.memory_space<vmem>>
      %dma_wait3A_342 = arith.constant 0 : i32
      %dma_wait3A_343 = tpu.memref_slice %arg8[%dma_wait3A_338, %dma_wait3A_342] : memref<8x128xi32, #tpu.memory_space<vmem>> -> memref<1x128xi32, #tpu.memory_space<vmem>>
      %dma_wait3A_344 = tpu.memref_squeeze %dma_wait3A_343 : memref<1x128xi32, #tpu.memory_space<vmem>> -> memref<128xi32, #tpu.memory_space<vmem>>
      %dma_wait3A_345 = arith.constant 0 : i32
      %dma_wait3A_346 = arith.constant 0 : i32
      %dma_wait3A_347 = tpu.memref_slice %arg6[%dma_wait3A_345, %dma_wait3A_346] : memref<10112x128xf32, #tpu.memory_space<vmem_shared>> -> memref<10112x128xf32, #tpu.memory_space<vmem_shared>>
      tpu.wait_indirect_dma semaphore(%arg11 : memref<!tpu.dma_semaphore, #tpu.memory_space<semaphore_mem>>) src(%dma_wait3A_341 : memref<128x128xf32, #tpu.memory_space<vmem>>) dst(%dma_wait3A_347 : memref<10112x128xf32, #tpu.memory_space<vmem_shared>>)
      %dma_start3A_348 = arith.constant 7 : i32
      %dma_start3A_349 = arith.constant 128 : i32
      %dma_start3A_350 = arith.constant 0 : i32
      %dma_start3A_351 = tpu.memref_slice %arg9[%dma_start3A_349, %dma_start3A_350] : memref<256x128xf32, #tpu.memory_space<vmem>> -> memref<128x128xf32, #tpu.memory_space<vmem>>
      %dma_start3A_352 = arith.constant 0 : i32
      %dma_start3A_353 = tpu.memref_slice %arg8[%dma_start3A_348, %dma_start3A_352] : memref<8x128xi32, #tpu.memory_space<vmem>> -> memref<1x128xi32, #tpu.memory_space<vmem>>
      %dma_start3A_354 = tpu.memref_squeeze %dma_start3A_353 : memref<1x128xi32, #tpu.memory_space<vmem>> -> memref<128xi32, #tpu.memory_space<vmem>>
      %dma_start3A_355 = arith.constant 0 : i32
      %dma_start3A_356 = arith.constant 0 : i32
      %dma_start3A_357 = tpu.memref_slice %arg6[%dma_start3A_355, %dma_start3A_356] : memref<10112x128xf32, #tpu.memory_space<vmem_shared>> -> memref<10112x128xf32, #tpu.memory_space<vmem_shared>>
      tpu.enqueue_indirect_dma source(%dma_start3A_351 : memref<128x128xf32, #tpu.memory_space<vmem>>) target(%dma_start3A_357 : memref<10112x128xf32, #tpu.memory_space<vmem_shared>>) offsets(%dma_start3A_354 : memref<128xi32, #tpu.memory_space<vmem>>) semaphore(%arg11 : memref<!tpu.dma_semaphore, #tpu.memory_space<semaphore_mem>>) {add = true}
      %dma_wait3A_358 = arith.constant 7 : i32
      %dma_wait3A_359 = arith.constant 128 : i32
      %dma_wait3A_360 = arith.constant 0 : i32
      %dma_wait3A_361 = tpu.memref_slice %arg9[%dma_wait3A_359, %dma_wait3A_360] : memref<256x128xf32, #tpu.memory_space<vmem>> -> memref<128x128xf32, #tpu.memory_space<vmem>>
      %dma_wait3A_362 = arith.constant 0 : i32
      %dma_wait3A_363 = tpu.memref_slice %arg8[%dma_wait3A_358, %dma_wait3A_362] : memref<8x128xi32, #tpu.memory_space<vmem>> -> memref<1x128xi32, #tpu.memory_space<vmem>>
      %dma_wait3A_364 = tpu.memref_squeeze %dma_wait3A_363 : memref<1x128xi32, #tpu.memory_space<vmem>> -> memref<128xi32, #tpu.memory_space<vmem>>
      %dma_wait3A_365 = arith.constant 0 : i32
      %dma_wait3A_366 = arith.constant 0 : i32
      %dma_wait3A_367 = tpu.memref_slice %arg6[%dma_wait3A_365, %dma_wait3A_366] : memref<10112x128xf32, #tpu.memory_space<vmem_shared>> -> memref<10112x128xf32, #tpu.memory_space<vmem_shared>>
      tpu.wait_indirect_dma semaphore(%arg11 : memref<!tpu.dma_semaphore, #tpu.memory_space<semaphore_mem>>) src(%dma_wait3A_361 : memref<128x128xf32, #tpu.memory_space<vmem>>) dst(%dma_wait3A_367 : memref<10112x128xf32, #tpu.memory_space<vmem_shared>>)
      %scan3A_368 = arith.constant 0 : i32
      scf.yield %scan3A_368 : i32
    }
    %scan3A_24 = arith.constant 10 : i32
    %barrier3A_25 = arith.constant 0 : index
    tpu.barrier barrier_id(%barrier3A_25)
    %mul3A_26 = arith.constant 624 : i32
    %mul3A_27 = arith.muli %arg1, %mul3A_26 : i32
    %mul3A_28 = arith.constant 10000 : i32
    %mul3A_29 = arith.muli %arg0, %mul3A_28 : i32
    %add3A_30 = arith.addi %mul3A_29, %mul3A_27 : i32
    %add3A_31 = arith.constant 0 : i32
    %add3A_32 = arith.addi %mul3A_27, %add3A_31 : i32
    "tpu.region"() ({
      %run_scoped3A = tpu.sem_alloc : memref<!tpu.dma_semaphore, #tpu.memory_space<semaphore_mem>>
      %dma_start3A = arith.constant 0 : i32
      %dma_start3A_45 = tpu.memref_slice %arg6[%add3A_32, %dma_start3A] : memref<10112x128xf32, #tpu.memory_space<vmem_shared>> -> memref<256x128xf32, #tpu.memory_space<vmem_shared>>
      %dma_start3A_46 = arith.constant 0 : i32
      %dma_start3A_47 = tpu.memref_slice %arg6[%add3A_32, %dma_start3A_46] : memref<10112x128xf32, #tpu.memory_space<vmem_shared>> -> memref<256x128xf32, #tpu.memory_space<vmem_shared>>
      tpu.enqueue_dma source(%dma_start3A_47 : memref<256x128xf32, #tpu.memory_space<vmem_shared>>) target(%arg9 : memref<256x128xf32, #tpu.memory_space<vmem>>) target_semaphore(%run_scoped3A : memref<!tpu.dma_semaphore, #tpu.memory_space<semaphore_mem>>)
      %dma_wait3A = arith.constant 0 : i32
      %dma_wait3A_48 = tpu.memref_slice %arg6[%add3A_32, %dma_wait3A] : memref<10112x128xf32, #tpu.memory_space<vmem_shared>> -> memref<256x128xf32, #tpu.memory_space<vmem_shared>>
      %dma_wait3A_49 = arith.constant 0 : i32
      %dma_wait3A_50 = tpu.memref_slice %arg6[%add3A_32, %dma_wait3A_49] : memref<10112x128xf32, #tpu.memory_space<vmem_shared>> -> memref<256x128xf32, #tpu.memory_space<vmem_shared>>
      tpu.wait_dma2 semaphore(%run_scoped3A : memref<!tpu.dma_semaphore, #tpu.memory_space<semaphore_mem>>) src(%dma_wait3A_50 : memref<256x128xf32, #tpu.memory_space<vmem_shared>>) dst(%arg9 : memref<256x128xf32, #tpu.memory_space<vmem>>)
      tpu.yield
    }) : () -> ()
    %add3A_33 = arith.constant 0 : i32
    %add3A_34 = arith.addi %add3A_30, %add3A_33 : i32
    "tpu.region"() ({
      %run_scoped3A = tpu.sem_alloc : memref<!tpu.dma_semaphore, #tpu.memory_space<semaphore_mem>>
      %dma_start3A = arith.constant 0 : i32
      %dma_start3A_45 = tpu.memref_slice %arg5[%add3A_34, %dma_start3A] : memref<20000x128xf32, #tpu.memory_space<hbm>> -> memref<256x128xf32, #tpu.memory_space<hbm>>
      %dma_start3A_46 = arith.constant 0 : i32
      %dma_start3A_47 = tpu.memref_slice %arg5[%add3A_34, %dma_start3A_46] : memref<20000x128xf32, #tpu.memory_space<hbm>> -> memref<256x128xf32, #tpu.memory_space<hbm>>
      tpu.enqueue_dma source(%arg9 : memref<256x128xf32, #tpu.memory_space<vmem>>) target(%dma_start3A_47 : memref<256x128xf32, #tpu.memory_space<hbm>>) target_semaphore(%run_scoped3A : memref<!tpu.dma_semaphore, #tpu.memory_space<semaphore_mem>>)
      %dma_wait3A = arith.constant 0 : i32
      %dma_wait3A_48 = tpu.memref_slice %arg5[%add3A_34, %dma_wait3A] : memref<20000x128xf32, #tpu.memory_space<hbm>> -> memref<256x128xf32, #tpu.memory_space<hbm>>
      %dma_wait3A_49 = arith.constant 0 : i32
      %dma_wait3A_50 = tpu.memref_slice %arg5[%add3A_34, %dma_wait3A_49] : memref<20000x128xf32, #tpu.memory_space<hbm>> -> memref<256x128xf32, #tpu.memory_space<hbm>>
      tpu.wait_dma2 semaphore(%run_scoped3A : memref<!tpu.dma_semaphore, #tpu.memory_space<semaphore_mem>>) src(%arg9 : memref<256x128xf32, #tpu.memory_space<vmem>>) dst(%dma_wait3A_50 : memref<256x128xf32, #tpu.memory_space<hbm>>)
      tpu.yield
    }) : () -> ()
    %add3A_35 = arith.constant 256 : i32
    %add3A_36 = arith.addi %mul3A_27, %add3A_35 : i32
    "tpu.region"() ({
      %run_scoped3A = tpu.sem_alloc : memref<!tpu.dma_semaphore, #tpu.memory_space<semaphore_mem>>
      %dma_start3A = arith.constant 0 : i32
      %dma_start3A_45 = tpu.memref_slice %arg6[%add3A_36, %dma_start3A] : memref<10112x128xf32, #tpu.memory_space<vmem_shared>> -> memref<256x128xf32, #tpu.memory_space<vmem_shared>>
      %dma_start3A_46 = arith.constant 0 : i32
      %dma_start3A_47 = tpu.memref_slice %arg6[%add3A_36, %dma_start3A_46] : memref<10112x128xf32, #tpu.memory_space<vmem_shared>> -> memref<256x128xf32, #tpu.memory_space<vmem_shared>>
      tpu.enqueue_dma source(%dma_start3A_47 : memref<256x128xf32, #tpu.memory_space<vmem_shared>>) target(%arg9 : memref<256x128xf32, #tpu.memory_space<vmem>>) target_semaphore(%run_scoped3A : memref<!tpu.dma_semaphore, #tpu.memory_space<semaphore_mem>>)
      %dma_wait3A = arith.constant 0 : i32
      %dma_wait3A_48 = tpu.memref_slice %arg6[%add3A_36, %dma_wait3A] : memref<10112x128xf32, #tpu.memory_space<vmem_shared>> -> memref<256x128xf32, #tpu.memory_space<vmem_shared>>
      %dma_wait3A_49 = arith.constant 0 : i32
      %dma_wait3A_50 = tpu.memref_slice %arg6[%add3A_36, %dma_wait3A_49] : memref<10112x128xf32, #tpu.memory_space<vmem_shared>> -> memref<256x128xf32, #tpu.memory_space<vmem_shared>>
      tpu.wait_dma2 semaphore(%run_scoped3A : memref<!tpu.dma_semaphore, #tpu.memory_space<semaphore_mem>>) src(%dma_wait3A_50 : memref<256x128xf32, #tpu.memory_space<vmem_shared>>) dst(%arg9 : memref<256x128xf32, #tpu.memory_space<vmem>>)
      tpu.yield
    }) : () -> ()
    %add3A_37 = arith.constant 256 : i32
    %add3A_38 = arith.addi %add3A_30, %add3A_37 : i32
    "tpu.region"() ({
      %run_scoped3A = tpu.sem_alloc : memref<!tpu.dma_semaphore, #tpu.memory_space<semaphore_mem>>
      %dma_start3A = arith.constant 0 : i32
      %dma_start3A_45 = tpu.memref_slice %arg5[%add3A_38, %dma_start3A] : memref<20000x128xf32, #tpu.memory_space<hbm>> -> memref<256x128xf32, #tpu.memory_space<hbm>>
      %dma_start3A_46 = arith.constant 0 : i32
      %dma_start3A_47 = tpu.memref_slice %arg5[%add3A_38, %dma_start3A_46] : memref<20000x128xf32, #tpu.memory_space<hbm>> -> memref<256x128xf32, #tpu.memory_space<hbm>>
      tpu.enqueue_dma source(%arg9 : memref<256x128xf32, #tpu.memory_space<vmem>>) target(%dma_start3A_47 : memref<256x128xf32, #tpu.memory_space<hbm>>) target_semaphore(%run_scoped3A : memref<!tpu.dma_semaphore, #tpu.memory_space<semaphore_mem>>)
      %dma_wait3A = arith.constant 0 : i32
      %dma_wait3A_48 = tpu.memref_slice %arg5[%add3A_38, %dma_wait3A] : memref<20000x128xf32, #tpu.memory_space<hbm>> -> memref<256x128xf32, #tpu.memory_space<hbm>>
      %dma_wait3A_49 = arith.constant 0 : i32
      %dma_wait3A_50 = tpu.memref_slice %arg5[%add3A_38, %dma_wait3A_49] : memref<20000x128xf32, #tpu.memory_space<hbm>> -> memref<256x128xf32, #tpu.memory_space<hbm>>
      tpu.wait_dma2 semaphore(%run_scoped3A : memref<!tpu.dma_semaphore, #tpu.memory_space<semaphore_mem>>) src(%arg9 : memref<256x128xf32, #tpu.memory_space<vmem>>) dst(%dma_wait3A_50 : memref<256x128xf32, #tpu.memory_space<hbm>>)
      tpu.yield
    }) : () -> ()
    %add3A_39 = arith.constant 512 : i32
    %add3A_40 = arith.addi %mul3A_27, %add3A_39 : i32
    "tpu.region"() ({
      %run_scoped3A = tpu.sem_alloc : memref<!tpu.dma_semaphore, #tpu.memory_space<semaphore_mem>>
      %dma_start3A = arith.constant 0 : i32
      %dma_start3A_45 = arith.constant 0 : i32
      %dma_start3A_46 = tpu.memref_slice %arg9[%dma_start3A, %dma_start3A_45] : memref<256x128xf32, #tpu.memory_space<vmem>> -> memref<112x128xf32, #tpu.memory_space<vmem>>
      %dma_start3A_47 = arith.constant 0 : i32
      %dma_start3A_48 = tpu.memref_slice %arg6[%add3A_40, %dma_start3A_47] : memref<10112x128xf32, #tpu.memory_space<vmem_shared>> -> memref<112x128xf32, #tpu.memory_space<vmem_shared>>
      %dma_start3A_49 = arith.constant 0 : i32
      %dma_start3A_50 = arith.constant 0 : i32
      %dma_start3A_51 = tpu.memref_slice %arg9[%dma_start3A_49, %dma_start3A_50] : memref<256x128xf32, #tpu.memory_space<vmem>> -> memref<112x128xf32, #tpu.memory_space<vmem>>
      %dma_start3A_52 = arith.constant 0 : i32
      %dma_start3A_53 = tpu.memref_slice %arg6[%add3A_40, %dma_start3A_52] : memref<10112x128xf32, #tpu.memory_space<vmem_shared>> -> memref<112x128xf32, #tpu.memory_space<vmem_shared>>
      tpu.enqueue_dma source(%dma_start3A_53 : memref<112x128xf32, #tpu.memory_space<vmem_shared>>) target(%dma_start3A_51 : memref<112x128xf32, #tpu.memory_space<vmem>>) target_semaphore(%run_scoped3A : memref<!tpu.dma_semaphore, #tpu.memory_space<semaphore_mem>>)
      %dma_wait3A = arith.constant 0 : i32
      %dma_wait3A_54 = arith.constant 0 : i32
      %dma_wait3A_55 = tpu.memref_slice %arg9[%dma_wait3A, %dma_wait3A_54] : memref<256x128xf32, #tpu.memory_space<vmem>> -> memref<112x128xf32, #tpu.memory_space<vmem>>
      %dma_wait3A_56 = arith.constant 0 : i32
      %dma_wait3A_57 = tpu.memref_slice %arg6[%add3A_40, %dma_wait3A_56] : memref<10112x128xf32, #tpu.memory_space<vmem_shared>> -> memref<112x128xf32, #tpu.memory_space<vmem_shared>>
      %dma_wait3A_58 = arith.constant 0 : i32
      %dma_wait3A_59 = arith.constant 0 : i32
      %dma_wait3A_60 = tpu.memref_slice %arg9[%dma_wait3A_58, %dma_wait3A_59] : memref<256x128xf32, #tpu.memory_space<vmem>> -> memref<112x128xf32, #tpu.memory_space<vmem>>
      %dma_wait3A_61 = arith.constant 0 : i32
      %dma_wait3A_62 = tpu.memref_slice %arg6[%add3A_40, %dma_wait3A_61] : memref<10112x128xf32, #tpu.memory_space<vmem_shared>> -> memref<112x128xf32, #tpu.memory_space<vmem_shared>>
      tpu.wait_dma2 semaphore(%run_scoped3A : memref<!tpu.dma_semaphore, #tpu.memory_space<semaphore_mem>>) src(%dma_wait3A_62 : memref<112x128xf32, #tpu.memory_space<vmem_shared>>) dst(%dma_wait3A_60 : memref<112x128xf32, #tpu.memory_space<vmem>>)
      tpu.yield
    }) : () -> ()
    %add3A_41 = arith.constant 512 : i32
    %add3A_42 = arith.addi %add3A_30, %add3A_41 : i32
    "tpu.region"() ({
      %run_scoped3A = tpu.sem_alloc : memref<!tpu.dma_semaphore, #tpu.memory_space<semaphore_mem>>
      %dma_start3A = arith.constant 0 : i32
      %dma_start3A_45 = arith.constant 0 : i32
      %dma_start3A_46 = tpu.memref_slice %arg9[%dma_start3A, %dma_start3A_45] : memref<256x128xf32, #tpu.memory_space<vmem>> -> memref<112x128xf32, #tpu.memory_space<vmem>>
      %dma_start3A_47 = arith.constant 0 : i32
      %dma_start3A_48 = tpu.memref_slice %arg5[%add3A_42, %dma_start3A_47] : memref<20000x128xf32, #tpu.memory_space<hbm>> -> memref<112x128xf32, #tpu.memory_space<hbm>>
      %dma_start3A_49 = arith.constant 0 : i32
      %dma_start3A_50 = tpu.memref_slice %arg5[%add3A_42, %dma_start3A_49] : memref<20000x128xf32, #tpu.memory_space<hbm>> -> memref<112x128xf32, #tpu.memory_space<hbm>>
      %dma_start3A_51 = arith.constant 0 : i32
      %dma_start3A_52 = arith.constant 0 : i32
      %dma_start3A_53 = tpu.memref_slice %arg9[%dma_start3A_51, %dma_start3A_52] : memref<256x128xf32, #tpu.memory_space<vmem>> -> memref<112x128xf32, #tpu.memory_space<vmem>>
      tpu.enqueue_dma source(%dma_start3A_53 : memref<112x128xf32, #tpu.memory_space<vmem>>) target(%dma_start3A_50 : memref<112x128xf32, #tpu.memory_space<hbm>>) target_semaphore(%run_scoped3A : memref<!tpu.dma_semaphore, #tpu.memory_space<semaphore_mem>>)
      %dma_wait3A = arith.constant 0 : i32
      %dma_wait3A_54 = arith.constant 0 : i32
      %dma_wait3A_55 = tpu.memref_slice %arg9[%dma_wait3A, %dma_wait3A_54] : memref<256x128xf32, #tpu.memory_space<vmem>> -> memref<112x128xf32, #tpu.memory_space<vmem>>
      %dma_wait3A_56 = arith.constant 0 : i32
      %dma_wait3A_57 = tpu.memref_slice %arg5[%add3A_42, %dma_wait3A_56] : memref<20000x128xf32, #tpu.memory_space<hbm>> -> memref<112x128xf32, #tpu.memory_space<hbm>>
      %dma_wait3A_58 = arith.constant 0 : i32
      %dma_wait3A_59 = tpu.memref_slice %arg5[%add3A_42, %dma_wait3A_58] : memref<20000x128xf32, #tpu.memory_space<hbm>> -> memref<112x128xf32, #tpu.memory_space<hbm>>
      %dma_wait3A_60 = arith.constant 0 : i32
      %dma_wait3A_61 = arith.constant 0 : i32
      %dma_wait3A_62 = tpu.memref_slice %arg9[%dma_wait3A_60, %dma_wait3A_61] : memref<256x128xf32, #tpu.memory_space<vmem>> -> memref<112x128xf32, #tpu.memory_space<vmem>>
      tpu.wait_dma2 semaphore(%run_scoped3A : memref<!tpu.dma_semaphore, #tpu.memory_space<semaphore_mem>>) src(%dma_wait3A_62 : memref<112x128xf32, #tpu.memory_space<vmem>>) dst(%dma_wait3A_59 : memref<112x128xf32, #tpu.memory_space<hbm>>)
      tpu.yield
    }) : () -> ()
    %eq3A = arith.constant 0 : i32
    %eq3A_43 = arith.cmpi eq, %arg1, %eq3A : i32
    %convert_element_type3A = arith.extui %eq3A_43 : i1 to i32
    %cond3A = arith.constant 0 : i32
    %cond3A_44 = arith.cmpi ne, %convert_element_type3A, %cond3A : i32
    scf.if %cond3A_44 {
      %mul3A_45 = arith.constant 10000 : i32
      %mul3A_46 = arith.muli %arg0, %mul3A_45 : i32
      %add3A_47 = arith.constant 9984 : i32
      %add3A_48 = arith.addi %mul3A_46, %add3A_47 : i32
      "tpu.region"() ({
        %run_scoped3A = tpu.sem_alloc : memref<!tpu.dma_semaphore, #tpu.memory_space<semaphore_mem>>
        %dma_start3A = arith.constant 0 : i32
        %dma_start3A_51 = arith.constant 0 : i32
        %dma_start3A_52 = tpu.memref_slice %arg9[%dma_start3A, %dma_start3A_51] : memref<256x128xf32, #tpu.memory_space<vmem>> -> memref<16x128xf32, #tpu.memory_space<vmem>>
        %dma_start3A_53 = arith.constant 9984 : i32
        %dma_start3A_54 = arith.constant 0 : i32
        %dma_start3A_55 = tpu.memref_slice %arg6[%dma_start3A_53, %dma_start3A_54] : memref<10112x128xf32, #tpu.memory_space<vmem_shared>> -> memref<16x128xf32, #tpu.memory_space<vmem_shared>>
        %dma_start3A_56 = arith.constant 0 : i32
        %dma_start3A_57 = arith.constant 0 : i32
        %dma_start3A_58 = tpu.memref_slice %arg9[%dma_start3A_56, %dma_start3A_57] : memref<256x128xf32, #tpu.memory_space<vmem>> -> memref<16x128xf32, #tpu.memory_space<vmem>>
        %dma_start3A_59 = arith.constant 9984 : i32
        %dma_start3A_60 = arith.constant 0 : i32
        %dma_start3A_61 = tpu.memref_slice %arg6[%dma_start3A_59, %dma_start3A_60] : memref<10112x128xf32, #tpu.memory_space<vmem_shared>> -> memref<16x128xf32, #tpu.memory_space<vmem_shared>>
        tpu.enqueue_dma source(%dma_start3A_61 : memref<16x128xf32, #tpu.memory_space<vmem_shared>>) target(%dma_start3A_58 : memref<16x128xf32, #tpu.memory_space<vmem>>) target_semaphore(%run_scoped3A : memref<!tpu.dma_semaphore, #tpu.memory_space<semaphore_mem>>)
        %dma_wait3A = arith.constant 0 : i32
        %dma_wait3A_62 = arith.constant 0 : i32
        %dma_wait3A_63 = tpu.memref_slice %arg9[%dma_wait3A, %dma_wait3A_62] : memref<256x128xf32, #tpu.memory_space<vmem>> -> memref<16x128xf32, #tpu.memory_space<vmem>>
        %dma_wait3A_64 = arith.constant 9984 : i32
        %dma_wait3A_65 = arith.constant 0 : i32
        %dma_wait3A_66 = tpu.memref_slice %arg6[%dma_wait3A_64, %dma_wait3A_65] : memref<10112x128xf32, #tpu.memory_space<vmem_shared>> -> memref<16x128xf32, #tpu.memory_space<vmem_shared>>
        %dma_wait3A_67 = arith.constant 0 : i32
        %dma_wait3A_68 = arith.constant 0 : i32
        %dma_wait3A_69 = tpu.memref_slice %arg9[%dma_wait3A_67, %dma_wait3A_68] : memref<256x128xf32, #tpu.memory_space<vmem>> -> memref<16x128xf32, #tpu.memory_space<vmem>>
        %dma_wait3A_70 = arith.constant 9984 : i32
        %dma_wait3A_71 = arith.constant 0 : i32
        %dma_wait3A_72 = tpu.memref_slice %arg6[%dma_wait3A_70, %dma_wait3A_71] : memref<10112x128xf32, #tpu.memory_space<vmem_shared>> -> memref<16x128xf32, #tpu.memory_space<vmem_shared>>
        tpu.wait_dma2 semaphore(%run_scoped3A : memref<!tpu.dma_semaphore, #tpu.memory_space<semaphore_mem>>) src(%dma_wait3A_72 : memref<16x128xf32, #tpu.memory_space<vmem_shared>>) dst(%dma_wait3A_69 : memref<16x128xf32, #tpu.memory_space<vmem>>)
        tpu.yield
      }) : () -> ()
      %add3A_49 = arith.constant 0 : i32
      %add3A_50 = arith.addi %add3A_48, %add3A_49 : i32
      "tpu.region"() ({
        %run_scoped3A = tpu.sem_alloc : memref<!tpu.dma_semaphore, #tpu.memory_space<semaphore_mem>>
        %dma_start3A = arith.constant 0 : i32
        %dma_start3A_51 = arith.constant 0 : i32
        %dma_start3A_52 = tpu.memref_slice %arg9[%dma_start3A, %dma_start3A_51] : memref<256x128xf32, #tpu.memory_space<vmem>> -> memref<16x128xf32, #tpu.memory_space<vmem>>
        %dma_start3A_53 = arith.constant 0 : i32
        %dma_start3A_54 = tpu.memref_slice %arg5[%add3A_50, %dma_start3A_53] : memref<20000x128xf32, #tpu.memory_space<hbm>> -> memref<16x128xf32, #tpu.memory_space<hbm>>
        %dma_start3A_55 = arith.constant 0 : i32
        %dma_start3A_56 = tpu.memref_slice %arg5[%add3A_50, %dma_start3A_55] : memref<20000x128xf32, #tpu.memory_space<hbm>> -> memref<16x128xf32, #tpu.memory_space<hbm>>
        %dma_start3A_57 = arith.constant 0 : i32
        %dma_start3A_58 = arith.constant 0 : i32
        %dma_start3A_59 = tpu.memref_slice %arg9[%dma_start3A_57, %dma_start3A_58] : memref<256x128xf32, #tpu.memory_space<vmem>> -> memref<16x128xf32, #tpu.memory_space<vmem>>
        tpu.enqueue_dma source(%dma_start3A_59 : memref<16x128xf32, #tpu.memory_space<vmem>>) target(%dma_start3A_56 : memref<16x128xf32, #tpu.memory_space<hbm>>) target_semaphore(%run_scoped3A : memref<!tpu.dma_semaphore, #tpu.memory_space<semaphore_mem>>)
        %dma_wait3A = arith.constant 0 : i32
        %dma_wait3A_60 = arith.constant 0 : i32
        %dma_wait3A_61 = tpu.memref_slice %arg9[%dma_wait3A, %dma_wait3A_60] : memref<256x128xf32, #tpu.memory_space<vmem>> -> memref<16x128xf32, #tpu.memory_space<vmem>>
        %dma_wait3A_62 = arith.constant 0 : i32
        %dma_wait3A_63 = tpu.memref_slice %arg5[%add3A_50, %dma_wait3A_62] : memref<20000x128xf32, #tpu.memory_space<hbm>> -> memref<16x128xf32, #tpu.memory_space<hbm>>
        %dma_wait3A_64 = arith.constant 0 : i32
        %dma_wait3A_65 = tpu.memref_slice %arg5[%add3A_50, %dma_wait3A_64] : memref<20000x128xf32, #tpu.memory_space<hbm>> -> memref<16x128xf32, #tpu.memory_space<hbm>>
        %dma_wait3A_66 = arith.constant 0 : i32
        %dma_wait3A_67 = arith.constant 0 : i32
        %dma_wait3A_68 = tpu.memref_slice %arg9[%dma_wait3A_66, %dma_wait3A_67] : memref<256x128xf32, #tpu.memory_space<vmem>> -> memref<16x128xf32, #tpu.memory_space<vmem>>
        tpu.wait_dma2 semaphore(%run_scoped3A : memref<!tpu.dma_semaphore, #tpu.memory_space<semaphore_mem>>) src(%dma_wait3A_68 : memref<16x128xf32, #tpu.memory_space<vmem>>) dst(%dma_wait3A_65 : memref<16x128xf32, #tpu.memory_space<hbm>>)
        tpu.yield
      }) : () -> ()
    } else {
    }
    return
  }
}

#map = affine_map<(d0, d1) -> (0, 0)>
module attributes {stable_mosaic.version = 14 : i64} {
  func.func @body(%arg0: i32, %arg1: i32, %arg2: memref<20000x128xf32, #tpu.memory_space<hbm>>, %arg3: memref<2560x128xi32, #tpu.memory_space<hbm>>, %arg4: memref<2560x128xi32, #tpu.memory_space<hbm>>, %arg5: memref<20000x128xf32, #tpu.memory_space<hbm>>, %arg6: memref<10112x128xf32, #tpu.memory_space<vmem_shared>>, %arg7: memref<8x128xi32, #tpu.memory_space<vmem>>, %arg8: memref<8x128xi32, #tpu.memory_space<vmem>>, %arg9: memref<256x128xf32, #tpu.memory_space<vmem>>, %arg10: memref<!tpu.dma_semaphore, #tpu.memory_space<semaphore_mem>>, %arg11: memref<!tpu.dma_semaphore, #tpu.memory_space<semaphore_mem>>) attributes {dimension_semantics = [#tpu.dimension_semantics<core_parallel>, #tpu.dimension_semantics<subcore_parallel>], iteration_bounds = array<i64: 2, 16>, scalar_prefetch = 0 : i64, scratch_operands = 6 : i64, tpu.core_type = #tpu.core_type<sc_vector_subcore>, window_params = [{transform_indices = #map}, {transform_indices = #map}, {transform_indices = #map}, {transform_indices = #map}]} {
    %broadcast_in_dim3A = arith.constant 0.000000e+00 : f32
    %broadcast_in_dim3A_0 = vector.broadcast %broadcast_in_dim3A : f32 to vector<16xf32>
    %scan3A = arith.constant 0 : i32
    %scan3A_1 = arith.constant 0 : i32
    %scan3A_2 = arith.constant 256 : i32
    %scan3A_3 = arith.addi %scan3A_1, %scan3A_2 : i32
    %scan3A_4 = arith.constant 1 : i32
    %scan3A_5 = scf.for %scan3A_45 = %scan3A_1 to %scan3A_3 step %scan3A_4 iter_args(%scan3A_46 = %scan3A) -> (i32)  : i32 {
      %swap3A = arith.index_cast %scan3A_45 : i32 to index
      %swap3A_47 = arith.constant 0 : index
      %swap3A_48 = tpu.vector_load %arg9[%swap3A, %swap3A_47] {strides = array<i32>} : memref<256x128xf32, #tpu.memory_space<vmem>>, vector<1x16xf32>,
      %swap3A_49 = vector.shape_cast %swap3A_48 : vector<1x16xf32> to vector<16xf32>
      %swap3A_50 = vector.shape_cast %broadcast_in_dim3A_0 : vector<16xf32> to vector<1x16xf32>
      tpu.vector_store %arg9[%swap3A, %swap3A_47], %swap3A_50 {strides = array<i32>} : memref<256x128xf32, #tpu.memory_space<vmem>>, vector<1x16xf32>,
      %swap3A_51 = arith.index_cast %scan3A_45 : i32 to index
      %swap3A_52 = arith.constant 16 : index
      %swap3A_53 = tpu.vector_load %arg9[%swap3A_51, %swap3A_52] {strides = array<i32>} : memref<256x128xf32, #tpu.memory_space<vmem>>, vector<1x16xf32>,
      %swap3A_54 = vector.shape_cast %swap3A_53 : vector<1x16xf32> to vector<16xf32>
      %swap3A_55 = vector.shape_cast %broadcast_in_dim3A_0 : vector<16xf32> to vector<1x16xf32>
      tpu.vector_store %arg9[%swap3A_51, %swap3A_52], %swap3A_55 {strides = array<i32>} : memref<256x128xf32, #tpu.memory_space<vmem>>, vector<1x16xf32>,
      %swap3A_56 = arith.index_cast %scan3A_45 : i32 to index
      %swap3A_57 = arith.constant 32 : index
      %swap3A_58 = tpu.vector_load %arg9[%swap3A_56, %swap3A_57] {strides = array<i32>} : memref<256x128xf32, #tpu.memory_space<vmem>>, vector<1x16xf32>,
      %swap3A_59 = vector.shape_cast %swap3A_58 : vector<1x16xf32> to vector<16xf32>
      %swap3A_60 = vector.shape_cast %broadcast_in_dim3A_0 : vector<16xf32> to vector<1x16xf32>
      tpu.vector_store %arg9[%swap3A_56, %swap3A_57], %swap3A_60 {strides = array<i32>} : memref<256x128xf32, #tpu.memory_space<vmem>>, vector<1x16xf32>,
      %swap3A_61 = arith.index_cast %scan3A_45 : i32 to index
      %swap3A_62 = arith.constant 48 : index
      %swap3A_63 = tpu.vector_load %arg9[%swap3A_61, %swap3A_62] {strides = array<i32>} : memref<256x128xf32, #tpu.memory_space<vmem>>, vector<1x16xf32>,
      %swap3A_64 = vector.shape_cast %swap3A_63 : vector<1x16xf32> to vector<16xf32>
      %swap3A_65 = vector.shape_cast %broadcast_in_dim3A_0 : vector<16xf32> to vector<1x16xf32>
      tpu.vector_store %arg9[%swap3A_61, %swap3A_62], %swap3A_65 {strides = array<i32>} : memref<256x128xf32, #tpu.memory_space<vmem>>, vector<1x16xf32>,
      %swap3A_66 = arith.index_cast %scan3A_45 : i32 to index
      %swap3A_67 = arith.constant 64 : index
      %swap3A_68 = tpu.vector_load %arg9[%swap3A_66, %swap3A_67] {strides = array<i32>} : memref<256x128xf32, #tpu.memory_space<vmem>>, vector<1x16xf32>,
      %swap3A_69 = vector.shape_cast %swap3A_68 : vector<1x16xf32> to vector<16xf32>
      %swap3A_70 = vector.shape_cast %broadcast_in_dim3A_0 : vector<16xf32> to vector<1x16xf32>
      tpu.vector_store %arg9[%swap3A_66, %swap3A_67], %swap3A_70 {strides = array<i32>} : memref<256x128xf32, #tpu.memory_space<vmem>>, vector<1x16xf32>,
      %swap3A_71 = arith.index_cast %scan3A_45 : i32 to index
      %swap3A_72 = arith.constant 80 : index
      %swap3A_73 = tpu.vector_load %arg9[%swap3A_71, %swap3A_72] {strides = array<i32>} : memref<256x128xf32, #tpu.memory_space<vmem>>, vector<1x16xf32>,
      %swap3A_74 = vector.shape_cast %swap3A_73 : vector<1x16xf32> to vector<16xf32>
      %swap3A_75 = vector.shape_cast %broadcast_in_dim3A_0 : vector<16xf32> to vector<1x16xf32>
      tpu.vector_store %arg9[%swap3A_71, %swap3A_72], %swap3A_75 {strides = array<i32>} : memref<256x128xf32, #tpu.memory_space<vmem>>, vector<1x16xf32>,
      %swap3A_76 = arith.index_cast %scan3A_45 : i32 to index
      %swap3A_77 = arith.constant 96 : index
      %swap3A_78 = tpu.vector_load %arg9[%swap3A_76, %swap3A_77] {strides = array<i32>} : memref<256x128xf32, #tpu.memory_space<vmem>>, vector<1x16xf32>,
      %swap3A_79 = vector.shape_cast %swap3A_78 : vector<1x16xf32> to vector<16xf32>
      %swap3A_80 = vector.shape_cast %broadcast_in_dim3A_0 : vector<16xf32> to vector<1x16xf32>
      tpu.vector_store %arg9[%swap3A_76, %swap3A_77], %swap3A_80 {strides = array<i32>} : memref<256x128xf32, #tpu.memory_space<vmem>>, vector<1x16xf32>,
      %swap3A_81 = arith.index_cast %scan3A_45 : i32 to index
      %swap3A_82 = arith.constant 112 : index
      %swap3A_83 = tpu.vector_load %arg9[%swap3A_81, %swap3A_82] {strides = array<i32>} : memref<256x128xf32, #tpu.memory_space<vmem>>, vector<1x16xf32>,
      %swap3A_84 = vector.shape_cast %swap3A_83 : vector<1x16xf32> to vector<16xf32>
      %swap3A_85 = vector.shape_cast %broadcast_in_dim3A_0 : vector<16xf32> to vector<1x16xf32>
      tpu.vector_store %arg9[%swap3A_81, %swap3A_82], %swap3A_85 {strides = array<i32>} : memref<256x128xf32, #tpu.memory_space<vmem>>, vector<1x16xf32>,
      %scan3A_86 = arith.constant 0 : i32
      scf.yield %scan3A_86 : i32
    }
    %scan3A_6 = arith.constant 256 : i32
    %mul3A = arith.constant 632 : i32
    %mul3A_7 = arith.muli %arg1, %mul3A : i32
    %add3A = arith.constant 0 : i32
    %add3A_8 = arith.addi %mul3A_7, %add3A : i32
    "tpu.region"() ({
      %run_scoped3A = tpu.sem_alloc : memref<!tpu.dma_semaphore, #tpu.memory_space<semaphore_mem>>
      %dma_start3A = arith.constant 0 : i32
      %dma_start3A_45 = tpu.memref_slice %arg6[%add3A_8, %dma_start3A] : memref<10112x128xf32, #tpu.memory_space<vmem_shared>> -> memref<256x128xf32, #tpu.memory_space<vmem_shared>>
      %dma_start3A_46 = arith.constant 0 : i32
      %dma_start3A_47 = tpu.memref_slice %arg6[%add3A_8, %dma_start3A_46] : memref<10112x128xf32, #tpu.memory_space<vmem_shared>> -> memref<256x128xf32, #tpu.memory_space<vmem_shared>>
      tpu.enqueue_dma source(%arg9 : memref<256x128xf32, #tpu.memory_space<vmem>>) target(%dma_start3A_47 : memref<256x128xf32, #tpu.memory_space<vmem_shared>>) target_semaphore(%run_scoped3A : memref<!tpu.dma_semaphore, #tpu.memory_space<semaphore_mem>>)
      %dma_wait3A = arith.constant 0 : i32
      %dma_wait3A_48 = tpu.memref_slice %arg6[%add3A_8, %dma_wait3A] : memref<10112x128xf32, #tpu.memory_space<vmem_shared>> -> memref<256x128xf32, #tpu.memory_space<vmem_shared>>
      %dma_wait3A_49 = arith.constant 0 : i32
      %dma_wait3A_50 = tpu.memref_slice %arg6[%add3A_8, %dma_wait3A_49] : memref<10112x128xf32, #tpu.memory_space<vmem_shared>> -> memref<256x128xf32, #tpu.memory_space<vmem_shared>>
      tpu.wait_dma2 semaphore(%run_scoped3A : memref<!tpu.dma_semaphore, #tpu.memory_space<semaphore_mem>>) src(%arg9 : memref<256x128xf32, #tpu.memory_space<vmem>>) dst(%dma_wait3A_50 : memref<256x128xf32, #tpu.memory_space<vmem_shared>>)
      tpu.yield
    }) : () -> ()
    %add3A_9 = arith.constant 256 : i32
    %add3A_10 = arith.addi %mul3A_7, %add3A_9 : i32
    "tpu.region"() ({
      %run_scoped3A = tpu.sem_alloc : memref<!tpu.dma_semaphore, #tpu.memory_space<semaphore_mem>>
      %dma_start3A = arith.constant 0 : i32
      %dma_start3A_45 = tpu.memref_slice %arg6[%add3A_10, %dma_start3A] : memref<10112x128xf32, #tpu.memory_space<vmem_shared>> -> memref<256x128xf32, #tpu.memory_space<vmem_shared>>
      %dma_start3A_46 = arith.constant 0 : i32
      %dma_start3A_47 = tpu.memref_slice %arg6[%add3A_10, %dma_start3A_46] : memref<10112x128xf32, #tpu.memory_space<vmem_shared>> -> memref<256x128xf32, #tpu.memory_space<vmem_shared>>
      tpu.enqueue_dma source(%arg9 : memref<256x128xf32, #tpu.memory_space<vmem>>) target(%dma_start3A_47 : memref<256x128xf32, #tpu.memory_space<vmem_shared>>) target_semaphore(%run_scoped3A : memref<!tpu.dma_semaphore, #tpu.memory_space<semaphore_mem>>)
      %dma_wait3A = arith.constant 0 : i32
      %dma_wait3A_48 = tpu.memref_slice %arg6[%add3A_10, %dma_wait3A] : memref<10112x128xf32, #tpu.memory_space<vmem_shared>> -> memref<256x128xf32, #tpu.memory_space<vmem_shared>>
      %dma_wait3A_49 = arith.constant 0 : i32
      %dma_wait3A_50 = tpu.memref_slice %arg6[%add3A_10, %dma_wait3A_49] : memref<10112x128xf32, #tpu.memory_space<vmem_shared>> -> memref<256x128xf32, #tpu.memory_space<vmem_shared>>
      tpu.wait_dma2 semaphore(%run_scoped3A : memref<!tpu.dma_semaphore, #tpu.memory_space<semaphore_mem>>) src(%arg9 : memref<256x128xf32, #tpu.memory_space<vmem>>) dst(%dma_wait3A_50 : memref<256x128xf32, #tpu.memory_space<vmem_shared>>)
      tpu.yield
    }) : () -> ()
    %add3A_11 = arith.constant 512 : i32
    %add3A_12 = arith.addi %mul3A_7, %add3A_11 : i32
    "tpu.region"() ({
      %run_scoped3A = tpu.sem_alloc : memref<!tpu.dma_semaphore, #tpu.memory_space<semaphore_mem>>
      %dma_start3A = arith.constant 0 : i32
      %dma_start3A_45 = arith.constant 0 : i32
      %dma_start3A_46 = tpu.memref_slice %arg9[%dma_start3A, %dma_start3A_45] : memref<256x128xf32, #tpu.memory_space<vmem>> -> memref<120x128xf32, #tpu.memory_space<vmem>>
      %dma_start3A_47 = arith.constant 0 : i32
      %dma_start3A_48 = tpu.memref_slice %arg6[%add3A_12, %dma_start3A_47] : memref<10112x128xf32, #tpu.memory_space<vmem_shared>> -> memref<120x128xf32, #tpu.memory_space<vmem_shared>>
      %dma_start3A_49 = arith.constant 0 : i32
      %dma_start3A_50 = tpu.memref_slice %arg6[%add3A_12, %dma_start3A_49] : memref<10112x128xf32, #tpu.memory_space<vmem_shared>> -> memref<120x128xf32, #tpu.memory_space<vmem_shared>>
      %dma_start3A_51 = arith.constant 0 : i32
      %dma_start3A_52 = arith.constant 0 : i32
      %dma_start3A_53 = tpu.memref_slice %arg9[%dma_start3A_51, %dma_start3A_52] : memref<256x128xf32, #tpu.memory_space<vmem>> -> memref<120x128xf32, #tpu.memory_space<vmem>>
      tpu.enqueue_dma source(%dma_start3A_53 : memref<120x128xf32, #tpu.memory_space<vmem>>) target(%dma_start3A_50 : memref<120x128xf32, #tpu.memory_space<vmem_shared>>) target_semaphore(%run_scoped3A : memref<!tpu.dma_semaphore, #tpu.memory_space<semaphore_mem>>)
      %dma_wait3A = arith.constant 0 : i32
      %dma_wait3A_54 = arith.constant 0 : i32
      %dma_wait3A_55 = tpu.memref_slice %arg9[%dma_wait3A, %dma_wait3A_54] : memref<256x128xf32, #tpu.memory_space<vmem>> -> memref<120x128xf32, #tpu.memory_space<vmem>>
      %dma_wait3A_56 = arith.constant 0 : i32
      %dma_wait3A_57 = tpu.memref_slice %arg6[%add3A_12, %dma_wait3A_56] : memref<10112x128xf32, #tpu.memory_space<vmem_shared>> -> memref<120x128xf32, #tpu.memory_space<vmem_shared>>
      %dma_wait3A_58 = arith.constant 0 : i32
      %dma_wait3A_59 = tpu.memref_slice %arg6[%add3A_12, %dma_wait3A_58] : memref<10112x128xf32, #tpu.memory_space<vmem_shared>> -> memref<120x128xf32, #tpu.memory_space<vmem_shared>>
      %dma_wait3A_60 = arith.constant 0 : i32
      %dma_wait3A_61 = arith.constant 0 : i32
      %dma_wait3A_62 = tpu.memref_slice %arg9[%dma_wait3A_60, %dma_wait3A_61] : memref<256x128xf32, #tpu.memory_space<vmem>> -> memref<120x128xf32, #tpu.memory_space<vmem>>
      tpu.wait_dma2 semaphore(%run_scoped3A : memref<!tpu.dma_semaphore, #tpu.memory_space<semaphore_mem>>) src(%dma_wait3A_62 : memref<120x128xf32, #tpu.memory_space<vmem>>) dst(%dma_wait3A_59 : memref<120x128xf32, #tpu.memory_space<vmem_shared>>)
      tpu.yield
    }) : () -> ()
    %barrier3A = arith.constant 0 : index
    tpu.barrier barrier_id(%barrier3A)
    %mul3A_13 = arith.constant 160 : i32
    %mul3A_14 = arith.muli %arg1, %mul3A_13 : i32
    %mul3A_15 = arith.constant 10000 : i32
    %mul3A_16 = arith.muli %arg0, %mul3A_15 : i32
    %broadcast_in_dim3A_17 = vector.broadcast %mul3A_16 : i32 to vector<16xi32>
    %scan3A_18 = arith.constant 0 : i32
    %scan3A_19 = arith.constant 0 : i32
    %scan3A_20 = arith.constant 20 : i32
    %scan3A_21 = arith.addi %scan3A_19, %scan3A_20 : i32
    %scan3A_22 = arith.constant 1 : i32
    %scan3A_23 = scf.for %scan3A_45 = %scan3A_19 to %scan3A_21 step %scan3A_22 iter_args(%scan3A_46 = %scan3A_18) -> (i32)  : i32 {
      %mul3A_47 = arith.constant 8 : i32
      %mul3A_48 = arith.muli %scan3A_45, %mul3A_47 : i32
      %add3A_49 = arith.addi %mul3A_14, %mul3A_48 : i32
      "tpu.region"() ({
        %run_scoped3A = tpu.sem_alloc : memref<!tpu.dma_semaphore, #tpu.memory_space<semaphore_mem>>
        %dma_start3A_1135 = arith.constant 0 : i32
        %dma_start3A_1136 = tpu.memref_slice %arg3[%add3A_49, %dma_start3A_1135] : memref<2560x128xi32, #tpu.memory_space<hbm>> -> memref<8x128xi32, #tpu.memory_space<hbm>>
        %dma_start3A_1137 = arith.constant 0 : i32
        %dma_start3A_1138 = tpu.memref_slice %arg3[%add3A_49, %dma_start3A_1137] : memref<2560x128xi32, #tpu.memory_space<hbm>> -> memref<8x128xi32, #tpu.memory_space<hbm>>
        tpu.enqueue_dma source(%dma_start3A_1138 : memref<8x128xi32, #tpu.memory_space<hbm>>) target(%arg7 : memref<8x128xi32, #tpu.memory_space<vmem>>) target_semaphore(%run_scoped3A : memref<!tpu.dma_semaphore, #tpu.memory_space<semaphore_mem>>)
        %dma_wait3A_1139 = arith.constant 0 : i32
        %dma_wait3A_1140 = tpu.memref_slice %arg3[%add3A_49, %dma_wait3A_1139] : memref<2560x128xi32, #tpu.memory_space<hbm>> -> memref<8x128xi32, #tpu.memory_space<hbm>>
        %dma_wait3A_1141 = arith.constant 0 : i32
        %dma_wait3A_1142 = tpu.memref_slice %arg3[%add3A_49, %dma_wait3A_1141] : memref<2560x128xi32, #tpu.memory_space<hbm>> -> memref<8x128xi32, #tpu.memory_space<hbm>>
        tpu.wait_dma2 semaphore(%run_scoped3A : memref<!tpu.dma_semaphore, #tpu.memory_space<semaphore_mem>>) src(%dma_wait3A_1142 : memref<8x128xi32, #tpu.memory_space<hbm>>) dst(%arg7 : memref<8x128xi32, #tpu.memory_space<vmem>>)
        tpu.yield
      }) : () -> ()
      "tpu.region"() ({
        %run_scoped3A = tpu.sem_alloc : memref<!tpu.dma_semaphore, #tpu.memory_space<semaphore_mem>>
        %dma_start3A_1135 = arith.constant 0 : i32
        %dma_start3A_1136 = tpu.memref_slice %arg4[%add3A_49, %dma_start3A_1135] : memref<2560x128xi32, #tpu.memory_space<hbm>> -> memref<8x128xi32, #tpu.memory_space<hbm>>
        %dma_start3A_1137 = arith.constant 0 : i32
        %dma_start3A_1138 = tpu.memref_slice %arg4[%add3A_49, %dma_start3A_1137] : memref<2560x128xi32, #tpu.memory_space<hbm>> -> memref<8x128xi32, #tpu.memory_space<hbm>>
        tpu.enqueue_dma source(%dma_start3A_1138 : memref<8x128xi32, #tpu.memory_space<hbm>>) target(%arg8 : memref<8x128xi32, #tpu.memory_space<vmem>>) target_semaphore(%run_scoped3A : memref<!tpu.dma_semaphore, #tpu.memory_space<semaphore_mem>>)
        %dma_wait3A_1139 = arith.constant 0 : i32
        %dma_wait3A_1140 = tpu.memref_slice %arg4[%add3A_49, %dma_wait3A_1139] : memref<2560x128xi32, #tpu.memory_space<hbm>> -> memref<8x128xi32, #tpu.memory_space<hbm>>
        %dma_wait3A_1141 = arith.constant 0 : i32
        %dma_wait3A_1142 = tpu.memref_slice %arg4[%add3A_49, %dma_wait3A_1141] : memref<2560x128xi32, #tpu.memory_space<hbm>> -> memref<8x128xi32, #tpu.memory_space<hbm>>
        tpu.wait_dma2 semaphore(%run_scoped3A : memref<!tpu.dma_semaphore, #tpu.memory_space<semaphore_mem>>) src(%dma_wait3A_1142 : memref<8x128xi32, #tpu.memory_space<hbm>>) dst(%arg8 : memref<8x128xi32, #tpu.memory_space<vmem>>)
        tpu.yield
      }) : () -> ()
      %get3A = arith.constant 0 : i32
      %get3A_50 = arith.index_cast %get3A : i32 to index
      %get3A_51 = arith.constant 0 : index
      %get3A_52 = tpu.vector_load %arg7[%get3A_50, %get3A_51] {strides = array<i32>} : memref<8x128xi32, #tpu.memory_space<vmem>>, vector<1x16xi32>,
      %get3A_53 = vector.shape_cast %get3A_52 : vector<1x16xi32> to vector<16xi32>
      %add3A_54 = arith.addi %get3A_53, %broadcast_in_dim3A_17 : vector<16xi32>
      %swap3A = arith.constant 0 : i32
      %swap3A_55 = arith.index_cast %swap3A : i32 to index
      %swap3A_56 = arith.constant 0 : index
      %swap3A_57 = tpu.vector_load %arg7[%swap3A_55, %swap3A_56] {strides = array<i32>} : memref<8x128xi32, #tpu.memory_space<vmem>>, vector<1x16xi32>,
      %swap3A_58 = vector.shape_cast %swap3A_57 : vector<1x16xi32> to vector<16xi32>
      %swap3A_59 = vector.shape_cast %add3A_54 : vector<16xi32> to vector<1x16xi32>
      tpu.vector_store %arg7[%swap3A_55, %swap3A_56], %swap3A_59 {strides = array<i32>} : memref<8x128xi32, #tpu.memory_space<vmem>>, vector<1x16xi32>,
      %get3A_60 = arith.constant 0 : i32
      %get3A_61 = arith.index_cast %get3A_60 : i32 to index
      %get3A_62 = arith.constant 16 : index
      %get3A_63 = tpu.vector_load %arg7[%get3A_61, %get3A_62] {strides = array<i32>} : memref<8x128xi32, #tpu.memory_space<vmem>>, vector<1x16xi32>,
      %get3A_64 = vector.shape_cast %get3A_63 : vector<1x16xi32> to vector<16xi32>
      %add3A_65 = arith.addi %get3A_64, %broadcast_in_dim3A_17 : vector<16xi32>
      %swap3A_66 = arith.constant 0 : i32
      %swap3A_67 = arith.index_cast %swap3A_66 : i32 to index
      %swap3A_68 = arith.constant 16 : index
      %swap3A_69 = tpu.vector_load %arg7[%swap3A_67, %swap3A_68] {strides = array<i32>} : memref<8x128xi32, #tpu.memory_space<vmem>>, vector<1x16xi32>,
      %swap3A_70 = vector.shape_cast %swap3A_69 : vector<1x16xi32> to vector<16xi32>
      %swap3A_71 = vector.shape_cast %add3A_65 : vector<16xi32> to vector<1x16xi32>
      tpu.vector_store %arg7[%swap3A_67, %swap3A_68], %swap3A_71 {strides = array<i32>} : memref<8x128xi32, #tpu.memory_space<vmem>>, vector<1x16xi32>,
      %get3A_72 = arith.constant 0 : i32
      %get3A_73 = arith.index_cast %get3A_72 : i32 to index
      %get3A_74 = arith.constant 32 : index
      %get3A_75 = tpu.vector_load %arg7[%get3A_73, %get3A_74] {strides = array<i32>} : memref<8x128xi32, #tpu.memory_space<vmem>>, vector<1x16xi32>,
      %get3A_76 = vector.shape_cast %get3A_75 : vector<1x16xi32> to vector<16xi32>
      %add3A_77 = arith.addi %get3A_76, %broadcast_in_dim3A_17 : vector<16xi32>
      %swap3A_78 = arith.constant 0 : i32
      %swap3A_79 = arith.index_cast %swap3A_78 : i32 to index
      %swap3A_80 = arith.constant 32 : index
      %swap3A_81 = tpu.vector_load %arg7[%swap3A_79, %swap3A_80] {strides = array<i32>} : memref<8x128xi32, #tpu.memory_space<vmem>>, vector<1x16xi32>,
      %swap3A_82 = vector.shape_cast %swap3A_81 : vector<1x16xi32> to vector<16xi32>
      %swap3A_83 = vector.shape_cast %add3A_77 : vector<16xi32> to vector<1x16xi32>
      tpu.vector_store %arg7[%swap3A_79, %swap3A_80], %swap3A_83 {strides = array<i32>} : memref<8x128xi32, #tpu.memory_space<vmem>>, vector<1x16xi32>,
      %get3A_84 = arith.constant 0 : i32
      %get3A_85 = arith.index_cast %get3A_84 : i32 to index
      %get3A_86 = arith.constant 48 : index
      %get3A_87 = tpu.vector_load %arg7[%get3A_85, %get3A_86] {strides = array<i32>} : memref<8x128xi32, #tpu.memory_space<vmem>>, vector<1x16xi32>,
      %get3A_88 = vector.shape_cast %get3A_87 : vector<1x16xi32> to vector<16xi32>
      %add3A_89 = arith.addi %get3A_88, %broadcast_in_dim3A_17 : vector<16xi32>
      %swap3A_90 = arith.constant 0 : i32
      %swap3A_91 = arith.index_cast %swap3A_90 : i32 to index
      %swap3A_92 = arith.constant 48 : index
      %swap3A_93 = tpu.vector_load %arg7[%swap3A_91, %swap3A_92] {strides = array<i32>} : memref<8x128xi32, #tpu.memory_space<vmem>>, vector<1x16xi32>,
      %swap3A_94 = vector.shape_cast %swap3A_93 : vector<1x16xi32> to vector<16xi32>
      %swap3A_95 = vector.shape_cast %add3A_89 : vector<16xi32> to vector<1x16xi32>
      tpu.vector_store %arg7[%swap3A_91, %swap3A_92], %swap3A_95 {strides = array<i32>} : memref<8x128xi32, #tpu.memory_space<vmem>>, vector<1x16xi32>,
      %get3A_96 = arith.constant 0 : i32
      %get3A_97 = arith.index_cast %get3A_96 : i32 to index
      %get3A_98 = arith.constant 64 : index
      %get3A_99 = tpu.vector_load %arg7[%get3A_97, %get3A_98] {strides = array<i32>} : memref<8x128xi32, #tpu.memory_space<vmem>>, vector<1x16xi32>,
      %get3A_100 = vector.shape_cast %get3A_99 : vector<1x16xi32> to vector<16xi32>
      %add3A_101 = arith.addi %get3A_100, %broadcast_in_dim3A_17 : vector<16xi32>
      %swap3A_102 = arith.constant 0 : i32
      %swap3A_103 = arith.index_cast %swap3A_102 : i32 to index
      %swap3A_104 = arith.constant 64 : index
      %swap3A_105 = tpu.vector_load %arg7[%swap3A_103, %swap3A_104] {strides = array<i32>} : memref<8x128xi32, #tpu.memory_space<vmem>>, vector<1x16xi32>,
      %swap3A_106 = vector.shape_cast %swap3A_105 : vector<1x16xi32> to vector<16xi32>
      %swap3A_107 = vector.shape_cast %add3A_101 : vector<16xi32> to vector<1x16xi32>
      tpu.vector_store %arg7[%swap3A_103, %swap3A_104], %swap3A_107 {strides = array<i32>} : memref<8x128xi32, #tpu.memory_space<vmem>>, vector<1x16xi32>,
      %get3A_108 = arith.constant 0 : i32
      %get3A_109 = arith.index_cast %get3A_108 : i32 to index
      %get3A_110 = arith.constant 80 : index
      %get3A_111 = tpu.vector_load %arg7[%get3A_109, %get3A_110] {strides = array<i32>} : memref<8x128xi32, #tpu.memory_space<vmem>>, vector<1x16xi32>,
      %get3A_112 = vector.shape_cast %get3A_111 : vector<1x16xi32> to vector<16xi32>
      %add3A_113 = arith.addi %get3A_112, %broadcast_in_dim3A_17 : vector<16xi32>
      %swap3A_114 = arith.constant 0 : i32
      %swap3A_115 = arith.index_cast %swap3A_114 : i32 to index
      %swap3A_116 = arith.constant 80 : index
      %swap3A_117 = tpu.vector_load %arg7[%swap3A_115, %swap3A_116] {strides = array<i32>} : memref<8x128xi32, #tpu.memory_space<vmem>>, vector<1x16xi32>,
      %swap3A_118 = vector.shape_cast %swap3A_117 : vector<1x16xi32> to vector<16xi32>
      %swap3A_119 = vector.shape_cast %add3A_113 : vector<16xi32> to vector<1x16xi32>
      tpu.vector_store %arg7[%swap3A_115, %swap3A_116], %swap3A_119 {strides = array<i32>} : memref<8x128xi32, #tpu.memory_space<vmem>>, vector<1x16xi32>,
      %get3A_120 = arith.constant 0 : i32
      %get3A_121 = arith.index_cast %get3A_120 : i32 to index
      %get3A_122 = arith.constant 96 : index
      %get3A_123 = tpu.vector_load %arg7[%get3A_121, %get3A_122] {strides = array<i32>} : memref<8x128xi32, #tpu.memory_space<vmem>>, vector<1x16xi32>,
      %get3A_124 = vector.shape_cast %get3A_123 : vector<1x16xi32> to vector<16xi32>
      %add3A_125 = arith.addi %get3A_124, %broadcast_in_dim3A_17 : vector<16xi32>
      %swap3A_126 = arith.constant 0 : i32
      %swap3A_127 = arith.index_cast %swap3A_126 : i32 to index
      %swap3A_128 = arith.constant 96 : index
      %swap3A_129 = tpu.vector_load %arg7[%swap3A_127, %swap3A_128] {strides = array<i32>} : memref<8x128xi32, #tpu.memory_space<vmem>>, vector<1x16xi32>,
      %swap3A_130 = vector.shape_cast %swap3A_129 : vector<1x16xi32> to vector<16xi32>
      %swap3A_131 = vector.shape_cast %add3A_125 : vector<16xi32> to vector<1x16xi32>
      tpu.vector_store %arg7[%swap3A_127, %swap3A_128], %swap3A_131 {strides = array<i32>} : memref<8x128xi32, #tpu.memory_space<vmem>>, vector<1x16xi32>,
      %get3A_132 = arith.constant 0 : i32
      %get3A_133 = arith.index_cast %get3A_132 : i32 to index
      %get3A_134 = arith.constant 112 : index
      %get3A_135 = tpu.vector_load %arg7[%get3A_133, %get3A_134] {strides = array<i32>} : memref<8x128xi32, #tpu.memory_space<vmem>>, vector<1x16xi32>,
      %get3A_136 = vector.shape_cast %get3A_135 : vector<1x16xi32> to vector<16xi32>
      %add3A_137 = arith.addi %get3A_136, %broadcast_in_dim3A_17 : vector<16xi32>
      %swap3A_138 = arith.constant 0 : i32
      %swap3A_139 = arith.index_cast %swap3A_138 : i32 to index
      %swap3A_140 = arith.constant 112 : index
      %swap3A_141 = tpu.vector_load %arg7[%swap3A_139, %swap3A_140] {strides = array<i32>} : memref<8x128xi32, #tpu.memory_space<vmem>>, vector<1x16xi32>,
      %swap3A_142 = vector.shape_cast %swap3A_141 : vector<1x16xi32> to vector<16xi32>
      %swap3A_143 = vector.shape_cast %add3A_137 : vector<16xi32> to vector<1x16xi32>
      tpu.vector_store %arg7[%swap3A_139, %swap3A_140], %swap3A_143 {strides = array<i32>} : memref<8x128xi32, #tpu.memory_space<vmem>>, vector<1x16xi32>,
      %get3A_144 = arith.constant 1 : i32
      %get3A_145 = arith.index_cast %get3A_144 : i32 to index
      %get3A_146 = arith.constant 0 : index
      %get3A_147 = tpu.vector_load %arg7[%get3A_145, %get3A_146] {strides = array<i32>} : memref<8x128xi32, #tpu.memory_space<vmem>>, vector<1x16xi32>,
      %get3A_148 = vector.shape_cast %get3A_147 : vector<1x16xi32> to vector<16xi32>
      %add3A_149 = arith.addi %get3A_148, %broadcast_in_dim3A_17 : vector<16xi32>
      %swap3A_150 = arith.constant 1 : i32
      %swap3A_151 = arith.index_cast %swap3A_150 : i32 to index
      %swap3A_152 = arith.constant 0 : index
      %swap3A_153 = tpu.vector_load %arg7[%swap3A_151, %swap3A_152] {strides = array<i32>} : memref<8x128xi32, #tpu.memory_space<vmem>>, vector<1x16xi32>,
      %swap3A_154 = vector.shape_cast %swap3A_153 : vector<1x16xi32> to vector<16xi32>
      %swap3A_155 = vector.shape_cast %add3A_149 : vector<16xi32> to vector<1x16xi32>
      tpu.vector_store %arg7[%swap3A_151, %swap3A_152], %swap3A_155 {strides = array<i32>} : memref<8x128xi32, #tpu.memory_space<vmem>>, vector<1x16xi32>,
      %get3A_156 = arith.constant 1 : i32
      %get3A_157 = arith.index_cast %get3A_156 : i32 to index
      %get3A_158 = arith.constant 16 : index
      %get3A_159 = tpu.vector_load %arg7[%get3A_157, %get3A_158] {strides = array<i32>} : memref<8x128xi32, #tpu.memory_space<vmem>>, vector<1x16xi32>,
      %get3A_160 = vector.shape_cast %get3A_159 : vector<1x16xi32> to vector<16xi32>
      %add3A_161 = arith.addi %get3A_160, %broadcast_in_dim3A_17 : vector<16xi32>
      %swap3A_162 = arith.constant 1 : i32
      %swap3A_163 = arith.index_cast %swap3A_162 : i32 to index
      %swap3A_164 = arith.constant 16 : index
      %swap3A_165 = tpu.vector_load %arg7[%swap3A_163, %swap3A_164] {strides = array<i32>} : memref<8x128xi32, #tpu.memory_space<vmem>>, vector<1x16xi32>,
      %swap3A_166 = vector.shape_cast %swap3A_165 : vector<1x16xi32> to vector<16xi32>
      %swap3A_167 = vector.shape_cast %add3A_161 : vector<16xi32> to vector<1x16xi32>
      tpu.vector_store %arg7[%swap3A_163, %swap3A_164], %swap3A_167 {strides = array<i32>} : memref<8x128xi32, #tpu.memory_space<vmem>>, vector<1x16xi32>,
      %get3A_168 = arith.constant 1 : i32
      %get3A_169 = arith.index_cast %get3A_168 : i32 to index
      %get3A_170 = arith.constant 32 : index
      %get3A_171 = tpu.vector_load %arg7[%get3A_169, %get3A_170] {strides = array<i32>} : memref<8x128xi32, #tpu.memory_space<vmem>>, vector<1x16xi32>,
      %get3A_172 = vector.shape_cast %get3A_171 : vector<1x16xi32> to vector<16xi32>
      %add3A_173 = arith.addi %get3A_172, %broadcast_in_dim3A_17 : vector<16xi32>
      %swap3A_174 = arith.constant 1 : i32
      %swap3A_175 = arith.index_cast %swap3A_174 : i32 to index
      %swap3A_176 = arith.constant 32 : index
      %swap3A_177 = tpu.vector_load %arg7[%swap3A_175, %swap3A_176] {strides = array<i32>} : memref<8x128xi32, #tpu.memory_space<vmem>>, vector<1x16xi32>,
      %swap3A_178 = vector.shape_cast %swap3A_177 : vector<1x16xi32> to vector<16xi32>
      %swap3A_179 = vector.shape_cast %add3A_173 : vector<16xi32> to vector<1x16xi32>
      tpu.vector_store %arg7[%swap3A_175, %swap3A_176], %swap3A_179 {strides = array<i32>} : memref<8x128xi32, #tpu.memory_space<vmem>>, vector<1x16xi32>,
      %get3A_180 = arith.constant 1 : i32
      %get3A_181 = arith.index_cast %get3A_180 : i32 to index
      %get3A_182 = arith.constant 48 : index
      %get3A_183 = tpu.vector_load %arg7[%get3A_181, %get3A_182] {strides = array<i32>} : memref<8x128xi32, #tpu.memory_space<vmem>>, vector<1x16xi32>,
      %get3A_184 = vector.shape_cast %get3A_183 : vector<1x16xi32> to vector<16xi32>
      %add3A_185 = arith.addi %get3A_184, %broadcast_in_dim3A_17 : vector<16xi32>
      %swap3A_186 = arith.constant 1 : i32
      %swap3A_187 = arith.index_cast %swap3A_186 : i32 to index
      %swap3A_188 = arith.constant 48 : index
      %swap3A_189 = tpu.vector_load %arg7[%swap3A_187, %swap3A_188] {strides = array<i32>} : memref<8x128xi32, #tpu.memory_space<vmem>>, vector<1x16xi32>,
      %swap3A_190 = vector.shape_cast %swap3A_189 : vector<1x16xi32> to vector<16xi32>
      %swap3A_191 = vector.shape_cast %add3A_185 : vector<16xi32> to vector<1x16xi32>
      tpu.vector_store %arg7[%swap3A_187, %swap3A_188], %swap3A_191 {strides = array<i32>} : memref<8x128xi32, #tpu.memory_space<vmem>>, vector<1x16xi32>,
      %get3A_192 = arith.constant 1 : i32
      %get3A_193 = arith.index_cast %get3A_192 : i32 to index
      %get3A_194 = arith.constant 64 : index
      %get3A_195 = tpu.vector_load %arg7[%get3A_193, %get3A_194] {strides = array<i32>} : memref<8x128xi32, #tpu.memory_space<vmem>>, vector<1x16xi32>,
      %get3A_196 = vector.shape_cast %get3A_195 : vector<1x16xi32> to vector<16xi32>
      %add3A_197 = arith.addi %get3A_196, %broadcast_in_dim3A_17 : vector<16xi32>
      %swap3A_198 = arith.constant 1 : i32
      %swap3A_199 = arith.index_cast %swap3A_198 : i32 to index
      %swap3A_200 = arith.constant 64 : index
      %swap3A_201 = tpu.vector_load %arg7[%swap3A_199, %swap3A_200] {strides = array<i32>} : memref<8x128xi32, #tpu.memory_space<vmem>>, vector<1x16xi32>,
      %swap3A_202 = vector.shape_cast %swap3A_201 : vector<1x16xi32> to vector<16xi32>
      %swap3A_203 = vector.shape_cast %add3A_197 : vector<16xi32> to vector<1x16xi32>
      tpu.vector_store %arg7[%swap3A_199, %swap3A_200], %swap3A_203 {strides = array<i32>} : memref<8x128xi32, #tpu.memory_space<vmem>>, vector<1x16xi32>,
      %get3A_204 = arith.constant 1 : i32
      %get3A_205 = arith.index_cast %get3A_204 : i32 to index
      %get3A_206 = arith.constant 80 : index
      %get3A_207 = tpu.vector_load %arg7[%get3A_205, %get3A_206] {strides = array<i32>} : memref<8x128xi32, #tpu.memory_space<vmem>>, vector<1x16xi32>,
      %get3A_208 = vector.shape_cast %get3A_207 : vector<1x16xi32> to vector<16xi32>
      %add3A_209 = arith.addi %get3A_208, %broadcast_in_dim3A_17 : vector<16xi32>
      %swap3A_210 = arith.constant 1 : i32
      %swap3A_211 = arith.index_cast %swap3A_210 : i32 to index
      %swap3A_212 = arith.constant 80 : index
      %swap3A_213 = tpu.vector_load %arg7[%swap3A_211, %swap3A_212] {strides = array<i32>} : memref<8x128xi32, #tpu.memory_space<vmem>>, vector<1x16xi32>,
      %swap3A_214 = vector.shape_cast %swap3A_213 : vector<1x16xi32> to vector<16xi32>
      %swap3A_215 = vector.shape_cast %add3A_209 : vector<16xi32> to vector<1x16xi32>
      tpu.vector_store %arg7[%swap3A_211, %swap3A_212], %swap3A_215 {strides = array<i32>} : memref<8x128xi32, #tpu.memory_space<vmem>>, vector<1x16xi32>,
      %get3A_216 = arith.constant 1 : i32
      %get3A_217 = arith.index_cast %get3A_216 : i32 to index
      %get3A_218 = arith.constant 96 : index
      %get3A_219 = tpu.vector_load %arg7[%get3A_217, %get3A_218] {strides = array<i32>} : memref<8x128xi32, #tpu.memory_space<vmem>>, vector<1x16xi32>,
      %get3A_220 = vector.shape_cast %get3A_219 : vector<1x16xi32> to vector<16xi32>
      %add3A_221 = arith.addi %get3A_220, %broadcast_in_dim3A_17 : vector<16xi32>
      %swap3A_222 = arith.constant 1 : i32
      %swap3A_223 = arith.index_cast %swap3A_222 : i32 to index
      %swap3A_224 = arith.constant 96 : index
      %swap3A_225 = tpu.vector_load %arg7[%swap3A_223, %swap3A_224] {strides = array<i32>} : memref<8x128xi32, #tpu.memory_space<vmem>>, vector<1x16xi32>,
      %swap3A_226 = vector.shape_cast %swap3A_225 : vector<1x16xi32> to vector<16xi32>
      %swap3A_227 = vector.shape_cast %add3A_221 : vector<16xi32> to vector<1x16xi32>
      tpu.vector_store %arg7[%swap3A_223, %swap3A_224], %swap3A_227 {strides = array<i32>} : memref<8x128xi32, #tpu.memory_space<vmem>>, vector<1x16xi32>,
      %get3A_228 = arith.constant 1 : i32
      %get3A_229 = arith.index_cast %get3A_228 : i32 to index
      %get3A_230 = arith.constant 112 : index
      %get3A_231 = tpu.vector_load %arg7[%get3A_229, %get3A_230] {strides = array<i32>} : memref<8x128xi32, #tpu.memory_space<vmem>>, vector<1x16xi32>,
      %get3A_232 = vector.shape_cast %get3A_231 : vector<1x16xi32> to vector<16xi32>
      %add3A_233 = arith.addi %get3A_232, %broadcast_in_dim3A_17 : vector<16xi32>
      %swap3A_234 = arith.constant 1 : i32
      %swap3A_235 = arith.index_cast %swap3A_234 : i32 to index
      %swap3A_236 = arith.constant 112 : index
      %swap3A_237 = tpu.vector_load %arg7[%swap3A_235, %swap3A_236] {strides = array<i32>} : memref<8x128xi32, #tpu.memory_space<vmem>>, vector<1x16xi32>,
      %swap3A_238 = vector.shape_cast %swap3A_237 : vector<1x16xi32> to vector<16xi32>
      %swap3A_239 = vector.shape_cast %add3A_233 : vector<16xi32> to vector<1x16xi32>
      tpu.vector_store %arg7[%swap3A_235, %swap3A_236], %swap3A_239 {strides = array<i32>} : memref<8x128xi32, #tpu.memory_space<vmem>>, vector<1x16xi32>,
      %get3A_240 = arith.constant 2 : i32
      %get3A_241 = arith.index_cast %get3A_240 : i32 to index
      %get3A_242 = arith.constant 0 : index
      %get3A_243 = tpu.vector_load %arg7[%get3A_241, %get3A_242] {strides = array<i32>} : memref<8x128xi32, #tpu.memory_space<vmem>>, vector<1x16xi32>,
      %get3A_244 = vector.shape_cast %get3A_243 : vector<1x16xi32> to vector<16xi32>
      %add3A_245 = arith.addi %get3A_244, %broadcast_in_dim3A_17 : vector<16xi32>
      %swap3A_246 = arith.constant 2 : i32
      %swap3A_247 = arith.index_cast %swap3A_246 : i32 to index
      %swap3A_248 = arith.constant 0 : index
      %swap3A_249 = tpu.vector_load %arg7[%swap3A_247, %swap3A_248] {strides = array<i32>} : memref<8x128xi32, #tpu.memory_space<vmem>>, vector<1x16xi32>,
      %swap3A_250 = vector.shape_cast %swap3A_249 : vector<1x16xi32> to vector<16xi32>
      %swap3A_251 = vector.shape_cast %add3A_245 : vector<16xi32> to vector<1x16xi32>
      tpu.vector_store %arg7[%swap3A_247, %swap3A_248], %swap3A_251 {strides = array<i32>} : memref<8x128xi32, #tpu.memory_space<vmem>>, vector<1x16xi32>,
      %get3A_252 = arith.constant 2 : i32
      %get3A_253 = arith.index_cast %get3A_252 : i32 to index
      %get3A_254 = arith.constant 16 : index
      %get3A_255 = tpu.vector_load %arg7[%get3A_253, %get3A_254] {strides = array<i32>} : memref<8x128xi32, #tpu.memory_space<vmem>>, vector<1x16xi32>,
      %get3A_256 = vector.shape_cast %get3A_255 : vector<1x16xi32> to vector<16xi32>
      %add3A_257 = arith.addi %get3A_256, %broadcast_in_dim3A_17 : vector<16xi32>
      %swap3A_258 = arith.constant 2 : i32
      %swap3A_259 = arith.index_cast %swap3A_258 : i32 to index
      %swap3A_260 = arith.constant 16 : index
      %swap3A_261 = tpu.vector_load %arg7[%swap3A_259, %swap3A_260] {strides = array<i32>} : memref<8x128xi32, #tpu.memory_space<vmem>>, vector<1x16xi32>,
      %swap3A_262 = vector.shape_cast %swap3A_261 : vector<1x16xi32> to vector<16xi32>
      %swap3A_263 = vector.shape_cast %add3A_257 : vector<16xi32> to vector<1x16xi32>
      tpu.vector_store %arg7[%swap3A_259, %swap3A_260], %swap3A_263 {strides = array<i32>} : memref<8x128xi32, #tpu.memory_space<vmem>>, vector<1x16xi32>,
      %get3A_264 = arith.constant 2 : i32
      %get3A_265 = arith.index_cast %get3A_264 : i32 to index
      %get3A_266 = arith.constant 32 : index
      %get3A_267 = tpu.vector_load %arg7[%get3A_265, %get3A_266] {strides = array<i32>} : memref<8x128xi32, #tpu.memory_space<vmem>>, vector<1x16xi32>,
      %get3A_268 = vector.shape_cast %get3A_267 : vector<1x16xi32> to vector<16xi32>
      %add3A_269 = arith.addi %get3A_268, %broadcast_in_dim3A_17 : vector<16xi32>
      %swap3A_270 = arith.constant 2 : i32
      %swap3A_271 = arith.index_cast %swap3A_270 : i32 to index
      %swap3A_272 = arith.constant 32 : index
      %swap3A_273 = tpu.vector_load %arg7[%swap3A_271, %swap3A_272] {strides = array<i32>} : memref<8x128xi32, #tpu.memory_space<vmem>>, vector<1x16xi32>,
      %swap3A_274 = vector.shape_cast %swap3A_273 : vector<1x16xi32> to vector<16xi32>
      %swap3A_275 = vector.shape_cast %add3A_269 : vector<16xi32> to vector<1x16xi32>
      tpu.vector_store %arg7[%swap3A_271, %swap3A_272], %swap3A_275 {strides = array<i32>} : memref<8x128xi32, #tpu.memory_space<vmem>>, vector<1x16xi32>,
      %get3A_276 = arith.constant 2 : i32
      %get3A_277 = arith.index_cast %get3A_276 : i32 to index
      %get3A_278 = arith.constant 48 : index
      %get3A_279 = tpu.vector_load %arg7[%get3A_277, %get3A_278] {strides = array<i32>} : memref<8x128xi32, #tpu.memory_space<vmem>>, vector<1x16xi32>,
      %get3A_280 = vector.shape_cast %get3A_279 : vector<1x16xi32> to vector<16xi32>
      %add3A_281 = arith.addi %get3A_280, %broadcast_in_dim3A_17 : vector<16xi32>
      %swap3A_282 = arith.constant 2 : i32
      %swap3A_283 = arith.index_cast %swap3A_282 : i32 to index
      %swap3A_284 = arith.constant 48 : index
      %swap3A_285 = tpu.vector_load %arg7[%swap3A_283, %swap3A_284] {strides = array<i32>} : memref<8x128xi32, #tpu.memory_space<vmem>>, vector<1x16xi32>,
      %swap3A_286 = vector.shape_cast %swap3A_285 : vector<1x16xi32> to vector<16xi32>
      %swap3A_287 = vector.shape_cast %add3A_281 : vector<16xi32> to vector<1x16xi32>
      tpu.vector_store %arg7[%swap3A_283, %swap3A_284], %swap3A_287 {strides = array<i32>} : memref<8x128xi32, #tpu.memory_space<vmem>>, vector<1x16xi32>,
      %get3A_288 = arith.constant 2 : i32
      %get3A_289 = arith.index_cast %get3A_288 : i32 to index
      %get3A_290 = arith.constant 64 : index
      %get3A_291 = tpu.vector_load %arg7[%get3A_289, %get3A_290] {strides = array<i32>} : memref<8x128xi32, #tpu.memory_space<vmem>>, vector<1x16xi32>,
      %get3A_292 = vector.shape_cast %get3A_291 : vector<1x16xi32> to vector<16xi32>
      %add3A_293 = arith.addi %get3A_292, %broadcast_in_dim3A_17 : vector<16xi32>
      %swap3A_294 = arith.constant 2 : i32
      %swap3A_295 = arith.index_cast %swap3A_294 : i32 to index
      %swap3A_296 = arith.constant 64 : index
      %swap3A_297 = tpu.vector_load %arg7[%swap3A_295, %swap3A_296] {strides = array<i32>} : memref<8x128xi32, #tpu.memory_space<vmem>>, vector<1x16xi32>,
      %swap3A_298 = vector.shape_cast %swap3A_297 : vector<1x16xi32> to vector<16xi32>
      %swap3A_299 = vector.shape_cast %add3A_293 : vector<16xi32> to vector<1x16xi32>
      tpu.vector_store %arg7[%swap3A_295, %swap3A_296], %swap3A_299 {strides = array<i32>} : memref<8x128xi32, #tpu.memory_space<vmem>>, vector<1x16xi32>,
      %get3A_300 = arith.constant 2 : i32
      %get3A_301 = arith.index_cast %get3A_300 : i32 to index
      %get3A_302 = arith.constant 80 : index
      %get3A_303 = tpu.vector_load %arg7[%get3A_301, %get3A_302] {strides = array<i32>} : memref<8x128xi32, #tpu.memory_space<vmem>>, vector<1x16xi32>,
      %get3A_304 = vector.shape_cast %get3A_303 : vector<1x16xi32> to vector<16xi32>
      %add3A_305 = arith.addi %get3A_304, %broadcast_in_dim3A_17 : vector<16xi32>
      %swap3A_306 = arith.constant 2 : i32
      %swap3A_307 = arith.index_cast %swap3A_306 : i32 to index
      %swap3A_308 = arith.constant 80 : index
      %swap3A_309 = tpu.vector_load %arg7[%swap3A_307, %swap3A_308] {strides = array<i32>} : memref<8x128xi32, #tpu.memory_space<vmem>>, vector<1x16xi32>,
      %swap3A_310 = vector.shape_cast %swap3A_309 : vector<1x16xi32> to vector<16xi32>
      %swap3A_311 = vector.shape_cast %add3A_305 : vector<16xi32> to vector<1x16xi32>
      tpu.vector_store %arg7[%swap3A_307, %swap3A_308], %swap3A_311 {strides = array<i32>} : memref<8x128xi32, #tpu.memory_space<vmem>>, vector<1x16xi32>,
      %get3A_312 = arith.constant 2 : i32
      %get3A_313 = arith.index_cast %get3A_312 : i32 to index
      %get3A_314 = arith.constant 96 : index
      %get3A_315 = tpu.vector_load %arg7[%get3A_313, %get3A_314] {strides = array<i32>} : memref<8x128xi32, #tpu.memory_space<vmem>>, vector<1x16xi32>,
      %get3A_316 = vector.shape_cast %get3A_315 : vector<1x16xi32> to vector<16xi32>
      %add3A_317 = arith.addi %get3A_316, %broadcast_in_dim3A_17 : vector<16xi32>
      %swap3A_318 = arith.constant 2 : i32
      %swap3A_319 = arith.index_cast %swap3A_318 : i32 to index
      %swap3A_320 = arith.constant 96 : index
      %swap3A_321 = tpu.vector_load %arg7[%swap3A_319, %swap3A_320] {strides = array<i32>} : memref<8x128xi32, #tpu.memory_space<vmem>>, vector<1x16xi32>,
      %swap3A_322 = vector.shape_cast %swap3A_321 : vector<1x16xi32> to vector<16xi32>
      %swap3A_323 = vector.shape_cast %add3A_317 : vector<16xi32> to vector<1x16xi32>
      tpu.vector_store %arg7[%swap3A_319, %swap3A_320], %swap3A_323 {strides = array<i32>} : memref<8x128xi32, #tpu.memory_space<vmem>>, vector<1x16xi32>,
      %get3A_324 = arith.constant 2 : i32
      %get3A_325 = arith.index_cast %get3A_324 : i32 to index
      %get3A_326 = arith.constant 112 : index
      %get3A_327 = tpu.vector_load %arg7[%get3A_325, %get3A_326] {strides = array<i32>} : memref<8x128xi32, #tpu.memory_space<vmem>>, vector<1x16xi32>,
      %get3A_328 = vector.shape_cast %get3A_327 : vector<1x16xi32> to vector<16xi32>
      %add3A_329 = arith.addi %get3A_328, %broadcast_in_dim3A_17 : vector<16xi32>
      %swap3A_330 = arith.constant 2 : i32
      %swap3A_331 = arith.index_cast %swap3A_330 : i32 to index
      %swap3A_332 = arith.constant 112 : index
      %swap3A_333 = tpu.vector_load %arg7[%swap3A_331, %swap3A_332] {strides = array<i32>} : memref<8x128xi32, #tpu.memory_space<vmem>>, vector<1x16xi32>,
      %swap3A_334 = vector.shape_cast %swap3A_333 : vector<1x16xi32> to vector<16xi32>
      %swap3A_335 = vector.shape_cast %add3A_329 : vector<16xi32> to vector<1x16xi32>
      tpu.vector_store %arg7[%swap3A_331, %swap3A_332], %swap3A_335 {strides = array<i32>} : memref<8x128xi32, #tpu.memory_space<vmem>>, vector<1x16xi32>,
      %get3A_336 = arith.constant 3 : i32
      %get3A_337 = arith.index_cast %get3A_336 : i32 to index
      %get3A_338 = arith.constant 0 : index
      %get3A_339 = tpu.vector_load %arg7[%get3A_337, %get3A_338] {strides = array<i32>} : memref<8x128xi32, #tpu.memory_space<vmem>>, vector<1x16xi32>,
      %get3A_340 = vector.shape_cast %get3A_339 : vector<1x16xi32> to vector<16xi32>
      %add3A_341 = arith.addi %get3A_340, %broadcast_in_dim3A_17 : vector<16xi32>
      %swap3A_342 = arith.constant 3 : i32
      %swap3A_343 = arith.index_cast %swap3A_342 : i32 to index
      %swap3A_344 = arith.constant 0 : index
      %swap3A_345 = tpu.vector_load %arg7[%swap3A_343, %swap3A_344] {strides = array<i32>} : memref<8x128xi32, #tpu.memory_space<vmem>>, vector<1x16xi32>,
      %swap3A_346 = vector.shape_cast %swap3A_345 : vector<1x16xi32> to vector<16xi32>
      %swap3A_347 = vector.shape_cast %add3A_341 : vector<16xi32> to vector<1x16xi32>
      tpu.vector_store %arg7[%swap3A_343, %swap3A_344], %swap3A_347 {strides = array<i32>} : memref<8x128xi32, #tpu.memory_space<vmem>>, vector<1x16xi32>,
      %get3A_348 = arith.constant 3 : i32
      %get3A_349 = arith.index_cast %get3A_348 : i32 to index
      %get3A_350 = arith.constant 16 : index
      %get3A_351 = tpu.vector_load %arg7[%get3A_349, %get3A_350] {strides = array<i32>} : memref<8x128xi32, #tpu.memory_space<vmem>>, vector<1x16xi32>,
      %get3A_352 = vector.shape_cast %get3A_351 : vector<1x16xi32> to vector<16xi32>
      %add3A_353 = arith.addi %get3A_352, %broadcast_in_dim3A_17 : vector<16xi32>
      %swap3A_354 = arith.constant 3 : i32
      %swap3A_355 = arith.index_cast %swap3A_354 : i32 to index
      %swap3A_356 = arith.constant 16 : index
      %swap3A_357 = tpu.vector_load %arg7[%swap3A_355, %swap3A_356] {strides = array<i32>} : memref<8x128xi32, #tpu.memory_space<vmem>>, vector<1x16xi32>,
      %swap3A_358 = vector.shape_cast %swap3A_357 : vector<1x16xi32> to vector<16xi32>
      %swap3A_359 = vector.shape_cast %add3A_353 : vector<16xi32> to vector<1x16xi32>
      tpu.vector_store %arg7[%swap3A_355, %swap3A_356], %swap3A_359 {strides = array<i32>} : memref<8x128xi32, #tpu.memory_space<vmem>>, vector<1x16xi32>,
      %get3A_360 = arith.constant 3 : i32
      %get3A_361 = arith.index_cast %get3A_360 : i32 to index
      %get3A_362 = arith.constant 32 : index
      %get3A_363 = tpu.vector_load %arg7[%get3A_361, %get3A_362] {strides = array<i32>} : memref<8x128xi32, #tpu.memory_space<vmem>>, vector<1x16xi32>,
      %get3A_364 = vector.shape_cast %get3A_363 : vector<1x16xi32> to vector<16xi32>
      %add3A_365 = arith.addi %get3A_364, %broadcast_in_dim3A_17 : vector<16xi32>
      %swap3A_366 = arith.constant 3 : i32
      %swap3A_367 = arith.index_cast %swap3A_366 : i32 to index
      %swap3A_368 = arith.constant 32 : index
      %swap3A_369 = tpu.vector_load %arg7[%swap3A_367, %swap3A_368] {strides = array<i32>} : memref<8x128xi32, #tpu.memory_space<vmem>>, vector<1x16xi32>,
      %swap3A_370 = vector.shape_cast %swap3A_369 : vector<1x16xi32> to vector<16xi32>
      %swap3A_371 = vector.shape_cast %add3A_365 : vector<16xi32> to vector<1x16xi32>
      tpu.vector_store %arg7[%swap3A_367, %swap3A_368], %swap3A_371 {strides = array<i32>} : memref<8x128xi32, #tpu.memory_space<vmem>>, vector<1x16xi32>,
      %get3A_372 = arith.constant 3 : i32
      %get3A_373 = arith.index_cast %get3A_372 : i32 to index
      %get3A_374 = arith.constant 48 : index
      %get3A_375 = tpu.vector_load %arg7[%get3A_373, %get3A_374] {strides = array<i32>} : memref<8x128xi32, #tpu.memory_space<vmem>>, vector<1x16xi32>,
      %get3A_376 = vector.shape_cast %get3A_375 : vector<1x16xi32> to vector<16xi32>
      %add3A_377 = arith.addi %get3A_376, %broadcast_in_dim3A_17 : vector<16xi32>
      %swap3A_378 = arith.constant 3 : i32
      %swap3A_379 = arith.index_cast %swap3A_378 : i32 to index
      %swap3A_380 = arith.constant 48 : index
      %swap3A_381 = tpu.vector_load %arg7[%swap3A_379, %swap3A_380] {strides = array<i32>} : memref<8x128xi32, #tpu.memory_space<vmem>>, vector<1x16xi32>,
      %swap3A_382 = vector.shape_cast %swap3A_381 : vector<1x16xi32> to vector<16xi32>
      %swap3A_383 = vector.shape_cast %add3A_377 : vector<16xi32> to vector<1x16xi32>
      tpu.vector_store %arg7[%swap3A_379, %swap3A_380], %swap3A_383 {strides = array<i32>} : memref<8x128xi32, #tpu.memory_space<vmem>>, vector<1x16xi32>,
      %get3A_384 = arith.constant 3 : i32
      %get3A_385 = arith.index_cast %get3A_384 : i32 to index
      %get3A_386 = arith.constant 64 : index
      %get3A_387 = tpu.vector_load %arg7[%get3A_385, %get3A_386] {strides = array<i32>} : memref<8x128xi32, #tpu.memory_space<vmem>>, vector<1x16xi32>,
      %get3A_388 = vector.shape_cast %get3A_387 : vector<1x16xi32> to vector<16xi32>
      %add3A_389 = arith.addi %get3A_388, %broadcast_in_dim3A_17 : vector<16xi32>
      %swap3A_390 = arith.constant 3 : i32
      %swap3A_391 = arith.index_cast %swap3A_390 : i32 to index
      %swap3A_392 = arith.constant 64 : index
      %swap3A_393 = tpu.vector_load %arg7[%swap3A_391, %swap3A_392] {strides = array<i32>} : memref<8x128xi32, #tpu.memory_space<vmem>>, vector<1x16xi32>,
      %swap3A_394 = vector.shape_cast %swap3A_393 : vector<1x16xi32> to vector<16xi32>
      %swap3A_395 = vector.shape_cast %add3A_389 : vector<16xi32> to vector<1x16xi32>
      tpu.vector_store %arg7[%swap3A_391, %swap3A_392], %swap3A_395 {strides = array<i32>} : memref<8x128xi32, #tpu.memory_space<vmem>>, vector<1x16xi32>,
      %get3A_396 = arith.constant 3 : i32
      %get3A_397 = arith.index_cast %get3A_396 : i32 to index
      %get3A_398 = arith.constant 80 : index
      %get3A_399 = tpu.vector_load %arg7[%get3A_397, %get3A_398] {strides = array<i32>} : memref<8x128xi32, #tpu.memory_space<vmem>>, vector<1x16xi32>,
      %get3A_400 = vector.shape_cast %get3A_399 : vector<1x16xi32> to vector<16xi32>
      %add3A_401 = arith.addi %get3A_400, %broadcast_in_dim3A_17 : vector<16xi32>
      %swap3A_402 = arith.constant 3 : i32
      %swap3A_403 = arith.index_cast %swap3A_402 : i32 to index
      %swap3A_404 = arith.constant 80 : index
      %swap3A_405 = tpu.vector_load %arg7[%swap3A_403, %swap3A_404] {strides = array<i32>} : memref<8x128xi32, #tpu.memory_space<vmem>>, vector<1x16xi32>,
      %swap3A_406 = vector.shape_cast %swap3A_405 : vector<1x16xi32> to vector<16xi32>
      %swap3A_407 = vector.shape_cast %add3A_401 : vector<16xi32> to vector<1x16xi32>
      tpu.vector_store %arg7[%swap3A_403, %swap3A_404], %swap3A_407 {strides = array<i32>} : memref<8x128xi32, #tpu.memory_space<vmem>>, vector<1x16xi32>,
      %get3A_408 = arith.constant 3 : i32
      %get3A_409 = arith.index_cast %get3A_408 : i32 to index
      %get3A_410 = arith.constant 96 : index
      %get3A_411 = tpu.vector_load %arg7[%get3A_409, %get3A_410] {strides = array<i32>} : memref<8x128xi32, #tpu.memory_space<vmem>>, vector<1x16xi32>,
      %get3A_412 = vector.shape_cast %get3A_411 : vector<1x16xi32> to vector<16xi32>
      %add3A_413 = arith.addi %get3A_412, %broadcast_in_dim3A_17 : vector<16xi32>
      %swap3A_414 = arith.constant 3 : i32
      %swap3A_415 = arith.index_cast %swap3A_414 : i32 to index
      %swap3A_416 = arith.constant 96 : index
      %swap3A_417 = tpu.vector_load %arg7[%swap3A_415, %swap3A_416] {strides = array<i32>} : memref<8x128xi32, #tpu.memory_space<vmem>>, vector<1x16xi32>,
      %swap3A_418 = vector.shape_cast %swap3A_417 : vector<1x16xi32> to vector<16xi32>
      %swap3A_419 = vector.shape_cast %add3A_413 : vector<16xi32> to vector<1x16xi32>
      tpu.vector_store %arg7[%swap3A_415, %swap3A_416], %swap3A_419 {strides = array<i32>} : memref<8x128xi32, #tpu.memory_space<vmem>>, vector<1x16xi32>,
      %get3A_420 = arith.constant 3 : i32
      %get3A_421 = arith.index_cast %get3A_420 : i32 to index
      %get3A_422 = arith.constant 112 : index
      %get3A_423 = tpu.vector_load %arg7[%get3A_421, %get3A_422] {strides = array<i32>} : memref<8x128xi32, #tpu.memory_space<vmem>>, vector<1x16xi32>,
      %get3A_424 = vector.shape_cast %get3A_423 : vector<1x16xi32> to vector<16xi32>
      %add3A_425 = arith.addi %get3A_424, %broadcast_in_dim3A_17 : vector<16xi32>
      %swap3A_426 = arith.constant 3 : i32
      %swap3A_427 = arith.index_cast %swap3A_426 : i32 to index
      %swap3A_428 = arith.constant 112 : index
      %swap3A_429 = tpu.vector_load %arg7[%swap3A_427, %swap3A_428] {strides = array<i32>} : memref<8x128xi32, #tpu.memory_space<vmem>>, vector<1x16xi32>,
      %swap3A_430 = vector.shape_cast %swap3A_429 : vector<1x16xi32> to vector<16xi32>
      %swap3A_431 = vector.shape_cast %add3A_425 : vector<16xi32> to vector<1x16xi32>
      tpu.vector_store %arg7[%swap3A_427, %swap3A_428], %swap3A_431 {strides = array<i32>} : memref<8x128xi32, #tpu.memory_space<vmem>>, vector<1x16xi32>,
      %get3A_432 = arith.constant 4 : i32
      %get3A_433 = arith.index_cast %get3A_432 : i32 to index
      %get3A_434 = arith.constant 0 : index
      %get3A_435 = tpu.vector_load %arg7[%get3A_433, %get3A_434] {strides = array<i32>} : memref<8x128xi32, #tpu.memory_space<vmem>>, vector<1x16xi32>,
      %get3A_436 = vector.shape_cast %get3A_435 : vector<1x16xi32> to vector<16xi32>
      %add3A_437 = arith.addi %get3A_436, %broadcast_in_dim3A_17 : vector<16xi32>
      %swap3A_438 = arith.constant 4 : i32
      %swap3A_439 = arith.index_cast %swap3A_438 : i32 to index
      %swap3A_440 = arith.constant 0 : index
      %swap3A_441 = tpu.vector_load %arg7[%swap3A_439, %swap3A_440] {strides = array<i32>} : memref<8x128xi32, #tpu.memory_space<vmem>>, vector<1x16xi32>,
      %swap3A_442 = vector.shape_cast %swap3A_441 : vector<1x16xi32> to vector<16xi32>
      %swap3A_443 = vector.shape_cast %add3A_437 : vector<16xi32> to vector<1x16xi32>
      tpu.vector_store %arg7[%swap3A_439, %swap3A_440], %swap3A_443 {strides = array<i32>} : memref<8x128xi32, #tpu.memory_space<vmem>>, vector<1x16xi32>,
      %get3A_444 = arith.constant 4 : i32
      %get3A_445 = arith.index_cast %get3A_444 : i32 to index
      %get3A_446 = arith.constant 16 : index
      %get3A_447 = tpu.vector_load %arg7[%get3A_445, %get3A_446] {strides = array<i32>} : memref<8x128xi32, #tpu.memory_space<vmem>>, vector<1x16xi32>,
      %get3A_448 = vector.shape_cast %get3A_447 : vector<1x16xi32> to vector<16xi32>
      %add3A_449 = arith.addi %get3A_448, %broadcast_in_dim3A_17 : vector<16xi32>
      %swap3A_450 = arith.constant 4 : i32
      %swap3A_451 = arith.index_cast %swap3A_450 : i32 to index
      %swap3A_452 = arith.constant 16 : index
      %swap3A_453 = tpu.vector_load %arg7[%swap3A_451, %swap3A_452] {strides = array<i32>} : memref<8x128xi32, #tpu.memory_space<vmem>>, vector<1x16xi32>,
      %swap3A_454 = vector.shape_cast %swap3A_453 : vector<1x16xi32> to vector<16xi32>
      %swap3A_455 = vector.shape_cast %add3A_449 : vector<16xi32> to vector<1x16xi32>
      tpu.vector_store %arg7[%swap3A_451, %swap3A_452], %swap3A_455 {strides = array<i32>} : memref<8x128xi32, #tpu.memory_space<vmem>>, vector<1x16xi32>,
      %get3A_456 = arith.constant 4 : i32
      %get3A_457 = arith.index_cast %get3A_456 : i32 to index
      %get3A_458 = arith.constant 32 : index
      %get3A_459 = tpu.vector_load %arg7[%get3A_457, %get3A_458] {strides = array<i32>} : memref<8x128xi32, #tpu.memory_space<vmem>>, vector<1x16xi32>,
      %get3A_460 = vector.shape_cast %get3A_459 : vector<1x16xi32> to vector<16xi32>
      %add3A_461 = arith.addi %get3A_460, %broadcast_in_dim3A_17 : vector<16xi32>
      %swap3A_462 = arith.constant 4 : i32
      %swap3A_463 = arith.index_cast %swap3A_462 : i32 to index
      %swap3A_464 = arith.constant 32 : index
      %swap3A_465 = tpu.vector_load %arg7[%swap3A_463, %swap3A_464] {strides = array<i32>} : memref<8x128xi32, #tpu.memory_space<vmem>>, vector<1x16xi32>,
      %swap3A_466 = vector.shape_cast %swap3A_465 : vector<1x16xi32> to vector<16xi32>
      %swap3A_467 = vector.shape_cast %add3A_461 : vector<16xi32> to vector<1x16xi32>
      tpu.vector_store %arg7[%swap3A_463, %swap3A_464], %swap3A_467 {strides = array<i32>} : memref<8x128xi32, #tpu.memory_space<vmem>>, vector<1x16xi32>,
      %get3A_468 = arith.constant 4 : i32
      %get3A_469 = arith.index_cast %get3A_468 : i32 to index
      %get3A_470 = arith.constant 48 : index
      %get3A_471 = tpu.vector_load %arg7[%get3A_469, %get3A_470] {strides = array<i32>} : memref<8x128xi32, #tpu.memory_space<vmem>>, vector<1x16xi32>,
      %get3A_472 = vector.shape_cast %get3A_471 : vector<1x16xi32> to vector<16xi32>
      %add3A_473 = arith.addi %get3A_472, %broadcast_in_dim3A_17 : vector<16xi32>
      %swap3A_474 = arith.constant 4 : i32
      %swap3A_475 = arith.index_cast %swap3A_474 : i32 to index
      %swap3A_476 = arith.constant 48 : index
      %swap3A_477 = tpu.vector_load %arg7[%swap3A_475, %swap3A_476] {strides = array<i32>} : memref<8x128xi32, #tpu.memory_space<vmem>>, vector<1x16xi32>,
      %swap3A_478 = vector.shape_cast %swap3A_477 : vector<1x16xi32> to vector<16xi32>
      %swap3A_479 = vector.shape_cast %add3A_473 : vector<16xi32> to vector<1x16xi32>
      tpu.vector_store %arg7[%swap3A_475, %swap3A_476], %swap3A_479 {strides = array<i32>} : memref<8x128xi32, #tpu.memory_space<vmem>>, vector<1x16xi32>,
      %get3A_480 = arith.constant 4 : i32
      %get3A_481 = arith.index_cast %get3A_480 : i32 to index
      %get3A_482 = arith.constant 64 : index
      %get3A_483 = tpu.vector_load %arg7[%get3A_481, %get3A_482] {strides = array<i32>} : memref<8x128xi32, #tpu.memory_space<vmem>>, vector<1x16xi32>,
      %get3A_484 = vector.shape_cast %get3A_483 : vector<1x16xi32> to vector<16xi32>
      %add3A_485 = arith.addi %get3A_484, %broadcast_in_dim3A_17 : vector<16xi32>
      %swap3A_486 = arith.constant 4 : i32
      %swap3A_487 = arith.index_cast %swap3A_486 : i32 to index
      %swap3A_488 = arith.constant 64 : index
      %swap3A_489 = tpu.vector_load %arg7[%swap3A_487, %swap3A_488] {strides = array<i32>} : memref<8x128xi32, #tpu.memory_space<vmem>>, vector<1x16xi32>,
      %swap3A_490 = vector.shape_cast %swap3A_489 : vector<1x16xi32> to vector<16xi32>
      %swap3A_491 = vector.shape_cast %add3A_485 : vector<16xi32> to vector<1x16xi32>
      tpu.vector_store %arg7[%swap3A_487, %swap3A_488], %swap3A_491 {strides = array<i32>} : memref<8x128xi32, #tpu.memory_space<vmem>>, vector<1x16xi32>,
      %get3A_492 = arith.constant 4 : i32
      %get3A_493 = arith.index_cast %get3A_492 : i32 to index
      %get3A_494 = arith.constant 80 : index
      %get3A_495 = tpu.vector_load %arg7[%get3A_493, %get3A_494] {strides = array<i32>} : memref<8x128xi32, #tpu.memory_space<vmem>>, vector<1x16xi32>,
      %get3A_496 = vector.shape_cast %get3A_495 : vector<1x16xi32> to vector<16xi32>
      %add3A_497 = arith.addi %get3A_496, %broadcast_in_dim3A_17 : vector<16xi32>
      %swap3A_498 = arith.constant 4 : i32
      %swap3A_499 = arith.index_cast %swap3A_498 : i32 to index
      %swap3A_500 = arith.constant 80 : index
      %swap3A_501 = tpu.vector_load %arg7[%swap3A_499, %swap3A_500] {strides = array<i32>} : memref<8x128xi32, #tpu.memory_space<vmem>>, vector<1x16xi32>,
      %swap3A_502 = vector.shape_cast %swap3A_501 : vector<1x16xi32> to vector<16xi32>
      %swap3A_503 = vector.shape_cast %add3A_497 : vector<16xi32> to vector<1x16xi32>
      tpu.vector_store %arg7[%swap3A_499, %swap3A_500], %swap3A_503 {strides = array<i32>} : memref<8x128xi32, #tpu.memory_space<vmem>>, vector<1x16xi32>,
      %get3A_504 = arith.constant 4 : i32
      %get3A_505 = arith.index_cast %get3A_504 : i32 to index
      %get3A_506 = arith.constant 96 : index
      %get3A_507 = tpu.vector_load %arg7[%get3A_505, %get3A_506] {strides = array<i32>} : memref<8x128xi32, #tpu.memory_space<vmem>>, vector<1x16xi32>,
      %get3A_508 = vector.shape_cast %get3A_507 : vector<1x16xi32> to vector<16xi32>
      %add3A_509 = arith.addi %get3A_508, %broadcast_in_dim3A_17 : vector<16xi32>
      %swap3A_510 = arith.constant 4 : i32
      %swap3A_511 = arith.index_cast %swap3A_510 : i32 to index
      %swap3A_512 = arith.constant 96 : index
      %swap3A_513 = tpu.vector_load %arg7[%swap3A_511, %swap3A_512] {strides = array<i32>} : memref<8x128xi32, #tpu.memory_space<vmem>>, vector<1x16xi32>,
      %swap3A_514 = vector.shape_cast %swap3A_513 : vector<1x16xi32> to vector<16xi32>
      %swap3A_515 = vector.shape_cast %add3A_509 : vector<16xi32> to vector<1x16xi32>
      tpu.vector_store %arg7[%swap3A_511, %swap3A_512], %swap3A_515 {strides = array<i32>} : memref<8x128xi32, #tpu.memory_space<vmem>>, vector<1x16xi32>,
      %get3A_516 = arith.constant 4 : i32
      %get3A_517 = arith.index_cast %get3A_516 : i32 to index
      %get3A_518 = arith.constant 112 : index
      %get3A_519 = tpu.vector_load %arg7[%get3A_517, %get3A_518] {strides = array<i32>} : memref<8x128xi32, #tpu.memory_space<vmem>>, vector<1x16xi32>,
      %get3A_520 = vector.shape_cast %get3A_519 : vector<1x16xi32> to vector<16xi32>
      %add3A_521 = arith.addi %get3A_520, %broadcast_in_dim3A_17 : vector<16xi32>
      %swap3A_522 = arith.constant 4 : i32
      %swap3A_523 = arith.index_cast %swap3A_522 : i32 to index
      %swap3A_524 = arith.constant 112 : index
      %swap3A_525 = tpu.vector_load %arg7[%swap3A_523, %swap3A_524] {strides = array<i32>} : memref<8x128xi32, #tpu.memory_space<vmem>>, vector<1x16xi32>,
      %swap3A_526 = vector.shape_cast %swap3A_525 : vector<1x16xi32> to vector<16xi32>
      %swap3A_527 = vector.shape_cast %add3A_521 : vector<16xi32> to vector<1x16xi32>
      tpu.vector_store %arg7[%swap3A_523, %swap3A_524], %swap3A_527 {strides = array<i32>} : memref<8x128xi32, #tpu.memory_space<vmem>>, vector<1x16xi32>,
      %get3A_528 = arith.constant 5 : i32
      %get3A_529 = arith.index_cast %get3A_528 : i32 to index
      %get3A_530 = arith.constant 0 : index
      %get3A_531 = tpu.vector_load %arg7[%get3A_529, %get3A_530] {strides = array<i32>} : memref<8x128xi32, #tpu.memory_space<vmem>>, vector<1x16xi32>,
      %get3A_532 = vector.shape_cast %get3A_531 : vector<1x16xi32> to vector<16xi32>
      %add3A_533 = arith.addi %get3A_532, %broadcast_in_dim3A_17 : vector<16xi32>
      %swap3A_534 = arith.constant 5 : i32
      %swap3A_535 = arith.index_cast %swap3A_534 : i32 to index
      %swap3A_536 = arith.constant 0 : index
      %swap3A_537 = tpu.vector_load %arg7[%swap3A_535, %swap3A_536] {strides = array<i32>} : memref<8x128xi32, #tpu.memory_space<vmem>>, vector<1x16xi32>,
      %swap3A_538 = vector.shape_cast %swap3A_537 : vector<1x16xi32> to vector<16xi32>
      %swap3A_539 = vector.shape_cast %add3A_533 : vector<16xi32> to vector<1x16xi32>
      tpu.vector_store %arg7[%swap3A_535, %swap3A_536], %swap3A_539 {strides = array<i32>} : memref<8x128xi32, #tpu.memory_space<vmem>>, vector<1x16xi32>,
      %get3A_540 = arith.constant 5 : i32
      %get3A_541 = arith.index_cast %get3A_540 : i32 to index
      %get3A_542 = arith.constant 16 : index
      %get3A_543 = tpu.vector_load %arg7[%get3A_541, %get3A_542] {strides = array<i32>} : memref<8x128xi32, #tpu.memory_space<vmem>>, vector<1x16xi32>,
      %get3A_544 = vector.shape_cast %get3A_543 : vector<1x16xi32> to vector<16xi32>
      %add3A_545 = arith.addi %get3A_544, %broadcast_in_dim3A_17 : vector<16xi32>
      %swap3A_546 = arith.constant 5 : i32
      %swap3A_547 = arith.index_cast %swap3A_546 : i32 to index
      %swap3A_548 = arith.constant 16 : index
      %swap3A_549 = tpu.vector_load %arg7[%swap3A_547, %swap3A_548] {strides = array<i32>} : memref<8x128xi32, #tpu.memory_space<vmem>>, vector<1x16xi32>,
      %swap3A_550 = vector.shape_cast %swap3A_549 : vector<1x16xi32> to vector<16xi32>
      %swap3A_551 = vector.shape_cast %add3A_545 : vector<16xi32> to vector<1x16xi32>
      tpu.vector_store %arg7[%swap3A_547, %swap3A_548], %swap3A_551 {strides = array<i32>} : memref<8x128xi32, #tpu.memory_space<vmem>>, vector<1x16xi32>,
      %get3A_552 = arith.constant 5 : i32
      %get3A_553 = arith.index_cast %get3A_552 : i32 to index
      %get3A_554 = arith.constant 32 : index
      %get3A_555 = tpu.vector_load %arg7[%get3A_553, %get3A_554] {strides = array<i32>} : memref<8x128xi32, #tpu.memory_space<vmem>>, vector<1x16xi32>,
      %get3A_556 = vector.shape_cast %get3A_555 : vector<1x16xi32> to vector<16xi32>
      %add3A_557 = arith.addi %get3A_556, %broadcast_in_dim3A_17 : vector<16xi32>
      %swap3A_558 = arith.constant 5 : i32
      %swap3A_559 = arith.index_cast %swap3A_558 : i32 to index
      %swap3A_560 = arith.constant 32 : index
      %swap3A_561 = tpu.vector_load %arg7[%swap3A_559, %swap3A_560] {strides = array<i32>} : memref<8x128xi32, #tpu.memory_space<vmem>>, vector<1x16xi32>,
      %swap3A_562 = vector.shape_cast %swap3A_561 : vector<1x16xi32> to vector<16xi32>
      %swap3A_563 = vector.shape_cast %add3A_557 : vector<16xi32> to vector<1x16xi32>
      tpu.vector_store %arg7[%swap3A_559, %swap3A_560], %swap3A_563 {strides = array<i32>} : memref<8x128xi32, #tpu.memory_space<vmem>>, vector<1x16xi32>,
      %get3A_564 = arith.constant 5 : i32
      %get3A_565 = arith.index_cast %get3A_564 : i32 to index
      %get3A_566 = arith.constant 48 : index
      %get3A_567 = tpu.vector_load %arg7[%get3A_565, %get3A_566] {strides = array<i32>} : memref<8x128xi32, #tpu.memory_space<vmem>>, vector<1x16xi32>,
      %get3A_568 = vector.shape_cast %get3A_567 : vector<1x16xi32> to vector<16xi32>
      %add3A_569 = arith.addi %get3A_568, %broadcast_in_dim3A_17 : vector<16xi32>
      %swap3A_570 = arith.constant 5 : i32
      %swap3A_571 = arith.index_cast %swap3A_570 : i32 to index
      %swap3A_572 = arith.constant 48 : index
      %swap3A_573 = tpu.vector_load %arg7[%swap3A_571, %swap3A_572] {strides = array<i32>} : memref<8x128xi32, #tpu.memory_space<vmem>>, vector<1x16xi32>,
      %swap3A_574 = vector.shape_cast %swap3A_573 : vector<1x16xi32> to vector<16xi32>
      %swap3A_575 = vector.shape_cast %add3A_569 : vector<16xi32> to vector<1x16xi32>
      tpu.vector_store %arg7[%swap3A_571, %swap3A_572], %swap3A_575 {strides = array<i32>} : memref<8x128xi32, #tpu.memory_space<vmem>>, vector<1x16xi32>,
      %get3A_576 = arith.constant 5 : i32
      %get3A_577 = arith.index_cast %get3A_576 : i32 to index
      %get3A_578 = arith.constant 64 : index
      %get3A_579 = tpu.vector_load %arg7[%get3A_577, %get3A_578] {strides = array<i32>} : memref<8x128xi32, #tpu.memory_space<vmem>>, vector<1x16xi32>,
      %get3A_580 = vector.shape_cast %get3A_579 : vector<1x16xi32> to vector<16xi32>
      %add3A_581 = arith.addi %get3A_580, %broadcast_in_dim3A_17 : vector<16xi32>
      %swap3A_582 = arith.constant 5 : i32
      %swap3A_583 = arith.index_cast %swap3A_582 : i32 to index
      %swap3A_584 = arith.constant 64 : index
      %swap3A_585 = tpu.vector_load %arg7[%swap3A_583, %swap3A_584] {strides = array<i32>} : memref<8x128xi32, #tpu.memory_space<vmem>>, vector<1x16xi32>,
      %swap3A_586 = vector.shape_cast %swap3A_585 : vector<1x16xi32> to vector<16xi32>
      %swap3A_587 = vector.shape_cast %add3A_581 : vector<16xi32> to vector<1x16xi32>
      tpu.vector_store %arg7[%swap3A_583, %swap3A_584], %swap3A_587 {strides = array<i32>} : memref<8x128xi32, #tpu.memory_space<vmem>>, vector<1x16xi32>,
      %get3A_588 = arith.constant 5 : i32
      %get3A_589 = arith.index_cast %get3A_588 : i32 to index
      %get3A_590 = arith.constant 80 : index
      %get3A_591 = tpu.vector_load %arg7[%get3A_589, %get3A_590] {strides = array<i32>} : memref<8x128xi32, #tpu.memory_space<vmem>>, vector<1x16xi32>,
      %get3A_592 = vector.shape_cast %get3A_591 : vector<1x16xi32> to vector<16xi32>
      %add3A_593 = arith.addi %get3A_592, %broadcast_in_dim3A_17 : vector<16xi32>
      %swap3A_594 = arith.constant 5 : i32
      %swap3A_595 = arith.index_cast %swap3A_594 : i32 to index
      %swap3A_596 = arith.constant 80 : index
      %swap3A_597 = tpu.vector_load %arg7[%swap3A_595, %swap3A_596] {strides = array<i32>} : memref<8x128xi32, #tpu.memory_space<vmem>>, vector<1x16xi32>,
      %swap3A_598 = vector.shape_cast %swap3A_597 : vector<1x16xi32> to vector<16xi32>
      %swap3A_599 = vector.shape_cast %add3A_593 : vector<16xi32> to vector<1x16xi32>
      tpu.vector_store %arg7[%swap3A_595, %swap3A_596], %swap3A_599 {strides = array<i32>} : memref<8x128xi32, #tpu.memory_space<vmem>>, vector<1x16xi32>,
      %get3A_600 = arith.constant 5 : i32
      %get3A_601 = arith.index_cast %get3A_600 : i32 to index
      %get3A_602 = arith.constant 96 : index
      %get3A_603 = tpu.vector_load %arg7[%get3A_601, %get3A_602] {strides = array<i32>} : memref<8x128xi32, #tpu.memory_space<vmem>>, vector<1x16xi32>,
      %get3A_604 = vector.shape_cast %get3A_603 : vector<1x16xi32> to vector<16xi32>
      %add3A_605 = arith.addi %get3A_604, %broadcast_in_dim3A_17 : vector<16xi32>
      %swap3A_606 = arith.constant 5 : i32
      %swap3A_607 = arith.index_cast %swap3A_606 : i32 to index
      %swap3A_608 = arith.constant 96 : index
      %swap3A_609 = tpu.vector_load %arg7[%swap3A_607, %swap3A_608] {strides = array<i32>} : memref<8x128xi32, #tpu.memory_space<vmem>>, vector<1x16xi32>,
      %swap3A_610 = vector.shape_cast %swap3A_609 : vector<1x16xi32> to vector<16xi32>
      %swap3A_611 = vector.shape_cast %add3A_605 : vector<16xi32> to vector<1x16xi32>
      tpu.vector_store %arg7[%swap3A_607, %swap3A_608], %swap3A_611 {strides = array<i32>} : memref<8x128xi32, #tpu.memory_space<vmem>>, vector<1x16xi32>,
      %get3A_612 = arith.constant 5 : i32
      %get3A_613 = arith.index_cast %get3A_612 : i32 to index
      %get3A_614 = arith.constant 112 : index
      %get3A_615 = tpu.vector_load %arg7[%get3A_613, %get3A_614] {strides = array<i32>} : memref<8x128xi32, #tpu.memory_space<vmem>>, vector<1x16xi32>,
      %get3A_616 = vector.shape_cast %get3A_615 : vector<1x16xi32> to vector<16xi32>
      %add3A_617 = arith.addi %get3A_616, %broadcast_in_dim3A_17 : vector<16xi32>
      %swap3A_618 = arith.constant 5 : i32
      %swap3A_619 = arith.index_cast %swap3A_618 : i32 to index
      %swap3A_620 = arith.constant 112 : index
      %swap3A_621 = tpu.vector_load %arg7[%swap3A_619, %swap3A_620] {strides = array<i32>} : memref<8x128xi32, #tpu.memory_space<vmem>>, vector<1x16xi32>,
      %swap3A_622 = vector.shape_cast %swap3A_621 : vector<1x16xi32> to vector<16xi32>
      %swap3A_623 = vector.shape_cast %add3A_617 : vector<16xi32> to vector<1x16xi32>
      tpu.vector_store %arg7[%swap3A_619, %swap3A_620], %swap3A_623 {strides = array<i32>} : memref<8x128xi32, #tpu.memory_space<vmem>>, vector<1x16xi32>,
      %get3A_624 = arith.constant 6 : i32
      %get3A_625 = arith.index_cast %get3A_624 : i32 to index
      %get3A_626 = arith.constant 0 : index
      %get3A_627 = tpu.vector_load %arg7[%get3A_625, %get3A_626] {strides = array<i32>} : memref<8x128xi32, #tpu.memory_space<vmem>>, vector<1x16xi32>,
      %get3A_628 = vector.shape_cast %get3A_627 : vector<1x16xi32> to vector<16xi32>
      %add3A_629 = arith.addi %get3A_628, %broadcast_in_dim3A_17 : vector<16xi32>
      %swap3A_630 = arith.constant 6 : i32
      %swap3A_631 = arith.index_cast %swap3A_630 : i32 to index
      %swap3A_632 = arith.constant 0 : index
      %swap3A_633 = tpu.vector_load %arg7[%swap3A_631, %swap3A_632] {strides = array<i32>} : memref<8x128xi32, #tpu.memory_space<vmem>>, vector<1x16xi32>,
      %swap3A_634 = vector.shape_cast %swap3A_633 : vector<1x16xi32> to vector<16xi32>
      %swap3A_635 = vector.shape_cast %add3A_629 : vector<16xi32> to vector<1x16xi32>
      tpu.vector_store %arg7[%swap3A_631, %swap3A_632], %swap3A_635 {strides = array<i32>} : memref<8x128xi32, #tpu.memory_space<vmem>>, vector<1x16xi32>,
      %get3A_636 = arith.constant 6 : i32
      %get3A_637 = arith.index_cast %get3A_636 : i32 to index
      %get3A_638 = arith.constant 16 : index
      %get3A_639 = tpu.vector_load %arg7[%get3A_637, %get3A_638] {strides = array<i32>} : memref<8x128xi32, #tpu.memory_space<vmem>>, vector<1x16xi32>,
      %get3A_640 = vector.shape_cast %get3A_639 : vector<1x16xi32> to vector<16xi32>
      %add3A_641 = arith.addi %get3A_640, %broadcast_in_dim3A_17 : vector<16xi32>
      %swap3A_642 = arith.constant 6 : i32
      %swap3A_643 = arith.index_cast %swap3A_642 : i32 to index
      %swap3A_644 = arith.constant 16 : index
      %swap3A_645 = tpu.vector_load %arg7[%swap3A_643, %swap3A_644] {strides = array<i32>} : memref<8x128xi32, #tpu.memory_space<vmem>>, vector<1x16xi32>,
      %swap3A_646 = vector.shape_cast %swap3A_645 : vector<1x16xi32> to vector<16xi32>
      %swap3A_647 = vector.shape_cast %add3A_641 : vector<16xi32> to vector<1x16xi32>
      tpu.vector_store %arg7[%swap3A_643, %swap3A_644], %swap3A_647 {strides = array<i32>} : memref<8x128xi32, #tpu.memory_space<vmem>>, vector<1x16xi32>,
      %get3A_648 = arith.constant 6 : i32
      %get3A_649 = arith.index_cast %get3A_648 : i32 to index
      %get3A_650 = arith.constant 32 : index
      %get3A_651 = tpu.vector_load %arg7[%get3A_649, %get3A_650] {strides = array<i32>} : memref<8x128xi32, #tpu.memory_space<vmem>>, vector<1x16xi32>,
      %get3A_652 = vector.shape_cast %get3A_651 : vector<1x16xi32> to vector<16xi32>
      %add3A_653 = arith.addi %get3A_652, %broadcast_in_dim3A_17 : vector<16xi32>
      %swap3A_654 = arith.constant 6 : i32
      %swap3A_655 = arith.index_cast %swap3A_654 : i32 to index
      %swap3A_656 = arith.constant 32 : index
      %swap3A_657 = tpu.vector_load %arg7[%swap3A_655, %swap3A_656] {strides = array<i32>} : memref<8x128xi32, #tpu.memory_space<vmem>>, vector<1x16xi32>,
      %swap3A_658 = vector.shape_cast %swap3A_657 : vector<1x16xi32> to vector<16xi32>
      %swap3A_659 = vector.shape_cast %add3A_653 : vector<16xi32> to vector<1x16xi32>
      tpu.vector_store %arg7[%swap3A_655, %swap3A_656], %swap3A_659 {strides = array<i32>} : memref<8x128xi32, #tpu.memory_space<vmem>>, vector<1x16xi32>,
      %get3A_660 = arith.constant 6 : i32
      %get3A_661 = arith.index_cast %get3A_660 : i32 to index
      %get3A_662 = arith.constant 48 : index
      %get3A_663 = tpu.vector_load %arg7[%get3A_661, %get3A_662] {strides = array<i32>} : memref<8x128xi32, #tpu.memory_space<vmem>>, vector<1x16xi32>,
      %get3A_664 = vector.shape_cast %get3A_663 : vector<1x16xi32> to vector<16xi32>
      %add3A_665 = arith.addi %get3A_664, %broadcast_in_dim3A_17 : vector<16xi32>
      %swap3A_666 = arith.constant 6 : i32
      %swap3A_667 = arith.index_cast %swap3A_666 : i32 to index
      %swap3A_668 = arith.constant 48 : index
      %swap3A_669 = tpu.vector_load %arg7[%swap3A_667, %swap3A_668] {strides = array<i32>} : memref<8x128xi32, #tpu.memory_space<vmem>>, vector<1x16xi32>,
      %swap3A_670 = vector.shape_cast %swap3A_669 : vector<1x16xi32> to vector<16xi32>
      %swap3A_671 = vector.shape_cast %add3A_665 : vector<16xi32> to vector<1x16xi32>
      tpu.vector_store %arg7[%swap3A_667, %swap3A_668], %swap3A_671 {strides = array<i32>} : memref<8x128xi32, #tpu.memory_space<vmem>>, vector<1x16xi32>,
      %get3A_672 = arith.constant 6 : i32
      %get3A_673 = arith.index_cast %get3A_672 : i32 to index
      %get3A_674 = arith.constant 64 : index
      %get3A_675 = tpu.vector_load %arg7[%get3A_673, %get3A_674] {strides = array<i32>} : memref<8x128xi32, #tpu.memory_space<vmem>>, vector<1x16xi32>,
      %get3A_676 = vector.shape_cast %get3A_675 : vector<1x16xi32> to vector<16xi32>
      %add3A_677 = arith.addi %get3A_676, %broadcast_in_dim3A_17 : vector<16xi32>
      %swap3A_678 = arith.constant 6 : i32
      %swap3A_679 = arith.index_cast %swap3A_678 : i32 to index
      %swap3A_680 = arith.constant 64 : index
      %swap3A_681 = tpu.vector_load %arg7[%swap3A_679, %swap3A_680] {strides = array<i32>} : memref<8x128xi32, #tpu.memory_space<vmem>>, vector<1x16xi32>,
      %swap3A_682 = vector.shape_cast %swap3A_681 : vector<1x16xi32> to vector<16xi32>
      %swap3A_683 = vector.shape_cast %add3A_677 : vector<16xi32> to vector<1x16xi32>
      tpu.vector_store %arg7[%swap3A_679, %swap3A_680], %swap3A_683 {strides = array<i32>} : memref<8x128xi32, #tpu.memory_space<vmem>>, vector<1x16xi32>,
      %get3A_684 = arith.constant 6 : i32
      %get3A_685 = arith.index_cast %get3A_684 : i32 to index
      %get3A_686 = arith.constant 80 : index
      %get3A_687 = tpu.vector_load %arg7[%get3A_685, %get3A_686] {strides = array<i32>} : memref<8x128xi32, #tpu.memory_space<vmem>>, vector<1x16xi32>,
      %get3A_688 = vector.shape_cast %get3A_687 : vector<1x16xi32> to vector<16xi32>
      %add3A_689 = arith.addi %get3A_688, %broadcast_in_dim3A_17 : vector<16xi32>
      %swap3A_690 = arith.constant 6 : i32
      %swap3A_691 = arith.index_cast %swap3A_690 : i32 to index
      %swap3A_692 = arith.constant 80 : index
      %swap3A_693 = tpu.vector_load %arg7[%swap3A_691, %swap3A_692] {strides = array<i32>} : memref<8x128xi32, #tpu.memory_space<vmem>>, vector<1x16xi32>,
      %swap3A_694 = vector.shape_cast %swap3A_693 : vector<1x16xi32> to vector<16xi32>
      %swap3A_695 = vector.shape_cast %add3A_689 : vector<16xi32> to vector<1x16xi32>
      tpu.vector_store %arg7[%swap3A_691, %swap3A_692], %swap3A_695 {strides = array<i32>} : memref<8x128xi32, #tpu.memory_space<vmem>>, vector<1x16xi32>,
      %get3A_696 = arith.constant 6 : i32
      %get3A_697 = arith.index_cast %get3A_696 : i32 to index
      %get3A_698 = arith.constant 96 : index
      %get3A_699 = tpu.vector_load %arg7[%get3A_697, %get3A_698] {strides = array<i32>} : memref<8x128xi32, #tpu.memory_space<vmem>>, vector<1x16xi32>,
      %get3A_700 = vector.shape_cast %get3A_699 : vector<1x16xi32> to vector<16xi32>
      %add3A_701 = arith.addi %get3A_700, %broadcast_in_dim3A_17 : vector<16xi32>
      %swap3A_702 = arith.constant 6 : i32
      %swap3A_703 = arith.index_cast %swap3A_702 : i32 to index
      %swap3A_704 = arith.constant 96 : index
      %swap3A_705 = tpu.vector_load %arg7[%swap3A_703, %swap3A_704] {strides = array<i32>} : memref<8x128xi32, #tpu.memory_space<vmem>>, vector<1x16xi32>,
      %swap3A_706 = vector.shape_cast %swap3A_705 : vector<1x16xi32> to vector<16xi32>
      %swap3A_707 = vector.shape_cast %add3A_701 : vector<16xi32> to vector<1x16xi32>
      tpu.vector_store %arg7[%swap3A_703, %swap3A_704], %swap3A_707 {strides = array<i32>} : memref<8x128xi32, #tpu.memory_space<vmem>>, vector<1x16xi32>,
      %get3A_708 = arith.constant 6 : i32
      %get3A_709 = arith.index_cast %get3A_708 : i32 to index
      %get3A_710 = arith.constant 112 : index
      %get3A_711 = tpu.vector_load %arg7[%get3A_709, %get3A_710] {strides = array<i32>} : memref<8x128xi32, #tpu.memory_space<vmem>>, vector<1x16xi32>,
      %get3A_712 = vector.shape_cast %get3A_711 : vector<1x16xi32> to vector<16xi32>
      %add3A_713 = arith.addi %get3A_712, %broadcast_in_dim3A_17 : vector<16xi32>
      %swap3A_714 = arith.constant 6 : i32
      %swap3A_715 = arith.index_cast %swap3A_714 : i32 to index
      %swap3A_716 = arith.constant 112 : index
      %swap3A_717 = tpu.vector_load %arg7[%swap3A_715, %swap3A_716] {strides = array<i32>} : memref<8x128xi32, #tpu.memory_space<vmem>>, vector<1x16xi32>,
      %swap3A_718 = vector.shape_cast %swap3A_717 : vector<1x16xi32> to vector<16xi32>
      %swap3A_719 = vector.shape_cast %add3A_713 : vector<16xi32> to vector<1x16xi32>
      tpu.vector_store %arg7[%swap3A_715, %swap3A_716], %swap3A_719 {strides = array<i32>} : memref<8x128xi32, #tpu.memory_space<vmem>>, vector<1x16xi32>,
      %get3A_720 = arith.constant 7 : i32
      %get3A_721 = arith.index_cast %get3A_720 : i32 to index
      %get3A_722 = arith.constant 0 : index
      %get3A_723 = tpu.vector_load %arg7[%get3A_721, %get3A_722] {strides = array<i32>} : memref<8x128xi32, #tpu.memory_space<vmem>>, vector<1x16xi32>,
      %get3A_724 = vector.shape_cast %get3A_723 : vector<1x16xi32> to vector<16xi32>
      %add3A_725 = arith.addi %get3A_724, %broadcast_in_dim3A_17 : vector<16xi32>
      %swap3A_726 = arith.constant 7 : i32
      %swap3A_727 = arith.index_cast %swap3A_726 : i32 to index
      %swap3A_728 = arith.constant 0 : index
      %swap3A_729 = tpu.vector_load %arg7[%swap3A_727, %swap3A_728] {strides = array<i32>} : memref<8x128xi32, #tpu.memory_space<vmem>>, vector<1x16xi32>,
      %swap3A_730 = vector.shape_cast %swap3A_729 : vector<1x16xi32> to vector<16xi32>
      %swap3A_731 = vector.shape_cast %add3A_725 : vector<16xi32> to vector<1x16xi32>
      tpu.vector_store %arg7[%swap3A_727, %swap3A_728], %swap3A_731 {strides = array<i32>} : memref<8x128xi32, #tpu.memory_space<vmem>>, vector<1x16xi32>,
      %get3A_732 = arith.constant 7 : i32
      %get3A_733 = arith.index_cast %get3A_732 : i32 to index
      %get3A_734 = arith.constant 16 : index
      %get3A_735 = tpu.vector_load %arg7[%get3A_733, %get3A_734] {strides = array<i32>} : memref<8x128xi32, #tpu.memory_space<vmem>>, vector<1x16xi32>,
      %get3A_736 = vector.shape_cast %get3A_735 : vector<1x16xi32> to vector<16xi32>
      %add3A_737 = arith.addi %get3A_736, %broadcast_in_dim3A_17 : vector<16xi32>
      %swap3A_738 = arith.constant 7 : i32
      %swap3A_739 = arith.index_cast %swap3A_738 : i32 to index
      %swap3A_740 = arith.constant 16 : index
      %swap3A_741 = tpu.vector_load %arg7[%swap3A_739, %swap3A_740] {strides = array<i32>} : memref<8x128xi32, #tpu.memory_space<vmem>>, vector<1x16xi32>,
      %swap3A_742 = vector.shape_cast %swap3A_741 : vector<1x16xi32> to vector<16xi32>
      %swap3A_743 = vector.shape_cast %add3A_737 : vector<16xi32> to vector<1x16xi32>
      tpu.vector_store %arg7[%swap3A_739, %swap3A_740], %swap3A_743 {strides = array<i32>} : memref<8x128xi32, #tpu.memory_space<vmem>>, vector<1x16xi32>,
      %get3A_744 = arith.constant 7 : i32
      %get3A_745 = arith.index_cast %get3A_744 : i32 to index
      %get3A_746 = arith.constant 32 : index
      %get3A_747 = tpu.vector_load %arg7[%get3A_745, %get3A_746] {strides = array<i32>} : memref<8x128xi32, #tpu.memory_space<vmem>>, vector<1x16xi32>,
      %get3A_748 = vector.shape_cast %get3A_747 : vector<1x16xi32> to vector<16xi32>
      %add3A_749 = arith.addi %get3A_748, %broadcast_in_dim3A_17 : vector<16xi32>
      %swap3A_750 = arith.constant 7 : i32
      %swap3A_751 = arith.index_cast %swap3A_750 : i32 to index
      %swap3A_752 = arith.constant 32 : index
      %swap3A_753 = tpu.vector_load %arg7[%swap3A_751, %swap3A_752] {strides = array<i32>} : memref<8x128xi32, #tpu.memory_space<vmem>>, vector<1x16xi32>,
      %swap3A_754 = vector.shape_cast %swap3A_753 : vector<1x16xi32> to vector<16xi32>
      %swap3A_755 = vector.shape_cast %add3A_749 : vector<16xi32> to vector<1x16xi32>
      tpu.vector_store %arg7[%swap3A_751, %swap3A_752], %swap3A_755 {strides = array<i32>} : memref<8x128xi32, #tpu.memory_space<vmem>>, vector<1x16xi32>,
      %get3A_756 = arith.constant 7 : i32
      %get3A_757 = arith.index_cast %get3A_756 : i32 to index
      %get3A_758 = arith.constant 48 : index
      %get3A_759 = tpu.vector_load %arg7[%get3A_757, %get3A_758] {strides = array<i32>} : memref<8x128xi32, #tpu.memory_space<vmem>>, vector<1x16xi32>,
      %get3A_760 = vector.shape_cast %get3A_759 : vector<1x16xi32> to vector<16xi32>
      %add3A_761 = arith.addi %get3A_760, %broadcast_in_dim3A_17 : vector<16xi32>
      %swap3A_762 = arith.constant 7 : i32
      %swap3A_763 = arith.index_cast %swap3A_762 : i32 to index
      %swap3A_764 = arith.constant 48 : index
      %swap3A_765 = tpu.vector_load %arg7[%swap3A_763, %swap3A_764] {strides = array<i32>} : memref<8x128xi32, #tpu.memory_space<vmem>>, vector<1x16xi32>,
      %swap3A_766 = vector.shape_cast %swap3A_765 : vector<1x16xi32> to vector<16xi32>
      %swap3A_767 = vector.shape_cast %add3A_761 : vector<16xi32> to vector<1x16xi32>
      tpu.vector_store %arg7[%swap3A_763, %swap3A_764], %swap3A_767 {strides = array<i32>} : memref<8x128xi32, #tpu.memory_space<vmem>>, vector<1x16xi32>,
      %get3A_768 = arith.constant 7 : i32
      %get3A_769 = arith.index_cast %get3A_768 : i32 to index
      %get3A_770 = arith.constant 64 : index
      %get3A_771 = tpu.vector_load %arg7[%get3A_769, %get3A_770] {strides = array<i32>} : memref<8x128xi32, #tpu.memory_space<vmem>>, vector<1x16xi32>,
      %get3A_772 = vector.shape_cast %get3A_771 : vector<1x16xi32> to vector<16xi32>
      %add3A_773 = arith.addi %get3A_772, %broadcast_in_dim3A_17 : vector<16xi32>
      %swap3A_774 = arith.constant 7 : i32
      %swap3A_775 = arith.index_cast %swap3A_774 : i32 to index
      %swap3A_776 = arith.constant 64 : index
      %swap3A_777 = tpu.vector_load %arg7[%swap3A_775, %swap3A_776] {strides = array<i32>} : memref<8x128xi32, #tpu.memory_space<vmem>>, vector<1x16xi32>,
      %swap3A_778 = vector.shape_cast %swap3A_777 : vector<1x16xi32> to vector<16xi32>
      %swap3A_779 = vector.shape_cast %add3A_773 : vector<16xi32> to vector<1x16xi32>
      tpu.vector_store %arg7[%swap3A_775, %swap3A_776], %swap3A_779 {strides = array<i32>} : memref<8x128xi32, #tpu.memory_space<vmem>>, vector<1x16xi32>,
      %get3A_780 = arith.constant 7 : i32
      %get3A_781 = arith.index_cast %get3A_780 : i32 to index
      %get3A_782 = arith.constant 80 : index
      %get3A_783 = tpu.vector_load %arg7[%get3A_781, %get3A_782] {strides = array<i32>} : memref<8x128xi32, #tpu.memory_space<vmem>>, vector<1x16xi32>,
      %get3A_784 = vector.shape_cast %get3A_783 : vector<1x16xi32> to vector<16xi32>
      %add3A_785 = arith.addi %get3A_784, %broadcast_in_dim3A_17 : vector<16xi32>
      %swap3A_786 = arith.constant 7 : i32
      %swap3A_787 = arith.index_cast %swap3A_786 : i32 to index
      %swap3A_788 = arith.constant 80 : index
      %swap3A_789 = tpu.vector_load %arg7[%swap3A_787, %swap3A_788] {strides = array<i32>} : memref<8x128xi32, #tpu.memory_space<vmem>>, vector<1x16xi32>,
      %swap3A_790 = vector.shape_cast %swap3A_789 : vector<1x16xi32> to vector<16xi32>
      %swap3A_791 = vector.shape_cast %add3A_785 : vector<16xi32> to vector<1x16xi32>
      tpu.vector_store %arg7[%swap3A_787, %swap3A_788], %swap3A_791 {strides = array<i32>} : memref<8x128xi32, #tpu.memory_space<vmem>>, vector<1x16xi32>,
      %get3A_792 = arith.constant 7 : i32
      %get3A_793 = arith.index_cast %get3A_792 : i32 to index
      %get3A_794 = arith.constant 96 : index
      %get3A_795 = tpu.vector_load %arg7[%get3A_793, %get3A_794] {strides = array<i32>} : memref<8x128xi32, #tpu.memory_space<vmem>>, vector<1x16xi32>,
      %get3A_796 = vector.shape_cast %get3A_795 : vector<1x16xi32> to vector<16xi32>
      %add3A_797 = arith.addi %get3A_796, %broadcast_in_dim3A_17 : vector<16xi32>
      %swap3A_798 = arith.constant 7 : i32
      %swap3A_799 = arith.index_cast %swap3A_798 : i32 to index
      %swap3A_800 = arith.constant 96 : index
      %swap3A_801 = tpu.vector_load %arg7[%swap3A_799, %swap3A_800] {strides = array<i32>} : memref<8x128xi32, #tpu.memory_space<vmem>>, vector<1x16xi32>,
      %swap3A_802 = vector.shape_cast %swap3A_801 : vector<1x16xi32> to vector<16xi32>
      %swap3A_803 = vector.shape_cast %add3A_797 : vector<16xi32> to vector<1x16xi32>
      tpu.vector_store %arg7[%swap3A_799, %swap3A_800], %swap3A_803 {strides = array<i32>} : memref<8x128xi32, #tpu.memory_space<vmem>>, vector<1x16xi32>,
      %get3A_804 = arith.constant 7 : i32
      %get3A_805 = arith.index_cast %get3A_804 : i32 to index
      %get3A_806 = arith.constant 112 : index
      %get3A_807 = tpu.vector_load %arg7[%get3A_805, %get3A_806] {strides = array<i32>} : memref<8x128xi32, #tpu.memory_space<vmem>>, vector<1x16xi32>,
      %get3A_808 = vector.shape_cast %get3A_807 : vector<1x16xi32> to vector<16xi32>
      %add3A_809 = arith.addi %get3A_808, %broadcast_in_dim3A_17 : vector<16xi32>
      %swap3A_810 = arith.constant 7 : i32
      %swap3A_811 = arith.index_cast %swap3A_810 : i32 to index
      %swap3A_812 = arith.constant 112 : index
      %swap3A_813 = tpu.vector_load %arg7[%swap3A_811, %swap3A_812] {strides = array<i32>} : memref<8x128xi32, #tpu.memory_space<vmem>>, vector<1x16xi32>,
      %swap3A_814 = vector.shape_cast %swap3A_813 : vector<1x16xi32> to vector<16xi32>
      %swap3A_815 = vector.shape_cast %add3A_809 : vector<16xi32> to vector<1x16xi32>
      tpu.vector_store %arg7[%swap3A_811, %swap3A_812], %swap3A_815 {strides = array<i32>} : memref<8x128xi32, #tpu.memory_space<vmem>>, vector<1x16xi32>,
      %dma_start3A = arith.constant 0 : i32
      %dma_start3A_816 = arith.constant 0 : i32
      %dma_start3A_817 = arith.constant 0 : i32
      %dma_start3A_818 = tpu.memref_slice %arg9[%dma_start3A_816, %dma_start3A_817] : memref<256x128xf32, #tpu.memory_space<vmem>> -> memref<128x128xf32, #tpu.memory_space<vmem>>
      %dma_start3A_819 = arith.constant 0 : i32
      %dma_start3A_820 = tpu.memref_slice %arg7[%dma_start3A, %dma_start3A_819] : memref<8x128xi32, #tpu.memory_space<vmem>> -> memref<1x128xi32, #tpu.memory_space<vmem>>
      %dma_start3A_821 = tpu.memref_squeeze %dma_start3A_820 : memref<1x128xi32, #tpu.memory_space<vmem>> -> memref<128xi32, #tpu.memory_space<vmem>>
      %dma_start3A_822 = arith.constant 0 : i32
      %dma_start3A_823 = arith.constant 0 : i32
      %dma_start3A_824 = tpu.memref_slice %arg2[%dma_start3A_822, %dma_start3A_823] : memref<20000x128xf32, #tpu.memory_space<hbm>> -> memref<20000x128xf32, #tpu.memory_space<hbm>>
      tpu.enqueue_indirect_dma source(%dma_start3A_824 : memref<20000x128xf32, #tpu.memory_space<hbm>>) target(%dma_start3A_818 : memref<128x128xf32, #tpu.memory_space<vmem>>) offsets(%dma_start3A_821 : memref<128xi32, #tpu.memory_space<vmem>>) semaphore(%arg10 : memref<!tpu.dma_semaphore, #tpu.memory_space<semaphore_mem>>)
      %dma_wait3A = arith.constant 0 : i32
      %dma_wait3A_825 = arith.constant 0 : i32
      %dma_wait3A_826 = arith.constant 0 : i32
      %dma_wait3A_827 = tpu.memref_slice %arg9[%dma_wait3A_825, %dma_wait3A_826] : memref<256x128xf32, #tpu.memory_space<vmem>> -> memref<128x128xf32, #tpu.memory_space<vmem>>
      %dma_wait3A_828 = arith.constant 0 : i32
      %dma_wait3A_829 = tpu.memref_slice %arg7[%dma_wait3A, %dma_wait3A_828] : memref<8x128xi32, #tpu.memory_space<vmem>> -> memref<1x128xi32, #tpu.memory_space<vmem>>
      %dma_wait3A_830 = tpu.memref_squeeze %dma_wait3A_829 : memref<1x128xi32, #tpu.memory_space<vmem>> -> memref<128xi32, #tpu.memory_space<vmem>>
      %dma_wait3A_831 = arith.constant 0 : i32
      %dma_wait3A_832 = arith.constant 0 : i32
      %dma_wait3A_833 = tpu.memref_slice %arg2[%dma_wait3A_831, %dma_wait3A_832] : memref<20000x128xf32, #tpu.memory_space<hbm>> -> memref<20000x128xf32, #tpu.memory_space<hbm>>
      tpu.wait_indirect_dma semaphore(%arg10 : memref<!tpu.dma_semaphore, #tpu.memory_space<semaphore_mem>>) src(%dma_wait3A_833 : memref<20000x128xf32, #tpu.memory_space<hbm>>) dst(%dma_wait3A_827 : memref<128x128xf32, #tpu.memory_space<vmem>>)
      %dma_start3A_834 = arith.constant 0 : i32
      %dma_start3A_835 = arith.constant 0 : i32
      %dma_start3A_836 = arith.constant 0 : i32
      %dma_start3A_837 = tpu.memref_slice %arg9[%dma_start3A_835, %dma_start3A_836] : memref<256x128xf32, #tpu.memory_space<vmem>> -> memref<128x128xf32, #tpu.memory_space<vmem>>
      %dma_start3A_838 = arith.constant 0 : i32
      %dma_start3A_839 = tpu.memref_slice %arg8[%dma_start3A_834, %dma_start3A_838] : memref<8x128xi32, #tpu.memory_space<vmem>> -> memref<1x128xi32, #tpu.memory_space<vmem>>
      %dma_start3A_840 = tpu.memref_squeeze %dma_start3A_839 : memref<1x128xi32, #tpu.memory_space<vmem>> -> memref<128xi32, #tpu.memory_space<vmem>>
      %dma_start3A_841 = arith.constant 0 : i32
      %dma_start3A_842 = arith.constant 0 : i32
      %dma_start3A_843 = tpu.memref_slice %arg6[%dma_start3A_841, %dma_start3A_842] : memref<10112x128xf32, #tpu.memory_space<vmem_shared>> -> memref<10112x128xf32, #tpu.memory_space<vmem_shared>>
      tpu.enqueue_indirect_dma source(%dma_start3A_837 : memref<128x128xf32, #tpu.memory_space<vmem>>) target(%dma_start3A_843 : memref<10112x128xf32, #tpu.memory_space<vmem_shared>>) offsets(%dma_start3A_840 : memref<128xi32, #tpu.memory_space<vmem>>) semaphore(%arg11 : memref<!tpu.dma_semaphore, #tpu.memory_space<semaphore_mem>>) {add = true}
      %dma_start3A_844 = arith.constant 1 : i32
      %dma_start3A_845 = arith.constant 128 : i32
      %dma_start3A_846 = arith.constant 0 : i32
      %dma_start3A_847 = tpu.memref_slice %arg9[%dma_start3A_845, %dma_start3A_846] : memref<256x128xf32, #tpu.memory_space<vmem>> -> memref<128x128xf32, #tpu.memory_space<vmem>>
      %dma_start3A_848 = arith.constant 0 : i32
      %dma_start3A_849 = tpu.memref_slice %arg7[%dma_start3A_844, %dma_start3A_848] : memref<8x128xi32, #tpu.memory_space<vmem>> -> memref<1x128xi32, #tpu.memory_space<vmem>>
      %dma_start3A_850 = tpu.memref_squeeze %dma_start3A_849 : memref<1x128xi32, #tpu.memory_space<vmem>> -> memref<128xi32, #tpu.memory_space<vmem>>
      %dma_start3A_851 = arith.constant 0 : i32
      %dma_start3A_852 = arith.constant 0 : i32
      %dma_start3A_853 = tpu.memref_slice %arg2[%dma_start3A_851, %dma_start3A_852] : memref<20000x128xf32, #tpu.memory_space<hbm>> -> memref<20000x128xf32, #tpu.memory_space<hbm>>
      tpu.enqueue_indirect_dma source(%dma_start3A_853 : memref<20000x128xf32, #tpu.memory_space<hbm>>) target(%dma_start3A_847 : memref<128x128xf32, #tpu.memory_space<vmem>>) offsets(%dma_start3A_850 : memref<128xi32, #tpu.memory_space<vmem>>) semaphore(%arg10 : memref<!tpu.dma_semaphore, #tpu.memory_space<semaphore_mem>>)
      %dma_wait3A_854 = arith.constant 1 : i32
      %dma_wait3A_855 = arith.constant 128 : i32
      %dma_wait3A_856 = arith.constant 0 : i32
      %dma_wait3A_857 = tpu.memref_slice %arg9[%dma_wait3A_855, %dma_wait3A_856] : memref<256x128xf32, #tpu.memory_space<vmem>> -> memref<128x128xf32, #tpu.memory_space<vmem>>
      %dma_wait3A_858 = arith.constant 0 : i32
      %dma_wait3A_859 = tpu.memref_slice %arg7[%dma_wait3A_854, %dma_wait3A_858] : memref<8x128xi32, #tpu.memory_space<vmem>> -> memref<1x128xi32, #tpu.memory_space<vmem>>
      %dma_wait3A_860 = tpu.memref_squeeze %dma_wait3A_859 : memref<1x128xi32, #tpu.memory_space<vmem>> -> memref<128xi32, #tpu.memory_space<vmem>>
      %dma_wait3A_861 = arith.constant 0 : i32
      %dma_wait3A_862 = arith.constant 0 : i32
      %dma_wait3A_863 = tpu.memref_slice %arg2[%dma_wait3A_861, %dma_wait3A_862] : memref<20000x128xf32, #tpu.memory_space<hbm>> -> memref<20000x128xf32, #tpu.memory_space<hbm>>
      tpu.wait_indirect_dma semaphore(%arg10 : memref<!tpu.dma_semaphore, #tpu.memory_space<semaphore_mem>>) src(%dma_wait3A_863 : memref<20000x128xf32, #tpu.memory_space<hbm>>) dst(%dma_wait3A_857 : memref<128x128xf32, #tpu.memory_space<vmem>>)
      %dma_wait3A_864 = arith.constant 0 : i32
      %dma_wait3A_865 = arith.constant 0 : i32
      %dma_wait3A_866 = arith.constant 0 : i32
      %dma_wait3A_867 = tpu.memref_slice %arg9[%dma_wait3A_865, %dma_wait3A_866] : memref<256x128xf32, #tpu.memory_space<vmem>> -> memref<128x128xf32, #tpu.memory_space<vmem>>
      %dma_wait3A_868 = arith.constant 0 : i32
      %dma_wait3A_869 = tpu.memref_slice %arg8[%dma_wait3A_864, %dma_wait3A_868] : memref<8x128xi32, #tpu.memory_space<vmem>> -> memref<1x128xi32, #tpu.memory_space<vmem>>
      %dma_wait3A_870 = tpu.memref_squeeze %dma_wait3A_869 : memref<1x128xi32, #tpu.memory_space<vmem>> -> memref<128xi32, #tpu.memory_space<vmem>>
      %dma_wait3A_871 = arith.constant 0 : i32
      %dma_wait3A_872 = arith.constant 0 : i32
      %dma_wait3A_873 = tpu.memref_slice %arg6[%dma_wait3A_871, %dma_wait3A_872] : memref<10112x128xf32, #tpu.memory_space<vmem_shared>> -> memref<10112x128xf32, #tpu.memory_space<vmem_shared>>
      tpu.wait_indirect_dma semaphore(%arg11 : memref<!tpu.dma_semaphore, #tpu.memory_space<semaphore_mem>>) src(%dma_wait3A_867 : memref<128x128xf32, #tpu.memory_space<vmem>>) dst(%dma_wait3A_873 : memref<10112x128xf32, #tpu.memory_space<vmem_shared>>)
      %dma_start3A_874 = arith.constant 1 : i32
      %dma_start3A_875 = arith.constant 128 : i32
      %dma_start3A_876 = arith.constant 0 : i32
      %dma_start3A_877 = tpu.memref_slice %arg9[%dma_start3A_875, %dma_start3A_876] : memref<256x128xf32, #tpu.memory_space<vmem>> -> memref<128x128xf32, #tpu.memory_space<vmem>>
      %dma_start3A_878 = arith.constant 0 : i32
      %dma_start3A_879 = tpu.memref_slice %arg8[%dma_start3A_874, %dma_start3A_878] : memref<8x128xi32, #tpu.memory_space<vmem>> -> memref<1x128xi32, #tpu.memory_space<vmem>>
      %dma_start3A_880 = tpu.memref_squeeze %dma_start3A_879 : memref<1x128xi32, #tpu.memory_space<vmem>> -> memref<128xi32, #tpu.memory_space<vmem>>
      %dma_start3A_881 = arith.constant 0 : i32
      %dma_start3A_882 = arith.constant 0 : i32
      %dma_start3A_883 = tpu.memref_slice %arg6[%dma_start3A_881, %dma_start3A_882] : memref<10112x128xf32, #tpu.memory_space<vmem_shared>> -> memref<10112x128xf32, #tpu.memory_space<vmem_shared>>
      tpu.enqueue_indirect_dma source(%dma_start3A_877 : memref<128x128xf32, #tpu.memory_space<vmem>>) target(%dma_start3A_883 : memref<10112x128xf32, #tpu.memory_space<vmem_shared>>) offsets(%dma_start3A_880 : memref<128xi32, #tpu.memory_space<vmem>>) semaphore(%arg11 : memref<!tpu.dma_semaphore, #tpu.memory_space<semaphore_mem>>) {add = true}
      %dma_start3A_884 = arith.constant 2 : i32
      %dma_start3A_885 = arith.constant 0 : i32
      %dma_start3A_886 = arith.constant 0 : i32
      %dma_start3A_887 = tpu.memref_slice %arg9[%dma_start3A_885, %dma_start3A_886] : memref<256x128xf32, #tpu.memory_space<vmem>> -> memref<128x128xf32, #tpu.memory_space<vmem>>
      %dma_start3A_888 = arith.constant 0 : i32
      %dma_start3A_889 = tpu.memref_slice %arg7[%dma_start3A_884, %dma_start3A_888] : memref<8x128xi32, #tpu.memory_space<vmem>> -> memref<1x128xi32, #tpu.memory_space<vmem>>
      %dma_start3A_890 = tpu.memref_squeeze %dma_start3A_889 : memref<1x128xi32, #tpu.memory_space<vmem>> -> memref<128xi32, #tpu.memory_space<vmem>>
      %dma_start3A_891 = arith.constant 0 : i32
      %dma_start3A_892 = arith.constant 0 : i32
      %dma_start3A_893 = tpu.memref_slice %arg2[%dma_start3A_891, %dma_start3A_892] : memref<20000x128xf32, #tpu.memory_space<hbm>> -> memref<20000x128xf32, #tpu.memory_space<hbm>>
      tpu.enqueue_indirect_dma source(%dma_start3A_893 : memref<20000x128xf32, #tpu.memory_space<hbm>>) target(%dma_start3A_887 : memref<128x128xf32, #tpu.memory_space<vmem>>) offsets(%dma_start3A_890 : memref<128xi32, #tpu.memory_space<vmem>>) semaphore(%arg10 : memref<!tpu.dma_semaphore, #tpu.memory_space<semaphore_mem>>)
      %dma_wait3A_894 = arith.constant 2 : i32
      %dma_wait3A_895 = arith.constant 0 : i32
      %dma_wait3A_896 = arith.constant 0 : i32
      %dma_wait3A_897 = tpu.memref_slice %arg9[%dma_wait3A_895, %dma_wait3A_896] : memref<256x128xf32, #tpu.memory_space<vmem>> -> memref<128x128xf32, #tpu.memory_space<vmem>>
      %dma_wait3A_898 = arith.constant 0 : i32
      %dma_wait3A_899 = tpu.memref_slice %arg7[%dma_wait3A_894, %dma_wait3A_898] : memref<8x128xi32, #tpu.memory_space<vmem>> -> memref<1x128xi32, #tpu.memory_space<vmem>>
      %dma_wait3A_900 = tpu.memref_squeeze %dma_wait3A_899 : memref<1x128xi32, #tpu.memory_space<vmem>> -> memref<128xi32, #tpu.memory_space<vmem>>
      %dma_wait3A_901 = arith.constant 0 : i32
      %dma_wait3A_902 = arith.constant 0 : i32
      %dma_wait3A_903 = tpu.memref_slice %arg2[%dma_wait3A_901, %dma_wait3A_902] : memref<20000x128xf32, #tpu.memory_space<hbm>> -> memref<20000x128xf32, #tpu.memory_space<hbm>>
      tpu.wait_indirect_dma semaphore(%arg10 : memref<!tpu.dma_semaphore, #tpu.memory_space<semaphore_mem>>) src(%dma_wait3A_903 : memref<20000x128xf32, #tpu.memory_space<hbm>>) dst(%dma_wait3A_897 : memref<128x128xf32, #tpu.memory_space<vmem>>)
      %dma_wait3A_904 = arith.constant 1 : i32
      %dma_wait3A_905 = arith.constant 128 : i32
      %dma_wait3A_906 = arith.constant 0 : i32
      %dma_wait3A_907 = tpu.memref_slice %arg9[%dma_wait3A_905, %dma_wait3A_906] : memref<256x128xf32, #tpu.memory_space<vmem>> -> memref<128x128xf32, #tpu.memory_space<vmem>>
      %dma_wait3A_908 = arith.constant 0 : i32
      %dma_wait3A_909 = tpu.memref_slice %arg8[%dma_wait3A_904, %dma_wait3A_908] : memref<8x128xi32, #tpu.memory_space<vmem>> -> memref<1x128xi32, #tpu.memory_space<vmem>>
      %dma_wait3A_910 = tpu.memref_squeeze %dma_wait3A_909 : memref<1x128xi32, #tpu.memory_space<vmem>> -> memref<128xi32, #tpu.memory_space<vmem>>
      %dma_wait3A_911 = arith.constant 0 : i32
      %dma_wait3A_912 = arith.constant 0 : i32
      %dma_wait3A_913 = tpu.memref_slice %arg6[%dma_wait3A_911, %dma_wait3A_912] : memref<10112x128xf32, #tpu.memory_space<vmem_shared>> -> memref<10112x128xf32, #tpu.memory_space<vmem_shared>>
      tpu.wait_indirect_dma semaphore(%arg11 : memref<!tpu.dma_semaphore, #tpu.memory_space<semaphore_mem>>) src(%dma_wait3A_907 : memref<128x128xf32, #tpu.memory_space<vmem>>) dst(%dma_wait3A_913 : memref<10112x128xf32, #tpu.memory_space<vmem_shared>>)
      %dma_start3A_914 = arith.constant 2 : i32
      %dma_start3A_915 = arith.constant 0 : i32
      %dma_start3A_916 = arith.constant 0 : i32
      %dma_start3A_917 = tpu.memref_slice %arg9[%dma_start3A_915, %dma_start3A_916] : memref<256x128xf32, #tpu.memory_space<vmem>> -> memref<128x128xf32, #tpu.memory_space<vmem>>
      %dma_start3A_918 = arith.constant 0 : i32
      %dma_start3A_919 = tpu.memref_slice %arg8[%dma_start3A_914, %dma_start3A_918] : memref<8x128xi32, #tpu.memory_space<vmem>> -> memref<1x128xi32, #tpu.memory_space<vmem>>
      %dma_start3A_920 = tpu.memref_squeeze %dma_start3A_919 : memref<1x128xi32, #tpu.memory_space<vmem>> -> memref<128xi32, #tpu.memory_space<vmem>>
      %dma_start3A_921 = arith.constant 0 : i32
      %dma_start3A_922 = arith.constant 0 : i32
      %dma_start3A_923 = tpu.memref_slice %arg6[%dma_start3A_921, %dma_start3A_922] : memref<10112x128xf32, #tpu.memory_space<vmem_shared>> -> memref<10112x128xf32, #tpu.memory_space<vmem_shared>>
      tpu.enqueue_indirect_dma source(%dma_start3A_917 : memref<128x128xf32, #tpu.memory_space<vmem>>) target(%dma_start3A_923 : memref<10112x128xf32, #tpu.memory_space<vmem_shared>>) offsets(%dma_start3A_920 : memref<128xi32, #tpu.memory_space<vmem>>) semaphore(%arg11 : memref<!tpu.dma_semaphore, #tpu.memory_space<semaphore_mem>>) {add = true}
      %dma_start3A_924 = arith.constant 3 : i32
      %dma_start3A_925 = arith.constant 128 : i32
      %dma_start3A_926 = arith.constant 0 : i32
      %dma_start3A_927 = tpu.memref_slice %arg9[%dma_start3A_925, %dma_start3A_926] : memref<256x128xf32, #tpu.memory_space<vmem>> -> memref<128x128xf32, #tpu.memory_space<vmem>>
      %dma_start3A_928 = arith.constant 0 : i32
      %dma_start3A_929 = tpu.memref_slice %arg7[%dma_start3A_924, %dma_start3A_928] : memref<8x128xi32, #tpu.memory_space<vmem>> -> memref<1x128xi32, #tpu.memory_space<vmem>>
      %dma_start3A_930 = tpu.memref_squeeze %dma_start3A_929 : memref<1x128xi32, #tpu.memory_space<vmem>> -> memref<128xi32, #tpu.memory_space<vmem>>
      %dma_start3A_931 = arith.constant 0 : i32
      %dma_start3A_932 = arith.constant 0 : i32
      %dma_start3A_933 = tpu.memref_slice %arg2[%dma_start3A_931, %dma_start3A_932] : memref<20000x128xf32, #tpu.memory_space<hbm>> -> memref<20000x128xf32, #tpu.memory_space<hbm>>
      tpu.enqueue_indirect_dma source(%dma_start3A_933 : memref<20000x128xf32, #tpu.memory_space<hbm>>) target(%dma_start3A_927 : memref<128x128xf32, #tpu.memory_space<vmem>>) offsets(%dma_start3A_930 : memref<128xi32, #tpu.memory_space<vmem>>) semaphore(%arg10 : memref<!tpu.dma_semaphore, #tpu.memory_space<semaphore_mem>>)
      %dma_wait3A_934 = arith.constant 3 : i32
      %dma_wait3A_935 = arith.constant 128 : i32
      %dma_wait3A_936 = arith.constant 0 : i32
      %dma_wait3A_937 = tpu.memref_slice %arg9[%dma_wait3A_935, %dma_wait3A_936] : memref<256x128xf32, #tpu.memory_space<vmem>> -> memref<128x128xf32, #tpu.memory_space<vmem>>
      %dma_wait3A_938 = arith.constant 0 : i32
      %dma_wait3A_939 = tpu.memref_slice %arg7[%dma_wait3A_934, %dma_wait3A_938] : memref<8x128xi32, #tpu.memory_space<vmem>> -> memref<1x128xi32, #tpu.memory_space<vmem>>
      %dma_wait3A_940 = tpu.memref_squeeze %dma_wait3A_939 : memref<1x128xi32, #tpu.memory_space<vmem>> -> memref<128xi32, #tpu.memory_space<vmem>>
      %dma_wait3A_941 = arith.constant 0 : i32
      %dma_wait3A_942 = arith.constant 0 : i32
      %dma_wait3A_943 = tpu.memref_slice %arg2[%dma_wait3A_941, %dma_wait3A_942] : memref<20000x128xf32, #tpu.memory_space<hbm>> -> memref<20000x128xf32, #tpu.memory_space<hbm>>
      tpu.wait_indirect_dma semaphore(%arg10 : memref<!tpu.dma_semaphore, #tpu.memory_space<semaphore_mem>>) src(%dma_wait3A_943 : memref<20000x128xf32, #tpu.memory_space<hbm>>) dst(%dma_wait3A_937 : memref<128x128xf32, #tpu.memory_space<vmem>>)
      %dma_wait3A_944 = arith.constant 2 : i32
      %dma_wait3A_945 = arith.constant 0 : i32
      %dma_wait3A_946 = arith.constant 0 : i32
      %dma_wait3A_947 = tpu.memref_slice %arg9[%dma_wait3A_945, %dma_wait3A_946] : memref<256x128xf32, #tpu.memory_space<vmem>> -> memref<128x128xf32, #tpu.memory_space<vmem>>
      %dma_wait3A_948 = arith.constant 0 : i32
      %dma_wait3A_949 = tpu.memref_slice %arg8[%dma_wait3A_944, %dma_wait3A_948] : memref<8x128xi32, #tpu.memory_space<vmem>> -> memref<1x128xi32, #tpu.memory_space<vmem>>
      %dma_wait3A_950 = tpu.memref_squeeze %dma_wait3A_949 : memref<1x128xi32, #tpu.memory_space<vmem>> -> memref<128xi32, #tpu.memory_space<vmem>>
      %dma_wait3A_951 = arith.constant 0 : i32
      %dma_wait3A_952 = arith.constant 0 : i32
      %dma_wait3A_953 = tpu.memref_slice %arg6[%dma_wait3A_951, %dma_wait3A_952] : memref<10112x128xf32, #tpu.memory_space<vmem_shared>> -> memref<10112x128xf32, #tpu.memory_space<vmem_shared>>
      tpu.wait_indirect_dma semaphore(%arg11 : memref<!tpu.dma_semaphore, #tpu.memory_space<semaphore_mem>>) src(%dma_wait3A_947 : memref<128x128xf32, #tpu.memory_space<vmem>>) dst(%dma_wait3A_953 : memref<10112x128xf32, #tpu.memory_space<vmem_shared>>)
      %dma_start3A_954 = arith.constant 3 : i32
      %dma_start3A_955 = arith.constant 128 : i32
      %dma_start3A_956 = arith.constant 0 : i32
      %dma_start3A_957 = tpu.memref_slice %arg9[%dma_start3A_955, %dma_start3A_956] : memref<256x128xf32, #tpu.memory_space<vmem>> -> memref<128x128xf32, #tpu.memory_space<vmem>>
      %dma_start3A_958 = arith.constant 0 : i32
      %dma_start3A_959 = tpu.memref_slice %arg8[%dma_start3A_954, %dma_start3A_958] : memref<8x128xi32, #tpu.memory_space<vmem>> -> memref<1x128xi32, #tpu.memory_space<vmem>>
      %dma_start3A_960 = tpu.memref_squeeze %dma_start3A_959 : memref<1x128xi32, #tpu.memory_space<vmem>> -> memref<128xi32, #tpu.memory_space<vmem>>
      %dma_start3A_961 = arith.constant 0 : i32
      %dma_start3A_962 = arith.constant 0 : i32
      %dma_start3A_963 = tpu.memref_slice %arg6[%dma_start3A_961, %dma_start3A_962] : memref<10112x128xf32, #tpu.memory_space<vmem_shared>> -> memref<10112x128xf32, #tpu.memory_space<vmem_shared>>
      tpu.enqueue_indirect_dma source(%dma_start3A_957 : memref<128x128xf32, #tpu.memory_space<vmem>>) target(%dma_start3A_963 : memref<10112x128xf32, #tpu.memory_space<vmem_shared>>) offsets(%dma_start3A_960 : memref<128xi32, #tpu.memory_space<vmem>>) semaphore(%arg11 : memref<!tpu.dma_semaphore, #tpu.memory_space<semaphore_mem>>) {add = true}
      %dma_start3A_964 = arith.constant 4 : i32
      %dma_start3A_965 = arith.constant 0 : i32
      %dma_start3A_966 = arith.constant 0 : i32
      %dma_start3A_967 = tpu.memref_slice %arg9[%dma_start3A_965, %dma_start3A_966] : memref<256x128xf32, #tpu.memory_space<vmem>> -> memref<128x128xf32, #tpu.memory_space<vmem>>
      %dma_start3A_968 = arith.constant 0 : i32
      %dma_start3A_969 = tpu.memref_slice %arg7[%dma_start3A_964, %dma_start3A_968] : memref<8x128xi32, #tpu.memory_space<vmem>> -> memref<1x128xi32, #tpu.memory_space<vmem>>
      %dma_start3A_970 = tpu.memref_squeeze %dma_start3A_969 : memref<1x128xi32, #tpu.memory_space<vmem>> -> memref<128xi32, #tpu.memory_space<vmem>>
      %dma_start3A_971 = arith.constant 0 : i32
      %dma_start3A_972 = arith.constant 0 : i32
      %dma_start3A_973 = tpu.memref_slice %arg2[%dma_start3A_971, %dma_start3A_972] : memref<20000x128xf32, #tpu.memory_space<hbm>> -> memref<20000x128xf32, #tpu.memory_space<hbm>>
      tpu.enqueue_indirect_dma source(%dma_start3A_973 : memref<20000x128xf32, #tpu.memory_space<hbm>>) target(%dma_start3A_967 : memref<128x128xf32, #tpu.memory_space<vmem>>) offsets(%dma_start3A_970 : memref<128xi32, #tpu.memory_space<vmem>>) semaphore(%arg10 : memref<!tpu.dma_semaphore, #tpu.memory_space<semaphore_mem>>)
      %dma_wait3A_974 = arith.constant 4 : i32
      %dma_wait3A_975 = arith.constant 0 : i32
      %dma_wait3A_976 = arith.constant 0 : i32
      %dma_wait3A_977 = tpu.memref_slice %arg9[%dma_wait3A_975, %dma_wait3A_976] : memref<256x128xf32, #tpu.memory_space<vmem>> -> memref<128x128xf32, #tpu.memory_space<vmem>>
      %dma_wait3A_978 = arith.constant 0 : i32
      %dma_wait3A_979 = tpu.memref_slice %arg7[%dma_wait3A_974, %dma_wait3A_978] : memref<8x128xi32, #tpu.memory_space<vmem>> -> memref<1x128xi32, #tpu.memory_space<vmem>>
      %dma_wait3A_980 = tpu.memref_squeeze %dma_wait3A_979 : memref<1x128xi32, #tpu.memory_space<vmem>> -> memref<128xi32, #tpu.memory_space<vmem>>
      %dma_wait3A_981 = arith.constant 0 : i32
      %dma_wait3A_982 = arith.constant 0 : i32
      %dma_wait3A_983 = tpu.memref_slice %arg2[%dma_wait3A_981, %dma_wait3A_982] : memref<20000x128xf32, #tpu.memory_space<hbm>> -> memref<20000x128xf32, #tpu.memory_space<hbm>>
      tpu.wait_indirect_dma semaphore(%arg10 : memref<!tpu.dma_semaphore, #tpu.memory_space<semaphore_mem>>) src(%dma_wait3A_983 : memref<20000x128xf32, #tpu.memory_space<hbm>>) dst(%dma_wait3A_977 : memref<128x128xf32, #tpu.memory_space<vmem>>)
      %dma_wait3A_984 = arith.constant 3 : i32
      %dma_wait3A_985 = arith.constant 128 : i32
      %dma_wait3A_986 = arith.constant 0 : i32
      %dma_wait3A_987 = tpu.memref_slice %arg9[%dma_wait3A_985, %dma_wait3A_986] : memref<256x128xf32, #tpu.memory_space<vmem>> -> memref<128x128xf32, #tpu.memory_space<vmem>>
      %dma_wait3A_988 = arith.constant 0 : i32
      %dma_wait3A_989 = tpu.memref_slice %arg8[%dma_wait3A_984, %dma_wait3A_988] : memref<8x128xi32, #tpu.memory_space<vmem>> -> memref<1x128xi32, #tpu.memory_space<vmem>>
      %dma_wait3A_990 = tpu.memref_squeeze %dma_wait3A_989 : memref<1x128xi32, #tpu.memory_space<vmem>> -> memref<128xi32, #tpu.memory_space<vmem>>
      %dma_wait3A_991 = arith.constant 0 : i32
      %dma_wait3A_992 = arith.constant 0 : i32
      %dma_wait3A_993 = tpu.memref_slice %arg6[%dma_wait3A_991, %dma_wait3A_992] : memref<10112x128xf32, #tpu.memory_space<vmem_shared>> -> memref<10112x128xf32, #tpu.memory_space<vmem_shared>>
      tpu.wait_indirect_dma semaphore(%arg11 : memref<!tpu.dma_semaphore, #tpu.memory_space<semaphore_mem>>) src(%dma_wait3A_987 : memref<128x128xf32, #tpu.memory_space<vmem>>) dst(%dma_wait3A_993 : memref<10112x128xf32, #tpu.memory_space<vmem_shared>>)
      %dma_start3A_994 = arith.constant 4 : i32
      %dma_start3A_995 = arith.constant 0 : i32
      %dma_start3A_996 = arith.constant 0 : i32
      %dma_start3A_997 = tpu.memref_slice %arg9[%dma_start3A_995, %dma_start3A_996] : memref<256x128xf32, #tpu.memory_space<vmem>> -> memref<128x128xf32, #tpu.memory_space<vmem>>
      %dma_start3A_998 = arith.constant 0 : i32
      %dma_start3A_999 = tpu.memref_slice %arg8[%dma_start3A_994, %dma_start3A_998] : memref<8x128xi32, #tpu.memory_space<vmem>> -> memref<1x128xi32, #tpu.memory_space<vmem>>
      %dma_start3A_1000 = tpu.memref_squeeze %dma_start3A_999 : memref<1x128xi32, #tpu.memory_space<vmem>> -> memref<128xi32, #tpu.memory_space<vmem>>
      %dma_start3A_1001 = arith.constant 0 : i32
      %dma_start3A_1002 = arith.constant 0 : i32
      %dma_start3A_1003 = tpu.memref_slice %arg6[%dma_start3A_1001, %dma_start3A_1002] : memref<10112x128xf32, #tpu.memory_space<vmem_shared>> -> memref<10112x128xf32, #tpu.memory_space<vmem_shared>>
      tpu.enqueue_indirect_dma source(%dma_start3A_997 : memref<128x128xf32, #tpu.memory_space<vmem>>) target(%dma_start3A_1003 : memref<10112x128xf32, #tpu.memory_space<vmem_shared>>) offsets(%dma_start3A_1000 : memref<128xi32, #tpu.memory_space<vmem>>) semaphore(%arg11 : memref<!tpu.dma_semaphore, #tpu.memory_space<semaphore_mem>>) {add = true}
      %dma_start3A_1004 = arith.constant 5 : i32
      %dma_start3A_1005 = arith.constant 128 : i32
      %dma_start3A_1006 = arith.constant 0 : i32
      %dma_start3A_1007 = tpu.memref_slice %arg9[%dma_start3A_1005, %dma_start3A_1006] : memref<256x128xf32, #tpu.memory_space<vmem>> -> memref<128x128xf32, #tpu.memory_space<vmem>>
      %dma_start3A_1008 = arith.constant 0 : i32
      %dma_start3A_1009 = tpu.memref_slice %arg7[%dma_start3A_1004, %dma_start3A_1008] : memref<8x128xi32, #tpu.memory_space<vmem>> -> memref<1x128xi32, #tpu.memory_space<vmem>>
      %dma_start3A_1010 = tpu.memref_squeeze %dma_start3A_1009 : memref<1x128xi32, #tpu.memory_space<vmem>> -> memref<128xi32, #tpu.memory_space<vmem>>
      %dma_start3A_1011 = arith.constant 0 : i32
      %dma_start3A_1012 = arith.constant 0 : i32
      %dma_start3A_1013 = tpu.memref_slice %arg2[%dma_start3A_1011, %dma_start3A_1012] : memref<20000x128xf32, #tpu.memory_space<hbm>> -> memref<20000x128xf32, #tpu.memory_space<hbm>>
      tpu.enqueue_indirect_dma source(%dma_start3A_1013 : memref<20000x128xf32, #tpu.memory_space<hbm>>) target(%dma_start3A_1007 : memref<128x128xf32, #tpu.memory_space<vmem>>) offsets(%dma_start3A_1010 : memref<128xi32, #tpu.memory_space<vmem>>) semaphore(%arg10 : memref<!tpu.dma_semaphore, #tpu.memory_space<semaphore_mem>>)
      %dma_wait3A_1014 = arith.constant 5 : i32
      %dma_wait3A_1015 = arith.constant 128 : i32
      %dma_wait3A_1016 = arith.constant 0 : i32
      %dma_wait3A_1017 = tpu.memref_slice %arg9[%dma_wait3A_1015, %dma_wait3A_1016] : memref<256x128xf32, #tpu.memory_space<vmem>> -> memref<128x128xf32, #tpu.memory_space<vmem>>
      %dma_wait3A_1018 = arith.constant 0 : i32
      %dma_wait3A_1019 = tpu.memref_slice %arg7[%dma_wait3A_1014, %dma_wait3A_1018] : memref<8x128xi32, #tpu.memory_space<vmem>> -> memref<1x128xi32, #tpu.memory_space<vmem>>
      %dma_wait3A_1020 = tpu.memref_squeeze %dma_wait3A_1019 : memref<1x128xi32, #tpu.memory_space<vmem>> -> memref<128xi32, #tpu.memory_space<vmem>>
      %dma_wait3A_1021 = arith.constant 0 : i32
      %dma_wait3A_1022 = arith.constant 0 : i32
      %dma_wait3A_1023 = tpu.memref_slice %arg2[%dma_wait3A_1021, %dma_wait3A_1022] : memref<20000x128xf32, #tpu.memory_space<hbm>> -> memref<20000x128xf32, #tpu.memory_space<hbm>>
      tpu.wait_indirect_dma semaphore(%arg10 : memref<!tpu.dma_semaphore, #tpu.memory_space<semaphore_mem>>) src(%dma_wait3A_1023 : memref<20000x128xf32, #tpu.memory_space<hbm>>) dst(%dma_wait3A_1017 : memref<128x128xf32, #tpu.memory_space<vmem>>)
      %dma_wait3A_1024 = arith.constant 4 : i32
      %dma_wait3A_1025 = arith.constant 0 : i32
      %dma_wait3A_1026 = arith.constant 0 : i32
      %dma_wait3A_1027 = tpu.memref_slice %arg9[%dma_wait3A_1025, %dma_wait3A_1026] : memref<256x128xf32, #tpu.memory_space<vmem>> -> memref<128x128xf32, #tpu.memory_space<vmem>>
      %dma_wait3A_1028 = arith.constant 0 : i32
      %dma_wait3A_1029 = tpu.memref_slice %arg8[%dma_wait3A_1024, %dma_wait3A_1028] : memref<8x128xi32, #tpu.memory_space<vmem>> -> memref<1x128xi32, #tpu.memory_space<vmem>>
      %dma_wait3A_1030 = tpu.memref_squeeze %dma_wait3A_1029 : memref<1x128xi32, #tpu.memory_space<vmem>> -> memref<128xi32, #tpu.memory_space<vmem>>
      %dma_wait3A_1031 = arith.constant 0 : i32
      %dma_wait3A_1032 = arith.constant 0 : i32
      %dma_wait3A_1033 = tpu.memref_slice %arg6[%dma_wait3A_1031, %dma_wait3A_1032] : memref<10112x128xf32, #tpu.memory_space<vmem_shared>> -> memref<10112x128xf32, #tpu.memory_space<vmem_shared>>
      tpu.wait_indirect_dma semaphore(%arg11 : memref<!tpu.dma_semaphore, #tpu.memory_space<semaphore_mem>>) src(%dma_wait3A_1027 : memref<128x128xf32, #tpu.memory_space<vmem>>) dst(%dma_wait3A_1033 : memref<10112x128xf32, #tpu.memory_space<vmem_shared>>)
      %dma_start3A_1034 = arith.constant 5 : i32
      %dma_start3A_1035 = arith.constant 128 : i32
      %dma_start3A_1036 = arith.constant 0 : i32
      %dma_start3A_1037 = tpu.memref_slice %arg9[%dma_start3A_1035, %dma_start3A_1036] : memref<256x128xf32, #tpu.memory_space<vmem>> -> memref<128x128xf32, #tpu.memory_space<vmem>>
      %dma_start3A_1038 = arith.constant 0 : i32
      %dma_start3A_1039 = tpu.memref_slice %arg8[%dma_start3A_1034, %dma_start3A_1038] : memref<8x128xi32, #tpu.memory_space<vmem>> -> memref<1x128xi32, #tpu.memory_space<vmem>>
      %dma_start3A_1040 = tpu.memref_squeeze %dma_start3A_1039 : memref<1x128xi32, #tpu.memory_space<vmem>> -> memref<128xi32, #tpu.memory_space<vmem>>
      %dma_start3A_1041 = arith.constant 0 : i32
      %dma_start3A_1042 = arith.constant 0 : i32
      %dma_start3A_1043 = tpu.memref_slice %arg6[%dma_start3A_1041, %dma_start3A_1042] : memref<10112x128xf32, #tpu.memory_space<vmem_shared>> -> memref<10112x128xf32, #tpu.memory_space<vmem_shared>>
      tpu.enqueue_indirect_dma source(%dma_start3A_1037 : memref<128x128xf32, #tpu.memory_space<vmem>>) target(%dma_start3A_1043 : memref<10112x128xf32, #tpu.memory_space<vmem_shared>>) offsets(%dma_start3A_1040 : memref<128xi32, #tpu.memory_space<vmem>>) semaphore(%arg11 : memref<!tpu.dma_semaphore, #tpu.memory_space<semaphore_mem>>) {add = true}
      %dma_start3A_1044 = arith.constant 6 : i32
      %dma_start3A_1045 = arith.constant 0 : i32
      %dma_start3A_1046 = arith.constant 0 : i32
      %dma_start3A_1047 = tpu.memref_slice %arg9[%dma_start3A_1045, %dma_start3A_1046] : memref<256x128xf32, #tpu.memory_space<vmem>> -> memref<128x128xf32, #tpu.memory_space<vmem>>
      %dma_start3A_1048 = arith.constant 0 : i32
      %dma_start3A_1049 = tpu.memref_slice %arg7[%dma_start3A_1044, %dma_start3A_1048] : memref<8x128xi32, #tpu.memory_space<vmem>> -> memref<1x128xi32, #tpu.memory_space<vmem>>
      %dma_start3A_1050 = tpu.memref_squeeze %dma_start3A_1049 : memref<1x128xi32, #tpu.memory_space<vmem>> -> memref<128xi32, #tpu.memory_space<vmem>>
      %dma_start3A_1051 = arith.constant 0 : i32
      %dma_start3A_1052 = arith.constant 0 : i32
      %dma_start3A_1053 = tpu.memref_slice %arg2[%dma_start3A_1051, %dma_start3A_1052] : memref<20000x128xf32, #tpu.memory_space<hbm>> -> memref<20000x128xf32, #tpu.memory_space<hbm>>
      tpu.enqueue_indirect_dma source(%dma_start3A_1053 : memref<20000x128xf32, #tpu.memory_space<hbm>>) target(%dma_start3A_1047 : memref<128x128xf32, #tpu.memory_space<vmem>>) offsets(%dma_start3A_1050 : memref<128xi32, #tpu.memory_space<vmem>>) semaphore(%arg10 : memref<!tpu.dma_semaphore, #tpu.memory_space<semaphore_mem>>)
      %dma_wait3A_1054 = arith.constant 6 : i32
      %dma_wait3A_1055 = arith.constant 0 : i32
      %dma_wait3A_1056 = arith.constant 0 : i32
      %dma_wait3A_1057 = tpu.memref_slice %arg9[%dma_wait3A_1055, %dma_wait3A_1056] : memref<256x128xf32, #tpu.memory_space<vmem>> -> memref<128x128xf32, #tpu.memory_space<vmem>>
      %dma_wait3A_1058 = arith.constant 0 : i32
      %dma_wait3A_1059 = tpu.memref_slice %arg7[%dma_wait3A_1054, %dma_wait3A_1058] : memref<8x128xi32, #tpu.memory_space<vmem>> -> memref<1x128xi32, #tpu.memory_space<vmem>>
      %dma_wait3A_1060 = tpu.memref_squeeze %dma_wait3A_1059 : memref<1x128xi32, #tpu.memory_space<vmem>> -> memref<128xi32, #tpu.memory_space<vmem>>
      %dma_wait3A_1061 = arith.constant 0 : i32
      %dma_wait3A_1062 = arith.constant 0 : i32
      %dma_wait3A_1063 = tpu.memref_slice %arg2[%dma_wait3A_1061, %dma_wait3A_1062] : memref<20000x128xf32, #tpu.memory_space<hbm>> -> memref<20000x128xf32, #tpu.memory_space<hbm>>
      tpu.wait_indirect_dma semaphore(%arg10 : memref<!tpu.dma_semaphore, #tpu.memory_space<semaphore_mem>>) src(%dma_wait3A_1063 : memref<20000x128xf32, #tpu.memory_space<hbm>>) dst(%dma_wait3A_1057 : memref<128x128xf32, #tpu.memory_space<vmem>>)
      %dma_wait3A_1064 = arith.constant 5 : i32
      %dma_wait3A_1065 = arith.constant 128 : i32
      %dma_wait3A_1066 = arith.constant 0 : i32
      %dma_wait3A_1067 = tpu.memref_slice %arg9[%dma_wait3A_1065, %dma_wait3A_1066] : memref<256x128xf32, #tpu.memory_space<vmem>> -> memref<128x128xf32, #tpu.memory_space<vmem>>
      %dma_wait3A_1068 = arith.constant 0 : i32
      %dma_wait3A_1069 = tpu.memref_slice %arg8[%dma_wait3A_1064, %dma_wait3A_1068] : memref<8x128xi32, #tpu.memory_space<vmem>> -> memref<1x128xi32, #tpu.memory_space<vmem>>
      %dma_wait3A_1070 = tpu.memref_squeeze %dma_wait3A_1069 : memref<1x128xi32, #tpu.memory_space<vmem>> -> memref<128xi32, #tpu.memory_space<vmem>>
      %dma_wait3A_1071 = arith.constant 0 : i32
      %dma_wait3A_1072 = arith.constant 0 : i32
      %dma_wait3A_1073 = tpu.memref_slice %arg6[%dma_wait3A_1071, %dma_wait3A_1072] : memref<10112x128xf32, #tpu.memory_space<vmem_shared>> -> memref<10112x128xf32, #tpu.memory_space<vmem_shared>>
      tpu.wait_indirect_dma semaphore(%arg11 : memref<!tpu.dma_semaphore, #tpu.memory_space<semaphore_mem>>) src(%dma_wait3A_1067 : memref<128x128xf32, #tpu.memory_space<vmem>>) dst(%dma_wait3A_1073 : memref<10112x128xf32, #tpu.memory_space<vmem_shared>>)
      %dma_start3A_1074 = arith.constant 6 : i32
      %dma_start3A_1075 = arith.constant 0 : i32
      %dma_start3A_1076 = arith.constant 0 : i32
      %dma_start3A_1077 = tpu.memref_slice %arg9[%dma_start3A_1075, %dma_start3A_1076] : memref<256x128xf32, #tpu.memory_space<vmem>> -> memref<128x128xf32, #tpu.memory_space<vmem>>
      %dma_start3A_1078 = arith.constant 0 : i32
      %dma_start3A_1079 = tpu.memref_slice %arg8[%dma_start3A_1074, %dma_start3A_1078] : memref<8x128xi32, #tpu.memory_space<vmem>> -> memref<1x128xi32, #tpu.memory_space<vmem>>
      %dma_start3A_1080 = tpu.memref_squeeze %dma_start3A_1079 : memref<1x128xi32, #tpu.memory_space<vmem>> -> memref<128xi32, #tpu.memory_space<vmem>>
      %dma_start3A_1081 = arith.constant 0 : i32
      %dma_start3A_1082 = arith.constant 0 : i32
      %dma_start3A_1083 = tpu.memref_slice %arg6[%dma_start3A_1081, %dma_start3A_1082] : memref<10112x128xf32, #tpu.memory_space<vmem_shared>> -> memref<10112x128xf32, #tpu.memory_space<vmem_shared>>
      tpu.enqueue_indirect_dma source(%dma_start3A_1077 : memref<128x128xf32, #tpu.memory_space<vmem>>) target(%dma_start3A_1083 : memref<10112x128xf32, #tpu.memory_space<vmem_shared>>) offsets(%dma_start3A_1080 : memref<128xi32, #tpu.memory_space<vmem>>) semaphore(%arg11 : memref<!tpu.dma_semaphore, #tpu.memory_space<semaphore_mem>>) {add = true}
      %dma_start3A_1084 = arith.constant 7 : i32
      %dma_start3A_1085 = arith.constant 128 : i32
      %dma_start3A_1086 = arith.constant 0 : i32
      %dma_start3A_1087 = tpu.memref_slice %arg9[%dma_start3A_1085, %dma_start3A_1086] : memref<256x128xf32, #tpu.memory_space<vmem>> -> memref<128x128xf32, #tpu.memory_space<vmem>>
      %dma_start3A_1088 = arith.constant 0 : i32
      %dma_start3A_1089 = tpu.memref_slice %arg7[%dma_start3A_1084, %dma_start3A_1088] : memref<8x128xi32, #tpu.memory_space<vmem>> -> memref<1x128xi32, #tpu.memory_space<vmem>>
      %dma_start3A_1090 = tpu.memref_squeeze %dma_start3A_1089 : memref<1x128xi32, #tpu.memory_space<vmem>> -> memref<128xi32, #tpu.memory_space<vmem>>
      %dma_start3A_1091 = arith.constant 0 : i32
      %dma_start3A_1092 = arith.constant 0 : i32
      %dma_start3A_1093 = tpu.memref_slice %arg2[%dma_start3A_1091, %dma_start3A_1092] : memref<20000x128xf32, #tpu.memory_space<hbm>> -> memref<20000x128xf32, #tpu.memory_space<hbm>>
      tpu.enqueue_indirect_dma source(%dma_start3A_1093 : memref<20000x128xf32, #tpu.memory_space<hbm>>) target(%dma_start3A_1087 : memref<128x128xf32, #tpu.memory_space<vmem>>) offsets(%dma_start3A_1090 : memref<128xi32, #tpu.memory_space<vmem>>) semaphore(%arg10 : memref<!tpu.dma_semaphore, #tpu.memory_space<semaphore_mem>>)
      %dma_wait3A_1094 = arith.constant 7 : i32
      %dma_wait3A_1095 = arith.constant 128 : i32
      %dma_wait3A_1096 = arith.constant 0 : i32
      %dma_wait3A_1097 = tpu.memref_slice %arg9[%dma_wait3A_1095, %dma_wait3A_1096] : memref<256x128xf32, #tpu.memory_space<vmem>> -> memref<128x128xf32, #tpu.memory_space<vmem>>
      %dma_wait3A_1098 = arith.constant 0 : i32
      %dma_wait3A_1099 = tpu.memref_slice %arg7[%dma_wait3A_1094, %dma_wait3A_1098] : memref<8x128xi32, #tpu.memory_space<vmem>> -> memref<1x128xi32, #tpu.memory_space<vmem>>
      %dma_wait3A_1100 = tpu.memref_squeeze %dma_wait3A_1099 : memref<1x128xi32, #tpu.memory_space<vmem>> -> memref<128xi32, #tpu.memory_space<vmem>>
      %dma_wait3A_1101 = arith.constant 0 : i32
      %dma_wait3A_1102 = arith.constant 0 : i32
      %dma_wait3A_1103 = tpu.memref_slice %arg2[%dma_wait3A_1101, %dma_wait3A_1102] : memref<20000x128xf32, #tpu.memory_space<hbm>> -> memref<20000x128xf32, #tpu.memory_space<hbm>>
      tpu.wait_indirect_dma semaphore(%arg10 : memref<!tpu.dma_semaphore, #tpu.memory_space<semaphore_mem>>) src(%dma_wait3A_1103 : memref<20000x128xf32, #tpu.memory_space<hbm>>) dst(%dma_wait3A_1097 : memref<128x128xf32, #tpu.memory_space<vmem>>)
      %dma_wait3A_1104 = arith.constant 6 : i32
      %dma_wait3A_1105 = arith.constant 0 : i32
      %dma_wait3A_1106 = arith.constant 0 : i32
      %dma_wait3A_1107 = tpu.memref_slice %arg9[%dma_wait3A_1105, %dma_wait3A_1106] : memref<256x128xf32, #tpu.memory_space<vmem>> -> memref<128x128xf32, #tpu.memory_space<vmem>>
      %dma_wait3A_1108 = arith.constant 0 : i32
      %dma_wait3A_1109 = tpu.memref_slice %arg8[%dma_wait3A_1104, %dma_wait3A_1108] : memref<8x128xi32, #tpu.memory_space<vmem>> -> memref<1x128xi32, #tpu.memory_space<vmem>>
      %dma_wait3A_1110 = tpu.memref_squeeze %dma_wait3A_1109 : memref<1x128xi32, #tpu.memory_space<vmem>> -> memref<128xi32, #tpu.memory_space<vmem>>
      %dma_wait3A_1111 = arith.constant 0 : i32
      %dma_wait3A_1112 = arith.constant 0 : i32
      %dma_wait3A_1113 = tpu.memref_slice %arg6[%dma_wait3A_1111, %dma_wait3A_1112] : memref<10112x128xf32, #tpu.memory_space<vmem_shared>> -> memref<10112x128xf32, #tpu.memory_space<vmem_shared>>
      tpu.wait_indirect_dma semaphore(%arg11 : memref<!tpu.dma_semaphore, #tpu.memory_space<semaphore_mem>>) src(%dma_wait3A_1107 : memref<128x128xf32, #tpu.memory_space<vmem>>) dst(%dma_wait3A_1113 : memref<10112x128xf32, #tpu.memory_space<vmem_shared>>)
      %dma_start3A_1114 = arith.constant 7 : i32
      %dma_start3A_1115 = arith.constant 128 : i32
      %dma_start3A_1116 = arith.constant 0 : i32
      %dma_start3A_1117 = tpu.memref_slice %arg9[%dma_start3A_1115, %dma_start3A_1116] : memref<256x128xf32, #tpu.memory_space<vmem>> -> memref<128x128xf32, #tpu.memory_space<vmem>>
      %dma_start3A_1118 = arith.constant 0 : i32
      %dma_start3A_1119 = tpu.memref_slice %arg8[%dma_start3A_1114, %dma_start3A_1118] : memref<8x128xi32, #tpu.memory_space<vmem>> -> memref<1x128xi32, #tpu.memory_space<vmem>>
      %dma_start3A_1120 = tpu.memref_squeeze %dma_start3A_1119 : memref<1x128xi32, #tpu.memory_space<vmem>> -> memref<128xi32, #tpu.memory_space<vmem>>
      %dma_start3A_1121 = arith.constant 0 : i32
      %dma_start3A_1122 = arith.constant 0 : i32
      %dma_start3A_1123 = tpu.memref_slice %arg6[%dma_start3A_1121, %dma_start3A_1122] : memref<10112x128xf32, #tpu.memory_space<vmem_shared>> -> memref<10112x128xf32, #tpu.memory_space<vmem_shared>>
      tpu.enqueue_indirect_dma source(%dma_start3A_1117 : memref<128x128xf32, #tpu.memory_space<vmem>>) target(%dma_start3A_1123 : memref<10112x128xf32, #tpu.memory_space<vmem_shared>>) offsets(%dma_start3A_1120 : memref<128xi32, #tpu.memory_space<vmem>>) semaphore(%arg11 : memref<!tpu.dma_semaphore, #tpu.memory_space<semaphore_mem>>) {add = true}
      %dma_wait3A_1124 = arith.constant 7 : i32
      %dma_wait3A_1125 = arith.constant 128 : i32
      %dma_wait3A_1126 = arith.constant 0 : i32
      %dma_wait3A_1127 = tpu.memref_slice %arg9[%dma_wait3A_1125, %dma_wait3A_1126] : memref<256x128xf32, #tpu.memory_space<vmem>> -> memref<128x128xf32, #tpu.memory_space<vmem>>
      %dma_wait3A_1128 = arith.constant 0 : i32
      %dma_wait3A_1129 = tpu.memref_slice %arg8[%dma_wait3A_1124, %dma_wait3A_1128] : memref<8x128xi32, #tpu.memory_space<vmem>> -> memref<1x128xi32, #tpu.memory_space<vmem>>
      %dma_wait3A_1130 = tpu.memref_squeeze %dma_wait3A_1129 : memref<1x128xi32, #tpu.memory_space<vmem>> -> memref<128xi32, #tpu.memory_space<vmem>>
      %dma_wait3A_1131 = arith.constant 0 : i32
      %dma_wait3A_1132 = arith.constant 0 : i32
      %dma_wait3A_1133 = tpu.memref_slice %arg6[%dma_wait3A_1131, %dma_wait3A_1132] : memref<10112x128xf32, #tpu.memory_space<vmem_shared>> -> memref<10112x128xf32, #tpu.memory_space<vmem_shared>>
      tpu.wait_indirect_dma semaphore(%arg11 : memref<!tpu.dma_semaphore, #tpu.memory_space<semaphore_mem>>) src(%dma_wait3A_1127 : memref<128x128xf32, #tpu.memory_space<vmem>>) dst(%dma_wait3A_1133 : memref<10112x128xf32, #tpu.memory_space<vmem_shared>>)
      %scan3A_1134 = arith.constant 0 : i32
      scf.yield %scan3A_1134 : i32
    }
    %scan3A_24 = arith.constant 20 : i32
    %barrier3A_25 = arith.constant 0 : index
    tpu.barrier barrier_id(%barrier3A_25)
    %mul3A_26 = arith.constant 624 : i32
    %mul3A_27 = arith.muli %arg1, %mul3A_26 : i32
    %mul3A_28 = arith.constant 10000 : i32
    %mul3A_29 = arith.muli %arg0, %mul3A_28 : i32
    %add3A_30 = arith.addi %mul3A_29, %mul3A_27 : i32
    %add3A_31 = arith.constant 0 : i32
    %add3A_32 = arith.addi %mul3A_27, %add3A_31 : i32
    "tpu.region"() ({
      %run_scoped3A = tpu.sem_alloc : memref<!tpu.dma_semaphore, #tpu.memory_space<semaphore_mem>>
      %dma_start3A = arith.constant 0 : i32
      %dma_start3A_45 = tpu.memref_slice %arg6[%add3A_32, %dma_start3A] : memref<10112x128xf32, #tpu.memory_space<vmem_shared>> -> memref<256x128xf32, #tpu.memory_space<vmem_shared>>
      %dma_start3A_46 = arith.constant 0 : i32
      %dma_start3A_47 = tpu.memref_slice %arg6[%add3A_32, %dma_start3A_46] : memref<10112x128xf32, #tpu.memory_space<vmem_shared>> -> memref<256x128xf32, #tpu.memory_space<vmem_shared>>
      tpu.enqueue_dma source(%dma_start3A_47 : memref<256x128xf32, #tpu.memory_space<vmem_shared>>) target(%arg9 : memref<256x128xf32, #tpu.memory_space<vmem>>) target_semaphore(%run_scoped3A : memref<!tpu.dma_semaphore, #tpu.memory_space<semaphore_mem>>)
      %dma_wait3A = arith.constant 0 : i32
      %dma_wait3A_48 = tpu.memref_slice %arg6[%add3A_32, %dma_wait3A] : memref<10112x128xf32, #tpu.memory_space<vmem_shared>> -> memref<256x128xf32, #tpu.memory_space<vmem_shared>>
      %dma_wait3A_49 = arith.constant 0 : i32
      %dma_wait3A_50 = tpu.memref_slice %arg6[%add3A_32, %dma_wait3A_49] : memref<10112x128xf32, #tpu.memory_space<vmem_shared>> -> memref<256x128xf32, #tpu.memory_space<vmem_shared>>
      tpu.wait_dma2 semaphore(%run_scoped3A : memref<!tpu.dma_semaphore, #tpu.memory_space<semaphore_mem>>) src(%dma_wait3A_50 : memref<256x128xf32, #tpu.memory_space<vmem_shared>>) dst(%arg9 : memref<256x128xf32, #tpu.memory_space<vmem>>)
      tpu.yield
    }) : () -> ()
    %add3A_33 = arith.constant 0 : i32
    %add3A_34 = arith.addi %add3A_30, %add3A_33 : i32
    "tpu.region"() ({
      %run_scoped3A = tpu.sem_alloc : memref<!tpu.dma_semaphore, #tpu.memory_space<semaphore_mem>>
      %dma_start3A = arith.constant 0 : i32
      %dma_start3A_45 = tpu.memref_slice %arg5[%add3A_34, %dma_start3A] : memref<20000x128xf32, #tpu.memory_space<hbm>> -> memref<256x128xf32, #tpu.memory_space<hbm>>
      %dma_start3A_46 = arith.constant 0 : i32
      %dma_start3A_47 = tpu.memref_slice %arg5[%add3A_34, %dma_start3A_46] : memref<20000x128xf32, #tpu.memory_space<hbm>> -> memref<256x128xf32, #tpu.memory_space<hbm>>
      tpu.enqueue_dma source(%arg9 : memref<256x128xf32, #tpu.memory_space<vmem>>) target(%dma_start3A_47 : memref<256x128xf32, #tpu.memory_space<hbm>>) target_semaphore(%run_scoped3A : memref<!tpu.dma_semaphore, #tpu.memory_space<semaphore_mem>>)
      %dma_wait3A = arith.constant 0 : i32
      %dma_wait3A_48 = tpu.memref_slice %arg5[%add3A_34, %dma_wait3A] : memref<20000x128xf32, #tpu.memory_space<hbm>> -> memref<256x128xf32, #tpu.memory_space<hbm>>
      %dma_wait3A_49 = arith.constant 0 : i32
      %dma_wait3A_50 = tpu.memref_slice %arg5[%add3A_34, %dma_wait3A_49] : memref<20000x128xf32, #tpu.memory_space<hbm>> -> memref<256x128xf32, #tpu.memory_space<hbm>>
      tpu.wait_dma2 semaphore(%run_scoped3A : memref<!tpu.dma_semaphore, #tpu.memory_space<semaphore_mem>>) src(%arg9 : memref<256x128xf32, #tpu.memory_space<vmem>>) dst(%dma_wait3A_50 : memref<256x128xf32, #tpu.memory_space<hbm>>)
      tpu.yield
    }) : () -> ()
    %add3A_35 = arith.constant 256 : i32
    %add3A_36 = arith.addi %mul3A_27, %add3A_35 : i32
    "tpu.region"() ({
      %run_scoped3A = tpu.sem_alloc : memref<!tpu.dma_semaphore, #tpu.memory_space<semaphore_mem>>
      %dma_start3A = arith.constant 0 : i32
      %dma_start3A_45 = tpu.memref_slice %arg6[%add3A_36, %dma_start3A] : memref<10112x128xf32, #tpu.memory_space<vmem_shared>> -> memref<256x128xf32, #tpu.memory_space<vmem_shared>>
      %dma_start3A_46 = arith.constant 0 : i32
      %dma_start3A_47 = tpu.memref_slice %arg6[%add3A_36, %dma_start3A_46] : memref<10112x128xf32, #tpu.memory_space<vmem_shared>> -> memref<256x128xf32, #tpu.memory_space<vmem_shared>>
      tpu.enqueue_dma source(%dma_start3A_47 : memref<256x128xf32, #tpu.memory_space<vmem_shared>>) target(%arg9 : memref<256x128xf32, #tpu.memory_space<vmem>>) target_semaphore(%run_scoped3A : memref<!tpu.dma_semaphore, #tpu.memory_space<semaphore_mem>>)
      %dma_wait3A = arith.constant 0 : i32
      %dma_wait3A_48 = tpu.memref_slice %arg6[%add3A_36, %dma_wait3A] : memref<10112x128xf32, #tpu.memory_space<vmem_shared>> -> memref<256x128xf32, #tpu.memory_space<vmem_shared>>
      %dma_wait3A_49 = arith.constant 0 : i32
      %dma_wait3A_50 = tpu.memref_slice %arg6[%add3A_36, %dma_wait3A_49] : memref<10112x128xf32, #tpu.memory_space<vmem_shared>> -> memref<256x128xf32, #tpu.memory_space<vmem_shared>>
      tpu.wait_dma2 semaphore(%run_scoped3A : memref<!tpu.dma_semaphore, #tpu.memory_space<semaphore_mem>>) src(%dma_wait3A_50 : memref<256x128xf32, #tpu.memory_space<vmem_shared>>) dst(%arg9 : memref<256x128xf32, #tpu.memory_space<vmem>>)
      tpu.yield
    }) : () -> ()
    %add3A_37 = arith.constant 256 : i32
    %add3A_38 = arith.addi %add3A_30, %add3A_37 : i32
    "tpu.region"() ({
      %run_scoped3A = tpu.sem_alloc : memref<!tpu.dma_semaphore, #tpu.memory_space<semaphore_mem>>
      %dma_start3A = arith.constant 0 : i32
      %dma_start3A_45 = tpu.memref_slice %arg5[%add3A_38, %dma_start3A] : memref<20000x128xf32, #tpu.memory_space<hbm>> -> memref<256x128xf32, #tpu.memory_space<hbm>>
      %dma_start3A_46 = arith.constant 0 : i32
      %dma_start3A_47 = tpu.memref_slice %arg5[%add3A_38, %dma_start3A_46] : memref<20000x128xf32, #tpu.memory_space<hbm>> -> memref<256x128xf32, #tpu.memory_space<hbm>>
      tpu.enqueue_dma source(%arg9 : memref<256x128xf32, #tpu.memory_space<vmem>>) target(%dma_start3A_47 : memref<256x128xf32, #tpu.memory_space<hbm>>) target_semaphore(%run_scoped3A : memref<!tpu.dma_semaphore, #tpu.memory_space<semaphore_mem>>)
      %dma_wait3A = arith.constant 0 : i32
      %dma_wait3A_48 = tpu.memref_slice %arg5[%add3A_38, %dma_wait3A] : memref<20000x128xf32, #tpu.memory_space<hbm>> -> memref<256x128xf32, #tpu.memory_space<hbm>>
      %dma_wait3A_49 = arith.constant 0 : i32
      %dma_wait3A_50 = tpu.memref_slice %arg5[%add3A_38, %dma_wait3A_49] : memref<20000x128xf32, #tpu.memory_space<hbm>> -> memref<256x128xf32, #tpu.memory_space<hbm>>
      tpu.wait_dma2 semaphore(%run_scoped3A : memref<!tpu.dma_semaphore, #tpu.memory_space<semaphore_mem>>) src(%arg9 : memref<256x128xf32, #tpu.memory_space<vmem>>) dst(%dma_wait3A_50 : memref<256x128xf32, #tpu.memory_space<hbm>>)
      tpu.yield
    }) : () -> ()
    %add3A_39 = arith.constant 512 : i32
    %add3A_40 = arith.addi %mul3A_27, %add3A_39 : i32
    "tpu.region"() ({
      %run_scoped3A = tpu.sem_alloc : memref<!tpu.dma_semaphore, #tpu.memory_space<semaphore_mem>>
      %dma_start3A = arith.constant 0 : i32
      %dma_start3A_45 = arith.constant 0 : i32
      %dma_start3A_46 = tpu.memref_slice %arg9[%dma_start3A, %dma_start3A_45] : memref<256x128xf32, #tpu.memory_space<vmem>> -> memref<112x128xf32, #tpu.memory_space<vmem>>
      %dma_start3A_47 = arith.constant 0 : i32
      %dma_start3A_48 = tpu.memref_slice %arg6[%add3A_40, %dma_start3A_47] : memref<10112x128xf32, #tpu.memory_space<vmem_shared>> -> memref<112x128xf32, #tpu.memory_space<vmem_shared>>
      %dma_start3A_49 = arith.constant 0 : i32
      %dma_start3A_50 = arith.constant 0 : i32
      %dma_start3A_51 = tpu.memref_slice %arg9[%dma_start3A_49, %dma_start3A_50] : memref<256x128xf32, #tpu.memory_space<vmem>> -> memref<112x128xf32, #tpu.memory_space<vmem>>
      %dma_start3A_52 = arith.constant 0 : i32
      %dma_start3A_53 = tpu.memref_slice %arg6[%add3A_40, %dma_start3A_52] : memref<10112x128xf32, #tpu.memory_space<vmem_shared>> -> memref<112x128xf32, #tpu.memory_space<vmem_shared>>
      tpu.enqueue_dma source(%dma_start3A_53 : memref<112x128xf32, #tpu.memory_space<vmem_shared>>) target(%dma_start3A_51 : memref<112x128xf32, #tpu.memory_space<vmem>>) target_semaphore(%run_scoped3A : memref<!tpu.dma_semaphore, #tpu.memory_space<semaphore_mem>>)
      %dma_wait3A = arith.constant 0 : i32
      %dma_wait3A_54 = arith.constant 0 : i32
      %dma_wait3A_55 = tpu.memref_slice %arg9[%dma_wait3A, %dma_wait3A_54] : memref<256x128xf32, #tpu.memory_space<vmem>> -> memref<112x128xf32, #tpu.memory_space<vmem>>
      %dma_wait3A_56 = arith.constant 0 : i32
      %dma_wait3A_57 = tpu.memref_slice %arg6[%add3A_40, %dma_wait3A_56] : memref<10112x128xf32, #tpu.memory_space<vmem_shared>> -> memref<112x128xf32, #tpu.memory_space<vmem_shared>>
      %dma_wait3A_58 = arith.constant 0 : i32
      %dma_wait3A_59 = arith.constant 0 : i32
      %dma_wait3A_60 = tpu.memref_slice %arg9[%dma_wait3A_58, %dma_wait3A_59] : memref<256x128xf32, #tpu.memory_space<vmem>> -> memref<112x128xf32, #tpu.memory_space<vmem>>
      %dma_wait3A_61 = arith.constant 0 : i32
      %dma_wait3A_62 = tpu.memref_slice %arg6[%add3A_40, %dma_wait3A_61] : memref<10112x128xf32, #tpu.memory_space<vmem_shared>> -> memref<112x128xf32, #tpu.memory_space<vmem_shared>>
      tpu.wait_dma2 semaphore(%run_scoped3A : memref<!tpu.dma_semaphore, #tpu.memory_space<semaphore_mem>>) src(%dma_wait3A_62 : memref<112x128xf32, #tpu.memory_space<vmem_shared>>) dst(%dma_wait3A_60 : memref<112x128xf32, #tpu.memory_space<vmem>>)
      tpu.yield
    }) : () -> ()
    %add3A_41 = arith.constant 512 : i32
    %add3A_42 = arith.addi %add3A_30, %add3A_41 : i32
    "tpu.region"() ({
      %run_scoped3A = tpu.sem_alloc : memref<!tpu.dma_semaphore, #tpu.memory_space<semaphore_mem>>
      %dma_start3A = arith.constant 0 : i32
      %dma_start3A_45 = arith.constant 0 : i32
      %dma_start3A_46 = tpu.memref_slice %arg9[%dma_start3A, %dma_start3A_45] : memref<256x128xf32, #tpu.memory_space<vmem>> -> memref<112x128xf32, #tpu.memory_space<vmem>>
      %dma_start3A_47 = arith.constant 0 : i32
      %dma_start3A_48 = tpu.memref_slice %arg5[%add3A_42, %dma_start3A_47] : memref<20000x128xf32, #tpu.memory_space<hbm>> -> memref<112x128xf32, #tpu.memory_space<hbm>>
      %dma_start3A_49 = arith.constant 0 : i32
      %dma_start3A_50 = tpu.memref_slice %arg5[%add3A_42, %dma_start3A_49] : memref<20000x128xf32, #tpu.memory_space<hbm>> -> memref<112x128xf32, #tpu.memory_space<hbm>>
      %dma_start3A_51 = arith.constant 0 : i32
      %dma_start3A_52 = arith.constant 0 : i32
      %dma_start3A_53 = tpu.memref_slice %arg9[%dma_start3A_51, %dma_start3A_52] : memref<256x128xf32, #tpu.memory_space<vmem>> -> memref<112x128xf32, #tpu.memory_space<vmem>>
      tpu.enqueue_dma source(%dma_start3A_53 : memref<112x128xf32, #tpu.memory_space<vmem>>) target(%dma_start3A_50 : memref<112x128xf32, #tpu.memory_space<hbm>>) target_semaphore(%run_scoped3A : memref<!tpu.dma_semaphore, #tpu.memory_space<semaphore_mem>>)
      %dma_wait3A = arith.constant 0 : i32
      %dma_wait3A_54 = arith.constant 0 : i32
      %dma_wait3A_55 = tpu.memref_slice %arg9[%dma_wait3A, %dma_wait3A_54] : memref<256x128xf32, #tpu.memory_space<vmem>> -> memref<112x128xf32, #tpu.memory_space<vmem>>
      %dma_wait3A_56 = arith.constant 0 : i32
      %dma_wait3A_57 = tpu.memref_slice %arg5[%add3A_42, %dma_wait3A_56] : memref<20000x128xf32, #tpu.memory_space<hbm>> -> memref<112x128xf32, #tpu.memory_space<hbm>>
      %dma_wait3A_58 = arith.constant 0 : i32
      %dma_wait3A_59 = tpu.memref_slice %arg5[%add3A_42, %dma_wait3A_58] : memref<20000x128xf32, #tpu.memory_space<hbm>> -> memref<112x128xf32, #tpu.memory_space<hbm>>
      %dma_wait3A_60 = arith.constant 0 : i32
      %dma_wait3A_61 = arith.constant 0 : i32
      %dma_wait3A_62 = tpu.memref_slice %arg9[%dma_wait3A_60, %dma_wait3A_61] : memref<256x128xf32, #tpu.memory_space<vmem>> -> memref<112x128xf32, #tpu.memory_space<vmem>>
      tpu.wait_dma2 semaphore(%run_scoped3A : memref<!tpu.dma_semaphore, #tpu.memory_space<semaphore_mem>>) src(%dma_wait3A_62 : memref<112x128xf32, #tpu.memory_space<vmem>>) dst(%dma_wait3A_59 : memref<112x128xf32, #tpu.memory_space<hbm>>)
      tpu.yield
    }) : () -> ()
    %eq3A = arith.constant 0 : i32
    %eq3A_43 = arith.cmpi eq, %arg1, %eq3A : i32
    %convert_element_type3A = arith.extui %eq3A_43 : i1 to i32
    %cond3A = arith.constant 0 : i32
    %cond3A_44 = arith.cmpi ne, %convert_element_type3A, %cond3A : i32
    scf.if %cond3A_44 {
      %mul3A_45 = arith.constant 10000 : i32
      %mul3A_46 = arith.muli %arg0, %mul3A_45 : i32
      %add3A_47 = arith.constant 9984 : i32
      %add3A_48 = arith.addi %mul3A_46, %add3A_47 : i32
      "tpu.region"() ({
        %run_scoped3A = tpu.sem_alloc : memref<!tpu.dma_semaphore, #tpu.memory_space<semaphore_mem>>
        %dma_start3A = arith.constant 0 : i32
        %dma_start3A_51 = arith.constant 0 : i32
        %dma_start3A_52 = tpu.memref_slice %arg9[%dma_start3A, %dma_start3A_51] : memref<256x128xf32, #tpu.memory_space<vmem>> -> memref<16x128xf32, #tpu.memory_space<vmem>>
        %dma_start3A_53 = arith.constant 9984 : i32
        %dma_start3A_54 = arith.constant 0 : i32
        %dma_start3A_55 = tpu.memref_slice %arg6[%dma_start3A_53, %dma_start3A_54] : memref<10112x128xf32, #tpu.memory_space<vmem_shared>> -> memref<16x128xf32, #tpu.memory_space<vmem_shared>>
        %dma_start3A_56 = arith.constant 0 : i32
        %dma_start3A_57 = arith.constant 0 : i32
        %dma_start3A_58 = tpu.memref_slice %arg9[%dma_start3A_56, %dma_start3A_57] : memref<256x128xf32, #tpu.memory_space<vmem>> -> memref<16x128xf32, #tpu.memory_space<vmem>>
        %dma_start3A_59 = arith.constant 9984 : i32
        %dma_start3A_60 = arith.constant 0 : i32
        %dma_start3A_61 = tpu.memref_slice %arg6[%dma_start3A_59, %dma_start3A_60] : memref<10112x128xf32, #tpu.memory_space<vmem_shared>> -> memref<16x128xf32, #tpu.memory_space<vmem_shared>>
        tpu.enqueue_dma source(%dma_start3A_61 : memref<16x128xf32, #tpu.memory_space<vmem_shared>>) target(%dma_start3A_58 : memref<16x128xf32, #tpu.memory_space<vmem>>) target_semaphore(%run_scoped3A : memref<!tpu.dma_semaphore, #tpu.memory_space<semaphore_mem>>)
        %dma_wait3A = arith.constant 0 : i32
        %dma_wait3A_62 = arith.constant 0 : i32
        %dma_wait3A_63 = tpu.memref_slice %arg9[%dma_wait3A, %dma_wait3A_62] : memref<256x128xf32, #tpu.memory_space<vmem>> -> memref<16x128xf32, #tpu.memory_space<vmem>>
        %dma_wait3A_64 = arith.constant 9984 : i32
        %dma_wait3A_65 = arith.constant 0 : i32
        %dma_wait3A_66 = tpu.memref_slice %arg6[%dma_wait3A_64, %dma_wait3A_65] : memref<10112x128xf32, #tpu.memory_space<vmem_shared>> -> memref<16x128xf32, #tpu.memory_space<vmem_shared>>
        %dma_wait3A_67 = arith.constant 0 : i32
        %dma_wait3A_68 = arith.constant 0 : i32
        %dma_wait3A_69 = tpu.memref_slice %arg9[%dma_wait3A_67, %dma_wait3A_68] : memref<256x128xf32, #tpu.memory_space<vmem>> -> memref<16x128xf32, #tpu.memory_space<vmem>>
        %dma_wait3A_70 = arith.constant 9984 : i32
        %dma_wait3A_71 = arith.constant 0 : i32
        %dma_wait3A_72 = tpu.memref_slice %arg6[%dma_wait3A_70, %dma_wait3A_71] : memref<10112x128xf32, #tpu.memory_space<vmem_shared>> -> memref<16x128xf32, #tpu.memory_space<vmem_shared>>
        tpu.wait_dma2 semaphore(%run_scoped3A : memref<!tpu.dma_semaphore, #tpu.memory_space<semaphore_mem>>) src(%dma_wait3A_72 : memref<16x128xf32, #tpu.memory_space<vmem_shared>>) dst(%dma_wait3A_69 : memref<16x128xf32, #tpu.memory_space<vmem>>)
        tpu.yield
      }) : () -> ()
      %add3A_49 = arith.constant 0 : i32
      %add3A_50 = arith.addi %add3A_48, %add3A_49 : i32
      "tpu.region"() ({
        %run_scoped3A = tpu.sem_alloc : memref<!tpu.dma_semaphore, #tpu.memory_space<semaphore_mem>>
        %dma_start3A = arith.constant 0 : i32
        %dma_start3A_51 = arith.constant 0 : i32
        %dma_start3A_52 = tpu.memref_slice %arg9[%dma_start3A, %dma_start3A_51] : memref<256x128xf32, #tpu.memory_space<vmem>> -> memref<16x128xf32, #tpu.memory_space<vmem>>
        %dma_start3A_53 = arith.constant 0 : i32
        %dma_start3A_54 = tpu.memref_slice %arg5[%add3A_50, %dma_start3A_53] : memref<20000x128xf32, #tpu.memory_space<hbm>> -> memref<16x128xf32, #tpu.memory_space<hbm>>
        %dma_start3A_55 = arith.constant 0 : i32
        %dma_start3A_56 = tpu.memref_slice %arg5[%add3A_50, %dma_start3A_55] : memref<20000x128xf32, #tpu.memory_space<hbm>> -> memref<16x128xf32, #tpu.memory_space<hbm>>
        %dma_start3A_57 = arith.constant 0 : i32
        %dma_start3A_58 = arith.constant 0 : i32
        %dma_start3A_59 = tpu.memref_slice %arg9[%dma_start3A_57, %dma_start3A_58] : memref<256x128xf32, #tpu.memory_space<vmem>> -> memref<16x128xf32, #tpu.memory_space<vmem>>
        tpu.enqueue_dma source(%dma_start3A_59 : memref<16x128xf32, #tpu.memory_space<vmem>>) target(%dma_start3A_56 : memref<16x128xf32, #tpu.memory_space<hbm>>) target_semaphore(%run_scoped3A : memref<!tpu.dma_semaphore, #tpu.memory_space<semaphore_mem>>)
        %dma_wait3A = arith.constant 0 : i32
        %dma_wait3A_60 = arith.constant 0 : i32
        %dma_wait3A_61 = tpu.memref_slice %arg9[%dma_wait3A, %dma_wait3A_60] : memref<256x128xf32, #tpu.memory_space<vmem>> -> memref<16x128xf32, #tpu.memory_space<vmem>>
        %dma_wait3A_62 = arith.constant 0 : i32
        %dma_wait3A_63 = tpu.memref_slice %arg5[%add3A_50, %dma_wait3A_62] : memref<20000x128xf32, #tpu.memory_space<hbm>> -> memref<16x128xf32, #tpu.memory_space<hbm>>
        %dma_wait3A_64 = arith.constant 0 : i32
        %dma_wait3A_65 = tpu.memref_slice %arg5[%add3A_50, %dma_wait3A_64] : memref<20000x128xf32, #tpu.memory_space<hbm>> -> memref<16x128xf32, #tpu.memory_space<hbm>>
        %dma_wait3A_66 = arith.constant 0 : i32
        %dma_wait3A_67 = arith.constant 0 : i32
        %dma_wait3A_68 = tpu.memref_slice %arg9[%dma_wait3A_66, %dma_wait3A_67] : memref<256x128xf32, #tpu.memory_space<vmem>> -> memref<16x128xf32, #tpu.memory_space<vmem>>
        tpu.wait_dma2 semaphore(%run_scoped3A : memref<!tpu.dma_semaphore, #tpu.memory_space<semaphore_mem>>) src(%dma_wait3A_68 : memref<16x128xf32, #tpu.memory_space<vmem>>) dst(%dma_wait3A_65 : memref<16x128xf32, #tpu.memory_space<hbm>>)
        tpu.yield
      }) : () -> ()
    } else {
    }
    return
  }
}

module attributes {stable_mosaic.version = 14 : i64} {
  func.func @_tc1_body(%arg0: i32, %arg1: i32, %arg2: memref<2x1000x128xf32, #tpu.memory_space<vmem>>, %arg3: memref<2x1000x128xf32, #tpu.memory_space<vmem>>, %arg4: memref<1000x128xf32, #tpu.memory_space<vmem>>, %arg5: memref<128x256xf32, #tpu.memory_space<vmem>>, %arg6: memref<1x256xf32, #tpu.memory_space<vmem>>, %arg7: memref<128x256xf32, #tpu.memory_space<vmem>>, %arg8: memref<1x256xf32, #tpu.memory_space<vmem>>, %arg9: memref<1x256xf32, #tpu.memory_space<vmem>>, %arg10: memref<2x1000x128xf32, #tpu.memory_space<vmem>>, %arg11: memref<10000x256xf32, #tpu.memory_space<vmem>>, %arg12: memref<1x256xf32, #tpu.memory_space<vmem>>, %arg13: memref<1x256xf32, #tpu.memory_space<vmem>>) attributes {dimension_semantics = [#tpu.dimension_semantics<arbitrary>, #tpu.dimension_semantics<arbitrary>], iteration_bounds = array<i64: 2, 10>, scalar_prefetch = 0 : i64, scratch_operands = 3 : i64, tpu.core_type = #tpu.core_type<tc>, window_params = [{transform_indices = @transform_0, window_bounds = array<i64: 2, 1000, 128>}, {transform_indices = @transform_1, window_bounds = array<i64: 2, 1000, 128>}, {transform_indices = @transform_2, window_bounds = array<i64: 1000, 128>}, {pipeline_mode = #tpu.pipeline_mode<synchronous>, transform_indices = @transform_3, window_bounds = array<i64: 128, 256>}, {pipeline_mode = #tpu.pipeline_mode<synchronous>, transform_indices = @transform_4, window_bounds = array<i64: 1, 256>}, {pipeline_mode = #tpu.pipeline_mode<synchronous>, transform_indices = @transform_5, window_bounds = array<i64: 128, 256>}, {pipeline_mode = #tpu.pipeline_mode<synchronous>, transform_indices = @transform_6, window_bounds = array<i64: 1, 256>}, {pipeline_mode = #tpu.pipeline_mode<synchronous>, transform_indices = @transform_7, window_bounds = array<i64: 1, 256>}, {transform_indices = @transform_8, window_bounds = array<i64: 2, 1000, 128>}]} {
    %eq3A = arith.constant 0 : i32
    %eq3A_0 = arith.cmpi eq, %arg0, %eq3A : i32
    %convert_element_type3A = arith.extui %eq3A_0 : i1 to i32
    %cond3A = arith.constant 0 : i32
    %cond3A_1 = arith.cmpi ne, %convert_element_type3A, %cond3A : i32
    scf.if %cond3A_1 {
      %get3A = arith.constant 0 : index
      %get3A_7 = arith.constant 0 : index
      %get3A_8 = arith.constant 0 : index
      %get3A_9 = vector.load %arg2[%get3A, %get3A_7, %get3A_8] : memref<2x1000x128xf32, #tpu.memory_space<vmem>>, vector<1x1000x128xf32>
      %get3A_10 = vector.shape_cast %get3A_9 : vector<1x1000x128xf32> to vector<1000x128xf32>
      %get3A_11 = arith.constant 1 : index
      %get3A_12 = arith.constant 0 : index
      %get3A_13 = arith.constant 0 : index
      %get3A_14 = vector.load %arg2[%get3A_11, %get3A_12, %get3A_13] : memref<2x1000x128xf32, #tpu.memory_space<vmem>>, vector<1x1000x128xf32>
      %get3A_15 = vector.shape_cast %get3A_14 : vector<1x1000x128xf32> to vector<1000x128xf32>
      %add3A = arith.addf %get3A_10, %get3A_15 : vector<1000x128xf32>
      %get3A_16 = arith.constant 0 : index
      %get3A_17 = arith.constant 0 : index
      %get3A_18 = arith.constant 0 : index
      %get3A_19 = vector.load %arg3[%get3A_16, %get3A_17, %get3A_18] : memref<2x1000x128xf32, #tpu.memory_space<vmem>>, vector<1x1000x128xf32>
      %get3A_20 = vector.shape_cast %get3A_19 : vector<1x1000x128xf32> to vector<1000x128xf32>
      %slice3A = vector.extract_strided_slice %get3A_20 {offsets = [0, 0], sizes = [1000, 1], strides = [1, 1]} : vector<1000x128xf32> to vector<1000x1xf32>
      %get3A_21 = arith.constant 1 : index
      %get3A_22 = arith.constant 0 : index
      %get3A_23 = arith.constant 0 : index
      %get3A_24 = vector.load %arg3[%get3A_21, %get3A_22, %get3A_23] : memref<2x1000x128xf32, #tpu.memory_space<vmem>>, vector<1x1000x128xf32>
      %get3A_25 = vector.shape_cast %get3A_24 : vector<1x1000x128xf32> to vector<1000x128xf32>
      %slice3A_26 = vector.extract_strided_slice %get3A_25 {offsets = [0, 0], sizes = [1000, 1], strides = [1, 1]} : vector<1000x128xf32> to vector<1000x1xf32>
      %add3A_27 = arith.addf %slice3A, %slice3A_26 : vector<1000x1xf32>
      %max3A = arith.constant 1.000000e+00 : f32
      %max3A_28 = vector.broadcast %max3A : f32 to vector<1000x1xf32>
      %max3A_29 = arith.maximumf %add3A_27, %max3A_28 : vector<1000x1xf32>
      %div3A = arith.constant 1.000000e+00 : f32
      %div3A_30 = vector.broadcast %div3A : f32 to vector<1000x1xf32>
      %div3A_31 = arith.divf %div3A_30, %max3A_29 : vector<1000x1xf32>
      %mul3A = vector.broadcast %div3A_31 : vector<1000x1xf32> to vector<1000x128xf32>
      %mul3A_32 = arith.mulf %add3A, %mul3A : vector<1000x128xf32>
      %get3A_33 = arith.constant 0 : index
      %get3A_34 = arith.constant 0 : index
      %get3A_35 = vector.load %arg5[%get3A_33, %get3A_34] : memref<128x256xf32, #tpu.memory_space<vmem>>, vector<128x256xf32>
      %dot_general3A = arith.constant dense<0.000000e+00> : vector<1000x256xf32>
      %dot_general3A_36 = tpu.matmul %mul3A_32, %get3A_35, %dot_general3A {dimension_numbers = #tpu.dot_dimension_numbers<[1], [0], [0], [1], [0, 0, 1, 1], [], []>, precision = #tpu.contract_precision<fp32>, transpose_lhs_hint = false} : vector<1000x128xf32>, vector<128x256xf32>, vector<1000x256xf32> -> vector<1000x256xf32>
      %get3A_37 = arith.constant 0 : index
      %get3A_38 = arith.constant 0 : index
      %get3A_39 = vector.load %arg4[%get3A_37, %get3A_38] : memref<1000x128xf32, #tpu.memory_space<vmem>>, vector<1000x128xf32>
      %get3A_40 = arith.constant 0 : index
      %get3A_41 = arith.constant 0 : index
      %get3A_42 = vector.load %arg7[%get3A_40, %get3A_41] : memref<128x256xf32, #tpu.memory_space<vmem>>, vector<128x256xf32>
      %dot_general3A_43 = arith.constant dense<0.000000e+00> : vector<1000x256xf32>
      %dot_general3A_44 = tpu.matmul %get3A_39, %get3A_42, %dot_general3A_43 {dimension_numbers = #tpu.dot_dimension_numbers<[1], [0], [0], [1], [0, 0, 1, 1], [], []>, precision = #tpu.contract_precision<fp32>, transpose_lhs_hint = false} : vector<1000x128xf32>, vector<128x256xf32>, vector<1000x256xf32> -> vector<1000x256xf32>
      %add3A_45 = arith.addf %dot_general3A_36, %dot_general3A_44 : vector<1000x256xf32>
      %get3A_46 = arith.constant 0 : index
      %get3A_47 = arith.constant 0 : index
      %get3A_48 = vector.load %arg6[%get3A_46, %get3A_47] : memref<1x256xf32, #tpu.memory_space<vmem>>, vector<1x256xf32>
      %add3A_49 = vector.broadcast %get3A_48 : vector<1x256xf32> to vector<1000x256xf32>
      %add3A_50 = arith.addf %add3A_45, %add3A_49 : vector<1000x256xf32>
      %max3A_51 = arith.constant 0.000000e+00 : f32
      %max3A_52 = vector.broadcast %max3A_51 : f32 to vector<1000x256xf32>
      %max3A_53 = arith.maximumf %add3A_50, %max3A_52 : vector<1000x256xf32>
      %mul3A_54 = arith.constant 1000 : i32
      %mul3A_55 = arith.muli %arg1, %mul3A_54 : i32
      %swap3A = arith.index_cast %mul3A_55 : i32 to index
      %swap3A_56 = arith.constant 0 : index
      %swap3A_57 = vector.load %arg11[%swap3A, %swap3A_56] : memref<10000x256xf32, #tpu.memory_space<vmem>>, vector<1000x256xf32>
      tpu.vector_store %arg11[%swap3A, %swap3A_56], %max3A_53 {strides = array<i32>} : memref<10000x256xf32, #tpu.memory_space<vmem>>, vector<1000x256xf32>,
      %eq3A_58 = arith.constant 0 : i32
      %eq3A_59 = arith.cmpi eq, %arg1, %eq3A_58 : i32
      %convert_element_type3A_60 = arith.extui %eq3A_59 : i1 to i32
      %cond3A_61 = arith.constant 0 : i32
      %cond3A_62 = arith.cmpi ne, %convert_element_type3A_60, %cond3A_61 : i32
      scf.if %cond3A_62 {
        %broadcast_in_dim3A_82 = arith.constant 0.000000e+00 : f32
        %broadcast_in_dim3A_83 = vector.broadcast %broadcast_in_dim3A_82 : f32 to vector<1x256xf32>
        %swap3A_84 = arith.constant 0 : index
        %swap3A_85 = arith.constant 0 : index
        %swap3A_86 = vector.load %arg12[%swap3A_84, %swap3A_85] : memref<1x256xf32, #tpu.memory_space<vmem>>, vector<1x256xf32>
        tpu.vector_store %arg12[%swap3A_84, %swap3A_85], %broadcast_in_dim3A_83 {strides = array<i32>} : memref<1x256xf32, #tpu.memory_space<vmem>>, vector<1x256xf32>,
        %broadcast_in_dim3A_87 = arith.constant 0.000000e+00 : f32
        %broadcast_in_dim3A_88 = vector.broadcast %broadcast_in_dim3A_87 : f32 to vector<1x256xf32>
        %swap3A_89 = arith.constant 0 : index
        %swap3A_90 = arith.constant 0 : index
        %swap3A_91 = vector.load %arg13[%swap3A_89, %swap3A_90] : memref<1x256xf32, #tpu.memory_space<vmem>>, vector<1x256xf32>
        tpu.vector_store %arg13[%swap3A_89, %swap3A_90], %broadcast_in_dim3A_88 {strides = array<i32>} : memref<1x256xf32, #tpu.memory_space<vmem>>, vector<1x256xf32>,
      } else {
      }
      %get3A_63 = arith.constant 0 : index
      %get3A_64 = arith.constant 0 : index
      %get3A_65 = vector.load %arg12[%get3A_63, %get3A_64] : memref<1x256xf32, #tpu.memory_space<vmem>>, vector<1x256xf32>
      %reduce_sum3A = arith.constant dense<0.000000e+00> : vector<256xf32>
      %reduce_sum3A_66 = vector.multi_reduction <add>, %max3A_53, %reduce_sum3A [0] : vector<1000x256xf32> to vector<256xf32>
      %broadcast_in_dim3A = vector.shape_cast %reduce_sum3A_66 : vector<256xf32> to vector<1x256xf32>
      %add3A_67 = arith.addf %get3A_65, %broadcast_in_dim3A : vector<1x256xf32>
      %swap3A_68 = arith.constant 0 : index
      %swap3A_69 = arith.constant 0 : index
      %swap3A_70 = vector.load %arg12[%swap3A_68, %swap3A_69] : memref<1x256xf32, #tpu.memory_space<vmem>>, vector<1x256xf32>
      tpu.vector_store %arg12[%swap3A_68, %swap3A_69], %add3A_67 {strides = array<i32>} : memref<1x256xf32, #tpu.memory_space<vmem>>, vector<1x256xf32>,
      %get3A_71 = arith.constant 0 : index
      %get3A_72 = arith.constant 0 : index
      %get3A_73 = vector.load %arg13[%get3A_71, %get3A_72] : memref<1x256xf32, #tpu.memory_space<vmem>>, vector<1x256xf32>
      %mul3A_74 = arith.mulf %max3A_53, %max3A_53 : vector<1000x256xf32>
      %reduce_sum3A_75 = arith.constant dense<0.000000e+00> : vector<256xf32>
      %reduce_sum3A_76 = vector.multi_reduction <add>, %mul3A_74, %reduce_sum3A_75 [0] : vector<1000x256xf32> to vector<256xf32>
      %broadcast_in_dim3A_77 = vector.shape_cast %reduce_sum3A_76 : vector<256xf32> to vector<1x256xf32>
      %add3A_78 = arith.addf %get3A_73, %broadcast_in_dim3A_77 : vector<1x256xf32>
      %swap3A_79 = arith.constant 0 : index
      %swap3A_80 = arith.constant 0 : index
      %swap3A_81 = vector.load %arg13[%swap3A_79, %swap3A_80] : memref<1x256xf32, #tpu.memory_space<vmem>>, vector<1x256xf32>
      tpu.vector_store %arg13[%swap3A_79, %swap3A_80], %add3A_78 {strides = array<i32>} : memref<1x256xf32, #tpu.memory_space<vmem>>, vector<1x256xf32>,
    } else {
    }
    %eq3A_2 = arith.constant 1 : i32
    %eq3A_3 = arith.cmpi eq, %arg0, %eq3A_2 : i32
    %convert_element_type3A_4 = arith.extui %eq3A_3 : i1 to i32
    %cond3A_5 = arith.constant 0 : i32
    %cond3A_6 = arith.cmpi ne, %convert_element_type3A_4, %cond3A_5 : i32
    scf.if %cond3A_6 {
      %get3A = arith.constant 0 : index
      %get3A_7 = arith.constant 0 : index
      %get3A_8 = vector.load %arg12[%get3A, %get3A_7] : memref<1x256xf32, #tpu.memory_space<vmem>>, vector<1x256xf32>
      %div3A = arith.constant 1.000000e+04 : f32
      %div3A_9 = vector.broadcast %div3A : f32 to vector<1x256xf32>
      %div3A_10 = arith.divf %get3A_8, %div3A_9 : vector<1x256xf32>
      %get3A_11 = arith.constant 0 : index
      %get3A_12 = arith.constant 0 : index
      %get3A_13 = vector.load %arg13[%get3A_11, %get3A_12] : memref<1x256xf32, #tpu.memory_space<vmem>>, vector<1x256xf32>
      %div3A_14 = arith.constant 1.000000e+04 : f32
      %div3A_15 = vector.broadcast %div3A_14 : f32 to vector<1x256xf32>
      %div3A_16 = arith.divf %get3A_13, %div3A_15 : vector<1x256xf32>
      %mul3A = arith.mulf %div3A_10, %div3A_10 : vector<1x256xf32>
      %sub3A = arith.subf %div3A_16, %mul3A : vector<1x256xf32>
      %mul3A_17 = arith.constant 1000 : i32
      %mul3A_18 = arith.muli %arg1, %mul3A_17 : i32
      %get3A_19 = arith.index_cast %mul3A_18 : i32 to index
      %get3A_20 = arith.constant 0 : index
      %get3A_21 = vector.load %arg11[%get3A_19, %get3A_20] : memref<10000x256xf32, #tpu.memory_space<vmem>>, vector<1000x256xf32>
      %sub3A_22 = vector.broadcast %div3A_10 : vector<1x256xf32> to vector<1000x256xf32>
      %sub3A_23 = arith.subf %get3A_21, %sub3A_22 : vector<1000x256xf32>
      %add3A = arith.constant 9.99999974E-6 : f32
      %add3A_24 = vector.broadcast %add3A : f32 to vector<1x256xf32>
      %add3A_25 = arith.addf %sub3A, %add3A_24 : vector<1x256xf32>
      %rsqrt3A = math.rsqrt %add3A_25 : vector<1x256xf32>
      %mul3A_26 = vector.broadcast %rsqrt3A : vector<1x256xf32> to vector<1000x256xf32>
      %mul3A_27 = arith.mulf %sub3A_23, %mul3A_26 : vector<1000x256xf32>
      %get3A_28 = arith.constant 0 : index
      %get3A_29 = arith.constant 0 : index
      %get3A_30 = vector.load %arg8[%get3A_28, %get3A_29] : memref<1x256xf32, #tpu.memory_space<vmem>>, vector<1x256xf32>
      %mul3A_31 = vector.broadcast %get3A_30 : vector<1x256xf32> to vector<1000x256xf32>
      %mul3A_32 = arith.mulf %mul3A_27, %mul3A_31 : vector<1000x256xf32>
      %get3A_33 = arith.constant 0 : index
      %get3A_34 = arith.constant 0 : index
      %get3A_35 = vector.load %arg9[%get3A_33, %get3A_34] : memref<1x256xf32, #tpu.memory_space<vmem>>, vector<1x256xf32>
      %add3A_36 = vector.broadcast %get3A_35 : vector<1x256xf32> to vector<1000x256xf32>
      %add3A_37 = arith.addf %mul3A_32, %add3A_36 : vector<1000x256xf32>
      %slice3A = vector.extract_strided_slice %add3A_37 {offsets = [0, 0], sizes = [1000, 128], strides = [1, 1]} : vector<1000x256xf32> to vector<1000x128xf32>
      %swap3A = arith.constant 0 : index
      %swap3A_38 = arith.constant 0 : index
      %swap3A_39 = arith.constant 0 : index
      %swap3A_40 = vector.load %arg10[%swap3A, %swap3A_38, %swap3A_39] : memref<2x1000x128xf32, #tpu.memory_space<vmem>>, vector<1x1000x128xf32>
      %swap3A_41 = vector.shape_cast %swap3A_40 : vector<1x1000x128xf32> to vector<1000x128xf32>
      %swap3A_42 = vector.shape_cast %slice3A : vector<1000x128xf32> to vector<1x1000x128xf32>
      tpu.vector_store %arg10[%swap3A, %swap3A_38, %swap3A_39], %swap3A_42 {strides = array<i32>} : memref<2x1000x128xf32, #tpu.memory_space<vmem>>, vector<1x1000x128xf32>,
      %slice3A_43 = vector.extract_strided_slice %add3A_37 {offsets = [0, 128], sizes = [1000, 128], strides = [1, 1]} : vector<1000x256xf32> to vector<1000x128xf32>
      %swap3A_44 = arith.constant 1 : index
      %swap3A_45 = arith.constant 0 : index
      %swap3A_46 = arith.constant 0 : index
      %swap3A_47 = vector.load %arg10[%swap3A_44, %swap3A_45, %swap3A_46] : memref<2x1000x128xf32, #tpu.memory_space<vmem>>, vector<1x1000x128xf32>
      %swap3A_48 = vector.shape_cast %swap3A_47 : vector<1x1000x128xf32> to vector<1000x128xf32>
      %swap3A_49 = vector.shape_cast %slice3A_43 : vector<1000x128xf32> to vector<1x1000x128xf32>
      tpu.vector_store %arg10[%swap3A_44, %swap3A_45, %swap3A_46], %swap3A_49 {strides = array<i32>} : memref<2x1000x128xf32, #tpu.memory_space<vmem>>, vector<1x1000x128xf32>,
    } else {
    }
    return
  }
  func.func @transform_0(%arg0: i32, %arg1: i32) -> (i32, i32, i32) {
    %c0_i32 = arith.constant 0 : i32
    %c0_i32_0 = arith.constant 0 : i32
    %c0_i32_1 = arith.constant 0 : i32
    return %c0_i32, %arg1, %c0_i32_0 : i32, i32, i32
  }
  func.func @transform_1(%arg0: i32, %arg1: i32) -> (i32, i32, i32) {
    %c0_i32 = arith.constant 0 : i32
    %c0_i32_0 = arith.constant 0 : i32
    %c0_i32_1 = arith.constant 0 : i32
    return %c0_i32, %arg1, %c0_i32_0 : i32, i32, i32
  }
  func.func @transform_2(%arg0: i32, %arg1: i32) -> (i32, i32) {
    %c0_i32 = arith.constant 0 : i32
    %c0_i32_0 = arith.constant 0 : i32
    return %arg1, %c0_i32 : i32, i32
  }
  func.func @transform_3(%arg0: i32, %arg1: i32) -> (i32, i32) {
    %c0_i32 = arith.constant 0 : i32
    %c0_i32_0 = arith.constant 0 : i32
    %c0_i32_1 = arith.constant 0 : i32
    return %c0_i32, %c0_i32_0 : i32, i32
  }
  func.func @transform_4(%arg0: i32, %arg1: i32) -> (i32, i32) {
    %c0_i32 = arith.constant 0 : i32
    %c0_i32_0 = arith.constant 0 : i32
    %c0_i32_1 = arith.constant 0 : i32
    return %c0_i32, %c0_i32_0 : i32, i32
  }
  func.func @transform_5(%arg0: i32, %arg1: i32) -> (i32, i32) {
    %c0_i32 = arith.constant 0 : i32
    %c0_i32_0 = arith.constant 0 : i32
    %c0_i32_1 = arith.constant 0 : i32
    return %c0_i32, %c0_i32_0 : i32, i32
  }
  func.func @transform_6(%arg0: i32, %arg1: i32) -> (i32, i32) {
    %c0_i32 = arith.constant 0 : i32
    %c0_i32_0 = arith.constant 0 : i32
    %c0_i32_1 = arith.constant 0 : i32
    return %c0_i32, %c0_i32_0 : i32, i32
  }
  func.func @transform_7(%arg0: i32, %arg1: i32) -> (i32, i32) {
    %c0_i32 = arith.constant 0 : i32
    %c0_i32_0 = arith.constant 0 : i32
    %c0_i32_1 = arith.constant 0 : i32
    return %c0_i32, %c0_i32_0 : i32, i32
  }
  func.func @transform_8(%arg0: i32, %arg1: i32) -> (i32, i32, i32) {
    %c0_i32 = arith.constant 0 : i32
    %c0_i32_0 = arith.constant 0 : i32
    %c0_i32_1 = arith.constant 0 : i32
    return %c0_i32, %arg1, %c0_i32_0 : i32, i32, i32
  }
}

module attributes {stable_mosaic.version = 14 : i64} {
  func.func @_tc2_body(%arg0: i32, %arg1: i32, %arg2: memref<2x1000x128xf32, #tpu.memory_space<vmem>>, %arg3: memref<2x1000x128xf32, #tpu.memory_space<vmem>>, %arg4: memref<2x1000x128xf32, #tpu.memory_space<vmem>>, %arg5: memref<256x256xf32, #tpu.memory_space<vmem>>, %arg6: memref<1x256xf32, #tpu.memory_space<vmem>>, %arg7: memref<256x256xf32, #tpu.memory_space<vmem>>, %arg8: memref<1x256xf32, #tpu.memory_space<vmem>>, %arg9: memref<1x256xf32, #tpu.memory_space<vmem>>, %arg10: memref<256x128xf32, #tpu.memory_space<vmem>>, %arg11: memref<1x128xf32, #tpu.memory_space<vmem>>, %arg12: memref<1000x128xf32, #tpu.memory_space<vmem>>, %arg13: memref<10000x256xf32, #tpu.memory_space<vmem>>, %arg14: memref<1x256xf32, #tpu.memory_space<vmem>>, %arg15: memref<1x256xf32, #tpu.memory_space<vmem>>) attributes {dimension_semantics = [#tpu.dimension_semantics<arbitrary>, #tpu.dimension_semantics<arbitrary>], iteration_bounds = array<i64: 2, 10>, scalar_prefetch = 0 : i64, scratch_operands = 3 : i64, tpu.core_type = #tpu.core_type<tc>, window_params = [{transform_indices = @transform_0, window_bounds = array<i64: 2, 1000, 128>}, {transform_indices = @transform_1, window_bounds = array<i64: 2, 1000, 128>}, {transform_indices = @transform_2, window_bounds = array<i64: 2, 1000, 128>}, {pipeline_mode = #tpu.pipeline_mode<synchronous>, transform_indices = @transform_3, window_bounds = array<i64: 256, 256>}, {pipeline_mode = #tpu.pipeline_mode<synchronous>, transform_indices = @transform_4, window_bounds = array<i64: 1, 256>}, {pipeline_mode = #tpu.pipeline_mode<synchronous>, transform_indices = @transform_5, window_bounds = array<i64: 256, 256>}, {pipeline_mode = #tpu.pipeline_mode<synchronous>, transform_indices = @transform_6, window_bounds = array<i64: 1, 256>}, {pipeline_mode = #tpu.pipeline_mode<synchronous>, transform_indices = @transform_7, window_bounds = array<i64: 1, 256>}, {pipeline_mode = #tpu.pipeline_mode<synchronous>, transform_indices = @transform_8, window_bounds = array<i64: 256, 128>}, {pipeline_mode = #tpu.pipeline_mode<synchronous>, transform_indices = @transform_9, window_bounds = array<i64: 1, 128>}, {transform_indices = @transform_10, window_bounds = array<i64: 1000, 128>}]} {
    %eq3A = arith.constant 0 : i32
    %eq3A_0 = arith.cmpi eq, %arg0, %eq3A : i32
    %convert_element_type3A = arith.extui %eq3A_0 : i1 to i32
    %cond3A = arith.constant 0 : i32
    %cond3A_1 = arith.cmpi ne, %convert_element_type3A, %cond3A : i32
    scf.if %cond3A_1 {
      %get3A = arith.constant 0 : index
      %get3A_7 = arith.constant 0 : index
      %get3A_8 = arith.constant 0 : index
      %get3A_9 = vector.load %arg3[%get3A, %get3A_7, %get3A_8] : memref<2x1000x128xf32, #tpu.memory_space<vmem>>, vector<1x1000x128xf32>
      %get3A_10 = vector.shape_cast %get3A_9 : vector<1x1000x128xf32> to vector<1000x128xf32>
      %slice3A = vector.extract_strided_slice %get3A_10 {offsets = [0, 0], sizes = [1000, 1], strides = [1, 1]} : vector<1000x128xf32> to vector<1000x1xf32>
      %get3A_11 = arith.constant 1 : index
      %get3A_12 = arith.constant 0 : index
      %get3A_13 = arith.constant 0 : index
      %get3A_14 = vector.load %arg3[%get3A_11, %get3A_12, %get3A_13] : memref<2x1000x128xf32, #tpu.memory_space<vmem>>, vector<1x1000x128xf32>
      %get3A_15 = vector.shape_cast %get3A_14 : vector<1x1000x128xf32> to vector<1000x128xf32>
      %slice3A_16 = vector.extract_strided_slice %get3A_15 {offsets = [0, 0], sizes = [1000, 1], strides = [1, 1]} : vector<1000x128xf32> to vector<1000x1xf32>
      %add3A = arith.addf %slice3A, %slice3A_16 : vector<1000x1xf32>
      %max3A = arith.constant 1.000000e+00 : f32
      %max3A_17 = vector.broadcast %max3A : f32 to vector<1000x1xf32>
      %max3A_18 = arith.maximumf %add3A, %max3A_17 : vector<1000x1xf32>
      %div3A = arith.constant 1.000000e+00 : f32
      %div3A_19 = vector.broadcast %div3A : f32 to vector<1000x1xf32>
      %div3A_20 = arith.divf %div3A_19, %max3A_18 : vector<1000x1xf32>
      %get3A_21 = arith.constant 0 : index
      %get3A_22 = arith.constant 0 : index
      %get3A_23 = vector.load %arg5[%get3A_21, %get3A_22] : memref<256x256xf32, #tpu.memory_space<vmem>>, vector<256x256xf32>
      %get3A_24 = arith.constant 0 : index
      %get3A_25 = arith.constant 0 : index
      %get3A_26 = vector.load %arg7[%get3A_24, %get3A_25] : memref<256x256xf32, #tpu.memory_space<vmem>>, vector<256x256xf32>
      %get3A_27 = arith.constant 0 : index
      %get3A_28 = arith.constant 0 : index
      %get3A_29 = arith.constant 0 : index
      %get3A_30 = vector.load %arg2[%get3A_27, %get3A_28, %get3A_29] : memref<2x1000x128xf32, #tpu.memory_space<vmem>>, vector<1x1000x128xf32>
      %get3A_31 = vector.shape_cast %get3A_30 : vector<1x1000x128xf32> to vector<1000x128xf32>
      %mul3A = vector.broadcast %div3A_20 : vector<1000x1xf32> to vector<1000x128xf32>
      %mul3A_32 = arith.mulf %get3A_31, %mul3A : vector<1000x128xf32>
      %slice3A_33 = vector.extract_strided_slice %get3A_23 {offsets = [0, 0], sizes = [128, 256], strides = [1, 1]} : vector<256x256xf32> to vector<128x256xf32>
      %dot_general3A = arith.constant dense<0.000000e+00> : vector<1000x256xf32>
      %dot_general3A_34 = tpu.matmul %mul3A_32, %slice3A_33, %dot_general3A {dimension_numbers = #tpu.dot_dimension_numbers<[1], [0], [0], [1], [0, 0, 1, 1], [], []>, precision = #tpu.contract_precision<fp32>, transpose_lhs_hint = false} : vector<1000x128xf32>, vector<128x256xf32>, vector<1000x256xf32> -> vector<1000x256xf32>
      %get3A_35 = arith.constant 1 : index
      %get3A_36 = arith.constant 0 : index
      %get3A_37 = arith.constant 0 : index
      %get3A_38 = vector.load %arg2[%get3A_35, %get3A_36, %get3A_37] : memref<2x1000x128xf32, #tpu.memory_space<vmem>>, vector<1x1000x128xf32>
      %get3A_39 = vector.shape_cast %get3A_38 : vector<1x1000x128xf32> to vector<1000x128xf32>
      %mul3A_40 = vector.broadcast %div3A_20 : vector<1000x1xf32> to vector<1000x128xf32>
      %mul3A_41 = arith.mulf %get3A_39, %mul3A_40 : vector<1000x128xf32>
      %slice3A_42 = vector.extract_strided_slice %get3A_23 {offsets = [128, 0], sizes = [128, 256], strides = [1, 1]} : vector<256x256xf32> to vector<128x256xf32>
      %dot_general3A_43 = arith.constant dense<0.000000e+00> : vector<1000x256xf32>
      %dot_general3A_44 = tpu.matmul %mul3A_41, %slice3A_42, %dot_general3A_43 {dimension_numbers = #tpu.dot_dimension_numbers<[1], [0], [0], [1], [0, 0, 1, 1], [], []>, precision = #tpu.contract_precision<fp32>, transpose_lhs_hint = false} : vector<1000x128xf32>, vector<128x256xf32>, vector<1000x256xf32> -> vector<1000x256xf32>
      %add3A_45 = arith.addf %dot_general3A_34, %dot_general3A_44 : vector<1000x256xf32>
      %get3A_46 = arith.constant 0 : index
      %get3A_47 = arith.constant 0 : index
      %get3A_48 = arith.constant 0 : index
      %get3A_49 = vector.load %arg4[%get3A_46, %get3A_47, %get3A_48] : memref<2x1000x128xf32, #tpu.memory_space<vmem>>, vector<1x1000x128xf32>
      %get3A_50 = vector.shape_cast %get3A_49 : vector<1x1000x128xf32> to vector<1000x128xf32>
      %slice3A_51 = vector.extract_strided_slice %get3A_26 {offsets = [0, 0], sizes = [128, 256], strides = [1, 1]} : vector<256x256xf32> to vector<128x256xf32>
      %dot_general3A_52 = arith.constant dense<0.000000e+00> : vector<1000x256xf32>
      %dot_general3A_53 = tpu.matmul %get3A_50, %slice3A_51, %dot_general3A_52 {dimension_numbers = #tpu.dot_dimension_numbers<[1], [0], [0], [1], [0, 0, 1, 1], [], []>, precision = #tpu.contract_precision<fp32>, transpose_lhs_hint = false} : vector<1000x128xf32>, vector<128x256xf32>, vector<1000x256xf32> -> vector<1000x256xf32>
      %add3A_54 = arith.addf %add3A_45, %dot_general3A_53 : vector<1000x256xf32>
      %get3A_55 = arith.constant 1 : index
      %get3A_56 = arith.constant 0 : index
      %get3A_57 = arith.constant 0 : index
      %get3A_58 = vector.load %arg4[%get3A_55, %get3A_56, %get3A_57] : memref<2x1000x128xf32, #tpu.memory_space<vmem>>, vector<1x1000x128xf32>
      %get3A_59 = vector.shape_cast %get3A_58 : vector<1x1000x128xf32> to vector<1000x128xf32>
      %slice3A_60 = vector.extract_strided_slice %get3A_26 {offsets = [128, 0], sizes = [128, 256], strides = [1, 1]} : vector<256x256xf32> to vector<128x256xf32>
      %dot_general3A_61 = arith.constant dense<0.000000e+00> : vector<1000x256xf32>
      %dot_general3A_62 = tpu.matmul %get3A_59, %slice3A_60, %dot_general3A_61 {dimension_numbers = #tpu.dot_dimension_numbers<[1], [0], [0], [1], [0, 0, 1, 1], [], []>, precision = #tpu.contract_precision<fp32>, transpose_lhs_hint = false} : vector<1000x128xf32>, vector<128x256xf32>, vector<1000x256xf32> -> vector<1000x256xf32>
      %add3A_63 = arith.addf %add3A_54, %dot_general3A_62 : vector<1000x256xf32>
      %get3A_64 = arith.constant 0 : index
      %get3A_65 = arith.constant 0 : index
      %get3A_66 = vector.load %arg6[%get3A_64, %get3A_65] : memref<1x256xf32, #tpu.memory_space<vmem>>, vector<1x256xf32>
      %add3A_67 = vector.broadcast %get3A_66 : vector<1x256xf32> to vector<1000x256xf32>
      %add3A_68 = arith.addf %add3A_63, %add3A_67 : vector<1000x256xf32>
      %max3A_69 = arith.constant 0.000000e+00 : f32
      %max3A_70 = vector.broadcast %max3A_69 : f32 to vector<1000x256xf32>
      %max3A_71 = arith.maximumf %add3A_68, %max3A_70 : vector<1000x256xf32>
      %mul3A_72 = arith.constant 1000 : i32
      %mul3A_73 = arith.muli %arg1, %mul3A_72 : i32
      %swap3A = arith.index_cast %mul3A_73 : i32 to index
      %swap3A_74 = arith.constant 0 : index
      %swap3A_75 = vector.load %arg13[%swap3A, %swap3A_74] : memref<10000x256xf32, #tpu.memory_space<vmem>>, vector<1000x256xf32>
      tpu.vector_store %arg13[%swap3A, %swap3A_74], %max3A_71 {strides = array<i32>} : memref<10000x256xf32, #tpu.memory_space<vmem>>, vector<1000x256xf32>,
      %eq3A_76 = arith.constant 0 : i32
      %eq3A_77 = arith.cmpi eq, %arg1, %eq3A_76 : i32
      %convert_element_type3A_78 = arith.extui %eq3A_77 : i1 to i32
      %cond3A_79 = arith.constant 0 : i32
      %cond3A_80 = arith.cmpi ne, %convert_element_type3A_78, %cond3A_79 : i32
      scf.if %cond3A_80 {
        %broadcast_in_dim3A_100 = arith.constant 0.000000e+00 : f32
        %broadcast_in_dim3A_101 = vector.broadcast %broadcast_in_dim3A_100 : f32 to vector<1x256xf32>
        %swap3A_102 = arith.constant 0 : index
        %swap3A_103 = arith.constant 0 : index
        %swap3A_104 = vector.load %arg14[%swap3A_102, %swap3A_103] : memref<1x256xf32, #tpu.memory_space<vmem>>, vector<1x256xf32>
        tpu.vector_store %arg14[%swap3A_102, %swap3A_103], %broadcast_in_dim3A_101 {strides = array<i32>} : memref<1x256xf32, #tpu.memory_space<vmem>>, vector<1x256xf32>,
        %broadcast_in_dim3A_105 = arith.constant 0.000000e+00 : f32
        %broadcast_in_dim3A_106 = vector.broadcast %broadcast_in_dim3A_105 : f32 to vector<1x256xf32>
        %swap3A_107 = arith.constant 0 : index
        %swap3A_108 = arith.constant 0 : index
        %swap3A_109 = vector.load %arg15[%swap3A_107, %swap3A_108] : memref<1x256xf32, #tpu.memory_space<vmem>>, vector<1x256xf32>
        tpu.vector_store %arg15[%swap3A_107, %swap3A_108], %broadcast_in_dim3A_106 {strides = array<i32>} : memref<1x256xf32, #tpu.memory_space<vmem>>, vector<1x256xf32>,
      } else {
      }
      %get3A_81 = arith.constant 0 : index
      %get3A_82 = arith.constant 0 : index
      %get3A_83 = vector.load %arg14[%get3A_81, %get3A_82] : memref<1x256xf32, #tpu.memory_space<vmem>>, vector<1x256xf32>
      %reduce_sum3A = arith.constant dense<0.000000e+00> : vector<256xf32>
      %reduce_sum3A_84 = vector.multi_reduction <add>, %max3A_71, %reduce_sum3A [0] : vector<1000x256xf32> to vector<256xf32>
      %broadcast_in_dim3A = vector.shape_cast %reduce_sum3A_84 : vector<256xf32> to vector<1x256xf32>
      %add3A_85 = arith.addf %get3A_83, %broadcast_in_dim3A : vector<1x256xf32>
      %swap3A_86 = arith.constant 0 : index
      %swap3A_87 = arith.constant 0 : index
      %swap3A_88 = vector.load %arg14[%swap3A_86, %swap3A_87] : memref<1x256xf32, #tpu.memory_space<vmem>>, vector<1x256xf32>
      tpu.vector_store %arg14[%swap3A_86, %swap3A_87], %add3A_85 {strides = array<i32>} : memref<1x256xf32, #tpu.memory_space<vmem>>, vector<1x256xf32>,
      %get3A_89 = arith.constant 0 : index
      %get3A_90 = arith.constant 0 : index
      %get3A_91 = vector.load %arg15[%get3A_89, %get3A_90] : memref<1x256xf32, #tpu.memory_space<vmem>>, vector<1x256xf32>
      %mul3A_92 = arith.mulf %max3A_71, %max3A_71 : vector<1000x256xf32>
      %reduce_sum3A_93 = arith.constant dense<0.000000e+00> : vector<256xf32>
      %reduce_sum3A_94 = vector.multi_reduction <add>, %mul3A_92, %reduce_sum3A_93 [0] : vector<1000x256xf32> to vector<256xf32>
      %broadcast_in_dim3A_95 = vector.shape_cast %reduce_sum3A_94 : vector<256xf32> to vector<1x256xf32>
      %add3A_96 = arith.addf %get3A_91, %broadcast_in_dim3A_95 : vector<1x256xf32>
      %swap3A_97 = arith.constant 0 : index
      %swap3A_98 = arith.constant 0 : index
      %swap3A_99 = vector.load %arg15[%swap3A_97, %swap3A_98] : memref<1x256xf32, #tpu.memory_space<vmem>>, vector<1x256xf32>
      tpu.vector_store %arg15[%swap3A_97, %swap3A_98], %add3A_96 {strides = array<i32>} : memref<1x256xf32, #tpu.memory_space<vmem>>, vector<1x256xf32>,
    } else {
    }
    %eq3A_2 = arith.constant 1 : i32
    %eq3A_3 = arith.cmpi eq, %arg0, %eq3A_2 : i32
    %convert_element_type3A_4 = arith.extui %eq3A_3 : i1 to i32
    %cond3A_5 = arith.constant 0 : i32
    %cond3A_6 = arith.cmpi ne, %convert_element_type3A_4, %cond3A_5 : i32
    scf.if %cond3A_6 {
      %get3A = arith.constant 0 : index
      %get3A_7 = arith.constant 0 : index
      %get3A_8 = vector.load %arg14[%get3A, %get3A_7] : memref<1x256xf32, #tpu.memory_space<vmem>>, vector<1x256xf32>
      %div3A = arith.constant 1.000000e+04 : f32
      %div3A_9 = vector.broadcast %div3A : f32 to vector<1x256xf32>
      %div3A_10 = arith.divf %get3A_8, %div3A_9 : vector<1x256xf32>
      %get3A_11 = arith.constant 0 : index
      %get3A_12 = arith.constant 0 : index
      %get3A_13 = vector.load %arg15[%get3A_11, %get3A_12] : memref<1x256xf32, #tpu.memory_space<vmem>>, vector<1x256xf32>
      %div3A_14 = arith.constant 1.000000e+04 : f32
      %div3A_15 = vector.broadcast %div3A_14 : f32 to vector<1x256xf32>
      %div3A_16 = arith.divf %get3A_13, %div3A_15 : vector<1x256xf32>
      %mul3A = arith.mulf %div3A_10, %div3A_10 : vector<1x256xf32>
      %sub3A = arith.subf %div3A_16, %mul3A : vector<1x256xf32>
      %mul3A_17 = arith.constant 1000 : i32
      %mul3A_18 = arith.muli %arg1, %mul3A_17 : i32
      %get3A_19 = arith.index_cast %mul3A_18 : i32 to index
      %get3A_20 = arith.constant 0 : index
      %get3A_21 = vector.load %arg13[%get3A_19, %get3A_20] : memref<10000x256xf32, #tpu.memory_space<vmem>>, vector<1000x256xf32>
      %sub3A_22 = vector.broadcast %div3A_10 : vector<1x256xf32> to vector<1000x256xf32>
      %sub3A_23 = arith.subf %get3A_21, %sub3A_22 : vector<1000x256xf32>
      %add3A = arith.constant 9.99999974E-6 : f32
      %add3A_24 = vector.broadcast %add3A : f32 to vector<1x256xf32>
      %add3A_25 = arith.addf %sub3A, %add3A_24 : vector<1x256xf32>
      %rsqrt3A = math.rsqrt %add3A_25 : vector<1x256xf32>
      %mul3A_26 = vector.broadcast %rsqrt3A : vector<1x256xf32> to vector<1000x256xf32>
      %mul3A_27 = arith.mulf %sub3A_23, %mul3A_26 : vector<1000x256xf32>
      %get3A_28 = arith.constant 0 : index
      %get3A_29 = arith.constant 0 : index
      %get3A_30 = vector.load %arg8[%get3A_28, %get3A_29] : memref<1x256xf32, #tpu.memory_space<vmem>>, vector<1x256xf32>
      %mul3A_31 = vector.broadcast %get3A_30 : vector<1x256xf32> to vector<1000x256xf32>
      %mul3A_32 = arith.mulf %mul3A_27, %mul3A_31 : vector<1000x256xf32>
      %get3A_33 = arith.constant 0 : index
      %get3A_34 = arith.constant 0 : index
      %get3A_35 = vector.load %arg9[%get3A_33, %get3A_34] : memref<1x256xf32, #tpu.memory_space<vmem>>, vector<1x256xf32>
      %add3A_36 = vector.broadcast %get3A_35 : vector<1x256xf32> to vector<1000x256xf32>
      %add3A_37 = arith.addf %mul3A_32, %add3A_36 : vector<1000x256xf32>
      %get3A_38 = arith.constant 0 : index
      %get3A_39 = arith.constant 0 : index
      %get3A_40 = vector.load %arg10[%get3A_38, %get3A_39] : memref<256x128xf32, #tpu.memory_space<vmem>>, vector<256x128xf32>
      %dot_general3A = arith.constant dense<0.000000e+00> : vector<1000x128xf32>
      %dot_general3A_41 = tpu.matmul %add3A_37, %get3A_40, %dot_general3A {dimension_numbers = #tpu.dot_dimension_numbers<[1], [0], [0], [1], [0, 0, 1, 1], [], []>, precision = #tpu.contract_precision<fp32>, transpose_lhs_hint = false} : vector<1000x256xf32>, vector<256x128xf32>, vector<1000x128xf32> -> vector<1000x128xf32>
      %get3A_42 = arith.constant 0 : index
      %get3A_43 = arith.constant 0 : index
      %get3A_44 = vector.load %arg11[%get3A_42, %get3A_43] : memref<1x128xf32, #tpu.memory_space<vmem>>, vector<1x128xf32>
      %add3A_45 = vector.broadcast %get3A_44 : vector<1x128xf32> to vector<1000x128xf32>
      %add3A_46 = arith.addf %dot_general3A_41, %add3A_45 : vector<1000x128xf32>
      %max3A = arith.constant 0.000000e+00 : f32
      %max3A_47 = vector.broadcast %max3A : f32 to vector<1000x128xf32>
      %max3A_48 = arith.maximumf %add3A_46, %max3A_47 : vector<1000x128xf32>
      %swap3A = arith.constant 0 : index
      %swap3A_49 = arith.constant 0 : index
      %swap3A_50 = vector.load %arg12[%swap3A, %swap3A_49] : memref<1000x128xf32, #tpu.memory_space<vmem>>, vector<1000x128xf32>
      tpu.vector_store %arg12[%swap3A, %swap3A_49], %max3A_48 {strides = array<i32>} : memref<1000x128xf32, #tpu.memory_space<vmem>>, vector<1000x128xf32>,
    } else {
    }
    return
  }
  func.func @transform_0(%arg0: i32, %arg1: i32) -> (i32, i32, i32) {
    %c0_i32 = arith.constant 0 : i32
    %c0_i32_0 = arith.constant 0 : i32
    %c0_i32_1 = arith.constant 0 : i32
    return %c0_i32, %arg1, %c0_i32_0 : i32, i32, i32
  }
  func.func @transform_1(%arg0: i32, %arg1: i32) -> (i32, i32, i32) {
    %c0_i32 = arith.constant 0 : i32
    %c0_i32_0 = arith.constant 0 : i32
    %c0_i32_1 = arith.constant 0 : i32
    return %c0_i32, %arg1, %c0_i32_0 : i32, i32, i32
  }
  func.func @transform_2(%arg0: i32, %arg1: i32) -> (i32, i32, i32) {
    %c0_i32 = arith.constant 0 : i32
    %c0_i32_0 = arith.constant 0 : i32
    %c0_i32_1 = arith.constant 0 : i32
    return %c0_i32, %arg1, %c0_i32_0 : i32, i32, i32
  }
  func.func @transform_3(%arg0: i32, %arg1: i32) -> (i32, i32) {
    %c0_i32 = arith.constant 0 : i32
    %c0_i32_0 = arith.constant 0 : i32
    %c0_i32_1 = arith.constant 0 : i32
    return %c0_i32, %c0_i32_0 : i32, i32
  }
  func.func @transform_4(%arg0: i32, %arg1: i32) -> (i32, i32) {
    %c0_i32 = arith.constant 0 : i32
    %c0_i32_0 = arith.constant 0 : i32
    %c0_i32_1 = arith.constant 0 : i32
    return %c0_i32, %c0_i32_0 : i32, i32
  }
  func.func @transform_5(%arg0: i32, %arg1: i32) -> (i32, i32) {
    %c0_i32 = arith.constant 0 : i32
    %c0_i32_0 = arith.constant 0 : i32
    %c0_i32_1 = arith.constant 0 : i32
    return %c0_i32, %c0_i32_0 : i32, i32
  }
  func.func @transform_6(%arg0: i32, %arg1: i32) -> (i32, i32) {
    %c0_i32 = arith.constant 0 : i32
    %c0_i32_0 = arith.constant 0 : i32
    %c0_i32_1 = arith.constant 0 : i32
    return %c0_i32, %c0_i32_0 : i32, i32
  }
  func.func @transform_7(%arg0: i32, %arg1: i32) -> (i32, i32) {
    %c0_i32 = arith.constant 0 : i32
    %c0_i32_0 = arith.constant 0 : i32
    %c0_i32_1 = arith.constant 0 : i32
    return %c0_i32, %c0_i32_0 : i32, i32
  }
  func.func @transform_8(%arg0: i32, %arg1: i32) -> (i32, i32) {
    %c0_i32 = arith.constant 0 : i32
    %c0_i32_0 = arith.constant 0 : i32
    %c0_i32_1 = arith.constant 0 : i32
    return %c0_i32, %c0_i32_0 : i32, i32
  }
  func.func @transform_9(%arg0: i32, %arg1: i32) -> (i32, i32) {
    %c0_i32 = arith.constant 0 : i32
    %c0_i32_0 = arith.constant 0 : i32
    %c0_i32_1 = arith.constant 0 : i32
    return %c0_i32, %c0_i32_0 : i32, i32
  }
  func.func @transform_10(%arg0: i32, %arg1: i32) -> (i32, i32) {
    %c0_i32 = arith.constant 0 : i32
    %c0_i32_0 = arith.constant 0 : i32
    return %arg1, %c0_i32 : i32, i32
  }
}

</mosaic_0001>

<sc_bundles>
// kernel: kernel.10.cloned.1.call-start
scs
__scs_entry_jumppad:
0x0: {  	(pc) =	sbr.rel $0x88, $3  }
0x1: {  	(tag) =	ssettag $0x0;
	lr =	simm.s32 $0x1  }
0x2: {  	[smem:$0x3F93] =	sst lr;
	_ =	strace $0xD0000000  }
0x3: {  	_ = 	snop  }
0x4: {  	_ = 	snop  }
0x5: {  	_ = 	snop  }
0x6: {  	_ = 	snop  }
0x7: {  	_ = 	snop  }
__scs_overlays_trampoline_lowered:
0x8: {  	[smem:$0x3FA2] =	sst s0  }
0x9: {  	[smem:$0x3FA3] =	sst s1  }
0xa: {  	[smem:$0x3FA4] =	sst s2  }
0xb: {  	[smem:$0x3FA5] =	sst s3  }
0xc: {  	[smem:$0x3FA6] =	sst s4  }
0xd: {  	[smem:$0x3FA7] =	sst s5  }
0xe: {  	[smem:$0x3FA8] =	sst s6  }
0xf: {  	[smem:$0x3FA9] =	sst s7  }
0x10: {  	[smem:$0x3FAA] =	sst s8  }
0x11: {  	[smem:$0x3FAB] =	sst s9;
	s0 =	simm.s32 @!p0 $0x0  }
0x12: {  	s1 =	sld [smem:$0x3F91];
	s0 =	simm.s32 @p0 $0x1  }
0x13: {  	[smem:$0x3FAC] =	sst s0;
	s0 =	simm.s32 @!p1 $0x0  }
0x14: {  	s2 =	sld [smem:$0x3F90];
	s0 =	simm.s32 @p1 $0x1  }
0x15: {  	[smem:$0x3FAD] =	sst s0;
	s0 =	simm.s32 @!p2 $0x0  }
0x16: {  	s3 =	sld [smem:$0x3FDB];
	s0 =	simm.s32 @p2 $0x1  }
0x17: {  	s4 =	simm.s32 $0x1BF5;
	[smem:$0x3FAF] =	sst s0  }
0x18: {  	s0 =	sld [smem:$0x3F92];
	_ =	swait.ge [sflag:s4], $0x0  }
0x19: {  	s7 =	sld [smem:$0x3F93]  }
0x1a: {  	s8 =	sadd.s32 $0xFFFFE003, lr  }
0x1b: {  	s9 =	sadd.s32 $0xFFFFFEF7, lr;
	s5 =	simm.s32 $0xFFFFFFFF;
	p2 =	slt.u32 s8, $0xFFFFF086  }
0x1c: {  	p1 =	slt.u32 s9, $0xF7A;
	s5 =	simm.s32 @!p2 $0x0  }
0x1d: {  	s5 =	simm.s32 @p1 $0x1;
	p0 =	seq.s32 s7, s2  }
0x1e: {  	s7 =	smul.u32 @!p0 $0xF7A, s2;
	p2 =	seq.s32 @!p0 s5, $0x0  }
0x1f: {  	s9 =	smul.u32 $0xF7A, s1;
	s8 =	simm.s32 @!p0 $0x1BF5;
	p2 =	por !p2, p0  }
0x20: {  	[sflag:s8] =	ssyncset.s32 @!p0 $0xFFFFF086;
	s6 =	sadd.s32 @!p0 s3, s7;
	s7 =	simm.s32 @!p0 $0x108  }
0x21: {  	s3 =	sadd.s32 s3, s9;
	s6 =	sadd.s32 @!p0 $0x88, s6;
	s7 =	simm.s32 @p2 $0x1082  }
0x22: {  	[simem:s7], [sflag:s8] =	dma.local @!p0 [hbm:s6], $0xF7A  }
0x23: {  	s9 =	sor.u32 $0xD0000000, s2;
	s6 =	simm.s32 $0x108;
	_ =	swait.ge @!p0 [sflag:s8], $0x0  }
0x24: {  	s3 =	sadd.s32 $0x88, s3;
	s6 =	simm.s32 @!p1 $0x1082;
	[sflag:s4] =	ssyncset.s32 $0xFFFFF086  }
0x25: {  	[simem:s6], [sflag:s4] =	dma.local [hbm:s3], $0xF7A  }
0x26: {  	[smem:$0x3F93] =	sst s1;
	(tag) =	ssettag s2;
	_ =	strace s9  }
0x27: {  	s1 =	sld [smem:$0x3FA3]  }
0x28: {  	s2 =	sld [smem:$0x3FA4]  }
0x29: {  	s4 =	sld [smem:$0x3FA6]  }
0x2a: {  	p0 =	seq.s32 s5, $0x0;
	s5 =	sld [smem:$0x3FA7]  }
0x2b: {  	s6 =	sld [smem:$0x3FA8]  }
0x2c: {  	s7 =	sld [smem:$0x3FA9]  }
0x2d: {  	s3 =	simm.s32 $0x108;
	s8 =	sld [smem:$0x3FAA]  }
0x2e: {  	s3 =	simm.s32 @!p0 $0x1082;
	s9 =	sld [smem:$0x3FAB]  }
0x2f: {  	lr =	sadd.s32 s0, s3;
	s0 =	sld [smem:$0x3FA2]  }
0x30: {  	s3 =	sld [smem:$0x3FA5]  }
0x31: {  	[smem:$0x3FAE] =	sst s10  }
0x32: {  	s10 =	sld [smem:$0x3FAC];
	_ =	sdelay $0x3  }
0x33: {  	p0 =	seq.s32 s10, $0x1;
	s10 =	sld [smem:$0x3FAE];
	_ =	sdelay $0x3  }
0x34: {  	[smem:$0x3FAE] =	sst s10  }
0x35: {  	s10 =	sld [smem:$0x3FAD];
	_ =	sdelay $0x3  }
0x36: {  	p1 =	seq.s32 s10, $0x1;
	s10 =	sld [smem:$0x3FAE];
	_ =	sdelay $0x3  }
0x37: {  	[smem:$0x3FAE] =	sst s10  }
0x38: {  	s10 =	sld [smem:$0x3FAF]  }
0x39: {  	_ = 	snop;
	(pc) =	sbr.ind lr, $3  }
0x3a: {  	_ = 	snop  }
0x3b: {  	_ = 	snop  }
0x3c: {  	p2 =	seq.s32 s10, $0x1;
	s10 =	sld [smem:$0x3FAE]  }
0x3d: {  	_ =	shalt  }
0x3e: {  	_ =	shalt  }
0x3f: {  	_ =	shalt  }
0x40: {  	_ =	shalt  }
0x41: {  	_ =	shalt  }
0x42: {  	_ =	shalt  }
0x43: {  	_ =	shalt  }
0x44: {  	_ =	shalt  }
0x45: {  	_ =	shalt  }
0x46: {  	_ =	shalt  }
0x47: {  	_ =	shalt  }
0x48: {  	_ =	shalt  }
0x49: {  	_ =	shalt  }
0x4a: {  	_ =	shalt  }
0x4b: {  	_ =	shalt  }
0x4c: {  	_ =	shalt  }
0x4d: {  	_ =	shalt  }
0x4e: {  	_ =	shalt  }
0x4f: {  	_ =	shalt  }
0x50: {  	_ =	shalt  }
0x51: {  	_ =	shalt  }
0x52: {  	_ =	shalt  }
0x53: {  	_ =	shalt  }
0x54: {  	_ =	shalt  }
0x55: {  	_ =	shalt  }
0x56: {  	_ =	shalt  }
0x57: {  	_ =	shalt  }
0x58: {  	_ =	shalt  }
0x59: {  	_ =	shalt  }
0x5a: {  	_ =	shalt  }
0x5b: {  	_ =	shalt  }
0x5c: {  	_ =	shalt  }
0x5d: {  	_ =	shalt  }
0x5e: {  	_ =	shalt  }
0x5f: {  	_ =	shalt  }
0x60: {  	_ =	shalt  }
0x61: {  	_ =	shalt  }
0x62: {  	_ =	shalt  }
0x63: {  	_ =	shalt  }
0x64: {  	_ =	shalt  }
0x65: {  	_ =	shalt  }
0x66: {  	_ =	shalt  }
0x67: {  	_ =	shalt  }
0x68: {  	_ =	shalt  }
0x69: {  	_ =	shalt  }
0x6a: {  	_ =	shalt  }
0x6b: {  	_ =	shalt  }
0x6c: {  	_ =	shalt  }
0x6d: {  	_ =	shalt  }
0x6e: {  	_ =	shalt  }
0x6f: {  	_ =	shalt  }
0x70: {  	_ =	shalt  }
0x71: {  	_ =	shalt  }
0x72: {  	_ =	shalt  }
0x73: {  	_ =	shalt  }
0x74: {  	_ =	shalt  }
0x75: {  	_ =	shalt  }
0x76: {  	_ =	shalt  }
0x77: {  	_ =	shalt  }
0x78: {  	_ =	shalt  }
0x79: {  	_ =	shalt  }
0x7a: {  	_ =	shalt  }
0x7b: {  	_ =	shalt  }
0x7c: {  	_ =	shalt  }
0x7d: {  	_ =	shalt  }
0x7e: {  	_ =	shalt  }
0x7f: {  	_ =	shalt  }
0x80: {  	_ =	shalt  }
0x81: {  	_ =	shalt  }
0x82: {  	_ =	shalt  }
0x83: {  	_ =	shalt  }
0x84: {  	_ =	shalt  }
0x85: {  	_ =	shalt  }
0x86: {  	_ =	shalt  }
0x87: {  	_ =	shalt  }
.Lfunc_end0:
.L_simem_size_0:
called_computation.1_lowered:
.L_overlay_start_0:
0x88: {  	s2 =	sld [smem:$0x3FD9]  }
0x89: {  	s3 =	sld [smem:$0x3FFE];
	_ =	sdelay $0x1  }
0x8a: {  	s1 =	srdreg.scid  }
0x8b: {  	s0 =	sand.u32 $0x1, s1  }
0x8c: {  	s17 =	sshll.u32 s0, $0xA;
	s2 =	sadd.s32 s3, s2  }
0x8d: {  	s2 =	sadd.s32 s2, s17  }
0x8e: {  	[smem:$0x3FBA] =	sst s2  }
0x8f: {  	_ = 	snop  }
0x90: {  	(tm) =	ssettm $0x1  }
0x91: {  	s18 =	sld [smem:$0x3FFB];
	_ =	sdelay $0x3  }
0x92: {  	_ =	strace s18  }
0x93: {  	s2 =	sld [smem:$0x3FFC];
	_ =	sdelay $0x3  }
0x94: {  	_ =	strace s2  }
0x95: {  	s2 =	sld [smem:$0x3FFD];
	_ =	sdelay $0x3  }
0x96: {  	_ =	strace s2  }
0x97: {  	_ =	strace $0x8FFFFFFF  }
0x98: {  	s19 =	sld [smem:$0x3FDB];
	_ =	sdelay $0x1  }
0x99: {  	s20 =	simm.s32 $_scs_section_size  }
0x9a: {  	s4 =	simm.s32 $_size__tile_overlayer_lowered;
	s5 =	simm.s32 $_tile_overlayer_lowered  }
0x9b: {  	s6 =	simm.s32 $0x1BFF;
	s21 =	sshll.u32 s5, $0x1;
	s3 =	sadd.s32 s20, s19  }
0x9c: {  	s22 =	simm.s32 $0x0;
	s4 =	sshll.u32 s4, $0x1;
	s5 =	sadd.s32 s21, s3  }
0x9d: {  	[timem:s22], [sflag:s6] =	dma.local [hbm:s5], s4  }
0x9e: {  	_ =	swait.ge [sflag:s6], s4  }
0x9f: {  	s4 =	ssub.s32 $0x0, s4;
	[sflag:s6] =	ssyncset.done $0x0  }
0xa0: {  	[sflag:s6] =	ssyncadd.s32 s4;
	_ =	sdelay $0x1  }
0xa1: {  	s23 =	simm.s32 $0x1B8B  }
0xa2: {  	_ =	swait.ge [sflag:s23], $0x1  }
0xa3: {  	[sflag:s23] =	ssyncset.done $0x0  }
0xa4: {  	[sflag:s23] =	ssyncadd.s32 $0xFFFFFFFF  }
0xa5: {  	s4 =	sld [smem:$0x0]  }
0xa6: {  	s5 =	sand.u32 $0xFFFFFFFE, s1  }
0xa7: {  	p0 =	sne.s32 s1, s5  }
0xa8: {  	s5 =	sshll.u32 @p0 s5, $0xE  }
0xa9: {  	s5 =	sadd.s32 @p0 $0x11B8D, s5;
	s6 =	sshll.u32 @p0 s4, $0x11  }
0xaa: {  	s5 =	sor.u32 @p0 s6, s5  }
0xab: {  	[sflag:s5] =	ssyncadd.remote.s32 @p0 $0x1;
	_ =	sdelay $0x1  }
0xac: {  	s5 =	simm.s32 @p0 $0x1B8D  }
0xad: {  	_ =	swait.eq @p0 [sflag:s5], $0x1  }
0xae: {  	[sflag:s5] =	ssyncadd.s32 @p0 $0xFFFFFFFF  }
0xaf: {  	s6 =	sshll.u32 @!p0 s1, $0xE  }
0xb0: {  	s6 =	sor.u32 @!p0 $0x4000, s6;
	s5 =	simm.s32 @!p0 $0x1B8D  }
0xb1: {  	s4 =	sshll.u32 @!p0 s4, $0x11;
	s6 =	sadd.s32 @!p0 $0x11B8D, s6;
	_ =	swait.eq @!p0 [sflag:s5], $0x1  }
0xb2: {  	s4 =	sor.u32 @!p0 s4, s6;
	[sflag:s5] =	ssyncadd.s32 @!p0 $0xFFFFFFFF  }
0xb3: {  	s25 =	simm.s32 $0x1B8E;
	s24 =	sld [smem:$0x3FFE];
	[sflag:s4] =	ssyncadd.remote.s32 @!p0 $0x1  }
0xb4: {  	s26 =	simm.s32 $execute0_lowered;
	[smem:$0x3FD2] =	sst s25  }
0xb5: {  	s5 =	sshll.u32 s26, $0x1;
	_ =	strace $0x80000049;
	[dreg:$0x1] =	wrdreg $0xFFFFFFFF  }
0xb6: {  	s28 =	simm.s32 $_size_execute0_lowered;
	s3 =	sadd.s32 s3, s5;
	[dreg:$0x0] =	wrdreg $0x0  }
0xb7: {  	s5 =	sshll.u32 s28, $0x1;
	[dreg:$0x2] =	wrdreg s3  }
0xb8: {  	[dreg:$0x3] =	wrdreg s5  }
0xb9: {  	[dreg:$0x4] =	wrdreg $0xC0  }
0xba: {  	_ =	task [dreg:s22], $0x5FFFF  }
0xbb: {  	[dreg:$0x1] =	wrdreg $0xFFFFFFFF  }
0xbc: {  	[dreg:$0x0] =	wrdreg $0x60  }
0xbd: {  	[dreg:$0x2] =	wrdreg s24  }
0xbe: {  	[dreg:$0x3] =	wrdreg $0x0  }
0xbf: {  	[dreg:$0x4] =	wrdreg $0xA  }
0xc0: {  	_ =	task.clear_ibuf [dreg:s22], $0x5FFFF;
	_ =	strace $0x90000049  }
0xc1: {  	s29 =	simm.s32 $0xA;
	_ =	strace $0x8000004B  }
0xc2: {  	_ =	swait.ge [sflag:s29], $0x1  }
0xc3: {  	[sflag:s29] =	ssyncadd.s32 $0xFFFFFFFF  }
0xc4: {  	_ =	strace $0x9000004B  }
0xc5: {  	_ =	sfence  }
0xc6: {  	s30 =	sld [smem:$0x0];
	_ =	sdelay $0x2  }
0xc7: {  	s31 =	sshll.u32 s1, $0xD;
	s1 =	sshrl.u32 s1, $0x2  }
0xc8: {  	s4 =	sand.u32 $0x4000, s31;
	s1 =	sadd.s32 s1, s30  }
0xc9: {  	s0 =	sor.u32 s4, s0;
	s1 =	sshll.u32 s1, $0x11  }
0xca: {  	s0 =	sor.u32 s1, s0  }
0xcb: {  	s0 =	sadd.s32 $0x8F2B, s0  }
0xcc: {  	[sflag:s0] =	ssyncadd.remote.s32 $0x1  }
0xcd: {  	_ =	sfence.sel $0xFFFF  }
0xce: {  	[dreg:$0x0] =	wrdreg $0xFFFFFFFF;
	(pc) =	sbr.abs _section_cstart, $3  }
0xcf: {  	[dreg:$0x1] =	wrdreg $0xFFFFFFFF  }
0xd0: {  	_ =	task.clear_ibuf [dreg:s22], $0x2FFFF;
	_ =	strace $0x9FFFFFFF  }
0xd1: {  	(tm) =	ssettm $0x7FFFFFFF  }
tec
execute0_lowered:
.L_overlay_start_1:
0x0: {  	(tag) =	ssettag $0x1  }
0x1: {  	s0 =	rddreg [dreg:$0x0]  }
0x2: {  	s2 =	srdreg.scid;
	s5 =	stileid.u32  }
0x3: {  	s1 =	rddreg [dreg:$0x1];
	s17 =	smul.u32 $0x4F000, s5  }
0x4: {  	s28 =	simm.s32 $0x13D00;
	s29 =	simm.s32 $0x13D80;
	s8 =	smul.u32 $0x270, s5  }
0x5: {  	s30 =	simm.s32 $0x13E00;
	s31 =	simm.s32 $0x13E80;
	s18 =	smul.u32 $0x4E000, s5  }
0x6: {  	s4 =	sand.u32 $0x1, s2;
	s2 =	simm.s32 $0x0;
	s25 =	smul.u32 $0x500, s5  }
0x7: {  	p0 =	sne.s32 s5, $0x0;
	s5 =	simm.s32 $0x0;
	s3 =	smul.u32 $0x5000, s4  }
0x8: {  	[smem:$0x7FF] =	sst s2;
	s7 =	ssub.s32 $0x2, s4;
	s10 =	smul.u32 $0x2710, s4  }
0x9: {  	s4 =	smul.u32 $0x138800, s4;
	_ =	strace $0x8000004A;
	s9 =	sshrl.u32 s7, $0x1  }
0xa: {  	s6 =	sadd.s32 s3, s0;
	s0 =	sadd.s32 $0x5B800, s0;
	s3 =	sshrl.u32 s17, $0x2  }
0xb: {  	s7 =	ssub.s32 s7, s9;
	s8 =	sadd.s32 s8, s10;
	s9 =	sshrl.u32 s18, $0x2  }
0xc: {  	s4 =	sshrl.u32 s4, $0x3;
	s18 =	sadd.s32 $0x138000, s1;
	s3 =	sadd.s32 s3, s1  }
0xd: {  	s21 =	sshll.u32 s8, $0x4;
	s8 =	sadd.s32 s9, s1;
	s26 =	sadd.s32 s25, s6  }
0xe: {  	s25 =	simm.s32 $0x80;
	s11 =	sadd.s32 $0x4000, s3;
	s19 =	sadd.s32 $0x8000, s3  }
0xf: {  	s20 =	sadd.s32 $0xC000, s3;
	s22 =	sadd.s32 $0x10000, s3;
	s9 =	sadd.s32 s0, s21  }
0x10: {  	s23 =	sadd.s32 $0x4000, s8;
	s12 =	sadd.s32 $0x8000, s8;
	[dreg:$0x3] =	wrdreg s11  }
0x11: {  	s14 =	sadd.s32 $0xC000, s8;
	s16 =	sadd.s32 $0x10000, s8;
	[dreg:$0x4] =	wrdreg s19  }
0x12: {  	s0 =	sadd.s32 s0, s4;
	s21 =	sadd.s32 $0x3600, s26;
	[dreg:$0x5] =	wrdreg s20  }
0x13: {  	s26 =	simm.s32 $0x13C80;
	s4 =	simm.s32 $0x13F80;
	[dreg:$0x6] =	wrdreg s22  }
0x14: {  	[dreg:$0x7] =	wrdreg s23;
	s24 =	sadd.s32 $0x800, s9;
	s13 =	sadd.s32 $0x1000, s9  }
0x15: {  	s15 =	sadd.s32 $0x1800, s9;
	s17 =	sadd.s32 $0x2000, s9;
	s19 =	sadd.s32 $0x27000, s0  }
0x16: {  	s20 =	smax.u32 s7, $0x1;
	s22 =	simm.s32 $0x14000;
	s23 =	simm.s32 $0x1  }
0x17: {  	v0 =	vimm.f32 $0.0e+00;
	v1 =	vimm.f32 $1.000000000e+00;
	s0 =	simm.s32 $0x13F00;
	[dreg:$0x8] =	wrdreg s24;
	s24 =	simm.s32 $0x13C00  }
.LBB2_1:
0x18: {  	s6 =	simm.s32 $0x0;
	s7 =	simm.s32 $0x200  }
.LBB2_2:
0x19: {  	p1 =	sne.s32 s7, $0xFE00;
	[tilespmem:s6+$0x14070] =	vst v0  }
0x1a: {  	[tilespmem:s6+$0x14000] =	vst v0  }
0x1b: {  	[tilespmem:s6+$0x14010] =	vst v0  }
.Ltmp0:
0x1c: {  	[tilespmem:s6+$0x14020] =	vst v0;
	(pc) =	sbr.rel @p1 .LBB2_2-.Ltmp0, $4  }
0x1d: {  	[tilespmem:s6+$0x14030] =	vst v0  }
0x1e: {  	[tilespmem:s6+$0x14040] =	vst v0  }
0x1f: {  	[tilespmem:s6+$0x14050] =	vst v0  }
0x20: {  	[tilespmem:s6+$0x14060] =	vst v0;
	s6 =	sshra.s32 s7, $0x2;
	s7 =	sadd.s32 $0x200, s7  }
0x21: {  	[tilespmem:s6+$0x14070] =	vst v0  }
0x22: {  	[tilespmem:s6+$0x14000] =	vst v0  }
0x23: {  	[tilespmem:s6+$0x14010] =	vst v0  }
0x24: {  	[tilespmem:s6+$0x14020] =	vst v0  }
0x25: {  	[tilespmem:s6+$0x14030] =	vst v0  }
0x26: {  	[tilespmem:s6+$0x14040] =	vst v0  }
0x27: {  	[tilespmem:s6+$0x14050] =	vst v0  }
0x28: {  	[tilespmem:s6+$0x14060] =	vst v0  }
0x29: {  	[spmem:s3] =	stream.linear.scatter [tilespmem:s22], [sflag:$0x1], $0x4000, $0x38;
	[tilespmem:$0x18000] =	vst v63  }
0x2a: {  	_ =	swait.ge [sflag:s23], $0x4000  }
0x2b: {  	[sflag:s23] =	ssyncset.done $0x0  }
0x2c: {  	s11 =	rddreg [dreg:$0x3];
	[sflag:s23] =	ssyncadd.s32 $0xFFFFC000  }
0x2d: {  	[spmem:s11] =	stream.linear.scatter [tilespmem:s22], [sflag:$0x1], $0x4000, $0x38;
	[tilespmem:$0x18000] =	vst v63  }
0x2e: {  	_ =	swait.ge [sflag:s23], $0x4000  }
0x2f: {  	[sflag:s23] =	ssyncset.done $0x0  }
0x30: {  	s7 =	rddreg [dreg:$0x4];
	[sflag:s23] =	ssyncadd.s32 $0xFFFFC000  }
0x31: {  	[spmem:s7] =	stream.linear.scatter [tilespmem:s22], [sflag:$0x1], $0x4000, $0x38;
	[tilespmem:$0x18000] =	vst v63  }
0x32: {  	_ =	swait.ge [sflag:s23], $0x4000  }
0x33: {  	[sflag:s23] =	ssyncset.done $0x0  }
0x34: {  	s10 =	rddreg [dreg:$0x5];
	[sflag:s23] =	ssyncadd.s32 $0xFFFFC000  }
0x35: {  	[spmem:s10] =	stream.linear.scatter [tilespmem:s22], [sflag:$0x1], $0x4000, $0x38;
	[tilespmem:$0x18000] =	vst v63  }
0x36: {  	_ =	swait.ge [sflag:s23], $0x4000  }
0x37: {  	[sflag:s23] =	ssyncset.done $0x0  }
0x38: {  	s11 =	rddreg [dreg:$0x6];
	[sflag:s23] =	ssyncadd.s32 $0xFFFFC000  }
0x39: {  	[spmem:s11] =	stream.linear.scatter [tilespmem:s22], [sflag:$0x1], $0x3C00, $0x38;
	[tilespmem:$0x18000] =	vst v63  }
0x3a: {  	_ =	swait.ge [sflag:s23], $0x3C00  }
0x3b: {  	[sflag:s23] =	ssyncset.done $0x0  }
0x3c: {  	s6 =	simm.s32 $0x0;
	s7 =	simm.s32 $0x200;
	[sflag:s23] =	ssyncadd.s32 $0xFFFFC400  }
.LBB2_4:
0x3d: {  	p1 =	sne.s32 s7, $0xFE00;
	[tilespmem:s6+$0x14070] =	vst v1  }
0x3e: {  	[tilespmem:s6+$0x14000] =	vst v1  }
0x3f: {  	[tilespmem:s6+$0x14010] =	vst v1  }
.Ltmp1:
0x40: {  	[tilespmem:s6+$0x14020] =	vst v1;
	(pc) =	sbr.rel @p1 .LBB2_4-.Ltmp1, $4  }
0x41: {  	[tilespmem:s6+$0x14030] =	vst v1  }
0x42: {  	[tilespmem:s6+$0x14040] =	vst v1  }
0x43: {  	[tilespmem:s6+$0x14050] =	vst v1  }
0x44: {  	[tilespmem:s6+$0x14060] =	vst v1;
	s6 =	sshra.s32 s7, $0x2;
	s7 =	sadd.s32 $0x200, s7  }
0x45: {  	[tilespmem:s6+$0x14070] =	vst v1  }
0x46: {  	[tilespmem:s6+$0x14000] =	vst v1  }
0x47: {  	[tilespmem:s6+$0x14010] =	vst v1  }
0x48: {  	[tilespmem:s6+$0x14020] =	vst v1  }
0x49: {  	[tilespmem:s6+$0x14030] =	vst v1  }
0x4a: {  	[tilespmem:s6+$0x14040] =	vst v1  }
0x4b: {  	[tilespmem:s6+$0x14050] =	vst v1  }
0x4c: {  	[tilespmem:s6+$0x14060] =	vst v1  }
0x4d: {  	s11 =	sadd.s32 $0x0, s21;
	[bflag:$0x0] =	sbarrier.arrive $0xFFFF  }
0x4e: {  	[tilespmem:s24], [sflag:$0x1] =	stream.linear.gather [hbm4b:s11+s2], $0x400, $0x38;
	[tilespmem:$0x18000] =	vst v63  }
0x4f: {  	_ =	swait.ge [sflag:s23], $0x400  }
0x50: {  	[sflag:s23] =	ssyncset.done $0x0  }
0x51: {  	[sflag:s23] =	ssyncadd.s32 $0xFFFFFC00  }
0x52: {  	[spmem:s1] =	stream.indirect.scatter.add.f32 [tilespmem:s22], [sflag:$0x1], $0x80, s24, s25, $0xb8;
	[tilespmem:$0x18000] =	vst v63  }
0x53: {  	_ =	swait.ge [sflag:s23], $0x4000  }
0x54: {  	[sflag:s23] =	ssyncset.done $0x0  }
0x55: {  	[sflag:s23] =	ssyncadd.s32 $0xFFFFC000  }
0x56: {  	[spmem:s1] =	stream.indirect.scatter.add.f32 [tilespmem:s22], [sflag:$0x1], $0x80, s26, s25, $0xb8;
	[tilespmem:$0x18000] =	vst v63  }
0x57: {  	_ =	swait.ge [sflag:s23], $0x4000  }
0x58: {  	[sflag:s23] =	ssyncset.done $0x0  }
0x59: {  	[sflag:s23] =	ssyncadd.s32 $0xFFFFC000  }
0x5a: {  	[spmem:s1] =	stream.indirect.scatter.add.f32 [tilespmem:s22], [sflag:$0x1], $0x80, s28, s25, $0xb8;
	[tilespmem:$0x18000] =	vst v63  }
0x5b: {  	_ =	swait.ge [sflag:s23], $0x4000  }
0x5c: {  	[sflag:s23] =	ssyncset.done $0x0  }
0x5d: {  	[sflag:s23] =	ssyncadd.s32 $0xFFFFC000  }
0x5e: {  	[spmem:s1] =	stream.indirect.scatter.add.f32 [tilespmem:s22], [sflag:$0x1], $0x80, s29, s25, $0xb8;
	[tilespmem:$0x18000] =	vst v63  }
0x5f: {  	_ =	swait.ge [sflag:s23], $0x4000  }
0x60: {  	[sflag:s23] =	ssyncset.done $0x0  }
0x61: {  	[sflag:s23] =	ssyncadd.s32 $0xFFFFC000  }
0x62: {  	[spmem:s1] =	stream.indirect.scatter.add.f32 [tilespmem:s22], [sflag:$0x1], $0x80, s30, s25, $0xb8;
	[tilespmem:$0x18000] =	vst v63  }
0x63: {  	_ =	swait.ge [sflag:s23], $0x4000  }
0x64: {  	[sflag:s23] =	ssyncset.done $0x0  }
0x65: {  	[sflag:s23] =	ssyncadd.s32 $0xFFFFC000  }
0x66: {  	[spmem:s1] =	stream.indirect.scatter.add.f32 [tilespmem:s22], [sflag:$0x1], $0x80, s31, s25, $0xb8;
	[tilespmem:$0x18000] =	vst v63  }
0x67: {  	_ =	swait.ge [sflag:s23], $0x4000  }
0x68: {  	[sflag:s23] =	ssyncset.done $0x0  }
0x69: {  	[sflag:s23] =	ssyncadd.s32 $0xFFFFC000  }
0x6a: {  	[spmem:s1] =	stream.indirect.scatter.add.f32 [tilespmem:s22], [sflag:$0x1], $0x80, s0, s25, $0xb8;
	[tilespmem:$0x18000] =	vst v63  }
0x6b: {  	_ =	swait.ge [sflag:s23], $0x4000  }
0x6c: {  	[sflag:s23] =	ssyncset.done $0x0  }
0x6d: {  	[sflag:s23] =	ssyncadd.s32 $0xFFFFC000  }
0x6e: {  	[spmem:s1] =	stream.indirect.scatter.add.f32 [tilespmem:s22], [sflag:$0x1], $0x80, s4, s25, $0xb8;
	[tilespmem:$0x18000] =	vst v63  }
0x6f: {  	_ =	swait.ge [sflag:s23], $0x4000  }
0x70: {  	s6 =	simm.s32 $0x80;
	s7 =	simm.s32 $0x100;
	[sflag:s23] =	ssyncset.done $0x0  }
.LBB2_6:
0x71: {  	s11 =	sadd.s32 s6, s21  }
0x72: {  	[sflag:s23] =	ssyncadd.s32 $0xFFFFC000;
	s6 =	smov.u32 s7;
	s10 =	sadd.s32 $0x80, s7  }
0x73: {  	[tilespmem:s24], [sflag:$0x1] =	stream.linear.gather [hbm4b:s11+s2], $0x400, $0x38;
	[tilespmem:$0x18000] =	vst v63  }
0x74: {  	p1 =	sne.s32 s7, $0x480;
	_ =	swait.ge [sflag:s23], $0x400  }
0x75: {  	[sflag:s23] =	ssyncset.done $0x0  }
0x76: {  	[sflag:s23] =	ssyncadd.s32 $0xFFFFFC00  }
0x77: {  	[spmem:s1] =	stream.indirect.scatter.add.f32 [tilespmem:s22], [sflag:$0x1], $0x80, s24, s25, $0xb8;
	[tilespmem:$0x18000] =	vst v63  }
0x78: {  	_ =	swait.ge [sflag:s23], $0x4000  }
0x79: {  	[sflag:s23] =	ssyncset.done $0x0  }
0x7a: {  	[sflag:s23] =	ssyncadd.s32 $0xFFFFC000  }
0x7b: {  	[spmem:s1] =	stream.indirect.scatter.add.f32 [tilespmem:s22], [sflag:$0x1], $0x80, s26, s25, $0xb8;
	[tilespmem:$0x18000] =	vst v63  }
0x7c: {  	_ =	swait.ge [sflag:s23], $0x4000  }
0x7d: {  	[sflag:s23] =	ssyncset.done $0x0  }
0x7e: {  	[sflag:s23] =	ssyncadd.s32 $0xFFFFC000  }
0x7f: {  	[spmem:s1] =	stream.indirect.scatter.add.f32 [tilespmem:s22], [sflag:$0x1], $0x80, s28, s25, $0xb8;
	[tilespmem:$0x18000] =	vst v63  }
0x80: {  	_ =	swait.ge [sflag:s23], $0x4000  }
0x81: {  	[sflag:s23] =	ssyncset.done $0x0  }
0x82: {  	[sflag:s23] =	ssyncadd.s32 $0xFFFFC000  }
0x83: {  	[spmem:s1] =	stream.indirect.scatter.add.f32 [tilespmem:s22], [sflag:$0x1], $0x80, s29, s25, $0xb8;
	[tilespmem:$0x18000] =	vst v63  }
0x84: {  	_ =	swait.ge [sflag:s23], $0x4000  }
0x85: {  	[sflag:s23] =	ssyncset.done $0x0  }
0x86: {  	[sflag:s23] =	ssyncadd.s32 $0xFFFFC000  }
0x87: {  	[spmem:s1] =	stream.indirect.scatter.add.f32 [tilespmem:s22], [sflag:$0x1], $0x80, s30, s25, $0xb8;
	[tilespmem:$0x18000] =	vst v63  }
0x88: {  	_ =	swait.ge [sflag:s23], $0x4000  }
0x89: {  	[sflag:s23] =	ssyncset.done $0x0  }
0x8a: {  	[sflag:s23] =	ssyncadd.s32 $0xFFFFC000  }
0x8b: {  	[spmem:s1] =	stream.indirect.scatter.add.f32 [tilespmem:s22], [sflag:$0x1], $0x80, s31, s25, $0xb8;
	[tilespmem:$0x18000] =	vst v63  }
0x8c: {  	_ =	swait.ge [sflag:s23], $0x4000  }
0x8d: {  	[sflag:s23] =	ssyncset.done $0x0  }
0x8e: {  	[sflag:s23] =	ssyncadd.s32 $0xFFFFC000  }
0x8f: {  	[spmem:s1] =	stream.indirect.scatter.add.f32 [tilespmem:s22], [sflag:$0x1], $0x80, s0, s25, $0xb8;
	[tilespmem:$0x18000] =	vst v63  }
0x90: {  	_ =	swait.ge [sflag:s23], $0x4000  }
.Ltmp2:
0x91: {  	[sflag:s23] =	ssyncset.done $0x0;
	(pc) =	sbr.rel @p1 .LBB2_6-.Ltmp2, $4  }
0x92: {  	[sflag:s23] =	ssyncadd.s32 $0xFFFFC000  }
0x93: {  	[spmem:s1] =	stream.indirect.scatter.add.f32 [tilespmem:s22], [sflag:$0x1], $0x80, s4, s25, $0xb8;
	[tilespmem:$0x18000] =	vst v63  }
0x94: {  	_ =	swait.ge [sflag:s23], $0x4000  }
0x95: {  	s7 =	smov.u32 s10;
	[sflag:s23] =	ssyncset.done $0x0  }
0x96: {  	s6 =	sadd.s32 s6, s21;
	[sflag:s23] =	ssyncadd.s32 $0xFFFFC000  }
0x97: {  	[tilespmem:s24], [sflag:$0x1] =	stream.linear.gather [hbm4b:s6+s2], $0x400, $0x38;
	[tilespmem:$0x18000] =	vst v63  }
0x98: {  	_ =	swait.ge [sflag:s23], $0x400  }
0x99: {  	[sflag:s23] =	ssyncset.done $0x0  }
0x9a: {  	[sflag:s23] =	ssyncadd.s32 $0xFFFFFC00  }
0x9b: {  	[spmem:s1] =	stream.indirect.scatter.add.f32 [tilespmem:s22], [sflag:$0x1], $0x80, s24, s25, $0xb8;
	[tilespmem:$0x18000] =	vst v63  }
0x9c: {  	_ =	swait.ge [sflag:s23], $0x4000  }
0x9d: {  	[sflag:s23] =	ssyncset.done $0x0  }
0x9e: {  	[sflag:s23] =	ssyncadd.s32 $0xFFFFC000  }
0x9f: {  	[spmem:s1] =	stream.indirect.scatter.add.f32 [tilespmem:s22], [sflag:$0x1], $0x80, s26, s25, $0xb8;
	[tilespmem:$0x18000] =	vst v63  }
0xa0: {  	_ =	swait.ge [sflag:s23], $0x4000  }
0xa1: {  	[sflag:s23] =	ssyncset.done $0x0  }
0xa2: {  	[sflag:s23] =	ssyncadd.s32 $0xFFFFC000  }
0xa3: {  	[spmem:s1] =	stream.indirect.scatter.add.f32 [tilespmem:s22], [sflag:$0x1], $0x80, s28, s25, $0xb8;
	[tilespmem:$0x18000] =	vst v63  }
0xa4: {  	_ =	swait.ge [sflag:s23], $0x4000  }
0xa5: {  	[sflag:s23] =	ssyncset.done $0x0  }
0xa6: {  	[sflag:s23] =	ssyncadd.s32 $0xFFFFC000  }
0xa7: {  	[spmem:s1] =	stream.indirect.scatter.add.f32 [tilespmem:s22], [sflag:$0x1], $0x80, s29, s25, $0xb8;
	[tilespmem:$0x18000] =	vst v63  }
0xa8: {  	_ =	swait.ge [sflag:s23], $0x4000  }
0xa9: {  	[sflag:s23] =	ssyncset.done $0x0  }
0xaa: {  	[sflag:s23] =	ssyncadd.s32 $0xFFFFC000  }
0xab: {  	[spmem:s1] =	stream.indirect.scatter.add.f32 [tilespmem:s22], [sflag:$0x1], $0x80, s30, s25, $0xb8;
	[tilespmem:$0x18000] =	vst v63  }
0xac: {  	_ =	swait.ge [sflag:s23], $0x4000  }
0xad: {  	[sflag:s23] =	ssyncset.done $0x0  }
0xae: {  	[sflag:s23] =	ssyncadd.s32 $0xFFFFC000  }
0xaf: {  	[spmem:s1] =	stream.indirect.scatter.add.f32 [tilespmem:s22], [sflag:$0x1], $0x80, s31, s25, $0xb8;
	[tilespmem:$0x18000] =	vst v63  }
0xb0: {  	_ =	swait.ge [sflag:s23], $0x4000  }
0xb1: {  	[sflag:s23] =	ssyncset.done $0x0  }
0xb2: {  	[sflag:s23] =	ssyncadd.s32 $0xFFFFC000  }
0xb3: {  	[spmem:s1] =	stream.indirect.scatter.add.f32 [tilespmem:s22], [sflag:$0x1], $0x80, s0, s25, $0xb8;
	[tilespmem:$0x18000] =	vst v63  }
0xb4: {  	_ =	swait.ge [sflag:s23], $0x4000  }
0xb5: {  	[sflag:s23] =	ssyncset.done $0x0  }
0xb6: {  	[sflag:s23] =	ssyncadd.s32 $0xFFFFC000  }
0xb7: {  	[spmem:s1] =	stream.indirect.scatter.add.f32 [tilespmem:s22], [sflag:$0x1], $0x80, s4, s25, $0xb8;
	[tilespmem:$0x18000] =	vst v63  }
0xb8: {  	_ =	swait.ge [sflag:s23], $0x4000  }
0xb9: {  	[sflag:s23] =	ssyncset.done $0x0  }
0xba: {  	[sflag:s23] =	ssyncadd.s32 $0xFFFFC000  }
0xbb: {  	[bflag:$0x0] =	sbarrier.arrive $0xFFFF  }
0xbc: {  	[tilespmem:s22], [sflag:$0x1] =	stream.linear.gather [spmem:s8], $0x4000, $0x38;
	[tilespmem:$0x18000] =	vst v63  }
0xbd: {  	_ =	swait.ge [sflag:s23], $0x4000  }
0xbe: {  	[sflag:s23] =	ssyncset.done $0x0  }
0xbf: {  	[sflag:s23] =	ssyncadd.s32 $0xFFFFC000  }
0xc0: {  	[hbm4b:s9+s2] =	stream.linear.scatter [tilespmem:s22], [sflag:$0x1], $0x4000, $0x38;
	[tilespmem:$0x18000] =	vst v63  }
0xc1: {  	_ =	swait.ge [sflag:s23], $0x4000  }
0xc2: {  	[sflag:s23] =	ssyncset.done $0x0  }
0xc3: {  	s10 =	rddreg [dreg:$0x7];
	[sflag:s23] =	ssyncadd.s32 $0xFFFFC000  }
0xc4: {  	[tilespmem:s22], [sflag:$0x1] =	stream.linear.gather [spmem:s10], $0x4000, $0x38;
	[tilespmem:$0x18000] =	vst v63  }
0xc5: {  	_ =	swait.ge [sflag:s23], $0x4000  }
0xc6: {  	[sflag:s23] =	ssyncset.done $0x0  }
0xc7: {  	s11 =	rddreg [dreg:$0x8];
	[sflag:s23] =	ssyncadd.s32 $0xFFFFC000  }
0xc8: {  	[hbm4b:s11+s2] =	stream.linear.scatter [tilespmem:s22], [sflag:$0x1], $0x4000, $0x38;
	[tilespmem:$0x18000] =	vst v63  }
0xc9: {  	_ =	swait.ge [sflag:s23], $0x4000  }
0xca: {  	[sflag:s23] =	ssyncset.done $0x0  }
0xcb: {  	[sflag:s23] =	ssyncadd.s32 $0xFFFFC000  }
0xcc: {  	[tilespmem:s22], [sflag:$0x1] =	stream.linear.gather [spmem:s12], $0x4000, $0x38;
	[tilespmem:$0x18000] =	vst v63  }
0xcd: {  	_ =	swait.ge [sflag:s23], $0x4000  }
0xce: {  	[sflag:s23] =	ssyncset.done $0x0  }
0xcf: {  	[sflag:s23] =	ssyncadd.s32 $0xFFFFC000  }
0xd0: {  	[hbm4b:s13+s2] =	stream.linear.scatter [tilespmem:s22], [sflag:$0x1], $0x4000, $0x38;
	[tilespmem:$0x18000] =	vst v63  }
0xd1: {  	_ =	swait.ge [sflag:s23], $0x4000  }
0xd2: {  	[sflag:s23] =	ssyncset.done $0x0  }
0xd3: {  	[sflag:s23] =	ssyncadd.s32 $0xFFFFC000  }
0xd4: {  	[tilespmem:s22], [sflag:$0x1] =	stream.linear.gather [spmem:s14], $0x4000, $0x38;
	[tilespmem:$0x18000] =	vst v63  }
0xd5: {  	_ =	swait.ge [sflag:s23], $0x4000  }
0xd6: {  	[sflag:s23] =	ssyncset.done $0x0  }
0xd7: {  	[sflag:s23] =	ssyncadd.s32 $0xFFFFC000  }
0xd8: {  	[hbm4b:s15+s2] =	stream.linear.scatter [tilespmem:s22], [sflag:$0x1], $0x4000, $0x38;
	[tilespmem:$0x18000] =	vst v63  }
0xd9: {  	_ =	swait.ge [sflag:s23], $0x4000  }
0xda: {  	[sflag:s23] =	ssyncset.done $0x0  }
0xdb: {  	[sflag:s23] =	ssyncadd.s32 $0xFFFFC000  }
0xdc: {  	[tilespmem:s22], [sflag:$0x1] =	stream.linear.gather [spmem:s16], $0x3800, $0x38;
	[tilespmem:$0x18000] =	vst v63  }
0xdd: {  	_ =	swait.ge [sflag:s23], $0x3800  }
0xde: {  	[sflag:s23] =	ssyncset.done $0x0  }
0xdf: {  	[sflag:s23] =	ssyncadd.s32 $0xFFFFC800  }
0xe0: {  	[hbm4b:s17+s2] =	stream.linear.scatter [tilespmem:s22], [sflag:$0x1], $0x3800, $0x38;
	[tilespmem:$0x18000] =	vst v63  }
0xe1: {  	_ =	swait.ge [sflag:s23], $0x3800  }
0xe2: {  	[sflag:s23] =	ssyncset.done $0x0  }
0xe3: {  	s7 =	simm.s32 @!p0 $0x1;
	s6 =	simm.s32 @!p0 $0x14000;
	[sflag:s23] =	ssyncadd.s32 $0xFFFFC800  }
0xe4: {  	[tilespmem:s6], [sflag:$0x1] =	stream.linear.gather @!p0 [spmem:s18], $0x800, $0x38;
	[tilespmem:$0x18000] =	vst v63  }
0xe5: {  	s5 =	sadd.s32 $0x1, s5;
	_ =	swait.ge @!p0 [sflag:s7], $0x800  }
0xe6: {  	p1 =	sne.s32 s5, s20;
	[sflag:s7] =	ssyncset.done @!p0 $0x0  }
.Ltmp3:
0xe7: {  	s10 =	simm.s32 @!p0 $0x0;
	[sflag:s7] =	ssyncadd.s32 @!p0 $0xFFFFF800;
	(pc) =	sbr.rel @p1 .LBB2_1-.Ltmp3, $4  }
0xe8: {  	[hbm4b:s19+s10] =	stream.linear.scatter @!p0 [tilespmem:s6], [sflag:$0x1], $0x800, $0x38;
	[tilespmem:$0x18000] =	vst v63  }
0xe9: {  	_ =	swait.ge @!p0 [sflag:s7], $0x800  }
0xea: {  	[sflag:s7] =	ssyncset.done @!p0 $0x0  }
0xeb: {  	[sflag:s7] =	ssyncadd.s32 @!p0 $0xFFFFF800  }
0xec: {  	_ =	sfence.sel $0x180000  }
0xed: {  	[bflag:$0x0] =	sbarrier.arrive $0xFFFF  }
0xee: {  	_ =	strace $0x9000004A  }
0xef: {  	[bflag:$0x2] =	sbarrier.arrive $0xFFFF  }
0xf0: {  	s0 =	rddreg [dreg:$0x2]  }
0xf1: {  	s0 =	sadd.s32 @!p0 $0x100000, s0  }
0xf2: {  	[sflag:s0] =	ssyncadd.tile.s32 @!p0 $0x1;
	_ =	shalt  }
.Lfunc_end2:
_tile_overlayer_lowered:
.L_overlay_start_2:
0xf3: {  	(tag) =	ssettag $0x2  }
0xf4: {  	s0 =	rddreg [dreg:$0x0];
	s2 =	stileid.u32  }
0xf5: {  	s1 =	rddreg [dreg:$0x1];
	p0 =	sne.s32 s2, $0x0  }
0xf6: {  	s3 =	rddreg [dreg:$0x2];
	[bflag:$0x3] =	sbarrier.arrive $0xFFFF;
	s2 =	simm.s32 @!p0 $0x1C01  }
0xf7: {  	[timem:s3], [sflag:s2] =	dma.local @!p0 [hbm:s0], s1  }
0xf8: {  	s0 =	simm.s32 @!p0 $0x1  }
0xf9: {  	_ =	swait.ge @!p0 [sflag:s0], s1  }
0xfa: {  	s1 =	ssub.s32 @!p0 $0x0, s1;
	[sflag:s0] =	ssyncset.done @!p0 $0x0  }
0xfb: {  	[sflag:s0] =	ssyncadd.s32 @!p0 s1  }
0xfc: {  	[bflag:$0x3] =	sbarrier.arrive $0xFFFF  }
0xfd: {  	_ =	shalt  }

// kernel: kernel.13.cloned.1.call-start
scs
__scs_entry_jumppad:
0x0: {  	(pc) =	sbr.rel $0x88, $3  }
0x1: {  	(tag) =	ssettag $0x0;
	lr =	simm.s32 $0x1  }
0x2: {  	[smem:$0x3F93] =	sst lr;
	_ =	strace $0xD0000000  }
0x3: {  	_ = 	snop  }
0x4: {  	_ = 	snop  }
0x5: {  	_ = 	snop  }
0x6: {  	_ = 	snop  }
0x7: {  	_ = 	snop  }
__scs_overlays_trampoline_lowered:
0x8: {  	[smem:$0x3FA2] =	sst s0  }
0x9: {  	[smem:$0x3FA3] =	sst s1  }
0xa: {  	[smem:$0x3FA4] =	sst s2  }
0xb: {  	[smem:$0x3FA5] =	sst s3  }
0xc: {  	[smem:$0x3FA6] =	sst s4  }
0xd: {  	[smem:$0x3FA7] =	sst s5  }
0xe: {  	[smem:$0x3FA8] =	sst s6  }
0xf: {  	[smem:$0x3FA9] =	sst s7  }
0x10: {  	[smem:$0x3FAA] =	sst s8  }
0x11: {  	[smem:$0x3FAB] =	sst s9;
	s0 =	simm.s32 @!p0 $0x0  }
0x12: {  	s1 =	sld [smem:$0x3F91];
	s0 =	simm.s32 @p0 $0x1  }
0x13: {  	[smem:$0x3FAC] =	sst s0;
	s0 =	simm.s32 @!p1 $0x0  }
0x14: {  	s2 =	sld [smem:$0x3F90];
	s0 =	simm.s32 @p1 $0x1  }
0x15: {  	[smem:$0x3FAD] =	sst s0;
	s0 =	simm.s32 @!p2 $0x0  }
0x16: {  	s3 =	sld [smem:$0x3FDB];
	s0 =	simm.s32 @p2 $0x1  }
0x17: {  	s4 =	simm.s32 $0x1BF5;
	[smem:$0x3FAF] =	sst s0  }
0x18: {  	s0 =	sld [smem:$0x3F92];
	_ =	swait.ge [sflag:s4], $0x0  }
0x19: {  	s7 =	sld [smem:$0x3F93]  }
0x1a: {  	s8 =	sadd.s32 $0xFFFFE003, lr  }
0x1b: {  	s9 =	sadd.s32 $0xFFFFFEF7, lr;
	s5 =	simm.s32 $0xFFFFFFFF;
	p2 =	slt.u32 s8, $0xFFFFF086  }
0x1c: {  	p1 =	slt.u32 s9, $0xF7A;
	s5 =	simm.s32 @!p2 $0x0  }
0x1d: {  	s5 =	simm.s32 @p1 $0x1;
	p0 =	seq.s32 s7, s2  }
0x1e: {  	s7 =	smul.u32 @!p0 $0xF7A, s2;
	p2 =	seq.s32 @!p0 s5, $0x0  }
0x1f: {  	s9 =	smul.u32 $0xF7A, s1;
	s8 =	simm.s32 @!p0 $0x1BF5;
	p2 =	por !p2, p0  }
0x20: {  	[sflag:s8] =	ssyncset.s32 @!p0 $0xFFFFF086;
	s6 =	sadd.s32 @!p0 s3, s7;
	s7 =	simm.s32 @!p0 $0x108  }
0x21: {  	s3 =	sadd.s32 s3, s9;
	s6 =	sadd.s32 @!p0 $0x88, s6;
	s7 =	simm.s32 @p2 $0x1082  }
0x22: {  	[simem:s7], [sflag:s8] =	dma.local @!p0 [hbm:s6], $0xF7A  }
0x23: {  	s9 =	sor.u32 $0xD0000000, s2;
	s6 =	simm.s32 $0x108;
	_ =	swait.ge @!p0 [sflag:s8], $0x0  }
0x24: {  	s3 =	sadd.s32 $0x88, s3;
	s6 =	simm.s32 @!p1 $0x1082;
	[sflag:s4] =	ssyncset.s32 $0xFFFFF086  }
0x25: {  	[simem:s6], [sflag:s4] =	dma.local [hbm:s3], $0xF7A  }
0x26: {  	[smem:$0x3F93] =	sst s1;
	(tag) =	ssettag s2;
	_ =	strace s9  }
0x27: {  	s1 =	sld [smem:$0x3FA3]  }
0x28: {  	s2 =	sld [smem:$0x3FA4]  }
0x29: {  	s4 =	sld [smem:$0x3FA6]  }
0x2a: {  	p0 =	seq.s32 s5, $0x0;
	s5 =	sld [smem:$0x3FA7]  }
0x2b: {  	s6 =	sld [smem:$0x3FA8]  }
0x2c: {  	s7 =	sld [smem:$0x3FA9]  }
0x2d: {  	s3 =	simm.s32 $0x108;
	s8 =	sld [smem:$0x3FAA]  }
0x2e: {  	s3 =	simm.s32 @!p0 $0x1082;
	s9 =	sld [smem:$0x3FAB]  }
0x2f: {  	lr =	sadd.s32 s0, s3;
	s0 =	sld [smem:$0x3FA2]  }
0x30: {  	s3 =	sld [smem:$0x3FA5]  }
0x31: {  	[smem:$0x3FAE] =	sst s10  }
0x32: {  	s10 =	sld [smem:$0x3FAC];
	_ =	sdelay $0x3  }
0x33: {  	p0 =	seq.s32 s10, $0x1;
	s10 =	sld [smem:$0x3FAE];
	_ =	sdelay $0x3  }
0x34: {  	[smem:$0x3FAE] =	sst s10  }
0x35: {  	s10 =	sld [smem:$0x3FAD];
	_ =	sdelay $0x3  }
0x36: {  	p1 =	seq.s32 s10, $0x1;
	s10 =	sld [smem:$0x3FAE];
	_ =	sdelay $0x3  }
0x37: {  	[smem:$0x3FAE] =	sst s10  }
0x38: {  	s10 =	sld [smem:$0x3FAF]  }
0x39: {  	_ = 	snop;
	(pc) =	sbr.ind lr, $3  }
0x3a: {  	_ = 	snop  }
0x3b: {  	_ = 	snop  }
0x3c: {  	p2 =	seq.s32 s10, $0x1;
	s10 =	sld [smem:$0x3FAE]  }
0x3d: {  	_ =	shalt  }
0x3e: {  	_ =	shalt  }
0x3f: {  	_ =	shalt  }
0x40: {  	_ =	shalt  }
0x41: {  	_ =	shalt  }
0x42: {  	_ =	shalt  }
0x43: {  	_ =	shalt  }
0x44: {  	_ =	shalt  }
0x45: {  	_ =	shalt  }
0x46: {  	_ =	shalt  }
0x47: {  	_ =	shalt  }
0x48: {  	_ =	shalt  }
0x49: {  	_ =	shalt  }
0x4a: {  	_ =	shalt  }
0x4b: {  	_ =	shalt  }
0x4c: {  	_ =	shalt  }
0x4d: {  	_ =	shalt  }
0x4e: {  	_ =	shalt  }
0x4f: {  	_ =	shalt  }
0x50: {  	_ =	shalt  }
0x51: {  	_ =	shalt  }
0x52: {  	_ =	shalt  }
0x53: {  	_ =	shalt  }
0x54: {  	_ =	shalt  }
0x55: {  	_ =	shalt  }
0x56: {  	_ =	shalt  }
0x57: {  	_ =	shalt  }
0x58: {  	_ =	shalt  }
0x59: {  	_ =	shalt  }
0x5a: {  	_ =	shalt  }
0x5b: {  	_ =	shalt  }
0x5c: {  	_ =	shalt  }
0x5d: {  	_ =	shalt  }
0x5e: {  	_ =	shalt  }
0x5f: {  	_ =	shalt  }
0x60: {  	_ =	shalt  }
0x61: {  	_ =	shalt  }
0x62: {  	_ =	shalt  }
0x63: {  	_ =	shalt  }
0x64: {  	_ =	shalt  }
0x65: {  	_ =	shalt  }
0x66: {  	_ =	shalt  }
0x67: {  	_ =	shalt  }
0x68: {  	_ =	shalt  }
0x69: {  	_ =	shalt  }
0x6a: {  	_ =	shalt  }
0x6b: {  	_ =	shalt  }
0x6c: {  	_ =	shalt  }
0x6d: {  	_ =	shalt  }
0x6e: {  	_ =	shalt  }
0x6f: {  	_ =	shalt  }
0x70: {  	_ =	shalt  }
0x71: {  	_ =	shalt  }
0x72: {  	_ =	shalt  }
0x73: {  	_ =	shalt  }
0x74: {  	_ =	shalt  }
0x75: {  	_ =	shalt  }
0x76: {  	_ =	shalt  }
0x77: {  	_ =	shalt  }
0x78: {  	_ =	shalt  }
0x79: {  	_ =	shalt  }
0x7a: {  	_ =	shalt  }
0x7b: {  	_ =	shalt  }
0x7c: {  	_ =	shalt  }
0x7d: {  	_ =	shalt  }
0x7e: {  	_ =	shalt  }
0x7f: {  	_ =	shalt  }
0x80: {  	_ =	shalt  }
0x81: {  	_ =	shalt  }
0x82: {  	_ =	shalt  }
0x83: {  	_ =	shalt  }
0x84: {  	_ =	shalt  }
0x85: {  	_ =	shalt  }
0x86: {  	_ =	shalt  }
0x87: {  	_ =	shalt  }
.Lfunc_end0:
.L_simem_size_0:
called_computation.2_lowered:
.L_overlay_start_0:
0x88: {  	s2 =	sld [smem:$0x3FD9]  }
0x89: {  	s3 =	sld [smem:$0x3FFE];
	_ =	sdelay $0x1  }
0x8a: {  	s1 =	srdreg.scid  }
0x8b: {  	s0 =	sand.u32 $0x1, s1  }
0x8c: {  	s17 =	sshll.u32 s0, $0xA;
	s2 =	sadd.s32 s3, s2  }
0x8d: {  	s2 =	sadd.s32 s2, s17  }
0x8e: {  	[smem:$0x3FBA] =	sst s2  }
0x8f: {  	_ = 	snop  }
0x90: {  	s2 =	sld [smem:$0x3FD0];
	(tm) =	ssettm $0x1  }
0x91: {  	s18 =	sld [smem:$0x3FFB];
	_ =	sdelay $0x3  }
0x92: {  	_ =	strace s18  }
0x93: {  	s3 =	sld [smem:$0x3FFC];
	_ =	sdelay $0x3  }
0x94: {  	_ =	strace s3  }
0x95: {  	s3 =	sld [smem:$0x3FFD];
	_ =	sdelay $0x3  }
0x96: {  	_ =	strace s3  }
0x97: {  	_ =	strace $0x8FFFFFFF  }
0x98: {  	s19 =	sld [smem:$0x3FDB];
	_ =	sdelay $0x1  }
0x99: {  	s4 =	simm.s32 $_scs_section_size  }
0x9a: {  	s5 =	simm.s32 $_size__tile_overlayer_lowered;
	s6 =	simm.s32 $_tile_overlayer_lowered  }
0x9b: {  	s22 =	simm.s32 $0x1BFF;
	s21 =	sshll.u32 s6, $0x1;
	s3 =	sadd.s32 s4, s19  }
0x9c: {  	s7 =	simm.s32 $0x0;
	s20 =	sshll.u32 s5, $0x1;
	s5 =	sadd.s32 s21, s3  }
0x9d: {  	[timem:s7], [sflag:s22] =	dma.local [hbm:s5], s20  }
0x9e: {  	_ =	swait.ge [sflag:s22], s20  }
0x9f: {  	s4 =	ssub.s32 $0x0, s20;
	[sflag:s22] =	ssyncset.done $0x0  }
0xa0: {  	[sflag:s22] =	ssyncadd.s32 s4;
	_ =	sdelay $0x1  }
0xa1: {  	s23 =	simm.s32 $0x1B8B  }
0xa2: {  	_ =	swait.ge [sflag:s23], $0x1  }
0xa3: {  	[sflag:s23] =	ssyncset.done $0x0  }
0xa4: {  	s25 =	simm.s32 $0x1B8E;
	s24 =	sld [smem:$0x3FFE];
	[sflag:s23] =	ssyncadd.s32 $0xFFFFFFFF  }
0xa5: {  	s26 =	simm.s32 $execute0_lowered;
	[smem:$0x3FD2] =	sst s25  }
0xa6: {  	s5 =	sshll.u32 s26, $0x1;
	_ =	strace $0x8000004C;
	[dreg:$0x1] =	wrdreg $0xFFFFFFFF  }
0xa7: {  	s28 =	simm.s32 $_size_execute0_lowered;
	s3 =	sadd.s32 s3, s5;
	[dreg:$0x0] =	wrdreg $0x0  }
0xa8: {  	s5 =	sshll.u32 s28, $0x1;
	[dreg:$0x2] =	wrdreg s3  }
0xa9: {  	[dreg:$0x3] =	wrdreg s5  }
0xaa: {  	[dreg:$0x4] =	wrdreg $0xC0  }
0xab: {  	_ =	task [dreg:s7], $0x5FFFF  }
0xac: {  	[dreg:$0x1] =	wrdreg $0xFFFFFFFF  }
0xad: {  	[dreg:$0x0] =	wrdreg $0x60  }
0xae: {  	[dreg:$0x2] =	wrdreg s24  }
0xaf: {  	[dreg:$0x3] =	wrdreg s2  }
0xb0: {  	[dreg:$0x4] =	wrdreg $0x0  }
0xb1: {  	[dreg:$0x5] =	wrdreg $0x9  }
0xb2: {  	_ =	task.clear_ibuf [dreg:s7], $0x6FFFF;
	_ =	strace $0x9000004C  }
0xb3: {  	s29 =	simm.s32 $0x9;
	_ =	strace $0x8000004E  }
0xb4: {  	_ =	swait.ge [sflag:s29], $0x1  }
0xb5: {  	[sflag:s29] =	ssyncadd.s32 $0xFFFFFFFF  }
0xb6: {  	_ =	strace $0x9000004E  }
0xb7: {  	_ =	sfence  }
0xb8: {  	s30 =	sld [smem:$0x0];
	_ =	sdelay $0x2  }
0xb9: {  	s31 =	sshll.u32 s1, $0xD;
	s1 =	sshrl.u32 s1, $0x2  }
0xba: {  	s3 =	sand.u32 $0x4000, s31;
	s1 =	sadd.s32 s1, s30  }
0xbb: {  	s0 =	sor.u32 s3, s0;
	s1 =	sshll.u32 s1, $0x11  }
0xbc: {  	s0 =	sor.u32 s1, s0  }
0xbd: {  	s0 =	sadd.s32 $0x8F2B, s0  }
0xbe: {  	[sflag:s0] =	ssyncadd.remote.s32 $0x1  }
0xbf: {  	_ =	sfence.sel $0xFFFF  }
0xc0: {  	[dreg:$0x0] =	wrdreg $0xFFFFFFFF;
	(pc) =	sbr.abs _section_cstart, $3  }
0xc1: {  	[dreg:$0x1] =	wrdreg $0xFFFFFFFF  }
0xc2: {  	_ =	task.clear_ibuf [dreg:s7], $0x2FFFF;
	_ =	strace $0x9FFFFFFF  }
0xc3: {  	(tm) =	ssettm $0x7FFFFFFF  }
tec
execute0_lowered:
.L_overlay_start_1:
0x0: {  	(tag) =	ssettag $0x1  }
0x1: {  	s0 =	rddreg [dreg:$0x0]  }
0x2: {  	s4 =	rddreg [dreg:$0x1]  }
0x3: {  	s1 =	rddreg [dreg:$0x2]  }
0x4: {  	s2 =	simm.s32 $0x0;
	s5 =	stileid.u32;
	s7 =	srdreg.scid  }
0x5: {  	s28 =	simm.s32 $0x13D00;
	s29 =	simm.s32 $0x14100;
	s6 =	smul.u32 $0xA00, s5  }
0x6: {  	s30 =	simm.s32 $0x13D80;
	s31 =	simm.s32 $0x14180;
	s8 =	smul.u32 $0x4F000, s5  }
0x7: {  	[smem:$0x7FF] =	sst s2;
	s3 =	sadd.s32 $0xD600, s0;
	s11 =	smul.u32 $0x270, s5  }
0x8: {  	s7 =	sand.u32 $0x1, s7;
	s26 =	smul.u32 $0x4E000, s5;
	s24 =	sadd.s32 $0x138000, s1  }
0x9: {  	p0 =	sne.s32 s5, $0x0;
	s5 =	simm.s32 $0x14200;
	s12 =	smul.u32 $0x2710, s7  }
0xa: {  	_ =	strace $0x8000004D;
	s10 =	ssub.s32 $0x2, s7;
	s16 =	smul.u32 $0x138800, s7  }
0xb: {  	[dreg:$0xd] =	wrdreg s24;
	s24 =	simm.s32 $0x18400;
	s9 =	sadd.s32 s6, s0  }
0xc: {  	s0 =	sadd.s32 $0xA9A00, s0;
	s8 =	sshrl.u32 s8, $0x2;
	s13 =	sshrl.u32 s10, $0x1  }
0xd: {  	s14 =	sadd.s32 s8, s1;
	s10 =	ssub.s32 s10, s13;
	s11 =	sadd.s32 s11, s12  }
0xe: {  	s8 =	sshrl.u32 s26, $0x2;
	s22 =	sshrl.u32 s16, $0x3;
	s25 =	sadd.s32 $0x3600, s9  }
0xf: {  	s16 =	sadd.s32 s6, s4;
	s6 =	simm.s32 $0x13E80;
	s9 =	simm.s32 $0x14280  }
0x10: {  	v0 =	vmov s12;
	s12 =	simm.s32 $0x13F80;
	s13 =	simm.s32 $0x14380;
	[dreg:$0x5] =	wrdreg s14  }
0x11: {  	s15 =	sadd.s32 $0x8000, s14;
	s11 =	sshll.u32 s11, $0x4;
	[dreg:$0x4] =	wrdreg s25  }
0x12: {  	s17 =	sadd.s32 $0x10000, s14;
	s18 =	sadd.s32 s8, s1;
	[dreg:$0x6] =	wrdreg s15  }
0x13: {  	s26 =	smax.u32 s10, $0x1;
	s25 =	simm.s32 $0x2;
	[dreg:$0x7] =	wrdreg s17  }
0x14: {  	s10 =	simm.s32 $0x13F00;
	s14 =	simm.s32 $0x0;
	[dreg:$0x8] =	wrdreg s18  }
0x15: {  	s19 =	sadd.s32 s0, s11;
	s20 =	sadd.s32 $0x8000, s18;
	[dreg:$0x10] =	wrdreg s26  }
0x16: {  	s7 =	sadd.s32 $0x10000, s18;
	s0 =	sadd.s32 s0, s22;
	[dreg:$0x9] =	wrdreg s20  }
0x17: {  	s17 =	simm.s32 $0x14400;
	s18 =	simm.s32 $0x3;
	[dreg:$0xb] =	wrdreg s7  }
0x18: {  	s22 =	simm.s32 $0x1;
	s21 =	sadd.s32 $0x1000, s19;
	[dreg:$0xf] =	wrdreg s19  }
0x19: {  	s26 =	simm.s32 $0x14080;
	s23 =	sadd.s32 $0x2000, s19;
	[dreg:$0xa] =	wrdreg s21  }
0x1a: {  	s11 =	simm.s32 $0x14300;
	s0 =	sadd.s32 $0x27000, s0;
	[dreg:$0xc] =	wrdreg s23  }
0x1b: {  	s19 =	simm.s32 $0x13C00;
	s20 =	simm.s32 $0x14000;
	[dreg:$0xe] =	wrdreg s0  }
0x1c: {  	v1 =	vimm.f32 $0.0e+00;
	s21 =	simm.s32 $0x80;
	s23 =	simm.s32 $0x13C80;
	s0 =	simm.s32 $0x13E00  }
.LBB2_1:
0x1d: {  	s15 =	simm.s32 $0x0;
	s4 =	simm.s32 $0x200  }
.LBB2_2:
0x1e: {  	p1 =	sne.s32 s4, $0x1FE00;
	[tilespmem:s15+$0x14470] =	vst v1  }
0x1f: {  	[tilespmem:s15+$0x14400] =	vst v1  }
0x20: {  	[tilespmem:s15+$0x14410] =	vst v1  }
.Ltmp0:
0x21: {  	[tilespmem:s15+$0x14420] =	vst v1;
	(pc) =	sbr.rel @p1 .LBB2_2-.Ltmp0, $4  }
0x22: {  	[tilespmem:s15+$0x14430] =	vst v1  }
0x23: {  	[tilespmem:s15+$0x14440] =	vst v1  }
0x24: {  	[tilespmem:s15+$0x14450] =	vst v1  }
0x25: {  	[tilespmem:s15+$0x14460] =	vst v1;
	s15 =	sshra.s32 s4, $0x2;
	s4 =	sadd.s32 $0x200, s4  }
0x26: {  	[tilespmem:s15+$0x14470] =	vst v1  }
0x27: {  	[tilespmem:s15+$0x14400] =	vst v1  }
0x28: {  	[tilespmem:s15+$0x14410] =	vst v1  }
0x29: {  	[tilespmem:s15+$0x14420] =	vst v1  }
0x2a: {  	[tilespmem:s15+$0x14430] =	vst v1  }
0x2b: {  	[tilespmem:s15+$0x14440] =	vst v1  }
0x2c: {  	[tilespmem:s15+$0x14450] =	vst v1  }
0x2d: {  	[tilespmem:s15+$0x14460] =	vst v1;
	s4 =	rddreg [dreg:$0x5]  }
0x2e: {  	[spmem:s4] =	stream.linear.scatter [tilespmem:s17], [sflag:$0x3], $0x8000, $0x38;
	[tilespmem:$0x1C400] =	vst v63  }
0x2f: {  	_ =	swait.ge [sflag:s18], $0x8000  }
0x30: {  	[sflag:s18] =	ssyncset.done $0x0  }
0x31: {  	s8 =	rddreg [dreg:$0x6];
	[sflag:s18] =	ssyncadd.s32 $0xFFFF8000  }
0x32: {  	[spmem:s8] =	stream.linear.scatter [tilespmem:s17], [sflag:$0x3], $0x8000, $0x38;
	[tilespmem:$0x1C400] =	vst v63  }
0x33: {  	_ =	swait.ge [sflag:s18], $0x8000  }
0x34: {  	[sflag:s18] =	ssyncset.done $0x0  }
0x35: {  	s15 =	rddreg [dreg:$0x7];
	[sflag:s18] =	ssyncadd.s32 $0xFFFF8000  }
0x36: {  	[spmem:s15] =	stream.linear.scatter [tilespmem:s17], [sflag:$0x3], $0x3C00, $0x38;
	[tilespmem:$0x1C400] =	vst v63  }
0x37: {  	_ =	swait.ge [sflag:s18], $0x3C00  }
0x38: {  	[sflag:s18] =	ssyncset.done $0x0  }
0x39: {  	[sflag:s18] =	ssyncadd.s32 $0xFFFFC400  }
0x3a: {  	s15 =	simm.s32 $0x0;
	[bflag:$0x0] =	sbarrier.arrive $0xFFFF  }
.LBB2_4:
0x3b: {  	s4 =	sadd.s32 s15, s16  }
0x3c: {  	[tilespmem:s19], [sflag:$0x3] =	stream.linear.gather [hbm4b:s4+s2], $0x400, $0x38;
	[tilespmem:$0x1C400] =	vst v63  }
0x3d: {  	_ =	swait.ge [sflag:s18], $0x400  }
0x3e: {  	s8 =	rddreg [dreg:$0x4];
	[sflag:s18] =	ssyncset.done $0x0  }
0x3f: {  	[sflag:s18] =	ssyncadd.s32 $0xFFFFFC00;
	s4 =	sadd.s32 s15, s8  }
0x40: {  	[tilespmem:s20], [sflag:$0x3] =	stream.linear.gather [hbm4b:s4+s2], $0x400, $0x38;
	[tilespmem:$0x1C400] =	vst v63  }
0x41: {  	_ =	swait.ge [sflag:s18], $0x400  }
0x42: {  	[sflag:s18] =	ssyncset.done $0x0  }
0x43: {  	[sflag:s18] =	ssyncadd.s32 $0xFFFFFC00  }
0x44: {  	v2 =	vld [tilespmem:$0x13C00]  }
0x45: {  	v3 =	vld [tilespmem:$0x13C10]  }
0x46: {  	v4 =	vld [tilespmem:$0x13C20]  }
0x47: {  	v5 =	vld [tilespmem:$0x13C30]  }
0x48: {  	v6 =	vld [tilespmem:$0x13C40]  }
0x49: {  	v7 =	vld [tilespmem:$0x13C50];
	v2 =	vadd.s32 v0, v2  }
0x4a: {  	[tilespmem:$0x13C00] =	vst v2;
	v2 =	vadd.s32 v0, v3;
	v3 =	vld [tilespmem:$0x13C60]  }
0x4b: {  	v18 =	vld [tilespmem:$0x13C70];
	[tilespmem:$0x13C10] =	vst v2;
	v2 =	vadd.s32 v0, v4  }
0x4c: {  	v19 =	vld [tilespmem:$0x13C80];
	[tilespmem:$0x13C20] =	vst v2;
	v2 =	vadd.s32 v0, v5  }
0x4d: {  	v20 =	vld [tilespmem:$0x13C90];
	[tilespmem:$0x13C30] =	vst v2;
	v2 =	vadd.s32 v0, v6  }
0x4e: {  	v21 =	vld [tilespmem:$0x13CA0];
	[tilespmem:$0x13C40] =	vst v2;
	v2 =	vadd.s32 v0, v7  }
0x4f: {  	[tilespmem:$0x13C50] =	vst v2;
	v2 =	vadd.s32 v0, v3;
	v3 =	vld [tilespmem:$0x13CB0]  }
0x50: {  	v22 =	vld [tilespmem:$0x13CC0];
	[tilespmem:$0x13C60] =	vst v2;
	v2 =	vadd.s32 v0, v18  }
0x51: {  	v23 =	vld [tilespmem:$0x13CD0];
	[tilespmem:$0x13C70] =	vst v2;
	v2 =	vadd.s32 v0, v19  }
0x52: {  	v24 =	vld [tilespmem:$0x13CE0];
	[tilespmem:$0x13C80] =	vst v2;
	v2 =	vadd.s32 v0, v20  }
0x53: {  	v25 =	vld [tilespmem:$0x13CF0];
	[tilespmem:$0x13C90] =	vst v2;
	v2 =	vadd.s32 v0, v21  }
0x54: {  	[tilespmem:$0x13CA0] =	vst v2;
	v2 =	vadd.s32 v0, v3;
	v3 =	vld [tilespmem:$0x13D00]  }
0x55: {  	v26 =	vld [tilespmem:$0x13D10];
	[tilespmem:$0x13CB0] =	vst v2;
	v2 =	vadd.s32 v0, v22  }
0x56: {  	v27 =	vld [tilespmem:$0x13D20];
	[tilespmem:$0x13CC0] =	vst v2;
	v2 =	vadd.s32 v0, v23  }
0x57: {  	v28 =	vld [tilespmem:$0x13D30];
	[tilespmem:$0x13CD0] =	vst v2;
	v2 =	vadd.s32 v0, v24  }
0x58: {  	v29 =	vld [tilespmem:$0x13D40];
	[tilespmem:$0x13CE0] =	vst v2;
	v2 =	vadd.s32 v0, v25  }
0x59: {  	[tilespmem:$0x13CF0] =	vst v2;
	v2 =	vadd.s32 v0, v3;
	v3 =	vld [tilespmem:$0x13D50]  }
0x5a: {  	v30 =	vld [tilespmem:$0x13D60];
	[tilespmem:$0x13D00] =	vst v2;
	v2 =	vadd.s32 v0, v26  }
0x5b: {  	v31 =	vld [tilespmem:$0x13D70];
	[tilespmem:$0x13D10] =	vst v2;
	v2 =	vadd.s32 v0, v27  }
0x5c: {  	v32 =	vld [tilespmem:$0x13D80];
	[tilespmem:$0x13D20] =	vst v2;
	v2 =	vadd.s32 v0, v28  }
0x5d: {  	v33 =	vld [tilespmem:$0x13D90];
	[tilespmem:$0x13D30] =	vst v2;
	v2 =	vadd.s32 v0, v29  }
0x5e: {  	[tilespmem:$0x13D40] =	vst v2;
	v2 =	vadd.s32 v0, v3;
	v3 =	vld [tilespmem:$0x13DA0]  }
0x5f: {  	v34 =	vld [tilespmem:$0x13DB0];
	[tilespmem:$0x13D50] =	vst v2;
	v2 =	vadd.s32 v0, v30  }
0x60: {  	v35 =	vld [tilespmem:$0x13DC0];
	[tilespmem:$0x13D60] =	vst v2;
	v2 =	vadd.s32 v0, v31  }
0x61: {  	v36 =	vld [tilespmem:$0x13DD0];
	[tilespmem:$0x13D70] =	vst v2;
	v2 =	vadd.s32 v0, v32  }
0x62: {  	v37 =	vld [tilespmem:$0x13DE0];
	[tilespmem:$0x13D80] =	vst v2;
	v2 =	vadd.s32 v0, v33  }
0x63: {  	[tilespmem:$0x13D90] =	vst v2;
	v2 =	vadd.s32 v0, v3;
	v3 =	vld [tilespmem:$0x13DF0]  }
0x64: {  	v38 =	vld [tilespmem:$0x13E00];
	[tilespmem:$0x13DA0] =	vst v2;
	v2 =	vadd.s32 v0, v34  }
0x65: {  	v39 =	vld [tilespmem:$0x13E10];
	[tilespmem:$0x13DB0] =	vst v2;
	v2 =	vadd.s32 v0, v35  }
0x66: {  	v40 =	vld [tilespmem:$0x13E20];
	[tilespmem:$0x13DC0] =	vst v2;
	v2 =	vadd.s32 v0, v36  }
0x67: {  	v41 =	vld [tilespmem:$0x13E30];
	[tilespmem:$0x13DD0] =	vst v2;
	v2 =	vadd.s32 v0, v37  }
0x68: {  	[tilespmem:$0x13DE0] =	vst v2;
	v2 =	vadd.s32 v0, v3;
	v3 =	vld [tilespmem:$0x13E40]  }
0x69: {  	v42 =	vld [tilespmem:$0x13E50];
	[tilespmem:$0x13DF0] =	vst v2;
	v2 =	vadd.s32 v0, v38  }
0x6a: {  	v43 =	vld [tilespmem:$0x13E60];
	[tilespmem:$0x13E00] =	vst v2;
	v2 =	vadd.s32 v0, v39  }
0x6b: {  	v44 =	vld [tilespmem:$0x13E70];
	[tilespmem:$0x13E10] =	vst v2;
	v2 =	vadd.s32 v0, v40  }
0x6c: {  	v45 =	vld [tilespmem:$0x13E80];
	[tilespmem:$0x13E20] =	vst v2;
	v2 =	vadd.s32 v0, v41  }
0x6d: {  	[tilespmem:$0x13E30] =	vst v2;
	v2 =	vadd.s32 v0, v3;
	v3 =	vld [tilespmem:$0x13E90]  }
0x6e: {  	v46 =	vld [tilespmem:$0x13EA0];
	[tilespmem:$0x13E40] =	vst v2;
	v2 =	vadd.s32 v0, v42  }
0x6f: {  	v47 =	vld [tilespmem:$0x13EB0];
	[tilespmem:$0x13E50] =	vst v2;
	v2 =	vadd.s32 v0, v43  }
0x70: {  	v48 =	vld [tilespmem:$0x13EC0];
	[tilespmem:$0x13E60] =	vst v2;
	v2 =	vadd.s32 v0, v44  }
0x71: {  	v49 =	vld [tilespmem:$0x13ED0];
	[tilespmem:$0x13E70] =	vst v2;
	v2 =	vadd.s32 v0, v45  }
0x72: {  	[tilespmem:$0x13E80] =	vst v2;
	v2 =	vadd.s32 v0, v3;
	v3 =	vld [tilespmem:$0x13EE0]  }
0x73: {  	v50 =	vld [tilespmem:$0x13EF0];
	[tilespmem:$0x13E90] =	vst v2;
	v2 =	vadd.s32 v0, v46  }
0x74: {  	v51 =	vld [tilespmem:$0x13F00];
	[tilespmem:$0x13EA0] =	vst v2;
	v2 =	vadd.s32 v0, v47  }
0x75: {  	v52 =	vld [tilespmem:$0x13F10];
	[tilespmem:$0x13EB0] =	vst v2;
	v2 =	vadd.s32 v0, v48  }
0x76: {  	v53 =	vld [tilespmem:$0x13F20];
	[tilespmem:$0x13EC0] =	vst v2;
	v2 =	vadd.s32 v0, v49  }
0x77: {  	[tilespmem:$0x13ED0] =	vst v2;
	v2 =	vadd.s32 v0, v3;
	v3 =	vld [tilespmem:$0x13F30]  }
0x78: {  	v54 =	vld [tilespmem:$0x13F40];
	[tilespmem:$0x13EE0] =	vst v2;
	v2 =	vadd.s32 v0, v50  }
0x79: {  	v55 =	vld [tilespmem:$0x13F50];
	[tilespmem:$0x13EF0] =	vst v2;
	v2 =	vadd.s32 v0, v51  }
0x7a: {  	v56 =	vld [tilespmem:$0x13F60];
	[tilespmem:$0x13F00] =	vst v2;
	v2 =	vadd.s32 v0, v52  }
0x7b: {  	v57 =	vld [tilespmem:$0x13F70];
	[tilespmem:$0x13F10] =	vst v2;
	v2 =	vadd.s32 v0, v53  }
0x7c: {  	[tilespmem:$0x13F20] =	vst v2;
	v2 =	vadd.s32 v0, v3;
	v3 =	vld [tilespmem:$0x13F80]  }
0x7d: {  	v58 =	vld [tilespmem:$0x13F90];
	[tilespmem:$0x13F30] =	vst v2;
	v2 =	vadd.s32 v0, v54  }
0x7e: {  	v59 =	vld [tilespmem:$0x13FA0];
	[tilespmem:$0x13F40] =	vst v2;
	v2 =	vadd.s32 v0, v55  }
0x7f: {  	v60 =	vld [tilespmem:$0x13FB0];
	[tilespmem:$0x13F50] =	vst v2;
	v2 =	vadd.s32 v0, v56  }
0x80: {  	v61 =	vld [tilespmem:$0x13FC0];
	[tilespmem:$0x13F60] =	vst v2;
	v2 =	vadd.s32 v0, v57  }
0x81: {  	[tilespmem:$0x13F70] =	vst v2;
	v2 =	vadd.s32 v0, v3;
	v3 =	vld [tilespmem:$0x13FD0]  }
0x82: {  	v62 =	vld [tilespmem:$0x13FE0];
	[tilespmem:$0x13F80] =	vst v2;
	v2 =	vadd.s32 v0, v58  }
0x83: {  	v63 =	vld [tilespmem:$0x13FF0];
	[tilespmem:$0x13F90] =	vst v2;
	v2 =	vadd.s32 v0, v59  }
0x84: {  	[tilespmem:$0x13FA0] =	vst v2;
	v2 =	vadd.s32 v0, v60  }
0x85: {  	[tilespmem:$0x13FB0] =	vst v2;
	v2 =	vadd.s32 v0, v61  }
0x86: {  	[tilespmem:$0x13FC0] =	vst v2;
	v2 =	vadd.s32 v0, v3  }
0x87: {  	[tilespmem:$0x13FD0] =	vst v2;
	v2 =	vadd.s32 v0, v62  }
0x88: {  	[tilespmem:$0x13FE0] =	vst v2;
	v2 =	vadd.s32 v0, v63  }
0x89: {  	[tilespmem:$0x13FF0] =	vst v2  }
0x8a: {  	[tilespmem:s17], [sflag:$0x1] =	stream.indirect.gather [hbm4b:s3+s21], $0x80, s19, s21, $0xb8;
	[tilespmem:$0x1C400] =	vst v63  }
0x8b: {  	_ =	swait.ge [sflag:s22], $0x4000  }
0x8c: {  	[sflag:s22] =	ssyncset.done $0x0  }
0x8d: {  	[sflag:s22] =	ssyncadd.s32 $0xFFFFC000  }
0x8e: {  	[spmem:s1] =	stream.indirect.scatter.add.f32 [tilespmem:s17], [sflag:$0x2], $0x80, s20, s21, $0xb8;
	[tilespmem:$0x1C400] =	vst v63  }
0x8f: {  	_ = 	snop  }
0x90: {  	[tilespmem:s24], [sflag:$0x1] =	stream.indirect.gather [hbm4b:s3+s21], $0x80, s23, s21, $0xb8;
	[tilespmem:$0x1C400] =	vst v63  }
0x91: {  	_ =	swait.ge [sflag:s22], $0x4000  }
0x92: {  	[sflag:s22] =	ssyncset.done $0x0  }
0x93: {  	[sflag:s22] =	ssyncadd.s32 $0xFFFFC000  }
0x94: {  	_ =	swait.ge [sflag:s25], $0x4000  }
0x95: {  	[sflag:s25] =	ssyncset.done $0x0  }
0x96: {  	[sflag:s25] =	ssyncadd.s32 $0xFFFFC000  }
0x97: {  	[spmem:s1] =	stream.indirect.scatter.add.f32 [tilespmem:s24], [sflag:$0x2], $0x80, s26, s21, $0xb8;
	[tilespmem:$0x1C400] =	vst v63  }
0x98: {  	_ = 	snop  }
0x99: {  	[tilespmem:s17], [sflag:$0x1] =	stream.indirect.gather [hbm4b:s3+s21], $0x80, s28, s21, $0xb8;
	[tilespmem:$0x1C400] =	vst v63  }
0x9a: {  	_ =	swait.ge [sflag:s22], $0x4000  }
0x9b: {  	[sflag:s22] =	ssyncset.done $0x0  }
0x9c: {  	[sflag:s22] =	ssyncadd.s32 $0xFFFFC000  }
0x9d: {  	_ =	swait.ge [sflag:s25], $0x4000  }
0x9e: {  	[sflag:s25] =	ssyncset.done $0x0  }
0x9f: {  	[sflag:s25] =	ssyncadd.s32 $0xFFFFC000  }
0xa0: {  	[spmem:s1] =	stream.indirect.scatter.add.f32 [tilespmem:s17], [sflag:$0x2], $0x80, s29, s21, $0xb8;
	[tilespmem:$0x1C400] =	vst v63  }
0xa1: {  	_ = 	snop  }
0xa2: {  	[tilespmem:s24], [sflag:$0x1] =	stream.indirect.gather [hbm4b:s3+s21], $0x80, s30, s21, $0xb8;
	[tilespmem:$0x1C400] =	vst v63  }
0xa3: {  	_ =	swait.ge [sflag:s22], $0x4000  }
0xa4: {  	[sflag:s22] =	ssyncset.done $0x0  }
0xa5: {  	[sflag:s22] =	ssyncadd.s32 $0xFFFFC000  }
0xa6: {  	_ =	swait.ge [sflag:s25], $0x4000  }
0xa7: {  	[sflag:s25] =	ssyncset.done $0x0  }
0xa8: {  	[sflag:s25] =	ssyncadd.s32 $0xFFFFC000  }
0xa9: {  	[spmem:s1] =	stream.indirect.scatter.add.f32 [tilespmem:s24], [sflag:$0x2], $0x80, s31, s21, $0xb8;
	[tilespmem:$0x1C400] =	vst v63  }
0xaa: {  	_ = 	snop  }
0xab: {  	[tilespmem:s17], [sflag:$0x1] =	stream.indirect.gather [hbm4b:s3+s21], $0x80, s0, s21, $0xb8;
	[tilespmem:$0x1C400] =	vst v63  }
0xac: {  	_ =	swait.ge [sflag:s22], $0x4000  }
0xad: {  	[sflag:s22] =	ssyncset.done $0x0  }
0xae: {  	[sflag:s22] =	ssyncadd.s32 $0xFFFFC000  }
0xaf: {  	_ =	swait.ge [sflag:s25], $0x4000  }
0xb0: {  	[sflag:s25] =	ssyncset.done $0x0  }
0xb1: {  	[sflag:s25] =	ssyncadd.s32 $0xFFFFC000  }
0xb2: {  	[spmem:s1] =	stream.indirect.scatter.add.f32 [tilespmem:s17], [sflag:$0x2], $0x80, s5, s21, $0xb8;
	[tilespmem:$0x1C400] =	vst v63  }
0xb3: {  	_ = 	snop  }
0xb4: {  	[tilespmem:s24], [sflag:$0x1] =	stream.indirect.gather [hbm4b:s3+s21], $0x80, s6, s21, $0xb8;
	[tilespmem:$0x1C400] =	vst v63  }
0xb5: {  	_ =	swait.ge [sflag:s22], $0x4000  }
0xb6: {  	[sflag:s22] =	ssyncset.done $0x0  }
0xb7: {  	[sflag:s22] =	ssyncadd.s32 $0xFFFFC000  }
0xb8: {  	_ =	swait.ge [sflag:s25], $0x4000  }
0xb9: {  	[sflag:s25] =	ssyncset.done $0x0  }
0xba: {  	[sflag:s25] =	ssyncadd.s32 $0xFFFFC000  }
0xbb: {  	[spmem:s1] =	stream.indirect.scatter.add.f32 [tilespmem:s24], [sflag:$0x2], $0x80, s9, s21, $0xb8;
	[tilespmem:$0x1C400] =	vst v63  }
0xbc: {  	_ = 	snop  }
0xbd: {  	[tilespmem:s17], [sflag:$0x1] =	stream.indirect.gather [hbm4b:s3+s21], $0x80, s10, s21, $0xb8;
	[tilespmem:$0x1C400] =	vst v63  }
0xbe: {  	_ =	swait.ge [sflag:s22], $0x4000  }
0xbf: {  	[sflag:s22] =	ssyncset.done $0x0  }
0xc0: {  	[sflag:s22] =	ssyncadd.s32 $0xFFFFC000  }
0xc1: {  	_ =	swait.ge [sflag:s25], $0x4000  }
0xc2: {  	[sflag:s25] =	ssyncset.done $0x0  }
0xc3: {  	[sflag:s25] =	ssyncadd.s32 $0xFFFFC000  }
0xc4: {  	[spmem:s1] =	stream.indirect.scatter.add.f32 [tilespmem:s17], [sflag:$0x2], $0x80, s11, s21, $0xb8;
	[tilespmem:$0x1C400] =	vst v63  }
0xc5: {  	_ = 	snop  }
0xc6: {  	[tilespmem:s24], [sflag:$0x1] =	stream.indirect.gather [hbm4b:s3+s21], $0x80, s12, s21, $0xb8;
	[tilespmem:$0x1C400] =	vst v63  }
0xc7: {  	_ =	swait.ge [sflag:s22], $0x4000  }
0xc8: {  	[sflag:s22] =	ssyncset.done $0x0  }
0xc9: {  	[sflag:s22] =	ssyncadd.s32 $0xFFFFC000  }
0xca: {  	_ =	swait.ge [sflag:s25], $0x4000  }
0xcb: {  	p1 =	sne.s32 s15, $0x980;
	[sflag:s25] =	ssyncset.done $0x0  }
.Ltmp1:
0xcc: {  	[sflag:s25] =	ssyncadd.s32 $0xFFFFC000;
	(pc) =	sbr.rel @p1 .LBB2_4-.Ltmp1, $4  }
0xcd: {  	[spmem:s1] =	stream.indirect.scatter.add.f32 [tilespmem:s24], [sflag:$0x2], $0x80, s13, s21, $0xb8;
	[tilespmem:$0x1C400] =	vst v63  }
0xce: {  	_ =	swait.ge [sflag:s25], $0x4000  }
0xcf: {  	[sflag:s25] =	ssyncset.done $0x0  }
0xd0: {  	s15 =	sadd.s32 $0x80, s15;
	[sflag:s25] =	ssyncadd.s32 $0xFFFFC000  }
0xd1: {  	[bflag:$0x0] =	sbarrier.arrive $0xFFFF  }
0xd2: {  	s4 =	rddreg [dreg:$0x8]  }
0xd3: {  	[tilespmem:s17], [sflag:$0x3] =	stream.linear.gather [spmem:s4], $0x8000, $0x38;
	[tilespmem:$0x1C400] =	vst v63  }
0xd4: {  	_ =	swait.ge [sflag:s18], $0x8000  }
0xd5: {  	[sflag:s18] =	ssyncset.done $0x0  }
0xd6: {  	s15 =	rddreg [dreg:$0xf];
	[sflag:s18] =	ssyncadd.s32 $0xFFFF8000  }
0xd7: {  	[hbm4b:s15+s2] =	stream.linear.scatter [tilespmem:s17], [sflag:$0x3], $0x8000, $0x38;
	[tilespmem:$0x1C400] =	vst v63  }
0xd8: {  	_ =	swait.ge [sflag:s18], $0x8000  }
0xd9: {  	[sflag:s18] =	ssyncset.done $0x0  }
0xda: {  	s7 =	rddreg [dreg:$0x9];
	[sflag:s18] =	ssyncadd.s32 $0xFFFF8000  }
0xdb: {  	[tilespmem:s17], [sflag:$0x3] =	stream.linear.gather [spmem:s7], $0x8000, $0x38;
	[tilespmem:$0x1C400] =	vst v63  }
0xdc: {  	_ =	swait.ge [sflag:s18], $0x8000  }
0xdd: {  	[sflag:s18] =	ssyncset.done $0x0  }
0xde: {  	s8 =	rddreg [dreg:$0xa];
	[sflag:s18] =	ssyncadd.s32 $0xFFFF8000  }
0xdf: {  	[hbm4b:s8+s2] =	stream.linear.scatter [tilespmem:s17], [sflag:$0x3], $0x8000, $0x38;
	[tilespmem:$0x1C400] =	vst v63  }
0xe0: {  	_ =	swait.ge [sflag:s18], $0x8000  }
0xe1: {  	[sflag:s18] =	ssyncset.done $0x0  }
0xe2: {  	s15 =	rddreg [dreg:$0xb];
	[sflag:s18] =	ssyncadd.s32 $0xFFFF8000  }
0xe3: {  	[tilespmem:s17], [sflag:$0x3] =	stream.linear.gather [spmem:s15], $0x3800, $0x38;
	[tilespmem:$0x1C400] =	vst v63  }
0xe4: {  	_ =	swait.ge [sflag:s18], $0x3800  }
0xe5: {  	[sflag:s18] =	ssyncset.done $0x0  }
0xe6: {  	s7 =	rddreg [dreg:$0xc];
	[sflag:s18] =	ssyncadd.s32 $0xFFFFC800  }
0xe7: {  	[hbm4b:s7+s2] =	stream.linear.scatter [tilespmem:s17], [sflag:$0x3], $0x3800, $0x38;
	[tilespmem:$0x1C400] =	vst v63  }
0xe8: {  	_ =	swait.ge [sflag:s18], $0x3800  }
0xe9: {  	s4 =	simm.s32 @!p0 $0x14400;
	[sflag:s18] =	ssyncset.done $0x0  }
0xea: {  	s15 =	simm.s32 @!p0 $0x3;
	s7 =	rddreg [dreg:$0xd];
	[sflag:s18] =	ssyncadd.s32 $0xFFFFC800  }
0xeb: {  	[tilespmem:s4], [sflag:$0x3] =	stream.linear.gather @!p0 [spmem:s7], $0x800, $0x38;
	[tilespmem:$0x1C400] =	vst v63  }
0xec: {  	_ =	swait.ge @!p0 [sflag:s15], $0x800  }
0xed: {  	[sflag:s15] =	ssyncset.done @!p0 $0x0  }
0xee: {  	s7 =	simm.s32 @!p0 $0x0;
	s8 =	rddreg [dreg:$0xe];
	[sflag:s15] =	ssyncadd.s32 @!p0 $0xFFFFF800  }
0xef: {  	[hbm4b:s8+s7] =	stream.linear.scatter @!p0 [tilespmem:s4], [sflag:$0x3], $0x800, $0x38;
	[tilespmem:$0x1C400] =	vst v63  }
0xf0: {  	_ =	swait.ge @!p0 [sflag:s15], $0x800  }
0xf1: {  	s14 =	sadd.s32 $0x1, s14;
	s8 =	rddreg [dreg:$0x10]  }
0xf2: {  	p1 =	sne.s32 s14, s8  }
.Ltmp2:
0xf3: {  	_ = 	snop;
	(pc) =	sbr.rel @p1 .LBB2_1-.Ltmp2, $3  }
0xf4: {  	_ =	sdelay $0x1  }
0xf5: {  	[sflag:s15] =	ssyncset.done @!p0 $0x0  }
0xf6: {  	[sflag:s15] =	ssyncadd.s32 @!p0 $0xFFFFF800  }
0xf7: {  	_ =	sfence.sel $0x180000  }
0xf8: {  	[bflag:$0x0] =	sbarrier.arrive $0xFFFF  }
0xf9: {  	_ =	strace $0x9000004D  }
0xfa: {  	[bflag:$0x2] =	sbarrier.arrive $0xFFFF  }
0xfb: {  	s0 =	rddreg [dreg:$0x3]  }
0xfc: {  	s0 =	sadd.s32 @!p0 $0x100000, s0  }
0xfd: {  	[sflag:s0] =	ssyncadd.tile.s32 @!p0 $0x1;
	_ =	shalt  }
.Lfunc_end2:
_tile_overlayer_lowered:
.L_overlay_start_2:
0xfe: {  	(tag) =	ssettag $0x2  }
0xff: {  	s0 =	rddreg [dreg:$0x0];
	s2 =	stileid.u32  }
0x100: {  	s1 =	rddreg [dreg:$0x1];
	p0 =	sne.s32 s2, $0x0  }
0x101: {  	s3 =	rddreg [dreg:$0x2];
	[bflag:$0x3] =	sbarrier.arrive $0xFFFF;
	s2 =	simm.s32 @!p0 $0x1C03  }
0x102: {  	[timem:s3], [sflag:s2] =	dma.local @!p0 [hbm:s0], s1  }
0x103: {  	s0 =	simm.s32 @!p0 $0x3  }
0x104: {  	_ =	swait.ge @!p0 [sflag:s0], s1  }
0x105: {  	s1 =	ssub.s32 @!p0 $0x0, s1;
	[sflag:s0] =	ssyncset.done @!p0 $0x0  }
0x106: {  	[sflag:s0] =	ssyncadd.s32 @!p0 s1  }
0x107: {  	[bflag:$0x3] =	sbarrier.arrive $0xFFFF  }
0x108: {  	_ =	shalt  }

// kernel: kernel.7.cloned.1.call-start
scs
__scs_entry_jumppad:
0x0: {  	(pc) =	sbr.rel $0x88, $3  }
0x1: {  	(tag) =	ssettag $0x0;
	lr =	simm.s32 $0x1  }
0x2: {  	[smem:$0x3F93] =	sst lr;
	_ =	strace $0xD0000000  }
0x3: {  	_ = 	snop  }
0x4: {  	_ = 	snop  }
0x5: {  	_ = 	snop  }
0x6: {  	_ = 	snop  }
0x7: {  	_ = 	snop  }
__scs_overlays_trampoline_lowered:
0x8: {  	[smem:$0x3FA2] =	sst s0  }
0x9: {  	[smem:$0x3FA3] =	sst s1  }
0xa: {  	[smem:$0x3FA4] =	sst s2  }
0xb: {  	[smem:$0x3FA5] =	sst s3  }
0xc: {  	[smem:$0x3FA6] =	sst s4  }
0xd: {  	[smem:$0x3FA7] =	sst s5  }
0xe: {  	[smem:$0x3FA8] =	sst s6  }
0xf: {  	[smem:$0x3FA9] =	sst s7  }
0x10: {  	[smem:$0x3FAA] =	sst s8  }
0x11: {  	[smem:$0x3FAB] =	sst s9;
	s0 =	simm.s32 @!p0 $0x0  }
0x12: {  	s1 =	sld [smem:$0x3F91];
	s0 =	simm.s32 @p0 $0x1  }
0x13: {  	[smem:$0x3FAC] =	sst s0;
	s0 =	simm.s32 @!p1 $0x0  }
0x14: {  	s2 =	sld [smem:$0x3F90];
	s0 =	simm.s32 @p1 $0x1  }
0x15: {  	[smem:$0x3FAD] =	sst s0;
	s0 =	simm.s32 @!p2 $0x0  }
0x16: {  	s3 =	sld [smem:$0x3FDB];
	s0 =	simm.s32 @p2 $0x1  }
0x17: {  	s4 =	simm.s32 $0x1BF5;
	[smem:$0x3FAF] =	sst s0  }
0x18: {  	s0 =	sld [smem:$0x3F92];
	_ =	swait.ge [sflag:s4], $0x0  }
0x19: {  	s7 =	sld [smem:$0x3F93]  }
0x1a: {  	s8 =	sadd.s32 $0xFFFFE003, lr  }
0x1b: {  	s9 =	sadd.s32 $0xFFFFFEF7, lr;
	s5 =	simm.s32 $0xFFFFFFFF;
	p2 =	slt.u32 s8, $0xFFFFF086  }
0x1c: {  	p1 =	slt.u32 s9, $0xF7A;
	s5 =	simm.s32 @!p2 $0x0  }
0x1d: {  	s5 =	simm.s32 @p1 $0x1;
	p0 =	seq.s32 s7, s2  }
0x1e: {  	s7 =	smul.u32 @!p0 $0xF7A, s2;
	p2 =	seq.s32 @!p0 s5, $0x0  }
0x1f: {  	s9 =	smul.u32 $0xF7A, s1;
	s8 =	simm.s32 @!p0 $0x1BF5;
	p2 =	por !p2, p0  }
0x20: {  	[sflag:s8] =	ssyncset.s32 @!p0 $0xFFFFF086;
	s6 =	sadd.s32 @!p0 s3, s7;
	s7 =	simm.s32 @!p0 $0x108  }
0x21: {  	s3 =	sadd.s32 s3, s9;
	s6 =	sadd.s32 @!p0 $0x88, s6;
	s7 =	simm.s32 @p2 $0x1082  }
0x22: {  	[simem:s7], [sflag:s8] =	dma.local @!p0 [hbm:s6], $0xF7A  }
0x23: {  	s9 =	sor.u32 $0xD0000000, s2;
	s6 =	simm.s32 $0x108;
	_ =	swait.ge @!p0 [sflag:s8], $0x0  }
0x24: {  	s3 =	sadd.s32 $0x88, s3;
	s6 =	simm.s32 @!p1 $0x1082;
	[sflag:s4] =	ssyncset.s32 $0xFFFFF086  }
0x25: {  	[simem:s6], [sflag:s4] =	dma.local [hbm:s3], $0xF7A  }
0x26: {  	[smem:$0x3F93] =	sst s1;
	(tag) =	ssettag s2;
	_ =	strace s9  }
0x27: {  	s1 =	sld [smem:$0x3FA3]  }
0x28: {  	s2 =	sld [smem:$0x3FA4]  }
0x29: {  	s4 =	sld [smem:$0x3FA6]  }
0x2a: {  	p0 =	seq.s32 s5, $0x0;
	s5 =	sld [smem:$0x3FA7]  }
0x2b: {  	s6 =	sld [smem:$0x3FA8]  }
0x2c: {  	s7 =	sld [smem:$0x3FA9]  }
0x2d: {  	s3 =	simm.s32 $0x108;
	s8 =	sld [smem:$0x3FAA]  }
0x2e: {  	s3 =	simm.s32 @!p0 $0x1082;
	s9 =	sld [smem:$0x3FAB]  }
0x2f: {  	lr =	sadd.s32 s0, s3;
	s0 =	sld [smem:$0x3FA2]  }
0x30: {  	s3 =	sld [smem:$0x3FA5]  }
0x31: {  	[smem:$0x3FAE] =	sst s10  }
0x32: {  	s10 =	sld [smem:$0x3FAC];
	_ =	sdelay $0x3  }
0x33: {  	p0 =	seq.s32 s10, $0x1;
	s10 =	sld [smem:$0x3FAE];
	_ =	sdelay $0x3  }
0x34: {  	[smem:$0x3FAE] =	sst s10  }
0x35: {  	s10 =	sld [smem:$0x3FAD];
	_ =	sdelay $0x3  }
0x36: {  	p1 =	seq.s32 s10, $0x1;
	s10 =	sld [smem:$0x3FAE];
	_ =	sdelay $0x3  }
0x37: {  	[smem:$0x3FAE] =	sst s10  }
0x38: {  	s10 =	sld [smem:$0x3FAF]  }
0x39: {  	_ = 	snop;
	(pc) =	sbr.ind lr, $3  }
0x3a: {  	_ = 	snop  }
0x3b: {  	_ = 	snop  }
0x3c: {  	p2 =	seq.s32 s10, $0x1;
	s10 =	sld [smem:$0x3FAE]  }
0x3d: {  	_ =	shalt  }
0x3e: {  	_ =	shalt  }
0x3f: {  	_ =	shalt  }
0x40: {  	_ =	shalt  }
0x41: {  	_ =	shalt  }
0x42: {  	_ =	shalt  }
0x43: {  	_ =	shalt  }
0x44: {  	_ =	shalt  }
0x45: {  	_ =	shalt  }
0x46: {  	_ =	shalt  }
0x47: {  	_ =	shalt  }
0x48: {  	_ =	shalt  }
0x49: {  	_ =	shalt  }
0x4a: {  	_ =	shalt  }
0x4b: {  	_ =	shalt  }
0x4c: {  	_ =	shalt  }
0x4d: {  	_ =	shalt  }
0x4e: {  	_ =	shalt  }
0x4f: {  	_ =	shalt  }
0x50: {  	_ =	shalt  }
0x51: {  	_ =	shalt  }
0x52: {  	_ =	shalt  }
0x53: {  	_ =	shalt  }
0x54: {  	_ =	shalt  }
0x55: {  	_ =	shalt  }
0x56: {  	_ =	shalt  }
0x57: {  	_ =	shalt  }
0x58: {  	_ =	shalt  }
0x59: {  	_ =	shalt  }
0x5a: {  	_ =	shalt  }
0x5b: {  	_ =	shalt  }
0x5c: {  	_ =	shalt  }
0x5d: {  	_ =	shalt  }
0x5e: {  	_ =	shalt  }
0x5f: {  	_ =	shalt  }
0x60: {  	_ =	shalt  }
0x61: {  	_ =	shalt  }
0x62: {  	_ =	shalt  }
0x63: {  	_ =	shalt  }
0x64: {  	_ =	shalt  }
0x65: {  	_ =	shalt  }
0x66: {  	_ =	shalt  }
0x67: {  	_ =	shalt  }
0x68: {  	_ =	shalt  }
0x69: {  	_ =	shalt  }
0x6a: {  	_ =	shalt  }
0x6b: {  	_ =	shalt  }
0x6c: {  	_ =	shalt  }
0x6d: {  	_ =	shalt  }
0x6e: {  	_ =	shalt  }
0x6f: {  	_ =	shalt  }
0x70: {  	_ =	shalt  }
0x71: {  	_ =	shalt  }
0x72: {  	_ =	shalt  }
0x73: {  	_ =	shalt  }
0x74: {  	_ =	shalt  }
0x75: {  	_ =	shalt  }
0x76: {  	_ =	shalt  }
0x77: {  	_ =	shalt  }
0x78: {  	_ =	shalt  }
0x79: {  	_ =	shalt  }
0x7a: {  	_ =	shalt  }
0x7b: {  	_ =	shalt  }
0x7c: {  	_ =	shalt  }
0x7d: {  	_ =	shalt  }
0x7e: {  	_ =	shalt  }
0x7f: {  	_ =	shalt  }
0x80: {  	_ =	shalt  }
0x81: {  	_ =	shalt  }
0x82: {  	_ =	shalt  }
0x83: {  	_ =	shalt  }
0x84: {  	_ =	shalt  }
0x85: {  	_ =	shalt  }
0x86: {  	_ =	shalt  }
0x87: {  	_ =	shalt  }
.Lfunc_end0:
.L_simem_size_0:
called_computation_lowered:
.L_overlay_start_0:
0x88: {  	s2 =	sld [smem:$0x3FD9]  }
0x89: {  	s3 =	sld [smem:$0x3FFE];
	_ =	sdelay $0x1  }
0x8a: {  	s1 =	srdreg.scid  }
0x8b: {  	s0 =	sand.u32 $0x1, s1  }
0x8c: {  	s17 =	sshll.u32 s0, $0xA;
	s2 =	sadd.s32 s3, s2  }
0x8d: {  	s2 =	sadd.s32 s2, s17  }
0x8e: {  	[smem:$0x3FBA] =	sst s2  }
0x8f: {  	_ = 	snop  }
0x90: {  	s2 =	sld [smem:$0x3FC9]  }
0x91: {  	s18 =	sld [smem:$0x3FD0];
	(tm) =	ssettm $0x1  }
0x92: {  	s4 =	sld [smem:$0x3FFB];
	_ =	sdelay $0x3  }
0x93: {  	_ =	strace s4  }
0x94: {  	s4 =	sld [smem:$0x3FFC];
	_ =	sdelay $0x3  }
0x95: {  	_ =	strace s4  }
0x96: {  	s4 =	sld [smem:$0x3FFD];
	_ =	sdelay $0x3  }
0x97: {  	_ =	strace s4  }
0x98: {  	_ =	strace $0x8FFFFFFF  }
0x99: {  	s19 =	sld [smem:$0x3FDB];
	_ =	sdelay $0x1  }
0x9a: {  	s5 =	simm.s32 $_scs_section_size  }
0x9b: {  	s6 =	simm.s32 $_size__tile_overlayer_lowered;
	s7 =	simm.s32 $_tile_overlayer_lowered  }
0x9c: {  	s22 =	simm.s32 $0x1BFF;
	s21 =	sshll.u32 s7, $0x1;
	s4 =	sadd.s32 s5, s19  }
0x9d: {  	s8 =	simm.s32 $0x0;
	s20 =	sshll.u32 s6, $0x1;
	s6 =	sadd.s32 s21, s4  }
0x9e: {  	[timem:s8], [sflag:s22] =	dma.local [hbm:s6], s20  }
0x9f: {  	_ =	swait.ge [sflag:s22], s20  }
0xa0: {  	s5 =	ssub.s32 $0x0, s20;
	[sflag:s22] =	ssyncset.done $0x0  }
0xa1: {  	[sflag:s22] =	ssyncadd.s32 s5;
	_ =	sdelay $0x1  }
0xa2: {  	s23 =	simm.s32 $0x1B8B  }
0xa3: {  	_ =	swait.ge [sflag:s23], $0x1  }
0xa4: {  	[sflag:s23] =	ssyncset.done $0x0  }
0xa5: {  	s25 =	simm.s32 $0x1B8E;
	s24 =	sld [smem:$0x3FFE];
	[sflag:s23] =	ssyncadd.s32 $0xFFFFFFFF  }
0xa6: {  	s26 =	simm.s32 $execute0_lowered;
	[smem:$0x3FD2] =	sst s25  }
0xa7: {  	s6 =	sshll.u32 s26, $0x1;
	_ =	strace $0x80000046;
	[dreg:$0x1] =	wrdreg $0xFFFFFFFF  }
0xa8: {  	s28 =	simm.s32 $_size_execute0_lowered;
	s4 =	sadd.s32 s4, s6;
	[dreg:$0x0] =	wrdreg $0x0  }
0xa9: {  	s6 =	sshll.u32 s28, $0x1;
	[dreg:$0x2] =	wrdreg s4  }
0xaa: {  	[dreg:$0x3] =	wrdreg s6  }
0xab: {  	[dreg:$0x4] =	wrdreg $0xC0  }
0xac: {  	_ =	task [dreg:s8], $0x5FFFF  }
0xad: {  	[dreg:$0x1] =	wrdreg $0xFFFFFFFF  }
0xae: {  	[dreg:$0x0] =	wrdreg $0x60  }
0xaf: {  	[dreg:$0x2] =	wrdreg s2  }
0xb0: {  	[dreg:$0x3] =	wrdreg s18  }
0xb1: {  	[dreg:$0x4] =	wrdreg s24  }
0xb2: {  	[dreg:$0x5] =	wrdreg $0x0  }
0xb3: {  	[dreg:$0x6] =	wrdreg $0x9  }
0xb4: {  	_ =	task.clear_ibuf [dreg:s8], $0x7FFFF;
	_ =	strace $0x90000046  }
0xb5: {  	s29 =	simm.s32 $0x9;
	_ =	strace $0x80000048  }
0xb6: {  	_ =	swait.ge [sflag:s29], $0x1  }
0xb7: {  	[sflag:s29] =	ssyncadd.s32 $0xFFFFFFFF  }
0xb8: {  	_ =	strace $0x90000048  }
0xb9: {  	_ =	sfence  }
0xba: {  	s30 =	sld [smem:$0x0];
	_ =	sdelay $0x2  }
0xbb: {  	s31 =	sshll.u32 s1, $0xD;
	s1 =	sshrl.u32 s1, $0x2  }
0xbc: {  	s3 =	sand.u32 $0x4000, s31;
	s1 =	sadd.s32 s1, s30  }
0xbd: {  	s0 =	sor.u32 s3, s0;
	s1 =	sshll.u32 s1, $0x11  }
0xbe: {  	s0 =	sor.u32 s1, s0  }
0xbf: {  	s0 =	sadd.s32 $0x8F2B, s0  }
0xc0: {  	[sflag:s0] =	ssyncadd.remote.s32 $0x1  }
0xc1: {  	_ =	sfence.sel $0xFFFF  }
0xc2: {  	[dreg:$0x0] =	wrdreg $0xFFFFFFFF;
	(pc) =	sbr.abs _section_cstart, $3  }
0xc3: {  	[dreg:$0x1] =	wrdreg $0xFFFFFFFF  }
0xc4: {  	_ =	task.clear_ibuf [dreg:s8], $0x2FFFF;
	_ =	strace $0x9FFFFFFF  }
0xc5: {  	(tm) =	ssettm $0x7FFFFFFF  }
tec
execute0_lowered:
.L_overlay_start_1:
0x0: {  	(tag) =	ssettag $0x1  }
0x1: {  	s1 =	rddreg [dreg:$0x0]  }
0x2: {  	s0 =	rddreg [dreg:$0x1]  }
0x3: {  	s4 =	rddreg [dreg:$0x2];
	s7 =	stileid.u32  }
0x4: {  	s2 =	rddreg [dreg:$0x3];
	s8 =	smul.u32 $0x4F000, s7  }
0x5: {  	s3 =	simm.s32 $0x0;
	s5 =	srdreg.scid;
	s10 =	smul.u32 $0x270, s7  }
0x6: {  	s28 =	simm.s32 $0x13D00;
	s29 =	simm.s32 $0x14100;
	s15 =	smul.u32 $0x4E000, s7  }
0x7: {  	s30 =	simm.s32 $0x13D80;
	s5 =	sand.u32 $0x1, s5;
	s21 =	smul.u32 $0x500, s7  }
0x8: {  	s31 =	simm.s32 $0x14180;
	[smem:$0x7FF] =	sst s3;
	s6 =	smul.u32 $0x5000, s5  }
0x9: {  	s23 =	sadd.s32 $0x138000, s2;
	p0 =	sne.s32 s7, $0x0;
	s12 =	smul.u32 $0x2710, s5  }
0xa: {  	_ =	strace $0x80000047;
	s11 =	ssub.s32 $0x2, s5;
	s5 =	smul.u32 $0x138800, s5  }
0xb: {  	[dreg:$0xf] =	wrdreg s23;
	s23 =	simm.s32 $0x13C80;
	s8 =	sshrl.u32 s8, $0x2  }
0xc: {  	s13 =	sshrl.u32 s11, $0x1;
	s9 =	sadd.s32 s6, s4;
	s4 =	sadd.s32 $0xD600, s4  }
0xd: {  	s14 =	sadd.s32 s8, s2;
	s11 =	ssub.s32 s11, s13;
	s10 =	sadd.s32 s10, s12  }
0xe: {  	s8 =	sshrl.u32 s15, $0x2;
	s5 =	sshrl.u32 s5, $0x3;
	s0 =	sadd.s32 s6, s0  }
0xf: {  	s6 =	simm.s32 $0x13E80;
	s12 =	simm.s32 $0x13F80;
	s13 =	simm.s32 $0x14380  }
0x10: {  	s16 =	sadd.s32 $0x8000, s14;
	[dreg:$0x6] =	wrdreg s14;
	s17 =	sadd.s32 $0x10000, s14  }
0x11: {  	s10 =	sshll.u32 s10, $0x4;
	s8 =	sadd.s32 s8, s2;
	s24 =	sadd.s32 s21, s9  }
0x12: {  	s26 =	smax.u32 s11, $0x1;
	s9 =	simm.s32 $0x14280;
	[dreg:$0x7] =	wrdreg s16  }
0x13: {  	s11 =	simm.s32 $0x14300;
	[dreg:$0x8] =	wrdreg s17;
	s18 =	sadd.s32 s4, s10  }
0x14: {  	s19 =	sadd.s32 $0x8000, s8;
	[dreg:$0x9] =	wrdreg s8;
	s8 =	sadd.s32 $0x10000, s8  }
0x15: {  	s4 =	sadd.s32 s4, s5;
	s25 =	sadd.s32 $0x3600, s24;
	[dreg:$0x11] =	wrdreg s26  }
0x16: {  	s16 =	sadd.s32 s21, s0;
	s17 =	simm.s32 $0x14400;
	s21 =	simm.s32 $0x80  }
0x17: {  	s24 =	simm.s32 $0x18400;
	s26 =	simm.s32 $0x14080;
	[dreg:$0xb] =	wrdreg s19  }
0x18: {  	s0 =	simm.s32 $0x13E00;
	s5 =	simm.s32 $0x14200;
	[dreg:$0xd] =	wrdreg s8  }
0x19: {  	s10 =	simm.s32 $0x13F00;
	s20 =	sadd.s32 $0x1000, s18;
	[dreg:$0xa] =	wrdreg s18  }
0x1a: {  	s22 =	sadd.s32 $0x2000, s18;
	s4 =	sadd.s32 $0x27000, s4;
	[dreg:$0x5] =	wrdreg s25  }
0x1b: {  	s18 =	simm.s32 $0x3;
	s19 =	simm.s32 $0x13C00;
	[dreg:$0xc] =	wrdreg s20  }
0x1c: {  	s25 =	simm.s32 $0x2;
	s8 =	simm.s32 $0x0;
	[dreg:$0xe] =	wrdreg s22  }
0x1d: {  	v0 =	vimm.f32 $0.0e+00;
	[dreg:$0x10] =	wrdreg s4;
	s20 =	simm.s32 $0x14000;
	s22 =	simm.s32 $0x1  }
.LBB2_1:
0x1e: {  	s4 =	simm.s32 $0x0;
	s15 =	simm.s32 $0x200  }
.LBB2_2:
0x1f: {  	p1 =	sne.s32 s15, $0x1FE00;
	[tilespmem:s4+$0x14470] =	vst v0  }
0x20: {  	[tilespmem:s4+$0x14400] =	vst v0  }
0x21: {  	[tilespmem:s4+$0x14410] =	vst v0  }
.Ltmp0:
0x22: {  	[tilespmem:s4+$0x14420] =	vst v0;
	(pc) =	sbr.rel @p1 .LBB2_2-.Ltmp0, $4  }
0x23: {  	[tilespmem:s4+$0x14430] =	vst v0  }
0x24: {  	[tilespmem:s4+$0x14440] =	vst v0  }
0x25: {  	[tilespmem:s4+$0x14450] =	vst v0  }
0x26: {  	[tilespmem:s4+$0x14460] =	vst v0;
	s4 =	sshra.s32 s15, $0x2;
	s15 =	sadd.s32 $0x200, s15  }
0x27: {  	[tilespmem:s4+$0x14470] =	vst v0  }
0x28: {  	[tilespmem:s4+$0x14400] =	vst v0  }
0x29: {  	[tilespmem:s4+$0x14410] =	vst v0  }
0x2a: {  	[tilespmem:s4+$0x14420] =	vst v0  }
0x2b: {  	[tilespmem:s4+$0x14430] =	vst v0  }
0x2c: {  	[tilespmem:s4+$0x14440] =	vst v0  }
0x2d: {  	[dreg:$0x12] =	wrdreg s8;
	[tilespmem:s4+$0x14450] =	vst v0  }
0x2e: {  	[tilespmem:s4+$0x14460] =	vst v0;
	s15 =	rddreg [dreg:$0x6]  }
0x2f: {  	[spmem:s15] =	stream.linear.scatter [tilespmem:s17], [sflag:$0x3], $0x8000, $0x38;
	[tilespmem:$0x1C400] =	vst v63  }
0x30: {  	_ =	swait.ge [sflag:s18], $0x8000  }
0x31: {  	[sflag:s18] =	ssyncset.done $0x0  }
0x32: {  	s7 =	rddreg [dreg:$0x7];
	[sflag:s18] =	ssyncadd.s32 $0xFFFF8000  }
0x33: {  	[spmem:s7] =	stream.linear.scatter [tilespmem:s17], [sflag:$0x3], $0x8000, $0x38;
	[tilespmem:$0x1C400] =	vst v63  }
0x34: {  	_ =	swait.ge [sflag:s18], $0x8000  }
0x35: {  	[sflag:s18] =	ssyncset.done $0x0  }
0x36: {  	s8 =	rddreg [dreg:$0x8];
	[sflag:s18] =	ssyncadd.s32 $0xFFFF8000  }
0x37: {  	[spmem:s8] =	stream.linear.scatter [tilespmem:s17], [sflag:$0x3], $0x3C00, $0x38;
	[tilespmem:$0x1C400] =	vst v63  }
0x38: {  	_ =	swait.ge [sflag:s18], $0x3C00  }
0x39: {  	[sflag:s18] =	ssyncset.done $0x0  }
0x3a: {  	[sflag:s18] =	ssyncadd.s32 $0xFFFFC400  }
0x3b: {  	s14 =	sadd.s32 $0x0, s16;
	[bflag:$0x0] =	sbarrier.arrive $0xFFFF  }
0x3c: {  	[tilespmem:s19], [sflag:$0x3] =	stream.linear.gather [hbm4b:s14+s3], $0x400, $0x38;
	[tilespmem:$0x1C400] =	vst v63  }
0x3d: {  	_ =	swait.ge [sflag:s18], $0x400  }
0x3e: {  	s15 =	rddreg [dreg:$0x5];
	[sflag:s18] =	ssyncset.done $0x0  }
0x3f: {  	[sflag:s18] =	ssyncadd.s32 $0xFFFFFC00;
	s4 =	sadd.s32 $0x0, s15  }
0x40: {  	[tilespmem:s20], [sflag:$0x3] =	stream.linear.gather [hbm4b:s4+s3], $0x400, $0x38;
	[tilespmem:$0x1C400] =	vst v63  }
0x41: {  	_ =	swait.ge [sflag:s18], $0x400  }
0x42: {  	[sflag:s18] =	ssyncset.done $0x0  }
0x43: {  	[sflag:s18] =	ssyncadd.s32 $0xFFFFFC00  }
0x44: {  	[tilespmem:s17], [sflag:$0x1] =	stream.indirect.gather [hbm4b:s1+s21], $0x80, s19, s21, $0xb8;
	[tilespmem:$0x1C400] =	vst v63  }
0x45: {  	_ =	swait.ge [sflag:s22], $0x4000  }
0x46: {  	[sflag:s22] =	ssyncset.done $0x0  }
0x47: {  	[sflag:s22] =	ssyncadd.s32 $0xFFFFC000  }
0x48: {  	[spmem:s2] =	stream.indirect.scatter.add.f32 [tilespmem:s17], [sflag:$0x2], $0x80, s20, s21, $0xb8;
	[tilespmem:$0x1C400] =	vst v63  }
0x49: {  	_ = 	snop  }
0x4a: {  	[tilespmem:s24], [sflag:$0x1] =	stream.indirect.gather [hbm4b:s1+s21], $0x80, s23, s21, $0xb8;
	[tilespmem:$0x1C400] =	vst v63  }
0x4b: {  	_ =	swait.ge [sflag:s22], $0x4000  }
0x4c: {  	[sflag:s22] =	ssyncset.done $0x0  }
0x4d: {  	[sflag:s22] =	ssyncadd.s32 $0xFFFFC000  }
0x4e: {  	_ =	swait.ge [sflag:s25], $0x4000  }
0x4f: {  	[sflag:s25] =	ssyncset.done $0x0  }
0x50: {  	[sflag:s25] =	ssyncadd.s32 $0xFFFFC000  }
0x51: {  	[spmem:s2] =	stream.indirect.scatter.add.f32 [tilespmem:s24], [sflag:$0x2], $0x80, s26, s21, $0xb8;
	[tilespmem:$0x1C400] =	vst v63  }
0x52: {  	_ = 	snop  }
0x53: {  	[tilespmem:s17], [sflag:$0x1] =	stream.indirect.gather [hbm4b:s1+s21], $0x80, s28, s21, $0xb8;
	[tilespmem:$0x1C400] =	vst v63  }
0x54: {  	_ =	swait.ge [sflag:s22], $0x4000  }
0x55: {  	[sflag:s22] =	ssyncset.done $0x0  }
0x56: {  	[sflag:s22] =	ssyncadd.s32 $0xFFFFC000  }
0x57: {  	_ =	swait.ge [sflag:s25], $0x4000  }
0x58: {  	[sflag:s25] =	ssyncset.done $0x0  }
0x59: {  	[sflag:s25] =	ssyncadd.s32 $0xFFFFC000  }
0x5a: {  	[spmem:s2] =	stream.indirect.scatter.add.f32 [tilespmem:s17], [sflag:$0x2], $0x80, s29, s21, $0xb8;
	[tilespmem:$0x1C400] =	vst v63  }
0x5b: {  	_ = 	snop  }
0x5c: {  	[tilespmem:s24], [sflag:$0x1] =	stream.indirect.gather [hbm4b:s1+s21], $0x80, s30, s21, $0xb8;
	[tilespmem:$0x1C400] =	vst v63  }
0x5d: {  	_ =	swait.ge [sflag:s22], $0x4000  }
0x5e: {  	[sflag:s22] =	ssyncset.done $0x0  }
0x5f: {  	[sflag:s22] =	ssyncadd.s32 $0xFFFFC000  }
0x60: {  	_ =	swait.ge [sflag:s25], $0x4000  }
0x61: {  	[sflag:s25] =	ssyncset.done $0x0  }
0x62: {  	[sflag:s25] =	ssyncadd.s32 $0xFFFFC000  }
0x63: {  	[spmem:s2] =	stream.indirect.scatter.add.f32 [tilespmem:s24], [sflag:$0x2], $0x80, s31, s21, $0xb8;
	[tilespmem:$0x1C400] =	vst v63  }
0x64: {  	_ = 	snop  }
0x65: {  	[tilespmem:s17], [sflag:$0x1] =	stream.indirect.gather [hbm4b:s1+s21], $0x80, s0, s21, $0xb8;
	[tilespmem:$0x1C400] =	vst v63  }
0x66: {  	_ =	swait.ge [sflag:s22], $0x4000  }
0x67: {  	[sflag:s22] =	ssyncset.done $0x0  }
0x68: {  	[sflag:s22] =	ssyncadd.s32 $0xFFFFC000  }
0x69: {  	_ =	swait.ge [sflag:s25], $0x4000  }
0x6a: {  	[sflag:s25] =	ssyncset.done $0x0  }
0x6b: {  	[sflag:s25] =	ssyncadd.s32 $0xFFFFC000  }
0x6c: {  	[spmem:s2] =	stream.indirect.scatter.add.f32 [tilespmem:s17], [sflag:$0x2], $0x80, s5, s21, $0xb8;
	[tilespmem:$0x1C400] =	vst v63  }
0x6d: {  	_ = 	snop  }
0x6e: {  	[tilespmem:s24], [sflag:$0x1] =	stream.indirect.gather [hbm4b:s1+s21], $0x80, s6, s21, $0xb8;
	[tilespmem:$0x1C400] =	vst v63  }
0x6f: {  	_ =	swait.ge [sflag:s22], $0x4000  }
0x70: {  	[sflag:s22] =	ssyncset.done $0x0  }
0x71: {  	[sflag:s22] =	ssyncadd.s32 $0xFFFFC000  }
0x72: {  	_ =	swait.ge [sflag:s25], $0x4000  }
0x73: {  	[sflag:s25] =	ssyncset.done $0x0  }
0x74: {  	[sflag:s25] =	ssyncadd.s32 $0xFFFFC000  }
0x75: {  	[spmem:s2] =	stream.indirect.scatter.add.f32 [tilespmem:s24], [sflag:$0x2], $0x80, s9, s21, $0xb8;
	[tilespmem:$0x1C400] =	vst v63  }
0x76: {  	_ = 	snop  }
0x77: {  	[tilespmem:s17], [sflag:$0x1] =	stream.indirect.gather [hbm4b:s1+s21], $0x80, s10, s21, $0xb8;
	[tilespmem:$0x1C400] =	vst v63  }
0x78: {  	_ =	swait.ge [sflag:s22], $0x4000  }
0x79: {  	[sflag:s22] =	ssyncset.done $0x0  }
0x7a: {  	[sflag:s22] =	ssyncadd.s32 $0xFFFFC000  }
0x7b: {  	_ =	swait.ge [sflag:s25], $0x4000  }
0x7c: {  	[sflag:s25] =	ssyncset.done $0x0  }
0x7d: {  	[sflag:s25] =	ssyncadd.s32 $0xFFFFC000  }
0x7e: {  	[spmem:s2] =	stream.indirect.scatter.add.f32 [tilespmem:s17], [sflag:$0x2], $0x80, s11, s21, $0xb8;
	[tilespmem:$0x1C400] =	vst v63  }
0x7f: {  	_ = 	snop  }
0x80: {  	[tilespmem:s24], [sflag:$0x1] =	stream.indirect.gather [hbm4b:s1+s21], $0x80, s12, s21, $0xb8;
	[tilespmem:$0x1C400] =	vst v63  }
0x81: {  	_ =	swait.ge [sflag:s22], $0x4000  }
0x82: {  	[sflag:s22] =	ssyncset.done $0x0  }
0x83: {  	[sflag:s22] =	ssyncadd.s32 $0xFFFFC000  }
0x84: {  	_ =	swait.ge [sflag:s25], $0x4000  }
0x85: {  	[sflag:s25] =	ssyncset.done $0x0  }
0x86: {  	[sflag:s25] =	ssyncadd.s32 $0xFFFFC000  }
0x87: {  	[spmem:s2] =	stream.indirect.scatter.add.f32 [tilespmem:s24], [sflag:$0x2], $0x80, s13, s21, $0xb8;
	[tilespmem:$0x1C400] =	vst v63  }
0x88: {  	_ =	swait.ge [sflag:s25], $0x4000  }
0x89: {  	s15 =	simm.s32 $0x80;
	s4 =	simm.s32 $0x100;
	[sflag:s25] =	ssyncset.done $0x0  }
.LBB2_4:
0x8a: {  	s8 =	sadd.s32 s15, s16;
	[sflag:s25] =	ssyncadd.s32 $0xFFFFC000  }
0x8b: {  	[tilespmem:s19], [sflag:$0x3] =	stream.linear.gather [hbm4b:s8+s3], $0x400, $0x38;
	[tilespmem:$0x1C400] =	vst v63  }
0x8c: {  	s14 =	smov.u32 s4;
	_ =	swait.ge [sflag:s18], $0x400  }
0x8d: {  	s7 =	sadd.s32 $0x80, s4;
	s8 =	rddreg [dreg:$0x5];
	[sflag:s18] =	ssyncset.done $0x0  }
0x8e: {  	p1 =	sne.s32 s4, $0x480;
	[sflag:s18] =	ssyncadd.s32 $0xFFFFFC00;
	s4 =	sadd.s32 s15, s8  }
0x8f: {  	[tilespmem:s20], [sflag:$0x3] =	stream.linear.gather [hbm4b:s4+s3], $0x400, $0x38;
	[tilespmem:$0x1C400] =	vst v63  }
0x90: {  	_ =	swait.ge [sflag:s18], $0x400  }
0x91: {  	[sflag:s18] =	ssyncset.done $0x0  }
0x92: {  	[sflag:s18] =	ssyncadd.s32 $0xFFFFFC00  }
0x93: {  	[tilespmem:s17], [sflag:$0x1] =	stream.indirect.gather [hbm4b:s1+s21], $0x80, s19, s21, $0xb8;
	[tilespmem:$0x1C400] =	vst v63  }
0x94: {  	_ =	swait.ge [sflag:s22], $0x4000  }
0x95: {  	[sflag:s22] =	ssyncset.done $0x0  }
0x96: {  	[sflag:s22] =	ssyncadd.s32 $0xFFFFC000  }
0x97: {  	[spmem:s2] =	stream.indirect.scatter.add.f32 [tilespmem:s17], [sflag:$0x2], $0x80, s20, s21, $0xb8;
	[tilespmem:$0x1C400] =	vst v63  }
0x98: {  	_ = 	snop  }
0x99: {  	[tilespmem:s24], [sflag:$0x1] =	stream.indirect.gather [hbm4b:s1+s21], $0x80, s23, s21, $0xb8;
	[tilespmem:$0x1C400] =	vst v63  }
0x9a: {  	_ =	swait.ge [sflag:s22], $0x4000  }
0x9b: {  	[sflag:s22] =	ssyncset.done $0x0  }
0x9c: {  	[sflag:s22] =	ssyncadd.s32 $0xFFFFC000  }
0x9d: {  	_ =	swait.ge [sflag:s25], $0x4000  }
0x9e: {  	[sflag:s25] =	ssyncset.done $0x0  }
0x9f: {  	[sflag:s25] =	ssyncadd.s32 $0xFFFFC000  }
0xa0: {  	[spmem:s2] =	stream.indirect.scatter.add.f32 [tilespmem:s24], [sflag:$0x2], $0x80, s26, s21, $0xb8;
	[tilespmem:$0x1C400] =	vst v63  }
0xa1: {  	_ = 	snop  }
0xa2: {  	[tilespmem:s17], [sflag:$0x1] =	stream.indirect.gather [hbm4b:s1+s21], $0x80, s28, s21, $0xb8;
	[tilespmem:$0x1C400] =	vst v63  }
0xa3: {  	_ =	swait.ge [sflag:s22], $0x4000  }
0xa4: {  	[sflag:s22] =	ssyncset.done $0x0  }
0xa5: {  	[sflag:s22] =	ssyncadd.s32 $0xFFFFC000  }
0xa6: {  	_ =	swait.ge [sflag:s25], $0x4000  }
0xa7: {  	[sflag:s25] =	ssyncset.done $0x0  }
0xa8: {  	[sflag:s25] =	ssyncadd.s32 $0xFFFFC000  }
0xa9: {  	[spmem:s2] =	stream.indirect.scatter.add.f32 [tilespmem:s17], [sflag:$0x2], $0x80, s29, s21, $0xb8;
	[tilespmem:$0x1C400] =	vst v63  }
0xaa: {  	_ = 	snop  }
0xab: {  	[tilespmem:s24], [sflag:$0x1] =	stream.indirect.gather [hbm4b:s1+s21], $0x80, s30, s21, $0xb8;
	[tilespmem:$0x1C400] =	vst v63  }
0xac: {  	_ =	swait.ge [sflag:s22], $0x4000  }
0xad: {  	[sflag:s22] =	ssyncset.done $0x0  }
0xae: {  	[sflag:s22] =	ssyncadd.s32 $0xFFFFC000  }
0xaf: {  	_ =	swait.ge [sflag:s25], $0x4000  }
0xb0: {  	[sflag:s25] =	ssyncset.done $0x0  }
0xb1: {  	[sflag:s25] =	ssyncadd.s32 $0xFFFFC000  }
0xb2: {  	[spmem:s2] =	stream.indirect.scatter.add.f32 [tilespmem:s24], [sflag:$0x2], $0x80, s31, s21, $0xb8;
	[tilespmem:$0x1C400] =	vst v63  }
0xb3: {  	_ = 	snop  }
0xb4: {  	[tilespmem:s17], [sflag:$0x1] =	stream.indirect.gather [hbm4b:s1+s21], $0x80, s0, s21, $0xb8;
	[tilespmem:$0x1C400] =	vst v63  }
0xb5: {  	_ =	swait.ge [sflag:s22], $0x4000  }
0xb6: {  	[sflag:s22] =	ssyncset.done $0x0  }
0xb7: {  	[sflag:s22] =	ssyncadd.s32 $0xFFFFC000  }
0xb8: {  	_ =	swait.ge [sflag:s25], $0x4000  }
0xb9: {  	[sflag:s25] =	ssyncset.done $0x0  }
0xba: {  	[sflag:s25] =	ssyncadd.s32 $0xFFFFC000  }
0xbb: {  	[spmem:s2] =	stream.indirect.scatter.add.f32 [tilespmem:s17], [sflag:$0x2], $0x80, s5, s21, $0xb8;
	[tilespmem:$0x1C400] =	vst v63  }
0xbc: {  	_ = 	snop  }
0xbd: {  	[tilespmem:s24], [sflag:$0x1] =	stream.indirect.gather [hbm4b:s1+s21], $0x80, s6, s21, $0xb8;
	[tilespmem:$0x1C400] =	vst v63  }
0xbe: {  	_ =	swait.ge [sflag:s22], $0x4000  }
0xbf: {  	[sflag:s22] =	ssyncset.done $0x0  }
0xc0: {  	[sflag:s22] =	ssyncadd.s32 $0xFFFFC000  }
0xc1: {  	_ =	swait.ge [sflag:s25], $0x4000  }
0xc2: {  	[sflag:s25] =	ssyncset.done $0x0  }
0xc3: {  	[sflag:s25] =	ssyncadd.s32 $0xFFFFC000  }
0xc4: {  	[spmem:s2] =	stream.indirect.scatter.add.f32 [tilespmem:s24], [sflag:$0x2], $0x80, s9, s21, $0xb8;
	[tilespmem:$0x1C400] =	vst v63  }
0xc5: {  	_ = 	snop  }
0xc6: {  	[tilespmem:s17], [sflag:$0x1] =	stream.indirect.gather [hbm4b:s1+s21], $0x80, s10, s21, $0xb8;
	[tilespmem:$0x1C400] =	vst v63  }
0xc7: {  	_ =	swait.ge [sflag:s22], $0x4000  }
0xc8: {  	[sflag:s22] =	ssyncset.done $0x0  }
0xc9: {  	[sflag:s22] =	ssyncadd.s32 $0xFFFFC000  }
0xca: {  	_ =	swait.ge [sflag:s25], $0x4000  }
0xcb: {  	[sflag:s25] =	ssyncset.done $0x0  }
0xcc: {  	[sflag:s25] =	ssyncadd.s32 $0xFFFFC000  }
0xcd: {  	[spmem:s2] =	stream.indirect.scatter.add.f32 [tilespmem:s17], [sflag:$0x2], $0x80, s11, s21, $0xb8;
	[tilespmem:$0x1C400] =	vst v63  }
0xce: {  	_ = 	snop  }
0xcf: {  	[tilespmem:s24], [sflag:$0x1] =	stream.indirect.gather [hbm4b:s1+s21], $0x80, s12, s21, $0xb8;
	[tilespmem:$0x1C400] =	vst v63  }
0xd0: {  	_ =	swait.ge [sflag:s22], $0x4000  }
0xd1: {  	[sflag:s22] =	ssyncset.done $0x0  }
0xd2: {  	[sflag:s22] =	ssyncadd.s32 $0xFFFFC000  }
0xd3: {  	_ =	swait.ge [sflag:s25], $0x4000  }
.Ltmp1:
0xd4: {  	[sflag:s25] =	ssyncset.done $0x0;
	(pc) =	sbr.rel @p1 .LBB2_4-.Ltmp1, $4  }
0xd5: {  	[sflag:s25] =	ssyncadd.s32 $0xFFFFC000  }
0xd6: {  	[spmem:s2] =	stream.indirect.scatter.add.f32 [tilespmem:s24], [sflag:$0x2], $0x80, s13, s21, $0xb8;
	[tilespmem:$0x1C400] =	vst v63  }
0xd7: {  	_ =	swait.ge [sflag:s25], $0x4000  }
0xd8: {  	s15 =	smov.u32 s14;
	s4 =	smov.u32 s7;
	[sflag:s25] =	ssyncset.done $0x0  }
0xd9: {  	s4 =	sadd.s32 s15, s16;
	[sflag:s25] =	ssyncadd.s32 $0xFFFFC000  }
0xda: {  	[tilespmem:s19], [sflag:$0x3] =	stream.linear.gather [hbm4b:s4+s3], $0x400, $0x38;
	[tilespmem:$0x1C400] =	vst v63  }
0xdb: {  	_ =	swait.ge [sflag:s18], $0x400  }
0xdc: {  	s14 =	rddreg [dreg:$0x5];
	[sflag:s18] =	ssyncset.done $0x0  }
0xdd: {  	[sflag:s18] =	ssyncadd.s32 $0xFFFFFC00;
	s4 =	sadd.s32 s15, s14  }
0xde: {  	[tilespmem:s20], [sflag:$0x3] =	stream.linear.gather [hbm4b:s4+s3], $0x400, $0x38;
	[tilespmem:$0x1C400] =	vst v63  }
0xdf: {  	_ =	swait.ge [sflag:s18], $0x400  }
0xe0: {  	[sflag:s18] =	ssyncset.done $0x0  }
0xe1: {  	[sflag:s18] =	ssyncadd.s32 $0xFFFFFC00  }
0xe2: {  	[tilespmem:s17], [sflag:$0x1] =	stream.indirect.gather [hbm4b:s1+s21], $0x80, s19, s21, $0xb8;
	[tilespmem:$0x1C400] =	vst v63  }
0xe3: {  	_ =	swait.ge [sflag:s22], $0x4000  }
0xe4: {  	[sflag:s22] =	ssyncset.done $0x0  }
0xe5: {  	[sflag:s22] =	ssyncadd.s32 $0xFFFFC000  }
0xe6: {  	[spmem:s2] =	stream.indirect.scatter.add.f32 [tilespmem:s17], [sflag:$0x2], $0x80, s20, s21, $0xb8;
	[tilespmem:$0x1C400] =	vst v63  }
0xe7: {  	_ = 	snop  }
0xe8: {  	[tilespmem:s24], [sflag:$0x1] =	stream.indirect.gather [hbm4b:s1+s21], $0x80, s23, s21, $0xb8;
	[tilespmem:$0x1C400] =	vst v63  }
0xe9: {  	_ =	swait.ge [sflag:s22], $0x4000  }
0xea: {  	[sflag:s22] =	ssyncset.done $0x0  }
0xeb: {  	[sflag:s22] =	ssyncadd.s32 $0xFFFFC000  }
0xec: {  	_ =	swait.ge [sflag:s25], $0x4000  }
0xed: {  	[sflag:s25] =	ssyncset.done $0x0  }
0xee: {  	[sflag:s25] =	ssyncadd.s32 $0xFFFFC000  }
0xef: {  	[spmem:s2] =	stream.indirect.scatter.add.f32 [tilespmem:s24], [sflag:$0x2], $0x80, s26, s21, $0xb8;
	[tilespmem:$0x1C400] =	vst v63  }
0xf0: {  	_ = 	snop  }
0xf1: {  	[tilespmem:s17], [sflag:$0x1] =	stream.indirect.gather [hbm4b:s1+s21], $0x80, s28, s21, $0xb8;
	[tilespmem:$0x1C400] =	vst v63  }
0xf2: {  	_ =	swait.ge [sflag:s22], $0x4000  }
0xf3: {  	[sflag:s22] =	ssyncset.done $0x0  }
0xf4: {  	[sflag:s22] =	ssyncadd.s32 $0xFFFFC000  }
0xf5: {  	_ =	swait.ge [sflag:s25], $0x4000  }
0xf6: {  	[sflag:s25] =	ssyncset.done $0x0  }
0xf7: {  	[sflag:s25] =	ssyncadd.s32 $0xFFFFC000  }
0xf8: {  	[spmem:s2] =	stream.indirect.scatter.add.f32 [tilespmem:s17], [sflag:$0x2], $0x80, s29, s21, $0xb8;
	[tilespmem:$0x1C400] =	vst v63  }
0xf9: {  	_ = 	snop  }
0xfa: {  	[tilespmem:s24], [sflag:$0x1] =	stream.indirect.gather [hbm4b:s1+s21], $0x80, s30, s21, $0xb8;
	[tilespmem:$0x1C400] =	vst v63  }
0xfb: {  	_ =	swait.ge [sflag:s22], $0x4000  }
0xfc: {  	[sflag:s22] =	ssyncset.done $0x0  }
0xfd: {  	[sflag:s22] =	ssyncadd.s32 $0xFFFFC000  }
0xfe: {  	_ =	swait.ge [sflag:s25], $0x4000  }
0xff: {  	[sflag:s25] =	ssyncset.done $0x0  }
0x100: {  	[sflag:s25] =	ssyncadd.s32 $0xFFFFC000  }
0x101: {  	[spmem:s2] =	stream.indirect.scatter.add.f32 [tilespmem:s24], [sflag:$0x2], $0x80, s31, s21, $0xb8;
	[tilespmem:$0x1C400] =	vst v63  }
0x102: {  	_ = 	snop  }
0x103: {  	[tilespmem:s17], [sflag:$0x1] =	stream.indirect.gather [hbm4b:s1+s21], $0x80, s0, s21, $0xb8;
	[tilespmem:$0x1C400] =	vst v63  }
0x104: {  	_ =	swait.ge [sflag:s22], $0x4000  }
0x105: {  	[sflag:s22] =	ssyncset.done $0x0  }
0x106: {  	[sflag:s22] =	ssyncadd.s32 $0xFFFFC000  }
0x107: {  	_ =	swait.ge [sflag:s25], $0x4000  }
0x108: {  	[sflag:s25] =	ssyncset.done $0x0  }
0x109: {  	[sflag:s25] =	ssyncadd.s32 $0xFFFFC000  }
0x10a: {  	[spmem:s2] =	stream.indirect.scatter.add.f32 [tilespmem:s17], [sflag:$0x2], $0x80, s5, s21, $0xb8;
	[tilespmem:$0x1C400] =	vst v63  }
0x10b: {  	_ = 	snop  }
0x10c: {  	[tilespmem:s24], [sflag:$0x1] =	stream.indirect.gather [hbm4b:s1+s21], $0x80, s6, s21, $0xb8;
	[tilespmem:$0x1C400] =	vst v63  }
0x10d: {  	_ =	swait.ge [sflag:s22], $0x4000  }
0x10e: {  	[sflag:s22] =	ssyncset.done $0x0  }
0x10f: {  	[sflag:s22] =	ssyncadd.s32 $0xFFFFC000  }
0x110: {  	_ =	swait.ge [sflag:s25], $0x4000  }
0x111: {  	[sflag:s25] =	ssyncset.done $0x0  }
0x112: {  	[sflag:s25] =	ssyncadd.s32 $0xFFFFC000  }
0x113: {  	[spmem:s2] =	stream.indirect.scatter.add.f32 [tilespmem:s24], [sflag:$0x2], $0x80, s9, s21, $0xb8;
	[tilespmem:$0x1C400] =	vst v63  }
0x114: {  	_ = 	snop  }
0x115: {  	[tilespmem:s17], [sflag:$0x1] =	stream.indirect.gather [hbm4b:s1+s21], $0x80, s10, s21, $0xb8;
	[tilespmem:$0x1C400] =	vst v63  }
0x116: {  	_ =	swait.ge [sflag:s22], $0x4000  }
0x117: {  	[sflag:s22] =	ssyncset.done $0x0  }
0x118: {  	[sflag:s22] =	ssyncadd.s32 $0xFFFFC000  }
0x119: {  	_ =	swait.ge [sflag:s25], $0x4000  }
0x11a: {  	[sflag:s25] =	ssyncset.done $0x0  }
0x11b: {  	[sflag:s25] =	ssyncadd.s32 $0xFFFFC000  }
0x11c: {  	[spmem:s2] =	stream.indirect.scatter.add.f32 [tilespmem:s17], [sflag:$0x2], $0x80, s11, s21, $0xb8;
	[tilespmem:$0x1C400] =	vst v63  }
0x11d: {  	_ = 	snop  }
0x11e: {  	[tilespmem:s24], [sflag:$0x1] =	stream.indirect.gather [hbm4b:s1+s21], $0x80, s12, s21, $0xb8;
	[tilespmem:$0x1C400] =	vst v63  }
0x11f: {  	_ =	swait.ge [sflag:s22], $0x4000  }
0x120: {  	[sflag:s22] =	ssyncset.done $0x0  }
0x121: {  	[sflag:s22] =	ssyncadd.s32 $0xFFFFC000  }
0x122: {  	_ =	swait.ge [sflag:s25], $0x4000  }
0x123: {  	[sflag:s25] =	ssyncset.done $0x0  }
0x124: {  	[sflag:s25] =	ssyncadd.s32 $0xFFFFC000  }
0x125: {  	[spmem:s2] =	stream.indirect.scatter.add.f32 [tilespmem:s24], [sflag:$0x2], $0x80, s13, s21, $0xb8;
	[tilespmem:$0x1C400] =	vst v63  }
0x126: {  	_ =	swait.ge [sflag:s25], $0x4000  }
0x127: {  	[sflag:s25] =	ssyncset.done $0x0  }
0x128: {  	[sflag:s25] =	ssyncadd.s32 $0xFFFFC000  }
0x129: {  	[bflag:$0x0] =	sbarrier.arrive $0xFFFF  }
0x12a: {  	s7 =	rddreg [dreg:$0x9]  }
0x12b: {  	[tilespmem:s17], [sflag:$0x3] =	stream.linear.gather [spmem:s7], $0x8000, $0x38;
	[tilespmem:$0x1C400] =	vst v63  }
0x12c: {  	_ =	swait.ge [sflag:s18], $0x8000  }
0x12d: {  	[sflag:s18] =	ssyncset.done $0x0  }
0x12e: {  	s8 =	rddreg [dreg:$0xa];
	[sflag:s18] =	ssyncadd.s32 $0xFFFF8000  }
0x12f: {  	[hbm4b:s8+s3] =	stream.linear.scatter [tilespmem:s17], [sflag:$0x3], $0x8000, $0x38;
	[tilespmem:$0x1C400] =	vst v63  }
0x130: {  	_ =	swait.ge [sflag:s18], $0x8000  }
0x131: {  	[sflag:s18] =	ssyncset.done $0x0  }
0x132: {  	s14 =	rddreg [dreg:$0xb];
	[sflag:s18] =	ssyncadd.s32 $0xFFFF8000  }
0x133: {  	[tilespmem:s17], [sflag:$0x3] =	stream.linear.gather [spmem:s14], $0x8000, $0x38;
	[tilespmem:$0x1C400] =	vst v63  }
0x134: {  	_ =	swait.ge [sflag:s18], $0x8000  }
0x135: {  	[sflag:s18] =	ssyncset.done $0x0  }
0x136: {  	s15 =	rddreg [dreg:$0xc];
	[sflag:s18] =	ssyncadd.s32 $0xFFFF8000  }
0x137: {  	[hbm4b:s15+s3] =	stream.linear.scatter [tilespmem:s17], [sflag:$0x3], $0x8000, $0x38;
	[tilespmem:$0x1C400] =	vst v63  }
0x138: {  	_ =	swait.ge [sflag:s18], $0x8000  }
0x139: {  	[sflag:s18] =	ssyncset.done $0x0  }
0x13a: {  	s7 =	rddreg [dreg:$0xd];
	[sflag:s18] =	ssyncadd.s32 $0xFFFF8000  }
0x13b: {  	[tilespmem:s17], [sflag:$0x3] =	stream.linear.gather [spmem:s7], $0x3800, $0x38;
	[tilespmem:$0x1C400] =	vst v63  }
0x13c: {  	_ =	swait.ge [sflag:s18], $0x3800  }
0x13d: {  	[sflag:s18] =	ssyncset.done $0x0  }
0x13e: {  	s8 =	rddreg [dreg:$0xe];
	[sflag:s18] =	ssyncadd.s32 $0xFFFFC800  }
0x13f: {  	[hbm4b:s8+s3] =	stream.linear.scatter [tilespmem:s17], [sflag:$0x3], $0x3800, $0x38;
	[tilespmem:$0x1C400] =	vst v63  }
0x140: {  	_ =	swait.ge [sflag:s18], $0x3800  }
0x141: {  	[sflag:s18] =	ssyncset.done $0x0  }
0x142: {  	s4 =	simm.s32 @!p0 $0x14400;
	s7 =	rddreg [dreg:$0xf];
	[sflag:s18] =	ssyncadd.s32 $0xFFFFC800  }
0x143: {  	[tilespmem:s4], [sflag:$0x3] =	stream.linear.gather @!p0 [spmem:s7], $0x800, $0x38;
	[tilespmem:$0x1C400] =	vst v63  }
0x144: {  	s7 =	simm.s32 @!p0 $0x3  }
0x145: {  	_ =	swait.ge @!p0 [sflag:s7], $0x800  }
0x146: {  	[sflag:s7] =	ssyncset.done @!p0 $0x0  }
0x147: {  	s8 =	simm.s32 @!p0 $0x0;
	s14 =	rddreg [dreg:$0x10];
	[sflag:s7] =	ssyncadd.s32 @!p0 $0xFFFFF800  }
0x148: {  	[hbm4b:s14+s8] =	stream.linear.scatter @!p0 [tilespmem:s4], [sflag:$0x3], $0x800, $0x38;
	[tilespmem:$0x1C400] =	vst v63  }
0x149: {  	_ =	swait.ge @!p0 [sflag:s7], $0x800  }
0x14a: {  	s14 =	rddreg [dreg:$0x12]  }
0x14b: {  	s15 =	rddreg [dreg:$0x11];
	s8 =	sadd.s32 $0x1, s14  }
0x14c: {  	p1 =	sne.s32 s8, s15  }
.Ltmp2:
0x14d: {  	_ = 	snop;
	(pc) =	sbr.rel @p1 .LBB2_1-.Ltmp2, $3  }
0x14e: {  	_ =	sdelay $0x1  }
0x14f: {  	[sflag:s7] =	ssyncset.done @!p0 $0x0  }
0x150: {  	[sflag:s7] =	ssyncadd.s32 @!p0 $0xFFFFF800  }
0x151: {  	_ =	sfence.sel $0x180000  }
0x152: {  	[bflag:$0x0] =	sbarrier.arrive $0xFFFF  }
0x153: {  	_ =	strace $0x90000047  }
0x154: {  	[bflag:$0x2] =	sbarrier.arrive $0xFFFF  }
0x155: {  	s0 =	rddreg [dreg:$0x4]  }
0x156: {  	s0 =	sadd.s32 @!p0 $0x100000, s0  }
0x157: {  	[sflag:s0] =	ssyncadd.tile.s32 @!p0 $0x1;
	_ =	shalt  }
.Lfunc_end2:
_tile_overlayer_lowered:
.L_overlay_start_2:
0x158: {  	(tag) =	ssettag $0x2  }
0x159: {  	s0 =	rddreg [dreg:$0x0];
	s2 =	stileid.u32  }
0x15a: {  	s1 =	rddreg [dreg:$0x1];
	p0 =	sne.s32 s2, $0x0  }
0x15b: {  	s3 =	rddreg [dreg:$0x2];
	[bflag:$0x3] =	sbarrier.arrive $0xFFFF;
	s2 =	simm.s32 @!p0 $0x1C03  }
0x15c: {  	[timem:s3], [sflag:s2] =	dma.local @!p0 [hbm:s0], s1  }
0x15d: {  	s0 =	simm.s32 @!p0 $0x3  }
0x15e: {  	_ =	swait.ge @!p0 [sflag:s0], s1  }
0x15f: {  	s1 =	ssub.s32 @!p0 $0x0, s1;
	[sflag:s0] =	ssyncset.done @!p0 $0x0  }
0x160: {  	[sflag:s0] =	ssyncadd.s32 @!p0 s1  }
0x161: {  	[bflag:$0x3] =	sbarrier.arrive $0xFFFF  }
0x162: {  	_ =	shalt  }

</sc_bundles>
